<compile_context>
chip_gen: v7x
topology: tpu7x:2x2x1
jax: 0.10.2.dev20260603
libtpu: 0.0.44.dev20260713+nightly
codegen_flags: <defaults>
</compile_context>

<pallas_src>
import jax
import jax.numpy as jnp
from jax import lax
from jax.experimental import pallas as pl
from jax.experimental.pallas import tpu as pltpu
from jax.experimental.pallas import tpu_sc as plsc

BATCH = 16384
NROWS = 1000000
EMBED_K = 16
NC = 2
NS = 16
L = 16
NW = NC * NS
B_PER_W = BATCH // NW
CHB = 16
N_CHUNKS = B_PER_W // CHB


def _mf_body(x_hbm, wt_hbm, ht_hbm, out_hbm,
             xbuf, ublk, vblk, outv, usem, vsem):
    wid = lax.axis_index("s") * NC + lax.axis_index("c")
    base = pl.multiple_of(wid * B_PER_W, B_PER_W)

    pltpu.sync_copy(x_hbm.at[pl.ds(base * 2, 2 * B_PER_W)], xbuf)

    lane = lax.iota(jnp.int32, L)
    slot = lane

    def chunk(c, _):
        pair = jnp.full((L,), 2 * c * CHB, jnp.int32) + 2 * lane
        uvec = plsc.load_gather(xbuf, [pair])
        vvec = plsc.load_gather(xbuf, [pair + 1])

        for j in range(CHB):
            uoff = pl.multiple_of((uvec[j] >> 7) * 128, 128)
            voff = pl.multiple_of((vvec[j] >> 7) * 128, 128)
            pltpu.async_copy(wt_hbm.at[:, pl.ds(uoff, 128)],
                             ublk.at[j], usem)
            pltpu.async_copy(ht_hbm.at[:, pl.ds(voff, 128)],
                             vblk.at[j], vsem)

        for j in range(CHB):
            pltpu.make_async_copy(
                wt_hbm.at[:, pl.ds(0, 128)], ublk.at[0], usem).wait()
            pltpu.make_async_copy(
                ht_hbm.at[:, pl.ds(0, 128)], vblk.at[0], vsem).wait()

        ulane = uvec & 127
        vlane = vvec & 127
        acc = plsc.load_gather(ublk, [slot, jnp.zeros((L,), jnp.int32), ulane]) * \
              plsc.load_gather(vblk, [slot, jnp.zeros((L,), jnp.int32), vlane])
        for k in range(1, EMBED_K):
            ck = jnp.full((L,), k, jnp.int32)
            acc += plsc.load_gather(ublk, [slot, ck, ulane]) * \
                   plsc.load_gather(vblk, [slot, ck, vlane])
        outv[pl.ds(pl.multiple_of(c * CHB, CHB), CHB)] = acc
        return 0

    lax.fori_loop(0, N_CHUNKS, chunk, 0, unroll=2)

    pltpu.sync_copy(outv, out_hbm.at[pl.ds(base, B_PER_W)])


@jax.jit
def _mf_kernel(x, Wt, Ht):
    mesh = plsc.VectorSubcoreMesh(core_axis_name="c", subcore_axis_name="s")
    return pl.kernel(
        _mf_body,
        out_type=jax.ShapeDtypeStruct((BATCH,), jnp.float32),
        mesh=mesh,
        compiler_params=pltpu.CompilerParams(needs_layout_passes=False),
        scratch_types=[
            pltpu.VMEM((2 * B_PER_W,), jnp.int32),
            pltpu.VMEM((CHB, EMBED_K, 128), jnp.float32),
            pltpu.VMEM((CHB, EMBED_K, 128), jnp.float32),
            pltpu.VMEM((B_PER_W,), jnp.float32),
            pltpu.SemaphoreType.DMA,
            pltpu.SemaphoreType.DMA,
        ],
    )(x, Wt, Ht)


def kernel(x, W, H):
    return _mf_kernel(x.reshape(-1), W.T, H.T)

# --- scband reference (transcript-rebuilt; emitter-appended) ---
"""Pipeline reference for scband-mf-snips-77455440216515 (READ-ONLY COPY).

The authoritative reference and input builder live on the scoring server;
editing this copy changes nothing except your own understanding.
"""

import jax, jax.numpy as jnp
import numpy as np

NUM_USERS = 1000000
NUM_ITEMS = 1000000
EMBED_K = 16
BATCH = 16384

def setup_inputs(seed: int = 0) -> dict:
    key = jax.random.key(seed)
    k_x, k_w, k_h = jax.random.split(key, 3)
    x = jax.random.randint(k_x, (BATCH, 2), 0, NUM_USERS, dtype=jnp.int64) if jax.config.jax_enable_x64 else jax.random.randint(k_x, (BATCH, 2), 0, NUM_USERS, dtype=jnp.int32)
    W = jax.random.normal(k_w, (NUM_USERS, EMBED_K), dtype=jnp.float32)
    H = jax.random.normal(k_h, (NUM_ITEMS, EMBED_K), dtype=jnp.float32)
    return {"x": x, "W": W, "H": H}

def reference(x, W, H):
    user_idx = x[:, 0]
    item_idx = x[:, 1]
    U_emb = jnp.take(W, user_idx, axis=0)
    V_emb = jnp.take(H, item_idx, axis=0)
    out = jnp.sum(U_emb * V_emb, axis=1)
    return out

if __name__ == "__main__":
    import jax
    _d = setup_inputs()
    print(jax.jit(kernel)(*tuple(_d.values())))

</pallas_src>

<mosaic_0001>
#map = affine_map<(d0, d1) -> (0)>
#map1 = affine_map<(d0, d1) -> (0, 0)>
module attributes {stable_mosaic.version = 14 : i64} {
  func.func @_mf_body(%arg0: i32, %arg1: i32, %arg2: memref<32768xi32, #tpu.memory_space<hbm>>, %arg3: memref<16x1000000xf32, #tpu.memory_space<hbm>>, %arg4: memref<16x1000000xf32, #tpu.memory_space<hbm>>, %arg5: memref<16384xf32, #tpu.memory_space<hbm>>, %arg6: memref<1024xi32, #tpu.memory_space<vmem>>, %arg7: memref<16x16x128xf32, #tpu.memory_space<vmem>>, %arg8: memref<16x16x128xf32, #tpu.memory_space<vmem>>, %arg9: memref<512xf32, #tpu.memory_space<vmem>>, %arg10: memref<!tpu.dma_semaphore, #tpu.memory_space<semaphore_mem>>, %arg11: memref<!tpu.dma_semaphore, #tpu.memory_space<semaphore_mem>>) attributes {dimension_semantics = [#tpu.dimension_semantics<core_parallel>, #tpu.dimension_semantics<subcore_parallel>], iteration_bounds = array<i64: 2, 16>, scalar_prefetch = 0 : i64, scratch_operands = 6 : i64, tpu.core_type = #tpu.core_type<sc_vector_subcore>, window_params = [{transform_indices = #map}, {transform_indices = #map1}, {transform_indices = #map1}, {transform_indices = #map}]} {
    %mul3A = arith.constant 2 : i32
    %mul3A_0 = arith.muli %arg1, %mul3A : i32
    %add3A = arith.addi %mul3A_0, %arg0 : i32
    %mul3A_1 = arith.constant 512 : i32
    %mul3A_2 = arith.muli %add3A, %mul3A_1 : i32
    %multiple_of3A = tpu.assume_multiple %mul3A_2, 512 : i32
    %mul3A_3 = arith.constant 2 : i32
    %mul3A_4 = arith.muli %multiple_of3A, %mul3A_3 : i32
    "tpu.region"() ({
      %run_scoped3A = tpu.sem_alloc : memref<!tpu.dma_semaphore, #tpu.memory_space<semaphore_mem>>
      %dma_start3A = tpu.memref_slice %arg2[%mul3A_4] : memref<32768xi32, #tpu.memory_space<hbm>> -> memref<1024xi32, #tpu.memory_space<hbm>>
      %dma_start3A_11 = tpu.memref_slice %arg2[%mul3A_4] : memref<32768xi32, #tpu.memory_space<hbm>> -> memref<1024xi32, #tpu.memory_space<hbm>>
      tpu.enqueue_dma source(%dma_start3A_11 : memref<1024xi32, #tpu.memory_space<hbm>>) target(%arg6 : memref<1024xi32, #tpu.memory_space<vmem>>) target_semaphore(%run_scoped3A : memref<!tpu.dma_semaphore, #tpu.memory_space<semaphore_mem>>)
      %dma_wait3A = tpu.memref_slice %arg2[%mul3A_4] : memref<32768xi32, #tpu.memory_space<hbm>> -> memref<1024xi32, #tpu.memory_space<hbm>>
      %dma_wait3A_12 = tpu.memref_slice %arg2[%mul3A_4] : memref<32768xi32, #tpu.memory_space<hbm>> -> memref<1024xi32, #tpu.memory_space<hbm>>
      tpu.wait_dma2 semaphore(%run_scoped3A : memref<!tpu.dma_semaphore, #tpu.memory_space<semaphore_mem>>) src(%dma_wait3A_12 : memref<1024xi32, #tpu.memory_space<hbm>>) dst(%arg6 : memref<1024xi32, #tpu.memory_space<vmem>>)
      tpu.yield
    }) : () -> ()
    %iota3A = tpu.iota {dimensions = array<i32: 0>} : vector<16xi32>
    %scan3A = arith.constant 0 : i32
    %scan3A_5 = arith.constant 0 : i32
    %scan3A_6 = arith.constant 32 : i32
    %scan3A_7 = arith.addi %scan3A_5, %scan3A_6 : i32
    %scan3A_8 = arith.constant 2 : i32
    %scan3A_9 = scf.for %scan3A_11 = %scan3A_5 to %scan3A_7 step %scan3A_8 iter_args(%scan3A_12 = %scan3A) -> (i32)  : i32 {
      %mul3A_13 = arith.constant 2 : i32
      %mul3A_14 = arith.muli %mul3A_13, %scan3A_11 : i32
      %mul3A_15 = arith.constant 16 : i32
      %mul3A_16 = arith.muli %mul3A_14, %mul3A_15 : i32
      %broadcast_in_dim3A = vector.broadcast %mul3A_16 : i32 to vector<16xi32>
      %mul3A_17 = arith.constant 2 : i32
      %mul3A_18 = vector.broadcast %mul3A_17 : i32 to vector<16xi32>
      %mul3A_19 = arith.muli %mul3A_18, %iota3A : vector<16xi32>
      %add3A_20 = arith.addi %broadcast_in_dim3A, %mul3A_19 : vector<16xi32>
      %gather3A = tpu.vector_load_idx %arg6[%add3A_20] : memref<1024xi32, #tpu.memory_space<vmem>>[vector<16xi32>], vector<16xi32>,
      %add3A_21 = arith.constant 1 : i32
      %add3A_22 = vector.broadcast %add3A_21 : i32 to vector<16xi32>
      %add3A_23 = arith.addi %add3A_20, %add3A_22 : vector<16xi32>
      %gather3A_24 = tpu.vector_load_idx %arg6[%add3A_23] : memref<1024xi32, #tpu.memory_space<vmem>>[vector<16xi32>], vector<16xi32>,
      %slice3A = vector.extract_strided_slice %gather3A {offsets = [0], sizes = [1], strides = [1]} : vector<16xi32> to vector<1xi32>
      %squeeze3A = vector.extract %slice3A[0] : i32 from vector<1xi32>
      %shift_right_arithmetic3A = arith.constant 7 : i32
      %shift_right_arithmetic3A_25 = arith.shrsi %squeeze3A, %shift_right_arithmetic3A : i32
      %mul3A_26 = arith.constant 128 : i32
      %mul3A_27 = arith.muli %shift_right_arithmetic3A_25, %mul3A_26 : i32
      %multiple_of3A_28 = tpu.assume_multiple %mul3A_27, 128 : i32
      %slice3A_29 = vector.extract_strided_slice %gather3A_24 {offsets = [0], sizes = [1], strides = [1]} : vector<16xi32> to vector<1xi32>
      %squeeze3A_30 = vector.extract %slice3A_29[0] : i32 from vector<1xi32>
      %shift_right_arithmetic3A_31 = arith.constant 7 : i32
      %shift_right_arithmetic3A_32 = arith.shrsi %squeeze3A_30, %shift_right_arithmetic3A_31 : i32
      %mul3A_33 = arith.constant 128 : i32
      %mul3A_34 = arith.muli %shift_right_arithmetic3A_32, %mul3A_33 : i32
      %multiple_of3A_35 = tpu.assume_multiple %mul3A_34, 128 : i32
      %dma_start3A = arith.constant 0 : i32
      %dma_start3A_36 = arith.constant 0 : i32
      %dma_start3A_37 = arith.constant 0 : i32
      %dma_start3A_38 = tpu.memref_slice %arg7[%dma_start3A, %dma_start3A_36, %dma_start3A_37] : memref<16x16x128xf32, #tpu.memory_space<vmem>> -> memref<1x16x128xf32, #tpu.memory_space<vmem>>
      %dma_start3A_39 = tpu.memref_squeeze %dma_start3A_38 : memref<1x16x128xf32, #tpu.memory_space<vmem>> -> memref<16x128xf32, #tpu.memory_space<vmem>>
      %dma_start3A_40 = arith.constant 0 : i32
      %dma_start3A_41 = tpu.memref_slice %arg3[%dma_start3A_40, %multiple_of3A_28] : memref<16x1000000xf32, #tpu.memory_space<hbm>> -> memref<16x128xf32, #tpu.memory_space<hbm>>
      %dma_start3A_42 = arith.constant 0 : i32
      %dma_start3A_43 = arith.constant 0 : i32
      %dma_start3A_44 = tpu.memref_slice %arg7[%dma_start3A, %dma_start3A_42, %dma_start3A_43] : memref<16x16x128xf32, #tpu.memory_space<vmem>> -> memref<1x16x128xf32, #tpu.memory_space<vmem>>
      %dma_start3A_45 = tpu.memref_squeeze %dma_start3A_44 : memref<1x16x128xf32, #tpu.memory_space<vmem>> -> memref<16x128xf32, #tpu.memory_space<vmem>>
      %dma_start3A_46 = arith.constant 0 : i32
      %dma_start3A_47 = tpu.memref_slice %arg3[%dma_start3A_46, %multiple_of3A_28] : memref<16x1000000xf32, #tpu.memory_space<hbm>> -> memref<16x128xf32, #tpu.memory_space<hbm>>
      tpu.enqueue_dma source(%dma_start3A_47 : memref<16x128xf32, #tpu.memory_space<hbm>>) target(%dma_start3A_45 : memref<16x128xf32, #tpu.memory_space<vmem>>) target_semaphore(%arg10 : memref<!tpu.dma_semaphore, #tpu.memory_space<semaphore_mem>>)
      %dma_start3A_48 = arith.constant 0 : i32
      %dma_start3A_49 = arith.constant 0 : i32
      %dma_start3A_50 = arith.constant 0 : i32
      %dma_start3A_51 = tpu.memref_slice %arg8[%dma_start3A_48, %dma_start3A_49, %dma_start3A_50] : memref<16x16x128xf32, #tpu.memory_space<vmem>> -> memref<1x16x128xf32, #tpu.memory_space<vmem>>
      %dma_start3A_52 = tpu.memref_squeeze %dma_start3A_51 : memref<1x16x128xf32, #tpu.memory_space<vmem>> -> memref<16x128xf32, #tpu.memory_space<vmem>>
      %dma_start3A_53 = arith.constant 0 : i32
      %dma_start3A_54 = tpu.memref_slice %arg4[%dma_start3A_53, %multiple_of3A_35] : memref<16x1000000xf32, #tpu.memory_space<hbm>> -> memref<16x128xf32, #tpu.memory_space<hbm>>
      %dma_start3A_55 = arith.constant 0 : i32
      %dma_start3A_56 = arith.constant 0 : i32
      %dma_start3A_57 = tpu.memref_slice %arg8[%dma_start3A_48, %dma_start3A_55, %dma_start3A_56] : memref<16x16x128xf32, #tpu.memory_space<vmem>> -> memref<1x16x128xf32, #tpu.memory_space<vmem>>
      %dma_start3A_58 = tpu.memref_squeeze %dma_start3A_57 : memref<1x16x128xf32, #tpu.memory_space<vmem>> -> memref<16x128xf32, #tpu.memory_space<vmem>>
      %dma_start3A_59 = arith.constant 0 : i32
      %dma_start3A_60 = tpu.memref_slice %arg4[%dma_start3A_59, %multiple_of3A_35] : memref<16x1000000xf32, #tpu.memory_space<hbm>> -> memref<16x128xf32, #tpu.memory_space<hbm>>
      tpu.enqueue_dma source(%dma_start3A_60 : memref<16x128xf32, #tpu.memory_space<hbm>>) target(%dma_start3A_58 : memref<16x128xf32, #tpu.memory_space<vmem>>) target_semaphore(%arg11 : memref<!tpu.dma_semaphore, #tpu.memory_space<semaphore_mem>>)
      %slice3A_61 = vector.extract_strided_slice %gather3A {offsets = [1], sizes = [1], strides = [1]} : vector<16xi32> to vector<1xi32>
      %squeeze3A_62 = vector.extract %slice3A_61[0] : i32 from vector<1xi32>
      %shift_right_arithmetic3A_63 = arith.constant 7 : i32
      %shift_right_arithmetic3A_64 = arith.shrsi %squeeze3A_62, %shift_right_arithmetic3A_63 : i32
      %mul3A_65 = arith.constant 128 : i32
      %mul3A_66 = arith.muli %shift_right_arithmetic3A_64, %mul3A_65 : i32
      %multiple_of3A_67 = tpu.assume_multiple %mul3A_66, 128 : i32
      %slice3A_68 = vector.extract_strided_slice %gather3A_24 {offsets = [1], sizes = [1], strides = [1]} : vector<16xi32> to vector<1xi32>
      %squeeze3A_69 = vector.extract %slice3A_68[0] : i32 from vector<1xi32>
      %shift_right_arithmetic3A_70 = arith.constant 7 : i32
      %shift_right_arithmetic3A_71 = arith.shrsi %squeeze3A_69, %shift_right_arithmetic3A_70 : i32
      %mul3A_72 = arith.constant 128 : i32
      %mul3A_73 = arith.muli %shift_right_arithmetic3A_71, %mul3A_72 : i32
      %multiple_of3A_74 = tpu.assume_multiple %mul3A_73, 128 : i32
      %dma_start3A_75 = arith.constant 1 : i32
      %dma_start3A_76 = arith.constant 0 : i32
      %dma_start3A_77 = arith.constant 0 : i32
      %dma_start3A_78 = tpu.memref_slice %arg7[%dma_start3A_75, %dma_start3A_76, %dma_start3A_77] : memref<16x16x128xf32, #tpu.memory_space<vmem>> -> memref<1x16x128xf32, #tpu.memory_space<vmem>>
      %dma_start3A_79 = tpu.memref_squeeze %dma_start3A_78 : memref<1x16x128xf32, #tpu.memory_space<vmem>> -> memref<16x128xf32, #tpu.memory_space<vmem>>
      %dma_start3A_80 = arith.constant 0 : i32
      %dma_start3A_81 = tpu.memref_slice %arg3[%dma_start3A_80, %multiple_of3A_67] : memref<16x1000000xf32, #tpu.memory_space<hbm>> -> memref<16x128xf32, #tpu.memory_space<hbm>>
      %dma_start3A_82 = arith.constant 0 : i32
      %dma_start3A_83 = arith.constant 0 : i32
      %dma_start3A_84 = tpu.memref_slice %arg7[%dma_start3A_75, %dma_start3A_82, %dma_start3A_83] : memref<16x16x128xf32, #tpu.memory_space<vmem>> -> memref<1x16x128xf32, #tpu.memory_space<vmem>>
      %dma_start3A_85 = tpu.memref_squeeze %dma_start3A_84 : memref<1x16x128xf32, #tpu.memory_space<vmem>> -> memref<16x128xf32, #tpu.memory_space<vmem>>
      %dma_start3A_86 = arith.constant 0 : i32
      %dma_start3A_87 = tpu.memref_slice %arg3[%dma_start3A_86, %multiple_of3A_67] : memref<16x1000000xf32, #tpu.memory_space<hbm>> -> memref<16x128xf32, #tpu.memory_space<hbm>>
      tpu.enqueue_dma source(%dma_start3A_87 : memref<16x128xf32, #tpu.memory_space<hbm>>) target(%dma_start3A_85 : memref<16x128xf32, #tpu.memory_space<vmem>>) target_semaphore(%arg10 : memref<!tpu.dma_semaphore, #tpu.memory_space<semaphore_mem>>)
      %dma_start3A_88 = arith.constant 1 : i32
      %dma_start3A_89 = arith.constant 0 : i32
      %dma_start3A_90 = arith.constant 0 : i32
      %dma_start3A_91 = tpu.memref_slice %arg8[%dma_start3A_88, %dma_start3A_89, %dma_start3A_90] : memref<16x16x128xf32, #tpu.memory_space<vmem>> -> memref<1x16x128xf32, #tpu.memory_space<vmem>>
      %dma_start3A_92 = tpu.memref_squeeze %dma_start3A_91 : memref<1x16x128xf32, #tpu.memory_space<vmem>> -> memref<16x128xf32, #tpu.memory_space<vmem>>
      %dma_start3A_93 = arith.constant 0 : i32
      %dma_start3A_94 = tpu.memref_slice %arg4[%dma_start3A_93, %multiple_of3A_74] : memref<16x1000000xf32, #tpu.memory_space<hbm>> -> memref<16x128xf32, #tpu.memory_space<hbm>>
      %dma_start3A_95 = arith.constant 0 : i32
      %dma_start3A_96 = arith.constant 0 : i32
      %dma_start3A_97 = tpu.memref_slice %arg8[%dma_start3A_88, %dma_start3A_95, %dma_start3A_96] : memref<16x16x128xf32, #tpu.memory_space<vmem>> -> memref<1x16x128xf32, #tpu.memory_space<vmem>>
      %dma_start3A_98 = tpu.memref_squeeze %dma_start3A_97 : memref<1x16x128xf32, #tpu.memory_space<vmem>> -> memref<16x128xf32, #tpu.memory_space<vmem>>
      %dma_start3A_99 = arith.constant 0 : i32
      %dma_start3A_100 = tpu.memref_slice %arg4[%dma_start3A_99, %multiple_of3A_74] : memref<16x1000000xf32, #tpu.memory_space<hbm>> -> memref<16x128xf32, #tpu.memory_space<hbm>>
      tpu.enqueue_dma source(%dma_start3A_100 : memref<16x128xf32, #tpu.memory_space<hbm>>) target(%dma_start3A_98 : memref<16x128xf32, #tpu.memory_space<vmem>>) target_semaphore(%arg11 : memref<!tpu.dma_semaphore, #tpu.memory_space<semaphore_mem>>)
      %slice3A_101 = vector.extract_strided_slice %gather3A {offsets = [2], sizes = [1], strides = [1]} : vector<16xi32> to vector<1xi32>
      %squeeze3A_102 = vector.extract %slice3A_101[0] : i32 from vector<1xi32>
      %shift_right_arithmetic3A_103 = arith.constant 7 : i32
      %shift_right_arithmetic3A_104 = arith.shrsi %squeeze3A_102, %shift_right_arithmetic3A_103 : i32
      %mul3A_105 = arith.constant 128 : i32
      %mul3A_106 = arith.muli %shift_right_arithmetic3A_104, %mul3A_105 : i32
      %multiple_of3A_107 = tpu.assume_multiple %mul3A_106, 128 : i32
      %slice3A_108 = vector.extract_strided_slice %gather3A_24 {offsets = [2], sizes = [1], strides = [1]} : vector<16xi32> to vector<1xi32>
      %squeeze3A_109 = vector.extract %slice3A_108[0] : i32 from vector<1xi32>
      %shift_right_arithmetic3A_110 = arith.constant 7 : i32
      %shift_right_arithmetic3A_111 = arith.shrsi %squeeze3A_109, %shift_right_arithmetic3A_110 : i32
      %mul3A_112 = arith.constant 128 : i32
      %mul3A_113 = arith.muli %shift_right_arithmetic3A_111, %mul3A_112 : i32
      %multiple_of3A_114 = tpu.assume_multiple %mul3A_113, 128 : i32
      %dma_start3A_115 = arith.constant 2 : i32
      %dma_start3A_116 = arith.constant 0 : i32
      %dma_start3A_117 = arith.constant 0 : i32
      %dma_start3A_118 = tpu.memref_slice %arg7[%dma_start3A_115, %dma_start3A_116, %dma_start3A_117] : memref<16x16x128xf32, #tpu.memory_space<vmem>> -> memref<1x16x128xf32, #tpu.memory_space<vmem>>
      %dma_start3A_119 = tpu.memref_squeeze %dma_start3A_118 : memref<1x16x128xf32, #tpu.memory_space<vmem>> -> memref<16x128xf32, #tpu.memory_space<vmem>>
      %dma_start3A_120 = arith.constant 0 : i32
      %dma_start3A_121 = tpu.memref_slice %arg3[%dma_start3A_120, %multiple_of3A_107] : memref<16x1000000xf32, #tpu.memory_space<hbm>> -> memref<16x128xf32, #tpu.memory_space<hbm>>
      %dma_start3A_122 = arith.constant 0 : i32
      %dma_start3A_123 = arith.constant 0 : i32
      %dma_start3A_124 = tpu.memref_slice %arg7[%dma_start3A_115, %dma_start3A_122, %dma_start3A_123] : memref<16x16x128xf32, #tpu.memory_space<vmem>> -> memref<1x16x128xf32, #tpu.memory_space<vmem>>
      %dma_start3A_125 = tpu.memref_squeeze %dma_start3A_124 : memref<1x16x128xf32, #tpu.memory_space<vmem>> -> memref<16x128xf32, #tpu.memory_space<vmem>>
      %dma_start3A_126 = arith.constant 0 : i32
      %dma_start3A_127 = tpu.memref_slice %arg3[%dma_start3A_126, %multiple_of3A_107] : memref<16x1000000xf32, #tpu.memory_space<hbm>> -> memref<16x128xf32, #tpu.memory_space<hbm>>
      tpu.enqueue_dma source(%dma_start3A_127 : memref<16x128xf32, #tpu.memory_space<hbm>>) target(%dma_start3A_125 : memref<16x128xf32, #tpu.memory_space<vmem>>) target_semaphore(%arg10 : memref<!tpu.dma_semaphore, #tpu.memory_space<semaphore_mem>>)
      %dma_start3A_128 = arith.constant 2 : i32
      %dma_start3A_129 = arith.constant 0 : i32
      %dma_start3A_130 = arith.constant 0 : i32
      %dma_start3A_131 = tpu.memref_slice %arg8[%dma_start3A_128, %dma_start3A_129, %dma_start3A_130] : memref<16x16x128xf32, #tpu.memory_space<vmem>> -> memref<1x16x128xf32, #tpu.memory_space<vmem>>
      %dma_start3A_132 = tpu.memref_squeeze %dma_start3A_131 : memref<1x16x128xf32, #tpu.memory_space<vmem>> -> memref<16x128xf32, #tpu.memory_space<vmem>>
      %dma_start3A_133 = arith.constant 0 : i32
      %dma_start3A_134 = tpu.memref_slice %arg4[%dma_start3A_133, %multiple_of3A_114] : memref<16x1000000xf32, #tpu.memory_space<hbm>> -> memref<16x128xf32, #tpu.memory_space<hbm>>
      %dma_start3A_135 = arith.constant 0 : i32
      %dma_start3A_136 = arith.constant 0 : i32
      %dma_start3A_137 = tpu.memref_slice %arg8[%dma_start3A_128, %dma_start3A_135, %dma_start3A_136] : memref<16x16x128xf32, #tpu.memory_space<vmem>> -> memref<1x16x128xf32, #tpu.memory_space<vmem>>
      %dma_start3A_138 = tpu.memref_squeeze %dma_start3A_137 : memref<1x16x128xf32, #tpu.memory_space<vmem>> -> memref<16x128xf32, #tpu.memory_space<vmem>>
      %dma_start3A_139 = arith.constant 0 : i32
      %dma_start3A_140 = tpu.memref_slice %arg4[%dma_start3A_139, %multiple_of3A_114] : memref<16x1000000xf32, #tpu.memory_space<hbm>> -> memref<16x128xf32, #tpu.memory_space<hbm>>
      tpu.enqueue_dma source(%dma_start3A_140 : memref<16x128xf32, #tpu.memory_space<hbm>>) target(%dma_start3A_138 : memref<16x128xf32, #tpu.memory_space<vmem>>) target_semaphore(%arg11 : memref<!tpu.dma_semaphore, #tpu.memory_space<semaphore_mem>>)
      %slice3A_141 = vector.extract_strided_slice %gather3A {offsets = [3], sizes = [1], strides = [1]} : vector<16xi32> to vector<1xi32>
      %squeeze3A_142 = vector.extract %slice3A_141[0] : i32 from vector<1xi32>
      %shift_right_arithmetic3A_143 = arith.constant 7 : i32
      %shift_right_arithmetic3A_144 = arith.shrsi %squeeze3A_142, %shift_right_arithmetic3A_143 : i32
      %mul3A_145 = arith.constant 128 : i32
      %mul3A_146 = arith.muli %shift_right_arithmetic3A_144, %mul3A_145 : i32
      %multiple_of3A_147 = tpu.assume_multiple %mul3A_146, 128 : i32
      %slice3A_148 = vector.extract_strided_slice %gather3A_24 {offsets = [3], sizes = [1], strides = [1]} : vector<16xi32> to vector<1xi32>
      %squeeze3A_149 = vector.extract %slice3A_148[0] : i32 from vector<1xi32>
      %shift_right_arithmetic3A_150 = arith.constant 7 : i32
      %shift_right_arithmetic3A_151 = arith.shrsi %squeeze3A_149, %shift_right_arithmetic3A_150 : i32
      %mul3A_152 = arith.constant 128 : i32
      %mul3A_153 = arith.muli %shift_right_arithmetic3A_151, %mul3A_152 : i32
      %multiple_of3A_154 = tpu.assume_multiple %mul3A_153, 128 : i32
      %dma_start3A_155 = arith.constant 3 : i32
      %dma_start3A_156 = arith.constant 0 : i32
      %dma_start3A_157 = arith.constant 0 : i32
      %dma_start3A_158 = tpu.memref_slice %arg7[%dma_start3A_155, %dma_start3A_156, %dma_start3A_157] : memref<16x16x128xf32, #tpu.memory_space<vmem>> -> memref<1x16x128xf32, #tpu.memory_space<vmem>>
      %dma_start3A_159 = tpu.memref_squeeze %dma_start3A_158 : memref<1x16x128xf32, #tpu.memory_space<vmem>> -> memref<16x128xf32, #tpu.memory_space<vmem>>
      %dma_start3A_160 = arith.constant 0 : i32
      %dma_start3A_161 = tpu.memref_slice %arg3[%dma_start3A_160, %multiple_of3A_147] : memref<16x1000000xf32, #tpu.memory_space<hbm>> -> memref<16x128xf32, #tpu.memory_space<hbm>>
      %dma_start3A_162 = arith.constant 0 : i32
      %dma_start3A_163 = arith.constant 0 : i32
      %dma_start3A_164 = tpu.memref_slice %arg7[%dma_start3A_155, %dma_start3A_162, %dma_start3A_163] : memref<16x16x128xf32, #tpu.memory_space<vmem>> -> memref<1x16x128xf32, #tpu.memory_space<vmem>>
      %dma_start3A_165 = tpu.memref_squeeze %dma_start3A_164 : memref<1x16x128xf32, #tpu.memory_space<vmem>> -> memref<16x128xf32, #tpu.memory_space<vmem>>
      %dma_start3A_166 = arith.constant 0 : i32
      %dma_start3A_167 = tpu.memref_slice %arg3[%dma_start3A_166, %multiple_of3A_147] : memref<16x1000000xf32, #tpu.memory_space<hbm>> -> memref<16x128xf32, #tpu.memory_space<hbm>>
      tpu.enqueue_dma source(%dma_start3A_167 : memref<16x128xf32, #tpu.memory_space<hbm>>) target(%dma_start3A_165 : memref<16x128xf32, #tpu.memory_space<vmem>>) target_semaphore(%arg10 : memref<!tpu.dma_semaphore, #tpu.memory_space<semaphore_mem>>)
      %dma_start3A_168 = arith.constant 3 : i32
      %dma_start3A_169 = arith.constant 0 : i32
      %dma_start3A_170 = arith.constant 0 : i32
      %dma_start3A_171 = tpu.memref_slice %arg8[%dma_start3A_168, %dma_start3A_169, %dma_start3A_170] : memref<16x16x128xf32, #tpu.memory_space<vmem>> -> memref<1x16x128xf32, #tpu.memory_space<vmem>>
      %dma_start3A_172 = tpu.memref_squeeze %dma_start3A_171 : memref<1x16x128xf32, #tpu.memory_space<vmem>> -> memref<16x128xf32, #tpu.memory_space<vmem>>
      %dma_start3A_173 = arith.constant 0 : i32
      %dma_start3A_174 = tpu.memref_slice %arg4[%dma_start3A_173, %multiple_of3A_154] : memref<16x1000000xf32, #tpu.memory_space<hbm>> -> memref<16x128xf32, #tpu.memory_space<hbm>>
      %dma_start3A_175 = arith.constant 0 : i32
      %dma_start3A_176 = arith.constant 0 : i32
      %dma_start3A_177 = tpu.memref_slice %arg8[%dma_start3A_168, %dma_start3A_175, %dma_start3A_176] : memref<16x16x128xf32, #tpu.memory_space<vmem>> -> memref<1x16x128xf32, #tpu.memory_space<vmem>>
      %dma_start3A_178 = tpu.memref_squeeze %dma_start3A_177 : memref<1x16x128xf32, #tpu.memory_space<vmem>> -> memref<16x128xf32, #tpu.memory_space<vmem>>
      %dma_start3A_179 = arith.constant 0 : i32
      %dma_start3A_180 = tpu.memref_slice %arg4[%dma_start3A_179, %multiple_of3A_154] : memref<16x1000000xf32, #tpu.memory_space<hbm>> -> memref<16x128xf32, #tpu.memory_space<hbm>>
      tpu.enqueue_dma source(%dma_start3A_180 : memref<16x128xf32, #tpu.memory_space<hbm>>) target(%dma_start3A_178 : memref<16x128xf32, #tpu.memory_space<vmem>>) target_semaphore(%arg11 : memref<!tpu.dma_semaphore, #tpu.memory_space<semaphore_mem>>)
      %slice3A_181 = vector.extract_strided_slice %gather3A {offsets = [4], sizes = [1], strides = [1]} : vector<16xi32> to vector<1xi32>
      %squeeze3A_182 = vector.extract %slice3A_181[0] : i32 from vector<1xi32>
      %shift_right_arithmetic3A_183 = arith.constant 7 : i32
      %shift_right_arithmetic3A_184 = arith.shrsi %squeeze3A_182, %shift_right_arithmetic3A_183 : i32
      %mul3A_185 = arith.constant 128 : i32
      %mul3A_186 = arith.muli %shift_right_arithmetic3A_184, %mul3A_185 : i32
      %multiple_of3A_187 = tpu.assume_multiple %mul3A_186, 128 : i32
      %slice3A_188 = vector.extract_strided_slice %gather3A_24 {offsets = [4], sizes = [1], strides = [1]} : vector<16xi32> to vector<1xi32>
      %squeeze3A_189 = vector.extract %slice3A_188[0] : i32 from vector<1xi32>
      %shift_right_arithmetic3A_190 = arith.constant 7 : i32
      %shift_right_arithmetic3A_191 = arith.shrsi %squeeze3A_189, %shift_right_arithmetic3A_190 : i32
      %mul3A_192 = arith.constant 128 : i32
      %mul3A_193 = arith.muli %shift_right_arithmetic3A_191, %mul3A_192 : i32
      %multiple_of3A_194 = tpu.assume_multiple %mul3A_193, 128 : i32
      %dma_start3A_195 = arith.constant 4 : i32
      %dma_start3A_196 = arith.constant 0 : i32
      %dma_start3A_197 = arith.constant 0 : i32
      %dma_start3A_198 = tpu.memref_slice %arg7[%dma_start3A_195, %dma_start3A_196, %dma_start3A_197] : memref<16x16x128xf32, #tpu.memory_space<vmem>> -> memref<1x16x128xf32, #tpu.memory_space<vmem>>
      %dma_start3A_199 = tpu.memref_squeeze %dma_start3A_198 : memref<1x16x128xf32, #tpu.memory_space<vmem>> -> memref<16x128xf32, #tpu.memory_space<vmem>>
      %dma_start3A_200 = arith.constant 0 : i32
      %dma_start3A_201 = tpu.memref_slice %arg3[%dma_start3A_200, %multiple_of3A_187] : memref<16x1000000xf32, #tpu.memory_space<hbm>> -> memref<16x128xf32, #tpu.memory_space<hbm>>
      %dma_start3A_202 = arith.constant 0 : i32
      %dma_start3A_203 = arith.constant 0 : i32
      %dma_start3A_204 = tpu.memref_slice %arg7[%dma_start3A_195, %dma_start3A_202, %dma_start3A_203] : memref<16x16x128xf32, #tpu.memory_space<vmem>> -> memref<1x16x128xf32, #tpu.memory_space<vmem>>
      %dma_start3A_205 = tpu.memref_squeeze %dma_start3A_204 : memref<1x16x128xf32, #tpu.memory_space<vmem>> -> memref<16x128xf32, #tpu.memory_space<vmem>>
      %dma_start3A_206 = arith.constant 0 : i32
      %dma_start3A_207 = tpu.memref_slice %arg3[%dma_start3A_206, %multiple_of3A_187] : memref<16x1000000xf32, #tpu.memory_space<hbm>> -> memref<16x128xf32, #tpu.memory_space<hbm>>
      tpu.enqueue_dma source(%dma_start3A_207 : memref<16x128xf32, #tpu.memory_space<hbm>>) target(%dma_start3A_205 : memref<16x128xf32, #tpu.memory_space<vmem>>) target_semaphore(%arg10 : memref<!tpu.dma_semaphore, #tpu.memory_space<semaphore_mem>>)
      %dma_start3A_208 = arith.constant 4 : i32
      %dma_start3A_209 = arith.constant 0 : i32
      %dma_start3A_210 = arith.constant 0 : i32
      %dma_start3A_211 = tpu.memref_slice %arg8[%dma_start3A_208, %dma_start3A_209, %dma_start3A_210] : memref<16x16x128xf32, #tpu.memory_space<vmem>> -> memref<1x16x128xf32, #tpu.memory_space<vmem>>
      %dma_start3A_212 = tpu.memref_squeeze %dma_start3A_211 : memref<1x16x128xf32, #tpu.memory_space<vmem>> -> memref<16x128xf32, #tpu.memory_space<vmem>>
      %dma_start3A_213 = arith.constant 0 : i32
      %dma_start3A_214 = tpu.memref_slice %arg4[%dma_start3A_213, %multiple_of3A_194] : memref<16x1000000xf32, #tpu.memory_space<hbm>> -> memref<16x128xf32, #tpu.memory_space<hbm>>
      %dma_start3A_215 = arith.constant 0 : i32
      %dma_start3A_216 = arith.constant 0 : i32
      %dma_start3A_217 = tpu.memref_slice %arg8[%dma_start3A_208, %dma_start3A_215, %dma_start3A_216] : memref<16x16x128xf32, #tpu.memory_space<vmem>> -> memref<1x16x128xf32, #tpu.memory_space<vmem>>
      %dma_start3A_218 = tpu.memref_squeeze %dma_start3A_217 : memref<1x16x128xf32, #tpu.memory_space<vmem>> -> memref<16x128xf32, #tpu.memory_space<vmem>>
      %dma_start3A_219 = arith.constant 0 : i32
      %dma_start3A_220 = tpu.memref_slice %arg4[%dma_start3A_219, %multiple_of3A_194] : memref<16x1000000xf32, #tpu.memory_space<hbm>> -> memref<16x128xf32, #tpu.memory_space<hbm>>
      tpu.enqueue_dma source(%dma_start3A_220 : memref<16x128xf32, #tpu.memory_space<hbm>>) target(%dma_start3A_218 : memref<16x128xf32, #tpu.memory_space<vmem>>) target_semaphore(%arg11 : memref<!tpu.dma_semaphore, #tpu.memory_space<semaphore_mem>>)
      %slice3A_221 = vector.extract_strided_slice %gather3A {offsets = [5], sizes = [1], strides = [1]} : vector<16xi32> to vector<1xi32>
      %squeeze3A_222 = vector.extract %slice3A_221[0] : i32 from vector<1xi32>
      %shift_right_arithmetic3A_223 = arith.constant 7 : i32
      %shift_right_arithmetic3A_224 = arith.shrsi %squeeze3A_222, %shift_right_arithmetic3A_223 : i32
      %mul3A_225 = arith.constant 128 : i32
      %mul3A_226 = arith.muli %shift_right_arithmetic3A_224, %mul3A_225 : i32
      %multiple_of3A_227 = tpu.assume_multiple %mul3A_226, 128 : i32
      %slice3A_228 = vector.extract_strided_slice %gather3A_24 {offsets = [5], sizes = [1], strides = [1]} : vector<16xi32> to vector<1xi32>
      %squeeze3A_229 = vector.extract %slice3A_228[0] : i32 from vector<1xi32>
      %shift_right_arithmetic3A_230 = arith.constant 7 : i32
      %shift_right_arithmetic3A_231 = arith.shrsi %squeeze3A_229, %shift_right_arithmetic3A_230 : i32
      %mul3A_232 = arith.constant 128 : i32
      %mul3A_233 = arith.muli %shift_right_arithmetic3A_231, %mul3A_232 : i32
      %multiple_of3A_234 = tpu.assume_multiple %mul3A_233, 128 : i32
      %dma_start3A_235 = arith.constant 5 : i32
      %dma_start3A_236 = arith.constant 0 : i32
      %dma_start3A_237 = arith.constant 0 : i32
      %dma_start3A_238 = tpu.memref_slice %arg7[%dma_start3A_235, %dma_start3A_236, %dma_start3A_237] : memref<16x16x128xf32, #tpu.memory_space<vmem>> -> memref<1x16x128xf32, #tpu.memory_space<vmem>>
      %dma_start3A_239 = tpu.memref_squeeze %dma_start3A_238 : memref<1x16x128xf32, #tpu.memory_space<vmem>> -> memref<16x128xf32, #tpu.memory_space<vmem>>
      %dma_start3A_240 = arith.constant 0 : i32
      %dma_start3A_241 = tpu.memref_slice %arg3[%dma_start3A_240, %multiple_of3A_227] : memref<16x1000000xf32, #tpu.memory_space<hbm>> -> memref<16x128xf32, #tpu.memory_space<hbm>>
      %dma_start3A_242 = arith.constant 0 : i32
      %dma_start3A_243 = arith.constant 0 : i32
      %dma_start3A_244 = tpu.memref_slice %arg7[%dma_start3A_235, %dma_start3A_242, %dma_start3A_243] : memref<16x16x128xf32, #tpu.memory_space<vmem>> -> memref<1x16x128xf32, #tpu.memory_space<vmem>>
      %dma_start3A_245 = tpu.memref_squeeze %dma_start3A_244 : memref<1x16x128xf32, #tpu.memory_space<vmem>> -> memref<16x128xf32, #tpu.memory_space<vmem>>
      %dma_start3A_246 = arith.constant 0 : i32
      %dma_start3A_247 = tpu.memref_slice %arg3[%dma_start3A_246, %multiple_of3A_227] : memref<16x1000000xf32, #tpu.memory_space<hbm>> -> memref<16x128xf32, #tpu.memory_space<hbm>>
      tpu.enqueue_dma source(%dma_start3A_247 : memref<16x128xf32, #tpu.memory_space<hbm>>) target(%dma_start3A_245 : memref<16x128xf32, #tpu.memory_space<vmem>>) target_semaphore(%arg10 : memref<!tpu.dma_semaphore, #tpu.memory_space<semaphore_mem>>)
      %dma_start3A_248 = arith.constant 5 : i32
      %dma_start3A_249 = arith.constant 0 : i32
      %dma_start3A_250 = arith.constant 0 : i32
      %dma_start3A_251 = tpu.memref_slice %arg8[%dma_start3A_248, %dma_start3A_249, %dma_start3A_250] : memref<16x16x128xf32, #tpu.memory_space<vmem>> -> memref<1x16x128xf32, #tpu.memory_space<vmem>>
      %dma_start3A_252 = tpu.memref_squeeze %dma_start3A_251 : memref<1x16x128xf32, #tpu.memory_space<vmem>> -> memref<16x128xf32, #tpu.memory_space<vmem>>
      %dma_start3A_253 = arith.constant 0 : i32
      %dma_start3A_254 = tpu.memref_slice %arg4[%dma_start3A_253, %multiple_of3A_234] : memref<16x1000000xf32, #tpu.memory_space<hbm>> -> memref<16x128xf32, #tpu.memory_space<hbm>>
      %dma_start3A_255 = arith.constant 0 : i32
      %dma_start3A_256 = arith.constant 0 : i32
      %dma_start3A_257 = tpu.memref_slice %arg8[%dma_start3A_248, %dma_start3A_255, %dma_start3A_256] : memref<16x16x128xf32, #tpu.memory_space<vmem>> -> memref<1x16x128xf32, #tpu.memory_space<vmem>>
      %dma_start3A_258 = tpu.memref_squeeze %dma_start3A_257 : memref<1x16x128xf32, #tpu.memory_space<vmem>> -> memref<16x128xf32, #tpu.memory_space<vmem>>
      %dma_start3A_259 = arith.constant 0 : i32
      %dma_start3A_260 = tpu.memref_slice %arg4[%dma_start3A_259, %multiple_of3A_234] : memref<16x1000000xf32, #tpu.memory_space<hbm>> -> memref<16x128xf32, #tpu.memory_space<hbm>>
      tpu.enqueue_dma source(%dma_start3A_260 : memref<16x128xf32, #tpu.memory_space<hbm>>) target(%dma_start3A_258 : memref<16x128xf32, #tpu.memory_space<vmem>>) target_semaphore(%arg11 : memref<!tpu.dma_semaphore, #tpu.memory_space<semaphore_mem>>)
      %slice3A_261 = vector.extract_strided_slice %gather3A {offsets = [6], sizes = [1], strides = [1]} : vector<16xi32> to vector<1xi32>
      %squeeze3A_262 = vector.extract %slice3A_261[0] : i32 from vector<1xi32>
      %shift_right_arithmetic3A_263 = arith.constant 7 : i32
      %shift_right_arithmetic3A_264 = arith.shrsi %squeeze3A_262, %shift_right_arithmetic3A_263 : i32
      %mul3A_265 = arith.constant 128 : i32
      %mul3A_266 = arith.muli %shift_right_arithmetic3A_264, %mul3A_265 : i32
      %multiple_of3A_267 = tpu.assume_multiple %mul3A_266, 128 : i32
      %slice3A_268 = vector.extract_strided_slice %gather3A_24 {offsets = [6], sizes = [1], strides = [1]} : vector<16xi32> to vector<1xi32>
      %squeeze3A_269 = vector.extract %slice3A_268[0] : i32 from vector<1xi32>
      %shift_right_arithmetic3A_270 = arith.constant 7 : i32
      %shift_right_arithmetic3A_271 = arith.shrsi %squeeze3A_269, %shift_right_arithmetic3A_270 : i32
      %mul3A_272 = arith.constant 128 : i32
      %mul3A_273 = arith.muli %shift_right_arithmetic3A_271, %mul3A_272 : i32
      %multiple_of3A_274 = tpu.assume_multiple %mul3A_273, 128 : i32
      %dma_start3A_275 = arith.constant 6 : i32
      %dma_start3A_276 = arith.constant 0 : i32
      %dma_start3A_277 = arith.constant 0 : i32
      %dma_start3A_278 = tpu.memref_slice %arg7[%dma_start3A_275, %dma_start3A_276, %dma_start3A_277] : memref<16x16x128xf32, #tpu.memory_space<vmem>> -> memref<1x16x128xf32, #tpu.memory_space<vmem>>
      %dma_start3A_279 = tpu.memref_squeeze %dma_start3A_278 : memref<1x16x128xf32, #tpu.memory_space<vmem>> -> memref<16x128xf32, #tpu.memory_space<vmem>>
      %dma_start3A_280 = arith.constant 0 : i32
      %dma_start3A_281 = tpu.memref_slice %arg3[%dma_start3A_280, %multiple_of3A_267] : memref<16x1000000xf32, #tpu.memory_space<hbm>> -> memref<16x128xf32, #tpu.memory_space<hbm>>
      %dma_start3A_282 = arith.constant 0 : i32
      %dma_start3A_283 = arith.constant 0 : i32
      %dma_start3A_284 = tpu.memref_slice %arg7[%dma_start3A_275, %dma_start3A_282, %dma_start3A_283] : memref<16x16x128xf32, #tpu.memory_space<vmem>> -> memref<1x16x128xf32, #tpu.memory_space<vmem>>
      %dma_start3A_285 = tpu.memref_squeeze %dma_start3A_284 : memref<1x16x128xf32, #tpu.memory_space<vmem>> -> memref<16x128xf32, #tpu.memory_space<vmem>>
      %dma_start3A_286 = arith.constant 0 : i32
      %dma_start3A_287 = tpu.memref_slice %arg3[%dma_start3A_286, %multiple_of3A_267] : memref<16x1000000xf32, #tpu.memory_space<hbm>> -> memref<16x128xf32, #tpu.memory_space<hbm>>
      tpu.enqueue_dma source(%dma_start3A_287 : memref<16x128xf32, #tpu.memory_space<hbm>>) target(%dma_start3A_285 : memref<16x128xf32, #tpu.memory_space<vmem>>) target_semaphore(%arg10 : memref<!tpu.dma_semaphore, #tpu.memory_space<semaphore_mem>>)
      %dma_start3A_288 = arith.constant 6 : i32
      %dma_start3A_289 = arith.constant 0 : i32
      %dma_start3A_290 = arith.constant 0 : i32
      %dma_start3A_291 = tpu.memref_slice %arg8[%dma_start3A_288, %dma_start3A_289, %dma_start3A_290] : memref<16x16x128xf32, #tpu.memory_space<vmem>> -> memref<1x16x128xf32, #tpu.memory_space<vmem>>
      %dma_start3A_292 = tpu.memref_squeeze %dma_start3A_291 : memref<1x16x128xf32, #tpu.memory_space<vmem>> -> memref<16x128xf32, #tpu.memory_space<vmem>>
      %dma_start3A_293 = arith.constant 0 : i32
      %dma_start3A_294 = tpu.memref_slice %arg4[%dma_start3A_293, %multiple_of3A_274] : memref<16x1000000xf32, #tpu.memory_space<hbm>> -> memref<16x128xf32, #tpu.memory_space<hbm>>
      %dma_start3A_295 = arith.constant 0 : i32
      %dma_start3A_296 = arith.constant 0 : i32
      %dma_start3A_297 = tpu.memref_slice %arg8[%dma_start3A_288, %dma_start3A_295, %dma_start3A_296] : memref<16x16x128xf32, #tpu.memory_space<vmem>> -> memref<1x16x128xf32, #tpu.memory_space<vmem>>
      %dma_start3A_298 = tpu.memref_squeeze %dma_start3A_297 : memref<1x16x128xf32, #tpu.memory_space<vmem>> -> memref<16x128xf32, #tpu.memory_space<vmem>>
      %dma_start3A_299 = arith.constant 0 : i32
      %dma_start3A_300 = tpu.memref_slice %arg4[%dma_start3A_299, %multiple_of3A_274] : memref<16x1000000xf32, #tpu.memory_space<hbm>> -> memref<16x128xf32, #tpu.memory_space<hbm>>
      tpu.enqueue_dma source(%dma_start3A_300 : memref<16x128xf32, #tpu.memory_space<hbm>>) target(%dma_start3A_298 : memref<16x128xf32, #tpu.memory_space<vmem>>) target_semaphore(%arg11 : memref<!tpu.dma_semaphore, #tpu.memory_space<semaphore_mem>>)
      %slice3A_301 = vector.extract_strided_slice %gather3A {offsets = [7], sizes = [1], strides = [1]} : vector<16xi32> to vector<1xi32>
      %squeeze3A_302 = vector.extract %slice3A_301[0] : i32 from vector<1xi32>
      %shift_right_arithmetic3A_303 = arith.constant 7 : i32
      %shift_right_arithmetic3A_304 = arith.shrsi %squeeze3A_302, %shift_right_arithmetic3A_303 : i32
      %mul3A_305 = arith.constant 128 : i32
      %mul3A_306 = arith.muli %shift_right_arithmetic3A_304, %mul3A_305 : i32
      %multiple_of3A_307 = tpu.assume_multiple %mul3A_306, 128 : i32
      %slice3A_308 = vector.extract_strided_slice %gather3A_24 {offsets = [7], sizes = [1], strides = [1]} : vector<16xi32> to vector<1xi32>
      %squeeze3A_309 = vector.extract %slice3A_308[0] : i32 from vector<1xi32>
      %shift_right_arithmetic3A_310 = arith.constant 7 : i32
      %shift_right_arithmetic3A_311 = arith.shrsi %squeeze3A_309, %shift_right_arithmetic3A_310 : i32
      %mul3A_312 = arith.constant 128 : i32
      %mul3A_313 = arith.muli %shift_right_arithmetic3A_311, %mul3A_312 : i32
      %multiple_of3A_314 = tpu.assume_multiple %mul3A_313, 128 : i32
      %dma_start3A_315 = arith.constant 7 : i32
      %dma_start3A_316 = arith.constant 0 : i32
      %dma_start3A_317 = arith.constant 0 : i32
      %dma_start3A_318 = tpu.memref_slice %arg7[%dma_start3A_315, %dma_start3A_316, %dma_start3A_317] : memref<16x16x128xf32, #tpu.memory_space<vmem>> -> memref<1x16x128xf32, #tpu.memory_space<vmem>>
      %dma_start3A_319 = tpu.memref_squeeze %dma_start3A_318 : memref<1x16x128xf32, #tpu.memory_space<vmem>> -> memref<16x128xf32, #tpu.memory_space<vmem>>
      %dma_start3A_320 = arith.constant 0 : i32
      %dma_start3A_321 = tpu.memref_slice %arg3[%dma_start3A_320, %multiple_of3A_307] : memref<16x1000000xf32, #tpu.memory_space<hbm>> -> memref<16x128xf32, #tpu.memory_space<hbm>>
      %dma_start3A_322 = arith.constant 0 : i32
      %dma_start3A_323 = arith.constant 0 : i32
      %dma_start3A_324 = tpu.memref_slice %arg7[%dma_start3A_315, %dma_start3A_322, %dma_start3A_323] : memref<16x16x128xf32, #tpu.memory_space<vmem>> -> memref<1x16x128xf32, #tpu.memory_space<vmem>>
      %dma_start3A_325 = tpu.memref_squeeze %dma_start3A_324 : memref<1x16x128xf32, #tpu.memory_space<vmem>> -> memref<16x128xf32, #tpu.memory_space<vmem>>
      %dma_start3A_326 = arith.constant 0 : i32
      %dma_start3A_327 = tpu.memref_slice %arg3[%dma_start3A_326, %multiple_of3A_307] : memref<16x1000000xf32, #tpu.memory_space<hbm>> -> memref<16x128xf32, #tpu.memory_space<hbm>>
      tpu.enqueue_dma source(%dma_start3A_327 : memref<16x128xf32, #tpu.memory_space<hbm>>) target(%dma_start3A_325 : memref<16x128xf32, #tpu.memory_space<vmem>>) target_semaphore(%arg10 : memref<!tpu.dma_semaphore, #tpu.memory_space<semaphore_mem>>)
      %dma_start3A_328 = arith.constant 7 : i32
      %dma_start3A_329 = arith.constant 0 : i32
      %dma_start3A_330 = arith.constant 0 : i32
      %dma_start3A_331 = tpu.memref_slice %arg8[%dma_start3A_328, %dma_start3A_329, %dma_start3A_330] : memref<16x16x128xf32, #tpu.memory_space<vmem>> -> memref<1x16x128xf32, #tpu.memory_space<vmem>>
      %dma_start3A_332 = tpu.memref_squeeze %dma_start3A_331 : memref<1x16x128xf32, #tpu.memory_space<vmem>> -> memref<16x128xf32, #tpu.memory_space<vmem>>
      %dma_start3A_333 = arith.constant 0 : i32
      %dma_start3A_334 = tpu.memref_slice %arg4[%dma_start3A_333, %multiple_of3A_314] : memref<16x1000000xf32, #tpu.memory_space<hbm>> -> memref<16x128xf32, #tpu.memory_space<hbm>>
      %dma_start3A_335 = arith.constant 0 : i32
      %dma_start3A_336 = arith.constant 0 : i32
      %dma_start3A_337 = tpu.memref_slice %arg8[%dma_start3A_328, %dma_start3A_335, %dma_start3A_336] : memref<16x16x128xf32, #tpu.memory_space<vmem>> -> memref<1x16x128xf32, #tpu.memory_space<vmem>>
      %dma_start3A_338 = tpu.memref_squeeze %dma_start3A_337 : memref<1x16x128xf32, #tpu.memory_space<vmem>> -> memref<16x128xf32, #tpu.memory_space<vmem>>
      %dma_start3A_339 = arith.constant 0 : i32
      %dma_start3A_340 = tpu.memref_slice %arg4[%dma_start3A_339, %multiple_of3A_314] : memref<16x1000000xf32, #tpu.memory_space<hbm>> -> memref<16x128xf32, #tpu.memory_space<hbm>>
      tpu.enqueue_dma source(%dma_start3A_340 : memref<16x128xf32, #tpu.memory_space<hbm>>) target(%dma_start3A_338 : memref<16x128xf32, #tpu.memory_space<vmem>>) target_semaphore(%arg11 : memref<!tpu.dma_semaphore, #tpu.memory_space<semaphore_mem>>)
      %slice3A_341 = vector.extract_strided_slice %gather3A {offsets = [8], sizes = [1], strides = [1]} : vector<16xi32> to vector<1xi32>
      %squeeze3A_342 = vector.extract %slice3A_341[0] : i32 from vector<1xi32>
      %shift_right_arithmetic3A_343 = arith.constant 7 : i32
      %shift_right_arithmetic3A_344 = arith.shrsi %squeeze3A_342, %shift_right_arithmetic3A_343 : i32
      %mul3A_345 = arith.constant 128 : i32
      %mul3A_346 = arith.muli %shift_right_arithmetic3A_344, %mul3A_345 : i32
      %multiple_of3A_347 = tpu.assume_multiple %mul3A_346, 128 : i32
      %slice3A_348 = vector.extract_strided_slice %gather3A_24 {offsets = [8], sizes = [1], strides = [1]} : vector<16xi32> to vector<1xi32>
      %squeeze3A_349 = vector.extract %slice3A_348[0] : i32 from vector<1xi32>
      %shift_right_arithmetic3A_350 = arith.constant 7 : i32
      %shift_right_arithmetic3A_351 = arith.shrsi %squeeze3A_349, %shift_right_arithmetic3A_350 : i32
      %mul3A_352 = arith.constant 128 : i32
      %mul3A_353 = arith.muli %shift_right_arithmetic3A_351, %mul3A_352 : i32
      %multiple_of3A_354 = tpu.assume_multiple %mul3A_353, 128 : i32
      %dma_start3A_355 = arith.constant 8 : i32
      %dma_start3A_356 = arith.constant 0 : i32
      %dma_start3A_357 = arith.constant 0 : i32
      %dma_start3A_358 = tpu.memref_slice %arg7[%dma_start3A_355, %dma_start3A_356, %dma_start3A_357] : memref<16x16x128xf32, #tpu.memory_space<vmem>> -> memref<1x16x128xf32, #tpu.memory_space<vmem>>
      %dma_start3A_359 = tpu.memref_squeeze %dma_start3A_358 : memref<1x16x128xf32, #tpu.memory_space<vmem>> -> memref<16x128xf32, #tpu.memory_space<vmem>>
      %dma_start3A_360 = arith.constant 0 : i32
      %dma_start3A_361 = tpu.memref_slice %arg3[%dma_start3A_360, %multiple_of3A_347] : memref<16x1000000xf32, #tpu.memory_space<hbm>> -> memref<16x128xf32, #tpu.memory_space<hbm>>
      %dma_start3A_362 = arith.constant 0 : i32
      %dma_start3A_363 = arith.constant 0 : i32
      %dma_start3A_364 = tpu.memref_slice %arg7[%dma_start3A_355, %dma_start3A_362, %dma_start3A_363] : memref<16x16x128xf32, #tpu.memory_space<vmem>> -> memref<1x16x128xf32, #tpu.memory_space<vmem>>
      %dma_start3A_365 = tpu.memref_squeeze %dma_start3A_364 : memref<1x16x128xf32, #tpu.memory_space<vmem>> -> memref<16x128xf32, #tpu.memory_space<vmem>>
      %dma_start3A_366 = arith.constant 0 : i32
      %dma_start3A_367 = tpu.memref_slice %arg3[%dma_start3A_366, %multiple_of3A_347] : memref<16x1000000xf32, #tpu.memory_space<hbm>> -> memref<16x128xf32, #tpu.memory_space<hbm>>
      tpu.enqueue_dma source(%dma_start3A_367 : memref<16x128xf32, #tpu.memory_space<hbm>>) target(%dma_start3A_365 : memref<16x128xf32, #tpu.memory_space<vmem>>) target_semaphore(%arg10 : memref<!tpu.dma_semaphore, #tpu.memory_space<semaphore_mem>>)
      %dma_start3A_368 = arith.constant 8 : i32
      %dma_start3A_369 = arith.constant 0 : i32
      %dma_start3A_370 = arith.constant 0 : i32
      %dma_start3A_371 = tpu.memref_slice %arg8[%dma_start3A_368, %dma_start3A_369, %dma_start3A_370] : memref<16x16x128xf32, #tpu.memory_space<vmem>> -> memref<1x16x128xf32, #tpu.memory_space<vmem>>
      %dma_start3A_372 = tpu.memref_squeeze %dma_start3A_371 : memref<1x16x128xf32, #tpu.memory_space<vmem>> -> memref<16x128xf32, #tpu.memory_space<vmem>>
      %dma_start3A_373 = arith.constant 0 : i32
      %dma_start3A_374 = tpu.memref_slice %arg4[%dma_start3A_373, %multiple_of3A_354] : memref<16x1000000xf32, #tpu.memory_space<hbm>> -> memref<16x128xf32, #tpu.memory_space<hbm>>
      %dma_start3A_375 = arith.constant 0 : i32
      %dma_start3A_376 = arith.constant 0 : i32
      %dma_start3A_377 = tpu.memref_slice %arg8[%dma_start3A_368, %dma_start3A_375, %dma_start3A_376] : memref<16x16x128xf32, #tpu.memory_space<vmem>> -> memref<1x16x128xf32, #tpu.memory_space<vmem>>
      %dma_start3A_378 = tpu.memref_squeeze %dma_start3A_377 : memref<1x16x128xf32, #tpu.memory_space<vmem>> -> memref<16x128xf32, #tpu.memory_space<vmem>>
      %dma_start3A_379 = arith.constant 0 : i32
      %dma_start3A_380 = tpu.memref_slice %arg4[%dma_start3A_379, %multiple_of3A_354] : memref<16x1000000xf32, #tpu.memory_space<hbm>> -> memref<16x128xf32, #tpu.memory_space<hbm>>
      tpu.enqueue_dma source(%dma_start3A_380 : memref<16x128xf32, #tpu.memory_space<hbm>>) target(%dma_start3A_378 : memref<16x128xf32, #tpu.memory_space<vmem>>) target_semaphore(%arg11 : memref<!tpu.dma_semaphore, #tpu.memory_space<semaphore_mem>>)
      %slice3A_381 = vector.extract_strided_slice %gather3A {offsets = [9], sizes = [1], strides = [1]} : vector<16xi32> to vector<1xi32>
      %squeeze3A_382 = vector.extract %slice3A_381[0] : i32 from vector<1xi32>
      %shift_right_arithmetic3A_383 = arith.constant 7 : i32
      %shift_right_arithmetic3A_384 = arith.shrsi %squeeze3A_382, %shift_right_arithmetic3A_383 : i32
      %mul3A_385 = arith.constant 128 : i32
      %mul3A_386 = arith.muli %shift_right_arithmetic3A_384, %mul3A_385 : i32
      %multiple_of3A_387 = tpu.assume_multiple %mul3A_386, 128 : i32
      %slice3A_388 = vector.extract_strided_slice %gather3A_24 {offsets = [9], sizes = [1], strides = [1]} : vector<16xi32> to vector<1xi32>
      %squeeze3A_389 = vector.extract %slice3A_388[0] : i32 from vector<1xi32>
      %shift_right_arithmetic3A_390 = arith.constant 7 : i32
      %shift_right_arithmetic3A_391 = arith.shrsi %squeeze3A_389, %shift_right_arithmetic3A_390 : i32
      %mul3A_392 = arith.constant 128 : i32
      %mul3A_393 = arith.muli %shift_right_arithmetic3A_391, %mul3A_392 : i32
      %multiple_of3A_394 = tpu.assume_multiple %mul3A_393, 128 : i32
      %dma_start3A_395 = arith.constant 9 : i32
      %dma_start3A_396 = arith.constant 0 : i32
      %dma_start3A_397 = arith.constant 0 : i32
      %dma_start3A_398 = tpu.memref_slice %arg7[%dma_start3A_395, %dma_start3A_396, %dma_start3A_397] : memref<16x16x128xf32, #tpu.memory_space<vmem>> -> memref<1x16x128xf32, #tpu.memory_space<vmem>>
      %dma_start3A_399 = tpu.memref_squeeze %dma_start3A_398 : memref<1x16x128xf32, #tpu.memory_space<vmem>> -> memref<16x128xf32, #tpu.memory_space<vmem>>
      %dma_start3A_400 = arith.constant 0 : i32
      %dma_start3A_401 = tpu.memref_slice %arg3[%dma_start3A_400, %multiple_of3A_387] : memref<16x1000000xf32, #tpu.memory_space<hbm>> -> memref<16x128xf32, #tpu.memory_space<hbm>>
      %dma_start3A_402 = arith.constant 0 : i32
      %dma_start3A_403 = arith.constant 0 : i32
      %dma_start3A_404 = tpu.memref_slice %arg7[%dma_start3A_395, %dma_start3A_402, %dma_start3A_403] : memref<16x16x128xf32, #tpu.memory_space<vmem>> -> memref<1x16x128xf32, #tpu.memory_space<vmem>>
      %dma_start3A_405 = tpu.memref_squeeze %dma_start3A_404 : memref<1x16x128xf32, #tpu.memory_space<vmem>> -> memref<16x128xf32, #tpu.memory_space<vmem>>
      %dma_start3A_406 = arith.constant 0 : i32
      %dma_start3A_407 = tpu.memref_slice %arg3[%dma_start3A_406, %multiple_of3A_387] : memref<16x1000000xf32, #tpu.memory_space<hbm>> -> memref<16x128xf32, #tpu.memory_space<hbm>>
      tpu.enqueue_dma source(%dma_start3A_407 : memref<16x128xf32, #tpu.memory_space<hbm>>) target(%dma_start3A_405 : memref<16x128xf32, #tpu.memory_space<vmem>>) target_semaphore(%arg10 : memref<!tpu.dma_semaphore, #tpu.memory_space<semaphore_mem>>)
      %dma_start3A_408 = arith.constant 9 : i32
      %dma_start3A_409 = arith.constant 0 : i32
      %dma_start3A_410 = arith.constant 0 : i32
      %dma_start3A_411 = tpu.memref_slice %arg8[%dma_start3A_408, %dma_start3A_409, %dma_start3A_410] : memref<16x16x128xf32, #tpu.memory_space<vmem>> -> memref<1x16x128xf32, #tpu.memory_space<vmem>>
      %dma_start3A_412 = tpu.memref_squeeze %dma_start3A_411 : memref<1x16x128xf32, #tpu.memory_space<vmem>> -> memref<16x128xf32, #tpu.memory_space<vmem>>
      %dma_start3A_413 = arith.constant 0 : i32
      %dma_start3A_414 = tpu.memref_slice %arg4[%dma_start3A_413, %multiple_of3A_394] : memref<16x1000000xf32, #tpu.memory_space<hbm>> -> memref<16x128xf32, #tpu.memory_space<hbm>>
      %dma_start3A_415 = arith.constant 0 : i32
      %dma_start3A_416 = arith.constant 0 : i32
      %dma_start3A_417 = tpu.memref_slice %arg8[%dma_start3A_408, %dma_start3A_415, %dma_start3A_416] : memref<16x16x128xf32, #tpu.memory_space<vmem>> -> memref<1x16x128xf32, #tpu.memory_space<vmem>>
      %dma_start3A_418 = tpu.memref_squeeze %dma_start3A_417 : memref<1x16x128xf32, #tpu.memory_space<vmem>> -> memref<16x128xf32, #tpu.memory_space<vmem>>
      %dma_start3A_419 = arith.constant 0 : i32
      %dma_start3A_420 = tpu.memref_slice %arg4[%dma_start3A_419, %multiple_of3A_394] : memref<16x1000000xf32, #tpu.memory_space<hbm>> -> memref<16x128xf32, #tpu.memory_space<hbm>>
      tpu.enqueue_dma source(%dma_start3A_420 : memref<16x128xf32, #tpu.memory_space<hbm>>) target(%dma_start3A_418 : memref<16x128xf32, #tpu.memory_space<vmem>>) target_semaphore(%arg11 : memref<!tpu.dma_semaphore, #tpu.memory_space<semaphore_mem>>)
      %slice3A_421 = vector.extract_strided_slice %gather3A {offsets = [10], sizes = [1], strides = [1]} : vector<16xi32> to vector<1xi32>
      %squeeze3A_422 = vector.extract %slice3A_421[0] : i32 from vector<1xi32>
      %shift_right_arithmetic3A_423 = arith.constant 7 : i32
      %shift_right_arithmetic3A_424 = arith.shrsi %squeeze3A_422, %shift_right_arithmetic3A_423 : i32
      %mul3A_425 = arith.constant 128 : i32
      %mul3A_426 = arith.muli %shift_right_arithmetic3A_424, %mul3A_425 : i32
      %multiple_of3A_427 = tpu.assume_multiple %mul3A_426, 128 : i32
      %slice3A_428 = vector.extract_strided_slice %gather3A_24 {offsets = [10], sizes = [1], strides = [1]} : vector<16xi32> to vector<1xi32>
      %squeeze3A_429 = vector.extract %slice3A_428[0] : i32 from vector<1xi32>
      %shift_right_arithmetic3A_430 = arith.constant 7 : i32
      %shift_right_arithmetic3A_431 = arith.shrsi %squeeze3A_429, %shift_right_arithmetic3A_430 : i32
      %mul3A_432 = arith.constant 128 : i32
      %mul3A_433 = arith.muli %shift_right_arithmetic3A_431, %mul3A_432 : i32
      %multiple_of3A_434 = tpu.assume_multiple %mul3A_433, 128 : i32
      %dma_start3A_435 = arith.constant 10 : i32
      %dma_start3A_436 = arith.constant 0 : i32
      %dma_start3A_437 = arith.constant 0 : i32
      %dma_start3A_438 = tpu.memref_slice %arg7[%dma_start3A_435, %dma_start3A_436, %dma_start3A_437] : memref<16x16x128xf32, #tpu.memory_space<vmem>> -> memref<1x16x128xf32, #tpu.memory_space<vmem>>
      %dma_start3A_439 = tpu.memref_squeeze %dma_start3A_438 : memref<1x16x128xf32, #tpu.memory_space<vmem>> -> memref<16x128xf32, #tpu.memory_space<vmem>>
      %dma_start3A_440 = arith.constant 0 : i32
      %dma_start3A_441 = tpu.memref_slice %arg3[%dma_start3A_440, %multiple_of3A_427] : memref<16x1000000xf32, #tpu.memory_space<hbm>> -> memref<16x128xf32, #tpu.memory_space<hbm>>
      %dma_start3A_442 = arith.constant 0 : i32
      %dma_start3A_443 = arith.constant 0 : i32
      %dma_start3A_444 = tpu.memref_slice %arg7[%dma_start3A_435, %dma_start3A_442, %dma_start3A_443] : memref<16x16x128xf32, #tpu.memory_space<vmem>> -> memref<1x16x128xf32, #tpu.memory_space<vmem>>
      %dma_start3A_445 = tpu.memref_squeeze %dma_start3A_444 : memref<1x16x128xf32, #tpu.memory_space<vmem>> -> memref<16x128xf32, #tpu.memory_space<vmem>>
      %dma_start3A_446 = arith.constant 0 : i32
      %dma_start3A_447 = tpu.memref_slice %arg3[%dma_start3A_446, %multiple_of3A_427] : memref<16x1000000xf32, #tpu.memory_space<hbm>> -> memref<16x128xf32, #tpu.memory_space<hbm>>
      tpu.enqueue_dma source(%dma_start3A_447 : memref<16x128xf32, #tpu.memory_space<hbm>>) target(%dma_start3A_445 : memref<16x128xf32, #tpu.memory_space<vmem>>) target_semaphore(%arg10 : memref<!tpu.dma_semaphore, #tpu.memory_space<semaphore_mem>>)
      %dma_start3A_448 = arith.constant 10 : i32
      %dma_start3A_449 = arith.constant 0 : i32
      %dma_start3A_450 = arith.constant 0 : i32
      %dma_start3A_451 = tpu.memref_slice %arg8[%dma_start3A_448, %dma_start3A_449, %dma_start3A_450] : memref<16x16x128xf32, #tpu.memory_space<vmem>> -> memref<1x16x128xf32, #tpu.memory_space<vmem>>
      %dma_start3A_452 = tpu.memref_squeeze %dma_start3A_451 : memref<1x16x128xf32, #tpu.memory_space<vmem>> -> memref<16x128xf32, #tpu.memory_space<vmem>>
      %dma_start3A_453 = arith.constant 0 : i32
      %dma_start3A_454 = tpu.memref_slice %arg4[%dma_start3A_453, %multiple_of3A_434] : memref<16x1000000xf32, #tpu.memory_space<hbm>> -> memref<16x128xf32, #tpu.memory_space<hbm>>
      %dma_start3A_455 = arith.constant 0 : i32
      %dma_start3A_456 = arith.constant 0 : i32
      %dma_start3A_457 = tpu.memref_slice %arg8[%dma_start3A_448, %dma_start3A_455, %dma_start3A_456] : memref<16x16x128xf32, #tpu.memory_space<vmem>> -> memref<1x16x128xf32, #tpu.memory_space<vmem>>
      %dma_start3A_458 = tpu.memref_squeeze %dma_start3A_457 : memref<1x16x128xf32, #tpu.memory_space<vmem>> -> memref<16x128xf32, #tpu.memory_space<vmem>>
      %dma_start3A_459 = arith.constant 0 : i32
      %dma_start3A_460 = tpu.memref_slice %arg4[%dma_start3A_459, %multiple_of3A_434] : memref<16x1000000xf32, #tpu.memory_space<hbm>> -> memref<16x128xf32, #tpu.memory_space<hbm>>
      tpu.enqueue_dma source(%dma_start3A_460 : memref<16x128xf32, #tpu.memory_space<hbm>>) target(%dma_start3A_458 : memref<16x128xf32, #tpu.memory_space<vmem>>) target_semaphore(%arg11 : memref<!tpu.dma_semaphore, #tpu.memory_space<semaphore_mem>>)
      %slice3A_461 = vector.extract_strided_slice %gather3A {offsets = [11], sizes = [1], strides = [1]} : vector<16xi32> to vector<1xi32>
      %squeeze3A_462 = vector.extract %slice3A_461[0] : i32 from vector<1xi32>
      %shift_right_arithmetic3A_463 = arith.constant 7 : i32
      %shift_right_arithmetic3A_464 = arith.shrsi %squeeze3A_462, %shift_right_arithmetic3A_463 : i32
      %mul3A_465 = arith.constant 128 : i32
      %mul3A_466 = arith.muli %shift_right_arithmetic3A_464, %mul3A_465 : i32
      %multiple_of3A_467 = tpu.assume_multiple %mul3A_466, 128 : i32
      %slice3A_468 = vector.extract_strided_slice %gather3A_24 {offsets = [11], sizes = [1], strides = [1]} : vector<16xi32> to vector<1xi32>
      %squeeze3A_469 = vector.extract %slice3A_468[0] : i32 from vector<1xi32>
      %shift_right_arithmetic3A_470 = arith.constant 7 : i32
      %shift_right_arithmetic3A_471 = arith.shrsi %squeeze3A_469, %shift_right_arithmetic3A_470 : i32
      %mul3A_472 = arith.constant 128 : i32
      %mul3A_473 = arith.muli %shift_right_arithmetic3A_471, %mul3A_472 : i32
      %multiple_of3A_474 = tpu.assume_multiple %mul3A_473, 128 : i32
      %dma_start3A_475 = arith.constant 11 : i32
      %dma_start3A_476 = arith.constant 0 : i32
      %dma_start3A_477 = arith.constant 0 : i32
      %dma_start3A_478 = tpu.memref_slice %arg7[%dma_start3A_475, %dma_start3A_476, %dma_start3A_477] : memref<16x16x128xf32, #tpu.memory_space<vmem>> -> memref<1x16x128xf32, #tpu.memory_space<vmem>>
      %dma_start3A_479 = tpu.memref_squeeze %dma_start3A_478 : memref<1x16x128xf32, #tpu.memory_space<vmem>> -> memref<16x128xf32, #tpu.memory_space<vmem>>
      %dma_start3A_480 = arith.constant 0 : i32
      %dma_start3A_481 = tpu.memref_slice %arg3[%dma_start3A_480, %multiple_of3A_467] : memref<16x1000000xf32, #tpu.memory_space<hbm>> -> memref<16x128xf32, #tpu.memory_space<hbm>>
      %dma_start3A_482 = arith.constant 0 : i32
      %dma_start3A_483 = arith.constant 0 : i32
      %dma_start3A_484 = tpu.memref_slice %arg7[%dma_start3A_475, %dma_start3A_482, %dma_start3A_483] : memref<16x16x128xf32, #tpu.memory_space<vmem>> -> memref<1x16x128xf32, #tpu.memory_space<vmem>>
      %dma_start3A_485 = tpu.memref_squeeze %dma_start3A_484 : memref<1x16x128xf32, #tpu.memory_space<vmem>> -> memref<16x128xf32, #tpu.memory_space<vmem>>
      %dma_start3A_486 = arith.constant 0 : i32
      %dma_start3A_487 = tpu.memref_slice %arg3[%dma_start3A_486, %multiple_of3A_467] : memref<16x1000000xf32, #tpu.memory_space<hbm>> -> memref<16x128xf32, #tpu.memory_space<hbm>>
      tpu.enqueue_dma source(%dma_start3A_487 : memref<16x128xf32, #tpu.memory_space<hbm>>) target(%dma_start3A_485 : memref<16x128xf32, #tpu.memory_space<vmem>>) target_semaphore(%arg10 : memref<!tpu.dma_semaphore, #tpu.memory_space<semaphore_mem>>)
      %dma_start3A_488 = arith.constant 11 : i32
      %dma_start3A_489 = arith.constant 0 : i32
      %dma_start3A_490 = arith.constant 0 : i32
      %dma_start3A_491 = tpu.memref_slice %arg8[%dma_start3A_488, %dma_start3A_489, %dma_start3A_490] : memref<16x16x128xf32, #tpu.memory_space<vmem>> -> memref<1x16x128xf32, #tpu.memory_space<vmem>>
      %dma_start3A_492 = tpu.memref_squeeze %dma_start3A_491 : memref<1x16x128xf32, #tpu.memory_space<vmem>> -> memref<16x128xf32, #tpu.memory_space<vmem>>
      %dma_start3A_493 = arith.constant 0 : i32
      %dma_start3A_494 = tpu.memref_slice %arg4[%dma_start3A_493, %multiple_of3A_474] : memref<16x1000000xf32, #tpu.memory_space<hbm>> -> memref<16x128xf32, #tpu.memory_space<hbm>>
      %dma_start3A_495 = arith.constant 0 : i32
      %dma_start3A_496 = arith.constant 0 : i32
      %dma_start3A_497 = tpu.memref_slice %arg8[%dma_start3A_488, %dma_start3A_495, %dma_start3A_496] : memref<16x16x128xf32, #tpu.memory_space<vmem>> -> memref<1x16x128xf32, #tpu.memory_space<vmem>>
      %dma_start3A_498 = tpu.memref_squeeze %dma_start3A_497 : memref<1x16x128xf32, #tpu.memory_space<vmem>> -> memref<16x128xf32, #tpu.memory_space<vmem>>
      %dma_start3A_499 = arith.constant 0 : i32
      %dma_start3A_500 = tpu.memref_slice %arg4[%dma_start3A_499, %multiple_of3A_474] : memref<16x1000000xf32, #tpu.memory_space<hbm>> -> memref<16x128xf32, #tpu.memory_space<hbm>>
      tpu.enqueue_dma source(%dma_start3A_500 : memref<16x128xf32, #tpu.memory_space<hbm>>) target(%dma_start3A_498 : memref<16x128xf32, #tpu.memory_space<vmem>>) target_semaphore(%arg11 : memref<!tpu.dma_semaphore, #tpu.memory_space<semaphore_mem>>)
      %slice3A_501 = vector.extract_strided_slice %gather3A {offsets = [12], sizes = [1], strides = [1]} : vector<16xi32> to vector<1xi32>
      %squeeze3A_502 = vector.extract %slice3A_501[0] : i32 from vector<1xi32>
      %shift_right_arithmetic3A_503 = arith.constant 7 : i32
      %shift_right_arithmetic3A_504 = arith.shrsi %squeeze3A_502, %shift_right_arithmetic3A_503 : i32
      %mul3A_505 = arith.constant 128 : i32
      %mul3A_506 = arith.muli %shift_right_arithmetic3A_504, %mul3A_505 : i32
      %multiple_of3A_507 = tpu.assume_multiple %mul3A_506, 128 : i32
      %slice3A_508 = vector.extract_strided_slice %gather3A_24 {offsets = [12], sizes = [1], strides = [1]} : vector<16xi32> to vector<1xi32>
      %squeeze3A_509 = vector.extract %slice3A_508[0] : i32 from vector<1xi32>
      %shift_right_arithmetic3A_510 = arith.constant 7 : i32
      %shift_right_arithmetic3A_511 = arith.shrsi %squeeze3A_509, %shift_right_arithmetic3A_510 : i32
      %mul3A_512 = arith.constant 128 : i32
      %mul3A_513 = arith.muli %shift_right_arithmetic3A_511, %mul3A_512 : i32
      %multiple_of3A_514 = tpu.assume_multiple %mul3A_513, 128 : i32
      %dma_start3A_515 = arith.constant 12 : i32
      %dma_start3A_516 = arith.constant 0 : i32
      %dma_start3A_517 = arith.constant 0 : i32
      %dma_start3A_518 = tpu.memref_slice %arg7[%dma_start3A_515, %dma_start3A_516, %dma_start3A_517] : memref<16x16x128xf32, #tpu.memory_space<vmem>> -> memref<1x16x128xf32, #tpu.memory_space<vmem>>
      %dma_start3A_519 = tpu.memref_squeeze %dma_start3A_518 : memref<1x16x128xf32, #tpu.memory_space<vmem>> -> memref<16x128xf32, #tpu.memory_space<vmem>>
      %dma_start3A_520 = arith.constant 0 : i32
      %dma_start3A_521 = tpu.memref_slice %arg3[%dma_start3A_520, %multiple_of3A_507] : memref<16x1000000xf32, #tpu.memory_space<hbm>> -> memref<16x128xf32, #tpu.memory_space<hbm>>
      %dma_start3A_522 = arith.constant 0 : i32
      %dma_start3A_523 = arith.constant 0 : i32
      %dma_start3A_524 = tpu.memref_slice %arg7[%dma_start3A_515, %dma_start3A_522, %dma_start3A_523] : memref<16x16x128xf32, #tpu.memory_space<vmem>> -> memref<1x16x128xf32, #tpu.memory_space<vmem>>
      %dma_start3A_525 = tpu.memref_squeeze %dma_start3A_524 : memref<1x16x128xf32, #tpu.memory_space<vmem>> -> memref<16x128xf32, #tpu.memory_space<vmem>>
      %dma_start3A_526 = arith.constant 0 : i32
      %dma_start3A_527 = tpu.memref_slice %arg3[%dma_start3A_526, %multiple_of3A_507] : memref<16x1000000xf32, #tpu.memory_space<hbm>> -> memref<16x128xf32, #tpu.memory_space<hbm>>
      tpu.enqueue_dma source(%dma_start3A_527 : memref<16x128xf32, #tpu.memory_space<hbm>>) target(%dma_start3A_525 : memref<16x128xf32, #tpu.memory_space<vmem>>) target_semaphore(%arg10 : memref<!tpu.dma_semaphore, #tpu.memory_space<semaphore_mem>>)
      %dma_start3A_528 = arith.constant 12 : i32
      %dma_start3A_529 = arith.constant 0 : i32
      %dma_start3A_530 = arith.constant 0 : i32
      %dma_start3A_531 = tpu.memref_slice %arg8[%dma_start3A_528, %dma_start3A_529, %dma_start3A_530] : memref<16x16x128xf32, #tpu.memory_space<vmem>> -> memref<1x16x128xf32, #tpu.memory_space<vmem>>
      %dma_start3A_532 = tpu.memref_squeeze %dma_start3A_531 : memref<1x16x128xf32, #tpu.memory_space<vmem>> -> memref<16x128xf32, #tpu.memory_space<vmem>>
      %dma_start3A_533 = arith.constant 0 : i32
      %dma_start3A_534 = tpu.memref_slice %arg4[%dma_start3A_533, %multiple_of3A_514] : memref<16x1000000xf32, #tpu.memory_space<hbm>> -> memref<16x128xf32, #tpu.memory_space<hbm>>
      %dma_start3A_535 = arith.constant 0 : i32
      %dma_start3A_536 = arith.constant 0 : i32
      %dma_start3A_537 = tpu.memref_slice %arg8[%dma_start3A_528, %dma_start3A_535, %dma_start3A_536] : memref<16x16x128xf32, #tpu.memory_space<vmem>> -> memref<1x16x128xf32, #tpu.memory_space<vmem>>
      %dma_start3A_538 = tpu.memref_squeeze %dma_start3A_537 : memref<1x16x128xf32, #tpu.memory_space<vmem>> -> memref<16x128xf32, #tpu.memory_space<vmem>>
      %dma_start3A_539 = arith.constant 0 : i32
      %dma_start3A_540 = tpu.memref_slice %arg4[%dma_start3A_539, %multiple_of3A_514] : memref<16x1000000xf32, #tpu.memory_space<hbm>> -> memref<16x128xf32, #tpu.memory_space<hbm>>
      tpu.enqueue_dma source(%dma_start3A_540 : memref<16x128xf32, #tpu.memory_space<hbm>>) target(%dma_start3A_538 : memref<16x128xf32, #tpu.memory_space<vmem>>) target_semaphore(%arg11 : memref<!tpu.dma_semaphore, #tpu.memory_space<semaphore_mem>>)
      %slice3A_541 = vector.extract_strided_slice %gather3A {offsets = [13], sizes = [1], strides = [1]} : vector<16xi32> to vector<1xi32>
      %squeeze3A_542 = vector.extract %slice3A_541[0] : i32 from vector<1xi32>
      %shift_right_arithmetic3A_543 = arith.constant 7 : i32
      %shift_right_arithmetic3A_544 = arith.shrsi %squeeze3A_542, %shift_right_arithmetic3A_543 : i32
      %mul3A_545 = arith.constant 128 : i32
      %mul3A_546 = arith.muli %shift_right_arithmetic3A_544, %mul3A_545 : i32
      %multiple_of3A_547 = tpu.assume_multiple %mul3A_546, 128 : i32
      %slice3A_548 = vector.extract_strided_slice %gather3A_24 {offsets = [13], sizes = [1], strides = [1]} : vector<16xi32> to vector<1xi32>
      %squeeze3A_549 = vector.extract %slice3A_548[0] : i32 from vector<1xi32>
      %shift_right_arithmetic3A_550 = arith.constant 7 : i32
      %shift_right_arithmetic3A_551 = arith.shrsi %squeeze3A_549, %shift_right_arithmetic3A_550 : i32
      %mul3A_552 = arith.constant 128 : i32
      %mul3A_553 = arith.muli %shift_right_arithmetic3A_551, %mul3A_552 : i32
      %multiple_of3A_554 = tpu.assume_multiple %mul3A_553, 128 : i32
      %dma_start3A_555 = arith.constant 13 : i32
      %dma_start3A_556 = arith.constant 0 : i32
      %dma_start3A_557 = arith.constant 0 : i32
      %dma_start3A_558 = tpu.memref_slice %arg7[%dma_start3A_555, %dma_start3A_556, %dma_start3A_557] : memref<16x16x128xf32, #tpu.memory_space<vmem>> -> memref<1x16x128xf32, #tpu.memory_space<vmem>>
      %dma_start3A_559 = tpu.memref_squeeze %dma_start3A_558 : memref<1x16x128xf32, #tpu.memory_space<vmem>> -> memref<16x128xf32, #tpu.memory_space<vmem>>
      %dma_start3A_560 = arith.constant 0 : i32
      %dma_start3A_561 = tpu.memref_slice %arg3[%dma_start3A_560, %multiple_of3A_547] : memref<16x1000000xf32, #tpu.memory_space<hbm>> -> memref<16x128xf32, #tpu.memory_space<hbm>>
      %dma_start3A_562 = arith.constant 0 : i32
      %dma_start3A_563 = arith.constant 0 : i32
      %dma_start3A_564 = tpu.memref_slice %arg7[%dma_start3A_555, %dma_start3A_562, %dma_start3A_563] : memref<16x16x128xf32, #tpu.memory_space<vmem>> -> memref<1x16x128xf32, #tpu.memory_space<vmem>>
      %dma_start3A_565 = tpu.memref_squeeze %dma_start3A_564 : memref<1x16x128xf32, #tpu.memory_space<vmem>> -> memref<16x128xf32, #tpu.memory_space<vmem>>
      %dma_start3A_566 = arith.constant 0 : i32
      %dma_start3A_567 = tpu.memref_slice %arg3[%dma_start3A_566, %multiple_of3A_547] : memref<16x1000000xf32, #tpu.memory_space<hbm>> -> memref<16x128xf32, #tpu.memory_space<hbm>>
      tpu.enqueue_dma source(%dma_start3A_567 : memref<16x128xf32, #tpu.memory_space<hbm>>) target(%dma_start3A_565 : memref<16x128xf32, #tpu.memory_space<vmem>>) target_semaphore(%arg10 : memref<!tpu.dma_semaphore, #tpu.memory_space<semaphore_mem>>)
      %dma_start3A_568 = arith.constant 13 : i32
      %dma_start3A_569 = arith.constant 0 : i32
      %dma_start3A_570 = arith.constant 0 : i32
      %dma_start3A_571 = tpu.memref_slice %arg8[%dma_start3A_568, %dma_start3A_569, %dma_start3A_570] : memref<16x16x128xf32, #tpu.memory_space<vmem>> -> memref<1x16x128xf32, #tpu.memory_space<vmem>>
      %dma_start3A_572 = tpu.memref_squeeze %dma_start3A_571 : memref<1x16x128xf32, #tpu.memory_space<vmem>> -> memref<16x128xf32, #tpu.memory_space<vmem>>
      %dma_start3A_573 = arith.constant 0 : i32
      %dma_start3A_574 = tpu.memref_slice %arg4[%dma_start3A_573, %multiple_of3A_554] : memref<16x1000000xf32, #tpu.memory_space<hbm>> -> memref<16x128xf32, #tpu.memory_space<hbm>>
      %dma_start3A_575 = arith.constant 0 : i32
      %dma_start3A_576 = arith.constant 0 : i32
      %dma_start3A_577 = tpu.memref_slice %arg8[%dma_start3A_568, %dma_start3A_575, %dma_start3A_576] : memref<16x16x128xf32, #tpu.memory_space<vmem>> -> memref<1x16x128xf32, #tpu.memory_space<vmem>>
      %dma_start3A_578 = tpu.memref_squeeze %dma_start3A_577 : memref<1x16x128xf32, #tpu.memory_space<vmem>> -> memref<16x128xf32, #tpu.memory_space<vmem>>
      %dma_start3A_579 = arith.constant 0 : i32
      %dma_start3A_580 = tpu.memref_slice %arg4[%dma_start3A_579, %multiple_of3A_554] : memref<16x1000000xf32, #tpu.memory_space<hbm>> -> memref<16x128xf32, #tpu.memory_space<hbm>>
      tpu.enqueue_dma source(%dma_start3A_580 : memref<16x128xf32, #tpu.memory_space<hbm>>) target(%dma_start3A_578 : memref<16x128xf32, #tpu.memory_space<vmem>>) target_semaphore(%arg11 : memref<!tpu.dma_semaphore, #tpu.memory_space<semaphore_mem>>)
      %slice3A_581 = vector.extract_strided_slice %gather3A {offsets = [14], sizes = [1], strides = [1]} : vector<16xi32> to vector<1xi32>
      %squeeze3A_582 = vector.extract %slice3A_581[0] : i32 from vector<1xi32>
      %shift_right_arithmetic3A_583 = arith.constant 7 : i32
      %shift_right_arithmetic3A_584 = arith.shrsi %squeeze3A_582, %shift_right_arithmetic3A_583 : i32
      %mul3A_585 = arith.constant 128 : i32
      %mul3A_586 = arith.muli %shift_right_arithmetic3A_584, %mul3A_585 : i32
      %multiple_of3A_587 = tpu.assume_multiple %mul3A_586, 128 : i32
      %slice3A_588 = vector.extract_strided_slice %gather3A_24 {offsets = [14], sizes = [1], strides = [1]} : vector<16xi32> to vector<1xi32>
      %squeeze3A_589 = vector.extract %slice3A_588[0] : i32 from vector<1xi32>
      %shift_right_arithmetic3A_590 = arith.constant 7 : i32
      %shift_right_arithmetic3A_591 = arith.shrsi %squeeze3A_589, %shift_right_arithmetic3A_590 : i32
      %mul3A_592 = arith.constant 128 : i32
      %mul3A_593 = arith.muli %shift_right_arithmetic3A_591, %mul3A_592 : i32
      %multiple_of3A_594 = tpu.assume_multiple %mul3A_593, 128 : i32
      %dma_start3A_595 = arith.constant 14 : i32
      %dma_start3A_596 = arith.constant 0 : i32
      %dma_start3A_597 = arith.constant 0 : i32
      %dma_start3A_598 = tpu.memref_slice %arg7[%dma_start3A_595, %dma_start3A_596, %dma_start3A_597] : memref<16x16x128xf32, #tpu.memory_space<vmem>> -> memref<1x16x128xf32, #tpu.memory_space<vmem>>
      %dma_start3A_599 = tpu.memref_squeeze %dma_start3A_598 : memref<1x16x128xf32, #tpu.memory_space<vmem>> -> memref<16x128xf32, #tpu.memory_space<vmem>>
      %dma_start3A_600 = arith.constant 0 : i32
      %dma_start3A_601 = tpu.memref_slice %arg3[%dma_start3A_600, %multiple_of3A_587] : memref<16x1000000xf32, #tpu.memory_space<hbm>> -> memref<16x128xf32, #tpu.memory_space<hbm>>
      %dma_start3A_602 = arith.constant 0 : i32
      %dma_start3A_603 = arith.constant 0 : i32
      %dma_start3A_604 = tpu.memref_slice %arg7[%dma_start3A_595, %dma_start3A_602, %dma_start3A_603] : memref<16x16x128xf32, #tpu.memory_space<vmem>> -> memref<1x16x128xf32, #tpu.memory_space<vmem>>
      %dma_start3A_605 = tpu.memref_squeeze %dma_start3A_604 : memref<1x16x128xf32, #tpu.memory_space<vmem>> -> memref<16x128xf32, #tpu.memory_space<vmem>>
      %dma_start3A_606 = arith.constant 0 : i32
      %dma_start3A_607 = tpu.memref_slice %arg3[%dma_start3A_606, %multiple_of3A_587] : memref<16x1000000xf32, #tpu.memory_space<hbm>> -> memref<16x128xf32, #tpu.memory_space<hbm>>
      tpu.enqueue_dma source(%dma_start3A_607 : memref<16x128xf32, #tpu.memory_space<hbm>>) target(%dma_start3A_605 : memref<16x128xf32, #tpu.memory_space<vmem>>) target_semaphore(%arg10 : memref<!tpu.dma_semaphore, #tpu.memory_space<semaphore_mem>>)
      %dma_start3A_608 = arith.constant 14 : i32
      %dma_start3A_609 = arith.constant 0 : i32
      %dma_start3A_610 = arith.constant 0 : i32
      %dma_start3A_611 = tpu.memref_slice %arg8[%dma_start3A_608, %dma_start3A_609, %dma_start3A_610] : memref<16x16x128xf32, #tpu.memory_space<vmem>> -> memref<1x16x128xf32, #tpu.memory_space<vmem>>
      %dma_start3A_612 = tpu.memref_squeeze %dma_start3A_611 : memref<1x16x128xf32, #tpu.memory_space<vmem>> -> memref<16x128xf32, #tpu.memory_space<vmem>>
      %dma_start3A_613 = arith.constant 0 : i32
      %dma_start3A_614 = tpu.memref_slice %arg4[%dma_start3A_613, %multiple_of3A_594] : memref<16x1000000xf32, #tpu.memory_space<hbm>> -> memref<16x128xf32, #tpu.memory_space<hbm>>
      %dma_start3A_615 = arith.constant 0 : i32
      %dma_start3A_616 = arith.constant 0 : i32
      %dma_start3A_617 = tpu.memref_slice %arg8[%dma_start3A_608, %dma_start3A_615, %dma_start3A_616] : memref<16x16x128xf32, #tpu.memory_space<vmem>> -> memref<1x16x128xf32, #tpu.memory_space<vmem>>
      %dma_start3A_618 = tpu.memref_squeeze %dma_start3A_617 : memref<1x16x128xf32, #tpu.memory_space<vmem>> -> memref<16x128xf32, #tpu.memory_space<vmem>>
      %dma_start3A_619 = arith.constant 0 : i32
      %dma_start3A_620 = tpu.memref_slice %arg4[%dma_start3A_619, %multiple_of3A_594] : memref<16x1000000xf32, #tpu.memory_space<hbm>> -> memref<16x128xf32, #tpu.memory_space<hbm>>
      tpu.enqueue_dma source(%dma_start3A_620 : memref<16x128xf32, #tpu.memory_space<hbm>>) target(%dma_start3A_618 : memref<16x128xf32, #tpu.memory_space<vmem>>) target_semaphore(%arg11 : memref<!tpu.dma_semaphore, #tpu.memory_space<semaphore_mem>>)
      %slice3A_621 = vector.extract_strided_slice %gather3A {offsets = [15], sizes = [1], strides = [1]} : vector<16xi32> to vector<1xi32>
      %squeeze3A_622 = vector.extract %slice3A_621[0] : i32 from vector<1xi32>
      %shift_right_arithmetic3A_623 = arith.constant 7 : i32
      %shift_right_arithmetic3A_624 = arith.shrsi %squeeze3A_622, %shift_right_arithmetic3A_623 : i32
      %mul3A_625 = arith.constant 128 : i32
      %mul3A_626 = arith.muli %shift_right_arithmetic3A_624, %mul3A_625 : i32
      %multiple_of3A_627 = tpu.assume_multiple %mul3A_626, 128 : i32
      %slice3A_628 = vector.extract_strided_slice %gather3A_24 {offsets = [15], sizes = [1], strides = [1]} : vector<16xi32> to vector<1xi32>
      %squeeze3A_629 = vector.extract %slice3A_628[0] : i32 from vector<1xi32>
      %shift_right_arithmetic3A_630 = arith.constant 7 : i32
      %shift_right_arithmetic3A_631 = arith.shrsi %squeeze3A_629, %shift_right_arithmetic3A_630 : i32
      %mul3A_632 = arith.constant 128 : i32
      %mul3A_633 = arith.muli %shift_right_arithmetic3A_631, %mul3A_632 : i32
      %multiple_of3A_634 = tpu.assume_multiple %mul3A_633, 128 : i32
      %dma_start3A_635 = arith.constant 15 : i32
      %dma_start3A_636 = arith.constant 0 : i32
      %dma_start3A_637 = arith.constant 0 : i32
      %dma_start3A_638 = tpu.memref_slice %arg7[%dma_start3A_635, %dma_start3A_636, %dma_start3A_637] : memref<16x16x128xf32, #tpu.memory_space<vmem>> -> memref<1x16x128xf32, #tpu.memory_space<vmem>>
      %dma_start3A_639 = tpu.memref_squeeze %dma_start3A_638 : memref<1x16x128xf32, #tpu.memory_space<vmem>> -> memref<16x128xf32, #tpu.memory_space<vmem>>
      %dma_start3A_640 = arith.constant 0 : i32
      %dma_start3A_641 = tpu.memref_slice %arg3[%dma_start3A_640, %multiple_of3A_627] : memref<16x1000000xf32, #tpu.memory_space<hbm>> -> memref<16x128xf32, #tpu.memory_space<hbm>>
      %dma_start3A_642 = arith.constant 0 : i32
      %dma_start3A_643 = arith.constant 0 : i32
      %dma_start3A_644 = tpu.memref_slice %arg7[%dma_start3A_635, %dma_start3A_642, %dma_start3A_643] : memref<16x16x128xf32, #tpu.memory_space<vmem>> -> memref<1x16x128xf32, #tpu.memory_space<vmem>>
      %dma_start3A_645 = tpu.memref_squeeze %dma_start3A_644 : memref<1x16x128xf32, #tpu.memory_space<vmem>> -> memref<16x128xf32, #tpu.memory_space<vmem>>
      %dma_start3A_646 = arith.constant 0 : i32
      %dma_start3A_647 = tpu.memref_slice %arg3[%dma_start3A_646, %multiple_of3A_627] : memref<16x1000000xf32, #tpu.memory_space<hbm>> -> memref<16x128xf32, #tpu.memory_space<hbm>>
      tpu.enqueue_dma source(%dma_start3A_647 : memref<16x128xf32, #tpu.memory_space<hbm>>) target(%dma_start3A_645 : memref<16x128xf32, #tpu.memory_space<vmem>>) target_semaphore(%arg10 : memref<!tpu.dma_semaphore, #tpu.memory_space<semaphore_mem>>)
      %dma_start3A_648 = arith.constant 15 : i32
      %dma_start3A_649 = arith.constant 0 : i32
      %dma_start3A_650 = arith.constant 0 : i32
      %dma_start3A_651 = tpu.memref_slice %arg8[%dma_start3A_648, %dma_start3A_649, %dma_start3A_650] : memref<16x16x128xf32, #tpu.memory_space<vmem>> -> memref<1x16x128xf32, #tpu.memory_space<vmem>>
      %dma_start3A_652 = tpu.memref_squeeze %dma_start3A_651 : memref<1x16x128xf32, #tpu.memory_space<vmem>> -> memref<16x128xf32, #tpu.memory_space<vmem>>
      %dma_start3A_653 = arith.constant 0 : i32
      %dma_start3A_654 = tpu.memref_slice %arg4[%dma_start3A_653, %multiple_of3A_634] : memref<16x1000000xf32, #tpu.memory_space<hbm>> -> memref<16x128xf32, #tpu.memory_space<hbm>>
      %dma_start3A_655 = arith.constant 0 : i32
      %dma_start3A_656 = arith.constant 0 : i32
      %dma_start3A_657 = tpu.memref_slice %arg8[%dma_start3A_648, %dma_start3A_655, %dma_start3A_656] : memref<16x16x128xf32, #tpu.memory_space<vmem>> -> memref<1x16x128xf32, #tpu.memory_space<vmem>>
      %dma_start3A_658 = tpu.memref_squeeze %dma_start3A_657 : memref<1x16x128xf32, #tpu.memory_space<vmem>> -> memref<16x128xf32, #tpu.memory_space<vmem>>
      %dma_start3A_659 = arith.constant 0 : i32
      %dma_start3A_660 = tpu.memref_slice %arg4[%dma_start3A_659, %multiple_of3A_634] : memref<16x1000000xf32, #tpu.memory_space<hbm>> -> memref<16x128xf32, #tpu.memory_space<hbm>>
      tpu.enqueue_dma source(%dma_start3A_660 : memref<16x128xf32, #tpu.memory_space<hbm>>) target(%dma_start3A_658 : memref<16x128xf32, #tpu.memory_space<vmem>>) target_semaphore(%arg11 : memref<!tpu.dma_semaphore, #tpu.memory_space<semaphore_mem>>)
      %dma_wait3A = arith.constant 0 : i32
      %dma_wait3A_661 = arith.constant 0 : i32
      %dma_wait3A_662 = arith.constant 0 : i32
      %dma_wait3A_663 = tpu.memref_slice %arg7[%dma_wait3A, %dma_wait3A_661, %dma_wait3A_662] : memref<16x16x128xf32, #tpu.memory_space<vmem>> -> memref<1x16x128xf32, #tpu.memory_space<vmem>>
      %dma_wait3A_664 = tpu.memref_squeeze %dma_wait3A_663 : memref<1x16x128xf32, #tpu.memory_space<vmem>> -> memref<16x128xf32, #tpu.memory_space<vmem>>
      %dma_wait3A_665 = arith.constant 0 : i32
      %dma_wait3A_666 = arith.constant 0 : i32
      %dma_wait3A_667 = tpu.memref_slice %arg3[%dma_wait3A_665, %dma_wait3A_666] : memref<16x1000000xf32, #tpu.memory_space<hbm>> -> memref<16x128xf32, #tpu.memory_space<hbm>>
      %dma_wait3A_668 = arith.constant 0 : i32
      %dma_wait3A_669 = arith.constant 0 : i32
      %dma_wait3A_670 = tpu.memref_slice %arg7[%dma_wait3A, %dma_wait3A_668, %dma_wait3A_669] : memref<16x16x128xf32, #tpu.memory_space<vmem>> -> memref<1x16x128xf32, #tpu.memory_space<vmem>>
      %dma_wait3A_671 = tpu.memref_squeeze %dma_wait3A_670 : memref<1x16x128xf32, #tpu.memory_space<vmem>> -> memref<16x128xf32, #tpu.memory_space<vmem>>
      %dma_wait3A_672 = arith.constant 0 : i32
      %dma_wait3A_673 = arith.constant 0 : i32
      %dma_wait3A_674 = tpu.memref_slice %arg3[%dma_wait3A_672, %dma_wait3A_673] : memref<16x1000000xf32, #tpu.memory_space<hbm>> -> memref<16x128xf32, #tpu.memory_space<hbm>>
      tpu.wait_dma2 semaphore(%arg10 : memref<!tpu.dma_semaphore, #tpu.memory_space<semaphore_mem>>) src(%dma_wait3A_674 : memref<16x128xf32, #tpu.memory_space<hbm>>) dst(%dma_wait3A_671 : memref<16x128xf32, #tpu.memory_space<vmem>>)
      %dma_wait3A_675 = arith.constant 0 : i32
      %dma_wait3A_676 = arith.constant 0 : i32
      %dma_wait3A_677 = arith.constant 0 : i32
      %dma_wait3A_678 = tpu.memref_slice %arg8[%dma_wait3A_675, %dma_wait3A_676, %dma_wait3A_677] : memref<16x16x128xf32, #tpu.memory_space<vmem>> -> memref<1x16x128xf32, #tpu.memory_space<vmem>>
      %dma_wait3A_679 = tpu.memref_squeeze %dma_wait3A_678 : memref<1x16x128xf32, #tpu.memory_space<vmem>> -> memref<16x128xf32, #tpu.memory_space<vmem>>
      %dma_wait3A_680 = arith.constant 0 : i32
      %dma_wait3A_681 = arith.constant 0 : i32
      %dma_wait3A_682 = tpu.memref_slice %arg4[%dma_wait3A_680, %dma_wait3A_681] : memref<16x1000000xf32, #tpu.memory_space<hbm>> -> memref<16x128xf32, #tpu.memory_space<hbm>>
      %dma_wait3A_683 = arith.constant 0 : i32
      %dma_wait3A_684 = arith.constant 0 : i32
      %dma_wait3A_685 = tpu.memref_slice %arg8[%dma_wait3A_675, %dma_wait3A_683, %dma_wait3A_684] : memref<16x16x128xf32, #tpu.memory_space<vmem>> -> memref<1x16x128xf32, #tpu.memory_space<vmem>>
      %dma_wait3A_686 = tpu.memref_squeeze %dma_wait3A_685 : memref<1x16x128xf32, #tpu.memory_space<vmem>> -> memref<16x128xf32, #tpu.memory_space<vmem>>
      %dma_wait3A_687 = arith.constant 0 : i32
      %dma_wait3A_688 = arith.constant 0 : i32
      %dma_wait3A_689 = tpu.memref_slice %arg4[%dma_wait3A_687, %dma_wait3A_688] : memref<16x1000000xf32, #tpu.memory_space<hbm>> -> memref<16x128xf32, #tpu.memory_space<hbm>>
      tpu.wait_dma2 semaphore(%arg11 : memref<!tpu.dma_semaphore, #tpu.memory_space<semaphore_mem>>) src(%dma_wait3A_689 : memref<16x128xf32, #tpu.memory_space<hbm>>) dst(%dma_wait3A_686 : memref<16x128xf32, #tpu.memory_space<vmem>>)
      %dma_wait3A_690 = arith.constant 0 : i32
      %dma_wait3A_691 = arith.constant 0 : i32
      %dma_wait3A_692 = arith.constant 0 : i32
      %dma_wait3A_693 = tpu.memref_slice %arg7[%dma_wait3A_690, %dma_wait3A_691, %dma_wait3A_692] : memref<16x16x128xf32, #tpu.memory_space<vmem>> -> memref<1x16x128xf32, #tpu.memory_space<vmem>>
      %dma_wait3A_694 = tpu.memref_squeeze %dma_wait3A_693 : memref<1x16x128xf32, #tpu.memory_space<vmem>> -> memref<16x128xf32, #tpu.memory_space<vmem>>
      %dma_wait3A_695 = arith.constant 0 : i32
      %dma_wait3A_696 = arith.constant 0 : i32
      %dma_wait3A_697 = tpu.memref_slice %arg3[%dma_wait3A_695, %dma_wait3A_696] : memref<16x1000000xf32, #tpu.memory_space<hbm>> -> memref<16x128xf32, #tpu.memory_space<hbm>>
      %dma_wait3A_698 = arith.constant 0 : i32
      %dma_wait3A_699 = arith.constant 0 : i32
      %dma_wait3A_700 = tpu.memref_slice %arg7[%dma_wait3A_690, %dma_wait3A_698, %dma_wait3A_699] : memref<16x16x128xf32, #tpu.memory_space<vmem>> -> memref<1x16x128xf32, #tpu.memory_space<vmem>>
      %dma_wait3A_701 = tpu.memref_squeeze %dma_wait3A_700 : memref<1x16x128xf32, #tpu.memory_space<vmem>> -> memref<16x128xf32, #tpu.memory_space<vmem>>
      %dma_wait3A_702 = arith.constant 0 : i32
      %dma_wait3A_703 = arith.constant 0 : i32
      %dma_wait3A_704 = tpu.memref_slice %arg3[%dma_wait3A_702, %dma_wait3A_703] : memref<16x1000000xf32, #tpu.memory_space<hbm>> -> memref<16x128xf32, #tpu.memory_space<hbm>>
      tpu.wait_dma2 semaphore(%arg10 : memref<!tpu.dma_semaphore, #tpu.memory_space<semaphore_mem>>) src(%dma_wait3A_704 : memref<16x128xf32, #tpu.memory_space<hbm>>) dst(%dma_wait3A_701 : memref<16x128xf32, #tpu.memory_space<vmem>>)
      %dma_wait3A_705 = arith.constant 0 : i32
      %dma_wait3A_706 = arith.constant 0 : i32
      %dma_wait3A_707 = arith.constant 0 : i32
      %dma_wait3A_708 = tpu.memref_slice %arg8[%dma_wait3A_705, %dma_wait3A_706, %dma_wait3A_707] : memref<16x16x128xf32, #tpu.memory_space<vmem>> -> memref<1x16x128xf32, #tpu.memory_space<vmem>>
      %dma_wait3A_709 = tpu.memref_squeeze %dma_wait3A_708 : memref<1x16x128xf32, #tpu.memory_space<vmem>> -> memref<16x128xf32, #tpu.memory_space<vmem>>
      %dma_wait3A_710 = arith.constant 0 : i32
      %dma_wait3A_711 = arith.constant 0 : i32
      %dma_wait3A_712 = tpu.memref_slice %arg4[%dma_wait3A_710, %dma_wait3A_711] : memref<16x1000000xf32, #tpu.memory_space<hbm>> -> memref<16x128xf32, #tpu.memory_space<hbm>>
      %dma_wait3A_713 = arith.constant 0 : i32
      %dma_wait3A_714 = arith.constant 0 : i32
      %dma_wait3A_715 = tpu.memref_slice %arg8[%dma_wait3A_705, %dma_wait3A_713, %dma_wait3A_714] : memref<16x16x128xf32, #tpu.memory_space<vmem>> -> memref<1x16x128xf32, #tpu.memory_space<vmem>>
      %dma_wait3A_716 = tpu.memref_squeeze %dma_wait3A_715 : memref<1x16x128xf32, #tpu.memory_space<vmem>> -> memref<16x128xf32, #tpu.memory_space<vmem>>
      %dma_wait3A_717 = arith.constant 0 : i32
      %dma_wait3A_718 = arith.constant 0 : i32
      %dma_wait3A_719 = tpu.memref_slice %arg4[%dma_wait3A_717, %dma_wait3A_718] : memref<16x1000000xf32, #tpu.memory_space<hbm>> -> memref<16x128xf32, #tpu.memory_space<hbm>>
      tpu.wait_dma2 semaphore(%arg11 : memref<!tpu.dma_semaphore, #tpu.memory_space<semaphore_mem>>) src(%dma_wait3A_719 : memref<16x128xf32, #tpu.memory_space<hbm>>) dst(%dma_wait3A_716 : memref<16x128xf32, #tpu.memory_space<vmem>>)
      %dma_wait3A_720 = arith.constant 0 : i32
      %dma_wait3A_721 = arith.constant 0 : i32
      %dma_wait3A_722 = arith.constant 0 : i32
      %dma_wait3A_723 = tpu.memref_slice %arg7[%dma_wait3A_720, %dma_wait3A_721, %dma_wait3A_722] : memref<16x16x128xf32, #tpu.memory_space<vmem>> -> memref<1x16x128xf32, #tpu.memory_space<vmem>>
      %dma_wait3A_724 = tpu.memref_squeeze %dma_wait3A_723 : memref<1x16x128xf32, #tpu.memory_space<vmem>> -> memref<16x128xf32, #tpu.memory_space<vmem>>
      %dma_wait3A_725 = arith.constant 0 : i32
      %dma_wait3A_726 = arith.constant 0 : i32
      %dma_wait3A_727 = tpu.memref_slice %arg3[%dma_wait3A_725, %dma_wait3A_726] : memref<16x1000000xf32, #tpu.memory_space<hbm>> -> memref<16x128xf32, #tpu.memory_space<hbm>>
      %dma_wait3A_728 = arith.constant 0 : i32
      %dma_wait3A_729 = arith.constant 0 : i32
      %dma_wait3A_730 = tpu.memref_slice %arg7[%dma_wait3A_720, %dma_wait3A_728, %dma_wait3A_729] : memref<16x16x128xf32, #tpu.memory_space<vmem>> -> memref<1x16x128xf32, #tpu.memory_space<vmem>>
      %dma_wait3A_731 = tpu.memref_squeeze %dma_wait3A_730 : memref<1x16x128xf32, #tpu.memory_space<vmem>> -> memref<16x128xf32, #tpu.memory_space<vmem>>
      %dma_wait3A_732 = arith.constant 0 : i32
      %dma_wait3A_733 = arith.constant 0 : i32
      %dma_wait3A_734 = tpu.memref_slice %arg3[%dma_wait3A_732, %dma_wait3A_733] : memref<16x1000000xf32, #tpu.memory_space<hbm>> -> memref<16x128xf32, #tpu.memory_space<hbm>>
      tpu.wait_dma2 semaphore(%arg10 : memref<!tpu.dma_semaphore, #tpu.memory_space<semaphore_mem>>) src(%dma_wait3A_734 : memref<16x128xf32, #tpu.memory_space<hbm>>) dst(%dma_wait3A_731 : memref<16x128xf32, #tpu.memory_space<vmem>>)
      %dma_wait3A_735 = arith.constant 0 : i32
      %dma_wait3A_736 = arith.constant 0 : i32
      %dma_wait3A_737 = arith.constant 0 : i32
      %dma_wait3A_738 = tpu.memref_slice %arg8[%dma_wait3A_735, %dma_wait3A_736, %dma_wait3A_737] : memref<16x16x128xf32, #tpu.memory_space<vmem>> -> memref<1x16x128xf32, #tpu.memory_space<vmem>>
      %dma_wait3A_739 = tpu.memref_squeeze %dma_wait3A_738 : memref<1x16x128xf32, #tpu.memory_space<vmem>> -> memref<16x128xf32, #tpu.memory_space<vmem>>
      %dma_wait3A_740 = arith.constant 0 : i32
      %dma_wait3A_741 = arith.constant 0 : i32
      %dma_wait3A_742 = tpu.memref_slice %arg4[%dma_wait3A_740, %dma_wait3A_741] : memref<16x1000000xf32, #tpu.memory_space<hbm>> -> memref<16x128xf32, #tpu.memory_space<hbm>>
      %dma_wait3A_743 = arith.constant 0 : i32
      %dma_wait3A_744 = arith.constant 0 : i32
      %dma_wait3A_745 = tpu.memref_slice %arg8[%dma_wait3A_735, %dma_wait3A_743, %dma_wait3A_744] : memref<16x16x128xf32, #tpu.memory_space<vmem>> -> memref<1x16x128xf32, #tpu.memory_space<vmem>>
      %dma_wait3A_746 = tpu.memref_squeeze %dma_wait3A_745 : memref<1x16x128xf32, #tpu.memory_space<vmem>> -> memref<16x128xf32, #tpu.memory_space<vmem>>
      %dma_wait3A_747 = arith.constant 0 : i32
      %dma_wait3A_748 = arith.constant 0 : i32
      %dma_wait3A_749 = tpu.memref_slice %arg4[%dma_wait3A_747, %dma_wait3A_748] : memref<16x1000000xf32, #tpu.memory_space<hbm>> -> memref<16x128xf32, #tpu.memory_space<hbm>>
      tpu.wait_dma2 semaphore(%arg11 : memref<!tpu.dma_semaphore, #tpu.memory_space<semaphore_mem>>) src(%dma_wait3A_749 : memref<16x128xf32, #tpu.memory_space<hbm>>) dst(%dma_wait3A_746 : memref<16x128xf32, #tpu.memory_space<vmem>>)
      %dma_wait3A_750 = arith.constant 0 : i32
      %dma_wait3A_751 = arith.constant 0 : i32
      %dma_wait3A_752 = arith.constant 0 : i32
      %dma_wait3A_753 = tpu.memref_slice %arg7[%dma_wait3A_750, %dma_wait3A_751, %dma_wait3A_752] : memref<16x16x128xf32, #tpu.memory_space<vmem>> -> memref<1x16x128xf32, #tpu.memory_space<vmem>>
      %dma_wait3A_754 = tpu.memref_squeeze %dma_wait3A_753 : memref<1x16x128xf32, #tpu.memory_space<vmem>> -> memref<16x128xf32, #tpu.memory_space<vmem>>
      %dma_wait3A_755 = arith.constant 0 : i32
      %dma_wait3A_756 = arith.constant 0 : i32
      %dma_wait3A_757 = tpu.memref_slice %arg3[%dma_wait3A_755, %dma_wait3A_756] : memref<16x1000000xf32, #tpu.memory_space<hbm>> -> memref<16x128xf32, #tpu.memory_space<hbm>>
      %dma_wait3A_758 = arith.constant 0 : i32
      %dma_wait3A_759 = arith.constant 0 : i32
      %dma_wait3A_760 = tpu.memref_slice %arg7[%dma_wait3A_750, %dma_wait3A_758, %dma_wait3A_759] : memref<16x16x128xf32, #tpu.memory_space<vmem>> -> memref<1x16x128xf32, #tpu.memory_space<vmem>>
      %dma_wait3A_761 = tpu.memref_squeeze %dma_wait3A_760 : memref<1x16x128xf32, #tpu.memory_space<vmem>> -> memref<16x128xf32, #tpu.memory_space<vmem>>
      %dma_wait3A_762 = arith.constant 0 : i32
      %dma_wait3A_763 = arith.constant 0 : i32
      %dma_wait3A_764 = tpu.memref_slice %arg3[%dma_wait3A_762, %dma_wait3A_763] : memref<16x1000000xf32, #tpu.memory_space<hbm>> -> memref<16x128xf32, #tpu.memory_space<hbm>>
      tpu.wait_dma2 semaphore(%arg10 : memref<!tpu.dma_semaphore, #tpu.memory_space<semaphore_mem>>) src(%dma_wait3A_764 : memref<16x128xf32, #tpu.memory_space<hbm>>) dst(%dma_wait3A_761 : memref<16x128xf32, #tpu.memory_space<vmem>>)
      %dma_wait3A_765 = arith.constant 0 : i32
      %dma_wait3A_766 = arith.constant 0 : i32
      %dma_wait3A_767 = arith.constant 0 : i32
      %dma_wait3A_768 = tpu.memref_slice %arg8[%dma_wait3A_765, %dma_wait3A_766, %dma_wait3A_767] : memref<16x16x128xf32, #tpu.memory_space<vmem>> -> memref<1x16x128xf32, #tpu.memory_space<vmem>>
      %dma_wait3A_769 = tpu.memref_squeeze %dma_wait3A_768 : memref<1x16x128xf32, #tpu.memory_space<vmem>> -> memref<16x128xf32, #tpu.memory_space<vmem>>
      %dma_wait3A_770 = arith.constant 0 : i32
      %dma_wait3A_771 = arith.constant 0 : i32
      %dma_wait3A_772 = tpu.memref_slice %arg4[%dma_wait3A_770, %dma_wait3A_771] : memref<16x1000000xf32, #tpu.memory_space<hbm>> -> memref<16x128xf32, #tpu.memory_space<hbm>>
      %dma_wait3A_773 = arith.constant 0 : i32
      %dma_wait3A_774 = arith.constant 0 : i32
      %dma_wait3A_775 = tpu.memref_slice %arg8[%dma_wait3A_765, %dma_wait3A_773, %dma_wait3A_774] : memref<16x16x128xf32, #tpu.memory_space<vmem>> -> memref<1x16x128xf32, #tpu.memory_space<vmem>>
      %dma_wait3A_776 = tpu.memref_squeeze %dma_wait3A_775 : memref<1x16x128xf32, #tpu.memory_space<vmem>> -> memref<16x128xf32, #tpu.memory_space<vmem>>
      %dma_wait3A_777 = arith.constant 0 : i32
      %dma_wait3A_778 = arith.constant 0 : i32
      %dma_wait3A_779 = tpu.memref_slice %arg4[%dma_wait3A_777, %dma_wait3A_778] : memref<16x1000000xf32, #tpu.memory_space<hbm>> -> memref<16x128xf32, #tpu.memory_space<hbm>>
      tpu.wait_dma2 semaphore(%arg11 : memref<!tpu.dma_semaphore, #tpu.memory_space<semaphore_mem>>) src(%dma_wait3A_779 : memref<16x128xf32, #tpu.memory_space<hbm>>) dst(%dma_wait3A_776 : memref<16x128xf32, #tpu.memory_space<vmem>>)
      %dma_wait3A_780 = arith.constant 0 : i32
      %dma_wait3A_781 = arith.constant 0 : i32
      %dma_wait3A_782 = arith.constant 0 : i32
      %dma_wait3A_783 = tpu.memref_slice %arg7[%dma_wait3A_780, %dma_wait3A_781, %dma_wait3A_782] : memref<16x16x128xf32, #tpu.memory_space<vmem>> -> memref<1x16x128xf32, #tpu.memory_space<vmem>>
      %dma_wait3A_784 = tpu.memref_squeeze %dma_wait3A_783 : memref<1x16x128xf32, #tpu.memory_space<vmem>> -> memref<16x128xf32, #tpu.memory_space<vmem>>
      %dma_wait3A_785 = arith.constant 0 : i32
      %dma_wait3A_786 = arith.constant 0 : i32
      %dma_wait3A_787 = tpu.memref_slice %arg3[%dma_wait3A_785, %dma_wait3A_786] : memref<16x1000000xf32, #tpu.memory_space<hbm>> -> memref<16x128xf32, #tpu.memory_space<hbm>>
      %dma_wait3A_788 = arith.constant 0 : i32
      %dma_wait3A_789 = arith.constant 0 : i32
      %dma_wait3A_790 = tpu.memref_slice %arg7[%dma_wait3A_780, %dma_wait3A_788, %dma_wait3A_789] : memref<16x16x128xf32, #tpu.memory_space<vmem>> -> memref<1x16x128xf32, #tpu.memory_space<vmem>>
      %dma_wait3A_791 = tpu.memref_squeeze %dma_wait3A_790 : memref<1x16x128xf32, #tpu.memory_space<vmem>> -> memref<16x128xf32, #tpu.memory_space<vmem>>
      %dma_wait3A_792 = arith.constant 0 : i32
      %dma_wait3A_793 = arith.constant 0 : i32
      %dma_wait3A_794 = tpu.memref_slice %arg3[%dma_wait3A_792, %dma_wait3A_793] : memref<16x1000000xf32, #tpu.memory_space<hbm>> -> memref<16x128xf32, #tpu.memory_space<hbm>>
      tpu.wait_dma2 semaphore(%arg10 : memref<!tpu.dma_semaphore, #tpu.memory_space<semaphore_mem>>) src(%dma_wait3A_794 : memref<16x128xf32, #tpu.memory_space<hbm>>) dst(%dma_wait3A_791 : memref<16x128xf32, #tpu.memory_space<vmem>>)
      %dma_wait3A_795 = arith.constant 0 : i32
      %dma_wait3A_796 = arith.constant 0 : i32
      %dma_wait3A_797 = arith.constant 0 : i32
      %dma_wait3A_798 = tpu.memref_slice %arg8[%dma_wait3A_795, %dma_wait3A_796, %dma_wait3A_797] : memref<16x16x128xf32, #tpu.memory_space<vmem>> -> memref<1x16x128xf32, #tpu.memory_space<vmem>>
      %dma_wait3A_799 = tpu.memref_squeeze %dma_wait3A_798 : memref<1x16x128xf32, #tpu.memory_space<vmem>> -> memref<16x128xf32, #tpu.memory_space<vmem>>
      %dma_wait3A_800 = arith.constant 0 : i32
      %dma_wait3A_801 = arith.constant 0 : i32
      %dma_wait3A_802 = tpu.memref_slice %arg4[%dma_wait3A_800, %dma_wait3A_801] : memref<16x1000000xf32, #tpu.memory_space<hbm>> -> memref<16x128xf32, #tpu.memory_space<hbm>>
      %dma_wait3A_803 = arith.constant 0 : i32
      %dma_wait3A_804 = arith.constant 0 : i32
      %dma_wait3A_805 = tpu.memref_slice %arg8[%dma_wait3A_795, %dma_wait3A_803, %dma_wait3A_804] : memref<16x16x128xf32, #tpu.memory_space<vmem>> -> memref<1x16x128xf32, #tpu.memory_space<vmem>>
      %dma_wait3A_806 = tpu.memref_squeeze %dma_wait3A_805 : memref<1x16x128xf32, #tpu.memory_space<vmem>> -> memref<16x128xf32, #tpu.memory_space<vmem>>
      %dma_wait3A_807 = arith.constant 0 : i32
      %dma_wait3A_808 = arith.constant 0 : i32
      %dma_wait3A_809 = tpu.memref_slice %arg4[%dma_wait3A_807, %dma_wait3A_808] : memref<16x1000000xf32, #tpu.memory_space<hbm>> -> memref<16x128xf32, #tpu.memory_space<hbm>>
      tpu.wait_dma2 semaphore(%arg11 : memref<!tpu.dma_semaphore, #tpu.memory_space<semaphore_mem>>) src(%dma_wait3A_809 : memref<16x128xf32, #tpu.memory_space<hbm>>) dst(%dma_wait3A_806 : memref<16x128xf32, #tpu.memory_space<vmem>>)
      %dma_wait3A_810 = arith.constant 0 : i32
      %dma_wait3A_811 = arith.constant 0 : i32
      %dma_wait3A_812 = arith.constant 0 : i32
      %dma_wait3A_813 = tpu.memref_slice %arg7[%dma_wait3A_810, %dma_wait3A_811, %dma_wait3A_812] : memref<16x16x128xf32, #tpu.memory_space<vmem>> -> memref<1x16x128xf32, #tpu.memory_space<vmem>>
      %dma_wait3A_814 = tpu.memref_squeeze %dma_wait3A_813 : memref<1x16x128xf32, #tpu.memory_space<vmem>> -> memref<16x128xf32, #tpu.memory_space<vmem>>
      %dma_wait3A_815 = arith.constant 0 : i32
      %dma_wait3A_816 = arith.constant 0 : i32
      %dma_wait3A_817 = tpu.memref_slice %arg3[%dma_wait3A_815, %dma_wait3A_816] : memref<16x1000000xf32, #tpu.memory_space<hbm>> -> memref<16x128xf32, #tpu.memory_space<hbm>>
      %dma_wait3A_818 = arith.constant 0 : i32
      %dma_wait3A_819 = arith.constant 0 : i32
      %dma_wait3A_820 = tpu.memref_slice %arg7[%dma_wait3A_810, %dma_wait3A_818, %dma_wait3A_819] : memref<16x16x128xf32, #tpu.memory_space<vmem>> -> memref<1x16x128xf32, #tpu.memory_space<vmem>>
      %dma_wait3A_821 = tpu.memref_squeeze %dma_wait3A_820 : memref<1x16x128xf32, #tpu.memory_space<vmem>> -> memref<16x128xf32, #tpu.memory_space<vmem>>
      %dma_wait3A_822 = arith.constant 0 : i32
      %dma_wait3A_823 = arith.constant 0 : i32
      %dma_wait3A_824 = tpu.memref_slice %arg3[%dma_wait3A_822, %dma_wait3A_823] : memref<16x1000000xf32, #tpu.memory_space<hbm>> -> memref<16x128xf32, #tpu.memory_space<hbm>>
      tpu.wait_dma2 semaphore(%arg10 : memref<!tpu.dma_semaphore, #tpu.memory_space<semaphore_mem>>) src(%dma_wait3A_824 : memref<16x128xf32, #tpu.memory_space<hbm>>) dst(%dma_wait3A_821 : memref<16x128xf32, #tpu.memory_space<vmem>>)
      %dma_wait3A_825 = arith.constant 0 : i32
      %dma_wait3A_826 = arith.constant 0 : i32
      %dma_wait3A_827 = arith.constant 0 : i32
      %dma_wait3A_828 = tpu.memref_slice %arg8[%dma_wait3A_825, %dma_wait3A_826, %dma_wait3A_827] : memref<16x16x128xf32, #tpu.memory_space<vmem>> -> memref<1x16x128xf32, #tpu.memory_space<vmem>>
      %dma_wait3A_829 = tpu.memref_squeeze %dma_wait3A_828 : memref<1x16x128xf32, #tpu.memory_space<vmem>> -> memref<16x128xf32, #tpu.memory_space<vmem>>
      %dma_wait3A_830 = arith.constant 0 : i32
      %dma_wait3A_831 = arith.constant 0 : i32
      %dma_wait3A_832 = tpu.memref_slice %arg4[%dma_wait3A_830, %dma_wait3A_831] : memref<16x1000000xf32, #tpu.memory_space<hbm>> -> memref<16x128xf32, #tpu.memory_space<hbm>>
      %dma_wait3A_833 = arith.constant 0 : i32
      %dma_wait3A_834 = arith.constant 0 : i32
      %dma_wait3A_835 = tpu.memref_slice %arg8[%dma_wait3A_825, %dma_wait3A_833, %dma_wait3A_834] : memref<16x16x128xf32, #tpu.memory_space<vmem>> -> memref<1x16x128xf32, #tpu.memory_space<vmem>>
      %dma_wait3A_836 = tpu.memref_squeeze %dma_wait3A_835 : memref<1x16x128xf32, #tpu.memory_space<vmem>> -> memref<16x128xf32, #tpu.memory_space<vmem>>
      %dma_wait3A_837 = arith.constant 0 : i32
      %dma_wait3A_838 = arith.constant 0 : i32
      %dma_wait3A_839 = tpu.memref_slice %arg4[%dma_wait3A_837, %dma_wait3A_838] : memref<16x1000000xf32, #tpu.memory_space<hbm>> -> memref<16x128xf32, #tpu.memory_space<hbm>>
      tpu.wait_dma2 semaphore(%arg11 : memref<!tpu.dma_semaphore, #tpu.memory_space<semaphore_mem>>) src(%dma_wait3A_839 : memref<16x128xf32, #tpu.memory_space<hbm>>) dst(%dma_wait3A_836 : memref<16x128xf32, #tpu.memory_space<vmem>>)
      %dma_wait3A_840 = arith.constant 0 : i32
      %dma_wait3A_841 = arith.constant 0 : i32
      %dma_wait3A_842 = arith.constant 0 : i32
      %dma_wait3A_843 = tpu.memref_slice %arg7[%dma_wait3A_840, %dma_wait3A_841, %dma_wait3A_842] : memref<16x16x128xf32, #tpu.memory_space<vmem>> -> memref<1x16x128xf32, #tpu.memory_space<vmem>>
      %dma_wait3A_844 = tpu.memref_squeeze %dma_wait3A_843 : memref<1x16x128xf32, #tpu.memory_space<vmem>> -> memref<16x128xf32, #tpu.memory_space<vmem>>
      %dma_wait3A_845 = arith.constant 0 : i32
      %dma_wait3A_846 = arith.constant 0 : i32
      %dma_wait3A_847 = tpu.memref_slice %arg3[%dma_wait3A_845, %dma_wait3A_846] : memref<16x1000000xf32, #tpu.memory_space<hbm>> -> memref<16x128xf32, #tpu.memory_space<hbm>>
      %dma_wait3A_848 = arith.constant 0 : i32
      %dma_wait3A_849 = arith.constant 0 : i32
      %dma_wait3A_850 = tpu.memref_slice %arg7[%dma_wait3A_840, %dma_wait3A_848, %dma_wait3A_849] : memref<16x16x128xf32, #tpu.memory_space<vmem>> -> memref<1x16x128xf32, #tpu.memory_space<vmem>>
      %dma_wait3A_851 = tpu.memref_squeeze %dma_wait3A_850 : memref<1x16x128xf32, #tpu.memory_space<vmem>> -> memref<16x128xf32, #tpu.memory_space<vmem>>
      %dma_wait3A_852 = arith.constant 0 : i32
      %dma_wait3A_853 = arith.constant 0 : i32
      %dma_wait3A_854 = tpu.memref_slice %arg3[%dma_wait3A_852, %dma_wait3A_853] : memref<16x1000000xf32, #tpu.memory_space<hbm>> -> memref<16x128xf32, #tpu.memory_space<hbm>>
      tpu.wait_dma2 semaphore(%arg10 : memref<!tpu.dma_semaphore, #tpu.memory_space<semaphore_mem>>) src(%dma_wait3A_854 : memref<16x128xf32, #tpu.memory_space<hbm>>) dst(%dma_wait3A_851 : memref<16x128xf32, #tpu.memory_space<vmem>>)
      %dma_wait3A_855 = arith.constant 0 : i32
      %dma_wait3A_856 = arith.constant 0 : i32
      %dma_wait3A_857 = arith.constant 0 : i32
      %dma_wait3A_858 = tpu.memref_slice %arg8[%dma_wait3A_855, %dma_wait3A_856, %dma_wait3A_857] : memref<16x16x128xf32, #tpu.memory_space<vmem>> -> memref<1x16x128xf32, #tpu.memory_space<vmem>>
      %dma_wait3A_859 = tpu.memref_squeeze %dma_wait3A_858 : memref<1x16x128xf32, #tpu.memory_space<vmem>> -> memref<16x128xf32, #tpu.memory_space<vmem>>
      %dma_wait3A_860 = arith.constant 0 : i32
      %dma_wait3A_861 = arith.constant 0 : i32
      %dma_wait3A_862 = tpu.memref_slice %arg4[%dma_wait3A_860, %dma_wait3A_861] : memref<16x1000000xf32, #tpu.memory_space<hbm>> -> memref<16x128xf32, #tpu.memory_space<hbm>>
      %dma_wait3A_863 = arith.constant 0 : i32
      %dma_wait3A_864 = arith.constant 0 : i32
      %dma_wait3A_865 = tpu.memref_slice %arg8[%dma_wait3A_855, %dma_wait3A_863, %dma_wait3A_864] : memref<16x16x128xf32, #tpu.memory_space<vmem>> -> memref<1x16x128xf32, #tpu.memory_space<vmem>>
      %dma_wait3A_866 = tpu.memref_squeeze %dma_wait3A_865 : memref<1x16x128xf32, #tpu.memory_space<vmem>> -> memref<16x128xf32, #tpu.memory_space<vmem>>
      %dma_wait3A_867 = arith.constant 0 : i32
      %dma_wait3A_868 = arith.constant 0 : i32
      %dma_wait3A_869 = tpu.memref_slice %arg4[%dma_wait3A_867, %dma_wait3A_868] : memref<16x1000000xf32, #tpu.memory_space<hbm>> -> memref<16x128xf32, #tpu.memory_space<hbm>>
      tpu.wait_dma2 semaphore(%arg11 : memref<!tpu.dma_semaphore, #tpu.memory_space<semaphore_mem>>) src(%dma_wait3A_869 : memref<16x128xf32, #tpu.memory_space<hbm>>) dst(%dma_wait3A_866 : memref<16x128xf32, #tpu.memory_space<vmem>>)
      %dma_wait3A_870 = arith.constant 0 : i32
      %dma_wait3A_871 = arith.constant 0 : i32
      %dma_wait3A_872 = arith.constant 0 : i32
      %dma_wait3A_873 = tpu.memref_slice %arg7[%dma_wait3A_870, %dma_wait3A_871, %dma_wait3A_872] : memref<16x16x128xf32, #tpu.memory_space<vmem>> -> memref<1x16x128xf32, #tpu.memory_space<vmem>>
      %dma_wait3A_874 = tpu.memref_squeeze %dma_wait3A_873 : memref<1x16x128xf32, #tpu.memory_space<vmem>> -> memref<16x128xf32, #tpu.memory_space<vmem>>
      %dma_wait3A_875 = arith.constant 0 : i32
      %dma_wait3A_876 = arith.constant 0 : i32
      %dma_wait3A_877 = tpu.memref_slice %arg3[%dma_wait3A_875, %dma_wait3A_876] : memref<16x1000000xf32, #tpu.memory_space<hbm>> -> memref<16x128xf32, #tpu.memory_space<hbm>>
      %dma_wait3A_878 = arith.constant 0 : i32
      %dma_wait3A_879 = arith.constant 0 : i32
      %dma_wait3A_880 = tpu.memref_slice %arg7[%dma_wait3A_870, %dma_wait3A_878, %dma_wait3A_879] : memref<16x16x128xf32, #tpu.memory_space<vmem>> -> memref<1x16x128xf32, #tpu.memory_space<vmem>>
      %dma_wait3A_881 = tpu.memref_squeeze %dma_wait3A_880 : memref<1x16x128xf32, #tpu.memory_space<vmem>> -> memref<16x128xf32, #tpu.memory_space<vmem>>
      %dma_wait3A_882 = arith.constant 0 : i32
      %dma_wait3A_883 = arith.constant 0 : i32
      %dma_wait3A_884 = tpu.memref_slice %arg3[%dma_wait3A_882, %dma_wait3A_883] : memref<16x1000000xf32, #tpu.memory_space<hbm>> -> memref<16x128xf32, #tpu.memory_space<hbm>>
      tpu.wait_dma2 semaphore(%arg10 : memref<!tpu.dma_semaphore, #tpu.memory_space<semaphore_mem>>) src(%dma_wait3A_884 : memref<16x128xf32, #tpu.memory_space<hbm>>) dst(%dma_wait3A_881 : memref<16x128xf32, #tpu.memory_space<vmem>>)
      %dma_wait3A_885 = arith.constant 0 : i32
      %dma_wait3A_886 = arith.constant 0 : i32
      %dma_wait3A_887 = arith.constant 0 : i32
      %dma_wait3A_888 = tpu.memref_slice %arg8[%dma_wait3A_885, %dma_wait3A_886, %dma_wait3A_887] : memref<16x16x128xf32, #tpu.memory_space<vmem>> -> memref<1x16x128xf32, #tpu.memory_space<vmem>>
      %dma_wait3A_889 = tpu.memref_squeeze %dma_wait3A_888 : memref<1x16x128xf32, #tpu.memory_space<vmem>> -> memref<16x128xf32, #tpu.memory_space<vmem>>
      %dma_wait3A_890 = arith.constant 0 : i32
      %dma_wait3A_891 = arith.constant 0 : i32
      %dma_wait3A_892 = tpu.memref_slice %arg4[%dma_wait3A_890, %dma_wait3A_891] : memref<16x1000000xf32, #tpu.memory_space<hbm>> -> memref<16x128xf32, #tpu.memory_space<hbm>>
      %dma_wait3A_893 = arith.constant 0 : i32
      %dma_wait3A_894 = arith.constant 0 : i32
      %dma_wait3A_895 = tpu.memref_slice %arg8[%dma_wait3A_885, %dma_wait3A_893, %dma_wait3A_894] : memref<16x16x128xf32, #tpu.memory_space<vmem>> -> memref<1x16x128xf32, #tpu.memory_space<vmem>>
      %dma_wait3A_896 = tpu.memref_squeeze %dma_wait3A_895 : memref<1x16x128xf32, #tpu.memory_space<vmem>> -> memref<16x128xf32, #tpu.memory_space<vmem>>
      %dma_wait3A_897 = arith.constant 0 : i32
      %dma_wait3A_898 = arith.constant 0 : i32
      %dma_wait3A_899 = tpu.memref_slice %arg4[%dma_wait3A_897, %dma_wait3A_898] : memref<16x1000000xf32, #tpu.memory_space<hbm>> -> memref<16x128xf32, #tpu.memory_space<hbm>>
      tpu.wait_dma2 semaphore(%arg11 : memref<!tpu.dma_semaphore, #tpu.memory_space<semaphore_mem>>) src(%dma_wait3A_899 : memref<16x128xf32, #tpu.memory_space<hbm>>) dst(%dma_wait3A_896 : memref<16x128xf32, #tpu.memory_space<vmem>>)
      %dma_wait3A_900 = arith.constant 0 : i32
      %dma_wait3A_901 = arith.constant 0 : i32
      %dma_wait3A_902 = arith.constant 0 : i32
      %dma_wait3A_903 = tpu.memref_slice %arg7[%dma_wait3A_900, %dma_wait3A_901, %dma_wait3A_902] : memref<16x16x128xf32, #tpu.memory_space<vmem>> -> memref<1x16x128xf32, #tpu.memory_space<vmem>>
      %dma_wait3A_904 = tpu.memref_squeeze %dma_wait3A_903 : memref<1x16x128xf32, #tpu.memory_space<vmem>> -> memref<16x128xf32, #tpu.memory_space<vmem>>
      %dma_wait3A_905 = arith.constant 0 : i32
      %dma_wait3A_906 = arith.constant 0 : i32
      %dma_wait3A_907 = tpu.memref_slice %arg3[%dma_wait3A_905, %dma_wait3A_906] : memref<16x1000000xf32, #tpu.memory_space<hbm>> -> memref<16x128xf32, #tpu.memory_space<hbm>>
      %dma_wait3A_908 = arith.constant 0 : i32
      %dma_wait3A_909 = arith.constant 0 : i32
      %dma_wait3A_910 = tpu.memref_slice %arg7[%dma_wait3A_900, %dma_wait3A_908, %dma_wait3A_909] : memref<16x16x128xf32, #tpu.memory_space<vmem>> -> memref<1x16x128xf32, #tpu.memory_space<vmem>>
      %dma_wait3A_911 = tpu.memref_squeeze %dma_wait3A_910 : memref<1x16x128xf32, #tpu.memory_space<vmem>> -> memref<16x128xf32, #tpu.memory_space<vmem>>
      %dma_wait3A_912 = arith.constant 0 : i32
      %dma_wait3A_913 = arith.constant 0 : i32
      %dma_wait3A_914 = tpu.memref_slice %arg3[%dma_wait3A_912, %dma_wait3A_913] : memref<16x1000000xf32, #tpu.memory_space<hbm>> -> memref<16x128xf32, #tpu.memory_space<hbm>>
      tpu.wait_dma2 semaphore(%arg10 : memref<!tpu.dma_semaphore, #tpu.memory_space<semaphore_mem>>) src(%dma_wait3A_914 : memref<16x128xf32, #tpu.memory_space<hbm>>) dst(%dma_wait3A_911 : memref<16x128xf32, #tpu.memory_space<vmem>>)
      %dma_wait3A_915 = arith.constant 0 : i32
      %dma_wait3A_916 = arith.constant 0 : i32
      %dma_wait3A_917 = arith.constant 0 : i32
      %dma_wait3A_918 = tpu.memref_slice %arg8[%dma_wait3A_915, %dma_wait3A_916, %dma_wait3A_917] : memref<16x16x128xf32, #tpu.memory_space<vmem>> -> memref<1x16x128xf32, #tpu.memory_space<vmem>>
      %dma_wait3A_919 = tpu.memref_squeeze %dma_wait3A_918 : memref<1x16x128xf32, #tpu.memory_space<vmem>> -> memref<16x128xf32, #tpu.memory_space<vmem>>
      %dma_wait3A_920 = arith.constant 0 : i32
      %dma_wait3A_921 = arith.constant 0 : i32
      %dma_wait3A_922 = tpu.memref_slice %arg4[%dma_wait3A_920, %dma_wait3A_921] : memref<16x1000000xf32, #tpu.memory_space<hbm>> -> memref<16x128xf32, #tpu.memory_space<hbm>>
      %dma_wait3A_923 = arith.constant 0 : i32
      %dma_wait3A_924 = arith.constant 0 : i32
      %dma_wait3A_925 = tpu.memref_slice %arg8[%dma_wait3A_915, %dma_wait3A_923, %dma_wait3A_924] : memref<16x16x128xf32, #tpu.memory_space<vmem>> -> memref<1x16x128xf32, #tpu.memory_space<vmem>>
      %dma_wait3A_926 = tpu.memref_squeeze %dma_wait3A_925 : memref<1x16x128xf32, #tpu.memory_space<vmem>> -> memref<16x128xf32, #tpu.memory_space<vmem>>
      %dma_wait3A_927 = arith.constant 0 : i32
      %dma_wait3A_928 = arith.constant 0 : i32
      %dma_wait3A_929 = tpu.memref_slice %arg4[%dma_wait3A_927, %dma_wait3A_928] : memref<16x1000000xf32, #tpu.memory_space<hbm>> -> memref<16x128xf32, #tpu.memory_space<hbm>>
      tpu.wait_dma2 semaphore(%arg11 : memref<!tpu.dma_semaphore, #tpu.memory_space<semaphore_mem>>) src(%dma_wait3A_929 : memref<16x128xf32, #tpu.memory_space<hbm>>) dst(%dma_wait3A_926 : memref<16x128xf32, #tpu.memory_space<vmem>>)
      %dma_wait3A_930 = arith.constant 0 : i32
      %dma_wait3A_931 = arith.constant 0 : i32
      %dma_wait3A_932 = arith.constant 0 : i32
      %dma_wait3A_933 = tpu.memref_slice %arg7[%dma_wait3A_930, %dma_wait3A_931, %dma_wait3A_932] : memref<16x16x128xf32, #tpu.memory_space<vmem>> -> memref<1x16x128xf32, #tpu.memory_space<vmem>>
      %dma_wait3A_934 = tpu.memref_squeeze %dma_wait3A_933 : memref<1x16x128xf32, #tpu.memory_space<vmem>> -> memref<16x128xf32, #tpu.memory_space<vmem>>
      %dma_wait3A_935 = arith.constant 0 : i32
      %dma_wait3A_936 = arith.constant 0 : i32
      %dma_wait3A_937 = tpu.memref_slice %arg3[%dma_wait3A_935, %dma_wait3A_936] : memref<16x1000000xf32, #tpu.memory_space<hbm>> -> memref<16x128xf32, #tpu.memory_space<hbm>>
      %dma_wait3A_938 = arith.constant 0 : i32
      %dma_wait3A_939 = arith.constant 0 : i32
      %dma_wait3A_940 = tpu.memref_slice %arg7[%dma_wait3A_930, %dma_wait3A_938, %dma_wait3A_939] : memref<16x16x128xf32, #tpu.memory_space<vmem>> -> memref<1x16x128xf32, #tpu.memory_space<vmem>>
      %dma_wait3A_941 = tpu.memref_squeeze %dma_wait3A_940 : memref<1x16x128xf32, #tpu.memory_space<vmem>> -> memref<16x128xf32, #tpu.memory_space<vmem>>
      %dma_wait3A_942 = arith.constant 0 : i32
      %dma_wait3A_943 = arith.constant 0 : i32
      %dma_wait3A_944 = tpu.memref_slice %arg3[%dma_wait3A_942, %dma_wait3A_943] : memref<16x1000000xf32, #tpu.memory_space<hbm>> -> memref<16x128xf32, #tpu.memory_space<hbm>>
      tpu.wait_dma2 semaphore(%arg10 : memref<!tpu.dma_semaphore, #tpu.memory_space<semaphore_mem>>) src(%dma_wait3A_944 : memref<16x128xf32, #tpu.memory_space<hbm>>) dst(%dma_wait3A_941 : memref<16x128xf32, #tpu.memory_space<vmem>>)
      %dma_wait3A_945 = arith.constant 0 : i32
      %dma_wait3A_946 = arith.constant 0 : i32
      %dma_wait3A_947 = arith.constant 0 : i32
      %dma_wait3A_948 = tpu.memref_slice %arg8[%dma_wait3A_945, %dma_wait3A_946, %dma_wait3A_947] : memref<16x16x128xf32, #tpu.memory_space<vmem>> -> memref<1x16x128xf32, #tpu.memory_space<vmem>>
      %dma_wait3A_949 = tpu.memref_squeeze %dma_wait3A_948 : memref<1x16x128xf32, #tpu.memory_space<vmem>> -> memref<16x128xf32, #tpu.memory_space<vmem>>
      %dma_wait3A_950 = arith.constant 0 : i32
      %dma_wait3A_951 = arith.constant 0 : i32
      %dma_wait3A_952 = tpu.memref_slice %arg4[%dma_wait3A_950, %dma_wait3A_951] : memref<16x1000000xf32, #tpu.memory_space<hbm>> -> memref<16x128xf32, #tpu.memory_space<hbm>>
      %dma_wait3A_953 = arith.constant 0 : i32
      %dma_wait3A_954 = arith.constant 0 : i32
      %dma_wait3A_955 = tpu.memref_slice %arg8[%dma_wait3A_945, %dma_wait3A_953, %dma_wait3A_954] : memref<16x16x128xf32, #tpu.memory_space<vmem>> -> memref<1x16x128xf32, #tpu.memory_space<vmem>>
      %dma_wait3A_956 = tpu.memref_squeeze %dma_wait3A_955 : memref<1x16x128xf32, #tpu.memory_space<vmem>> -> memref<16x128xf32, #tpu.memory_space<vmem>>
      %dma_wait3A_957 = arith.constant 0 : i32
      %dma_wait3A_958 = arith.constant 0 : i32
      %dma_wait3A_959 = tpu.memref_slice %arg4[%dma_wait3A_957, %dma_wait3A_958] : memref<16x1000000xf32, #tpu.memory_space<hbm>> -> memref<16x128xf32, #tpu.memory_space<hbm>>
      tpu.wait_dma2 semaphore(%arg11 : memref<!tpu.dma_semaphore, #tpu.memory_space<semaphore_mem>>) src(%dma_wait3A_959 : memref<16x128xf32, #tpu.memory_space<hbm>>) dst(%dma_wait3A_956 : memref<16x128xf32, #tpu.memory_space<vmem>>)
      %dma_wait3A_960 = arith.constant 0 : i32
      %dma_wait3A_961 = arith.constant 0 : i32
      %dma_wait3A_962 = arith.constant 0 : i32
      %dma_wait3A_963 = tpu.memref_slice %arg7[%dma_wait3A_960, %dma_wait3A_961, %dma_wait3A_962] : memref<16x16x128xf32, #tpu.memory_space<vmem>> -> memref<1x16x128xf32, #tpu.memory_space<vmem>>
      %dma_wait3A_964 = tpu.memref_squeeze %dma_wait3A_963 : memref<1x16x128xf32, #tpu.memory_space<vmem>> -> memref<16x128xf32, #tpu.memory_space<vmem>>
      %dma_wait3A_965 = arith.constant 0 : i32
      %dma_wait3A_966 = arith.constant 0 : i32
      %dma_wait3A_967 = tpu.memref_slice %arg3[%dma_wait3A_965, %dma_wait3A_966] : memref<16x1000000xf32, #tpu.memory_space<hbm>> -> memref<16x128xf32, #tpu.memory_space<hbm>>
      %dma_wait3A_968 = arith.constant 0 : i32
      %dma_wait3A_969 = arith.constant 0 : i32
      %dma_wait3A_970 = tpu.memref_slice %arg7[%dma_wait3A_960, %dma_wait3A_968, %dma_wait3A_969] : memref<16x16x128xf32, #tpu.memory_space<vmem>> -> memref<1x16x128xf32, #tpu.memory_space<vmem>>
      %dma_wait3A_971 = tpu.memref_squeeze %dma_wait3A_970 : memref<1x16x128xf32, #tpu.memory_space<vmem>> -> memref<16x128xf32, #tpu.memory_space<vmem>>
      %dma_wait3A_972 = arith.constant 0 : i32
      %dma_wait3A_973 = arith.constant 0 : i32
      %dma_wait3A_974 = tpu.memref_slice %arg3[%dma_wait3A_972, %dma_wait3A_973] : memref<16x1000000xf32, #tpu.memory_space<hbm>> -> memref<16x128xf32, #tpu.memory_space<hbm>>
      tpu.wait_dma2 semaphore(%arg10 : memref<!tpu.dma_semaphore, #tpu.memory_space<semaphore_mem>>) src(%dma_wait3A_974 : memref<16x128xf32, #tpu.memory_space<hbm>>) dst(%dma_wait3A_971 : memref<16x128xf32, #tpu.memory_space<vmem>>)
      %dma_wait3A_975 = arith.constant 0 : i32
      %dma_wait3A_976 = arith.constant 0 : i32
      %dma_wait3A_977 = arith.constant 0 : i32
      %dma_wait3A_978 = tpu.memref_slice %arg8[%dma_wait3A_975, %dma_wait3A_976, %dma_wait3A_977] : memref<16x16x128xf32, #tpu.memory_space<vmem>> -> memref<1x16x128xf32, #tpu.memory_space<vmem>>
      %dma_wait3A_979 = tpu.memref_squeeze %dma_wait3A_978 : memref<1x16x128xf32, #tpu.memory_space<vmem>> -> memref<16x128xf32, #tpu.memory_space<vmem>>
      %dma_wait3A_980 = arith.constant 0 : i32
      %dma_wait3A_981 = arith.constant 0 : i32
      %dma_wait3A_982 = tpu.memref_slice %arg4[%dma_wait3A_980, %dma_wait3A_981] : memref<16x1000000xf32, #tpu.memory_space<hbm>> -> memref<16x128xf32, #tpu.memory_space<hbm>>
      %dma_wait3A_983 = arith.constant 0 : i32
      %dma_wait3A_984 = arith.constant 0 : i32
      %dma_wait3A_985 = tpu.memref_slice %arg8[%dma_wait3A_975, %dma_wait3A_983, %dma_wait3A_984] : memref<16x16x128xf32, #tpu.memory_space<vmem>> -> memref<1x16x128xf32, #tpu.memory_space<vmem>>
      %dma_wait3A_986 = tpu.memref_squeeze %dma_wait3A_985 : memref<1x16x128xf32, #tpu.memory_space<vmem>> -> memref<16x128xf32, #tpu.memory_space<vmem>>
      %dma_wait3A_987 = arith.constant 0 : i32
      %dma_wait3A_988 = arith.constant 0 : i32
      %dma_wait3A_989 = tpu.memref_slice %arg4[%dma_wait3A_987, %dma_wait3A_988] : memref<16x1000000xf32, #tpu.memory_space<hbm>> -> memref<16x128xf32, #tpu.memory_space<hbm>>
      tpu.wait_dma2 semaphore(%arg11 : memref<!tpu.dma_semaphore, #tpu.memory_space<semaphore_mem>>) src(%dma_wait3A_989 : memref<16x128xf32, #tpu.memory_space<hbm>>) dst(%dma_wait3A_986 : memref<16x128xf32, #tpu.memory_space<vmem>>)
      %dma_wait3A_990 = arith.constant 0 : i32
      %dma_wait3A_991 = arith.constant 0 : i32
      %dma_wait3A_992 = arith.constant 0 : i32
      %dma_wait3A_993 = tpu.memref_slice %arg7[%dma_wait3A_990, %dma_wait3A_991, %dma_wait3A_992] : memref<16x16x128xf32, #tpu.memory_space<vmem>> -> memref<1x16x128xf32, #tpu.memory_space<vmem>>
      %dma_wait3A_994 = tpu.memref_squeeze %dma_wait3A_993 : memref<1x16x128xf32, #tpu.memory_space<vmem>> -> memref<16x128xf32, #tpu.memory_space<vmem>>
      %dma_wait3A_995 = arith.constant 0 : i32
      %dma_wait3A_996 = arith.constant 0 : i32
      %dma_wait3A_997 = tpu.memref_slice %arg3[%dma_wait3A_995, %dma_wait3A_996] : memref<16x1000000xf32, #tpu.memory_space<hbm>> -> memref<16x128xf32, #tpu.memory_space<hbm>>
      %dma_wait3A_998 = arith.constant 0 : i32
      %dma_wait3A_999 = arith.constant 0 : i32
      %dma_wait3A_1000 = tpu.memref_slice %arg7[%dma_wait3A_990, %dma_wait3A_998, %dma_wait3A_999] : memref<16x16x128xf32, #tpu.memory_space<vmem>> -> memref<1x16x128xf32, #tpu.memory_space<vmem>>
      %dma_wait3A_1001 = tpu.memref_squeeze %dma_wait3A_1000 : memref<1x16x128xf32, #tpu.memory_space<vmem>> -> memref<16x128xf32, #tpu.memory_space<vmem>>
      %dma_wait3A_1002 = arith.constant 0 : i32
      %dma_wait3A_1003 = arith.constant 0 : i32
      %dma_wait3A_1004 = tpu.memref_slice %arg3[%dma_wait3A_1002, %dma_wait3A_1003] : memref<16x1000000xf32, #tpu.memory_space<hbm>> -> memref<16x128xf32, #tpu.memory_space<hbm>>
      tpu.wait_dma2 semaphore(%arg10 : memref<!tpu.dma_semaphore, #tpu.memory_space<semaphore_mem>>) src(%dma_wait3A_1004 : memref<16x128xf32, #tpu.memory_space<hbm>>) dst(%dma_wait3A_1001 : memref<16x128xf32, #tpu.memory_space<vmem>>)
      %dma_wait3A_1005 = arith.constant 0 : i32
      %dma_wait3A_1006 = arith.constant 0 : i32
      %dma_wait3A_1007 = arith.constant 0 : i32
      %dma_wait3A_1008 = tpu.memref_slice %arg8[%dma_wait3A_1005, %dma_wait3A_1006, %dma_wait3A_1007] : memref<16x16x128xf32, #tpu.memory_space<vmem>> -> memref<1x16x128xf32, #tpu.memory_space<vmem>>
      %dma_wait3A_1009 = tpu.memref_squeeze %dma_wait3A_1008 : memref<1x16x128xf32, #tpu.memory_space<vmem>> -> memref<16x128xf32, #tpu.memory_space<vmem>>
      %dma_wait3A_1010 = arith.constant 0 : i32
      %dma_wait3A_1011 = arith.constant 0 : i32
      %dma_wait3A_1012 = tpu.memref_slice %arg4[%dma_wait3A_1010, %dma_wait3A_1011] : memref<16x1000000xf32, #tpu.memory_space<hbm>> -> memref<16x128xf32, #tpu.memory_space<hbm>>
      %dma_wait3A_1013 = arith.constant 0 : i32
      %dma_wait3A_1014 = arith.constant 0 : i32
      %dma_wait3A_1015 = tpu.memref_slice %arg8[%dma_wait3A_1005, %dma_wait3A_1013, %dma_wait3A_1014] : memref<16x16x128xf32, #tpu.memory_space<vmem>> -> memref<1x16x128xf32, #tpu.memory_space<vmem>>
      %dma_wait3A_1016 = tpu.memref_squeeze %dma_wait3A_1015 : memref<1x16x128xf32, #tpu.memory_space<vmem>> -> memref<16x128xf32, #tpu.memory_space<vmem>>
      %dma_wait3A_1017 = arith.constant 0 : i32
      %dma_wait3A_1018 = arith.constant 0 : i32
      %dma_wait3A_1019 = tpu.memref_slice %arg4[%dma_wait3A_1017, %dma_wait3A_1018] : memref<16x1000000xf32, #tpu.memory_space<hbm>> -> memref<16x128xf32, #tpu.memory_space<hbm>>
      tpu.wait_dma2 semaphore(%arg11 : memref<!tpu.dma_semaphore, #tpu.memory_space<semaphore_mem>>) src(%dma_wait3A_1019 : memref<16x128xf32, #tpu.memory_space<hbm>>) dst(%dma_wait3A_1016 : memref<16x128xf32, #tpu.memory_space<vmem>>)
      %dma_wait3A_1020 = arith.constant 0 : i32
      %dma_wait3A_1021 = arith.constant 0 : i32
      %dma_wait3A_1022 = arith.constant 0 : i32
      %dma_wait3A_1023 = tpu.memref_slice %arg7[%dma_wait3A_1020, %dma_wait3A_1021, %dma_wait3A_1022] : memref<16x16x128xf32, #tpu.memory_space<vmem>> -> memref<1x16x128xf32, #tpu.memory_space<vmem>>
      %dma_wait3A_1024 = tpu.memref_squeeze %dma_wait3A_1023 : memref<1x16x128xf32, #tpu.memory_space<vmem>> -> memref<16x128xf32, #tpu.memory_space<vmem>>
      %dma_wait3A_1025 = arith.constant 0 : i32
      %dma_wait3A_1026 = arith.constant 0 : i32
      %dma_wait3A_1027 = tpu.memref_slice %arg3[%dma_wait3A_1025, %dma_wait3A_1026] : memref<16x1000000xf32, #tpu.memory_space<hbm>> -> memref<16x128xf32, #tpu.memory_space<hbm>>
      %dma_wait3A_1028 = arith.constant 0 : i32
      %dma_wait3A_1029 = arith.constant 0 : i32
      %dma_wait3A_1030 = tpu.memref_slice %arg7[%dma_wait3A_1020, %dma_wait3A_1028, %dma_wait3A_1029] : memref<16x16x128xf32, #tpu.memory_space<vmem>> -> memref<1x16x128xf32, #tpu.memory_space<vmem>>
      %dma_wait3A_1031 = tpu.memref_squeeze %dma_wait3A_1030 : memref<1x16x128xf32, #tpu.memory_space<vmem>> -> memref<16x128xf32, #tpu.memory_space<vmem>>
      %dma_wait3A_1032 = arith.constant 0 : i32
      %dma_wait3A_1033 = arith.constant 0 : i32
      %dma_wait3A_1034 = tpu.memref_slice %arg3[%dma_wait3A_1032, %dma_wait3A_1033] : memref<16x1000000xf32, #tpu.memory_space<hbm>> -> memref<16x128xf32, #tpu.memory_space<hbm>>
      tpu.wait_dma2 semaphore(%arg10 : memref<!tpu.dma_semaphore, #tpu.memory_space<semaphore_mem>>) src(%dma_wait3A_1034 : memref<16x128xf32, #tpu.memory_space<hbm>>) dst(%dma_wait3A_1031 : memref<16x128xf32, #tpu.memory_space<vmem>>)
      %dma_wait3A_1035 = arith.constant 0 : i32
      %dma_wait3A_1036 = arith.constant 0 : i32
      %dma_wait3A_1037 = arith.constant 0 : i32
      %dma_wait3A_1038 = tpu.memref_slice %arg8[%dma_wait3A_1035, %dma_wait3A_1036, %dma_wait3A_1037] : memref<16x16x128xf32, #tpu.memory_space<vmem>> -> memref<1x16x128xf32, #tpu.memory_space<vmem>>
      %dma_wait3A_1039 = tpu.memref_squeeze %dma_wait3A_1038 : memref<1x16x128xf32, #tpu.memory_space<vmem>> -> memref<16x128xf32, #tpu.memory_space<vmem>>
      %dma_wait3A_1040 = arith.constant 0 : i32
      %dma_wait3A_1041 = arith.constant 0 : i32
      %dma_wait3A_1042 = tpu.memref_slice %arg4[%dma_wait3A_1040, %dma_wait3A_1041] : memref<16x1000000xf32, #tpu.memory_space<hbm>> -> memref<16x128xf32, #tpu.memory_space<hbm>>
      %dma_wait3A_1043 = arith.constant 0 : i32
      %dma_wait3A_1044 = arith.constant 0 : i32
      %dma_wait3A_1045 = tpu.memref_slice %arg8[%dma_wait3A_1035, %dma_wait3A_1043, %dma_wait3A_1044] : memref<16x16x128xf32, #tpu.memory_space<vmem>> -> memref<1x16x128xf32, #tpu.memory_space<vmem>>
      %dma_wait3A_1046 = tpu.memref_squeeze %dma_wait3A_1045 : memref<1x16x128xf32, #tpu.memory_space<vmem>> -> memref<16x128xf32, #tpu.memory_space<vmem>>
      %dma_wait3A_1047 = arith.constant 0 : i32
      %dma_wait3A_1048 = arith.constant 0 : i32
      %dma_wait3A_1049 = tpu.memref_slice %arg4[%dma_wait3A_1047, %dma_wait3A_1048] : memref<16x1000000xf32, #tpu.memory_space<hbm>> -> memref<16x128xf32, #tpu.memory_space<hbm>>
      tpu.wait_dma2 semaphore(%arg11 : memref<!tpu.dma_semaphore, #tpu.memory_space<semaphore_mem>>) src(%dma_wait3A_1049 : memref<16x128xf32, #tpu.memory_space<hbm>>) dst(%dma_wait3A_1046 : memref<16x128xf32, #tpu.memory_space<vmem>>)
      %dma_wait3A_1050 = arith.constant 0 : i32
      %dma_wait3A_1051 = arith.constant 0 : i32
      %dma_wait3A_1052 = arith.constant 0 : i32
      %dma_wait3A_1053 = tpu.memref_slice %arg7[%dma_wait3A_1050, %dma_wait3A_1051, %dma_wait3A_1052] : memref<16x16x128xf32, #tpu.memory_space<vmem>> -> memref<1x16x128xf32, #tpu.memory_space<vmem>>
      %dma_wait3A_1054 = tpu.memref_squeeze %dma_wait3A_1053 : memref<1x16x128xf32, #tpu.memory_space<vmem>> -> memref<16x128xf32, #tpu.memory_space<vmem>>
      %dma_wait3A_1055 = arith.constant 0 : i32
      %dma_wait3A_1056 = arith.constant 0 : i32
      %dma_wait3A_1057 = tpu.memref_slice %arg3[%dma_wait3A_1055, %dma_wait3A_1056] : memref<16x1000000xf32, #tpu.memory_space<hbm>> -> memref<16x128xf32, #tpu.memory_space<hbm>>
      %dma_wait3A_1058 = arith.constant 0 : i32
      %dma_wait3A_1059 = arith.constant 0 : i32
      %dma_wait3A_1060 = tpu.memref_slice %arg7[%dma_wait3A_1050, %dma_wait3A_1058, %dma_wait3A_1059] : memref<16x16x128xf32, #tpu.memory_space<vmem>> -> memref<1x16x128xf32, #tpu.memory_space<vmem>>
      %dma_wait3A_1061 = tpu.memref_squeeze %dma_wait3A_1060 : memref<1x16x128xf32, #tpu.memory_space<vmem>> -> memref<16x128xf32, #tpu.memory_space<vmem>>
      %dma_wait3A_1062 = arith.constant 0 : i32
      %dma_wait3A_1063 = arith.constant 0 : i32
      %dma_wait3A_1064 = tpu.memref_slice %arg3[%dma_wait3A_1062, %dma_wait3A_1063] : memref<16x1000000xf32, #tpu.memory_space<hbm>> -> memref<16x128xf32, #tpu.memory_space<hbm>>
      tpu.wait_dma2 semaphore(%arg10 : memref<!tpu.dma_semaphore, #tpu.memory_space<semaphore_mem>>) src(%dma_wait3A_1064 : memref<16x128xf32, #tpu.memory_space<hbm>>) dst(%dma_wait3A_1061 : memref<16x128xf32, #tpu.memory_space<vmem>>)
      %dma_wait3A_1065 = arith.constant 0 : i32
      %dma_wait3A_1066 = arith.constant 0 : i32
      %dma_wait3A_1067 = arith.constant 0 : i32
      %dma_wait3A_1068 = tpu.memref_slice %arg8[%dma_wait3A_1065, %dma_wait3A_1066, %dma_wait3A_1067] : memref<16x16x128xf32, #tpu.memory_space<vmem>> -> memref<1x16x128xf32, #tpu.memory_space<vmem>>
      %dma_wait3A_1069 = tpu.memref_squeeze %dma_wait3A_1068 : memref<1x16x128xf32, #tpu.memory_space<vmem>> -> memref<16x128xf32, #tpu.memory_space<vmem>>
      %dma_wait3A_1070 = arith.constant 0 : i32
      %dma_wait3A_1071 = arith.constant 0 : i32
      %dma_wait3A_1072 = tpu.memref_slice %arg4[%dma_wait3A_1070, %dma_wait3A_1071] : memref<16x1000000xf32, #tpu.memory_space<hbm>> -> memref<16x128xf32, #tpu.memory_space<hbm>>
      %dma_wait3A_1073 = arith.constant 0 : i32
      %dma_wait3A_1074 = arith.constant 0 : i32
      %dma_wait3A_1075 = tpu.memref_slice %arg8[%dma_wait3A_1065, %dma_wait3A_1073, %dma_wait3A_1074] : memref<16x16x128xf32, #tpu.memory_space<vmem>> -> memref<1x16x128xf32, #tpu.memory_space<vmem>>
      %dma_wait3A_1076 = tpu.memref_squeeze %dma_wait3A_1075 : memref<1x16x128xf32, #tpu.memory_space<vmem>> -> memref<16x128xf32, #tpu.memory_space<vmem>>
      %dma_wait3A_1077 = arith.constant 0 : i32
      %dma_wait3A_1078 = arith.constant 0 : i32
      %dma_wait3A_1079 = tpu.memref_slice %arg4[%dma_wait3A_1077, %dma_wait3A_1078] : memref<16x1000000xf32, #tpu.memory_space<hbm>> -> memref<16x128xf32, #tpu.memory_space<hbm>>
      tpu.wait_dma2 semaphore(%arg11 : memref<!tpu.dma_semaphore, #tpu.memory_space<semaphore_mem>>) src(%dma_wait3A_1079 : memref<16x128xf32, #tpu.memory_space<hbm>>) dst(%dma_wait3A_1076 : memref<16x128xf32, #tpu.memory_space<vmem>>)
      %dma_wait3A_1080 = arith.constant 0 : i32
      %dma_wait3A_1081 = arith.constant 0 : i32
      %dma_wait3A_1082 = arith.constant 0 : i32
      %dma_wait3A_1083 = tpu.memref_slice %arg7[%dma_wait3A_1080, %dma_wait3A_1081, %dma_wait3A_1082] : memref<16x16x128xf32, #tpu.memory_space<vmem>> -> memref<1x16x128xf32, #tpu.memory_space<vmem>>
      %dma_wait3A_1084 = tpu.memref_squeeze %dma_wait3A_1083 : memref<1x16x128xf32, #tpu.memory_space<vmem>> -> memref<16x128xf32, #tpu.memory_space<vmem>>
      %dma_wait3A_1085 = arith.constant 0 : i32
      %dma_wait3A_1086 = arith.constant 0 : i32
      %dma_wait3A_1087 = tpu.memref_slice %arg3[%dma_wait3A_1085, %dma_wait3A_1086] : memref<16x1000000xf32, #tpu.memory_space<hbm>> -> memref<16x128xf32, #tpu.memory_space<hbm>>
      %dma_wait3A_1088 = arith.constant 0 : i32
      %dma_wait3A_1089 = arith.constant 0 : i32
      %dma_wait3A_1090 = tpu.memref_slice %arg7[%dma_wait3A_1080, %dma_wait3A_1088, %dma_wait3A_1089] : memref<16x16x128xf32, #tpu.memory_space<vmem>> -> memref<1x16x128xf32, #tpu.memory_space<vmem>>
      %dma_wait3A_1091 = tpu.memref_squeeze %dma_wait3A_1090 : memref<1x16x128xf32, #tpu.memory_space<vmem>> -> memref<16x128xf32, #tpu.memory_space<vmem>>
      %dma_wait3A_1092 = arith.constant 0 : i32
      %dma_wait3A_1093 = arith.constant 0 : i32
      %dma_wait3A_1094 = tpu.memref_slice %arg3[%dma_wait3A_1092, %dma_wait3A_1093] : memref<16x1000000xf32, #tpu.memory_space<hbm>> -> memref<16x128xf32, #tpu.memory_space<hbm>>
      tpu.wait_dma2 semaphore(%arg10 : memref<!tpu.dma_semaphore, #tpu.memory_space<semaphore_mem>>) src(%dma_wait3A_1094 : memref<16x128xf32, #tpu.memory_space<hbm>>) dst(%dma_wait3A_1091 : memref<16x128xf32, #tpu.memory_space<vmem>>)
      %dma_wait3A_1095 = arith.constant 0 : i32
      %dma_wait3A_1096 = arith.constant 0 : i32
      %dma_wait3A_1097 = arith.constant 0 : i32
      %dma_wait3A_1098 = tpu.memref_slice %arg8[%dma_wait3A_1095, %dma_wait3A_1096, %dma_wait3A_1097] : memref<16x16x128xf32, #tpu.memory_space<vmem>> -> memref<1x16x128xf32, #tpu.memory_space<vmem>>
      %dma_wait3A_1099 = tpu.memref_squeeze %dma_wait3A_1098 : memref<1x16x128xf32, #tpu.memory_space<vmem>> -> memref<16x128xf32, #tpu.memory_space<vmem>>
      %dma_wait3A_1100 = arith.constant 0 : i32
      %dma_wait3A_1101 = arith.constant 0 : i32
      %dma_wait3A_1102 = tpu.memref_slice %arg4[%dma_wait3A_1100, %dma_wait3A_1101] : memref<16x1000000xf32, #tpu.memory_space<hbm>> -> memref<16x128xf32, #tpu.memory_space<hbm>>
      %dma_wait3A_1103 = arith.constant 0 : i32
      %dma_wait3A_1104 = arith.constant 0 : i32
      %dma_wait3A_1105 = tpu.memref_slice %arg8[%dma_wait3A_1095, %dma_wait3A_1103, %dma_wait3A_1104] : memref<16x16x128xf32, #tpu.memory_space<vmem>> -> memref<1x16x128xf32, #tpu.memory_space<vmem>>
      %dma_wait3A_1106 = tpu.memref_squeeze %dma_wait3A_1105 : memref<1x16x128xf32, #tpu.memory_space<vmem>> -> memref<16x128xf32, #tpu.memory_space<vmem>>
      %dma_wait3A_1107 = arith.constant 0 : i32
      %dma_wait3A_1108 = arith.constant 0 : i32
      %dma_wait3A_1109 = tpu.memref_slice %arg4[%dma_wait3A_1107, %dma_wait3A_1108] : memref<16x1000000xf32, #tpu.memory_space<hbm>> -> memref<16x128xf32, #tpu.memory_space<hbm>>
      tpu.wait_dma2 semaphore(%arg11 : memref<!tpu.dma_semaphore, #tpu.memory_space<semaphore_mem>>) src(%dma_wait3A_1109 : memref<16x128xf32, #tpu.memory_space<hbm>>) dst(%dma_wait3A_1106 : memref<16x128xf32, #tpu.memory_space<vmem>>)
      %dma_wait3A_1110 = arith.constant 0 : i32
      %dma_wait3A_1111 = arith.constant 0 : i32
      %dma_wait3A_1112 = arith.constant 0 : i32
      %dma_wait3A_1113 = tpu.memref_slice %arg7[%dma_wait3A_1110, %dma_wait3A_1111, %dma_wait3A_1112] : memref<16x16x128xf32, #tpu.memory_space<vmem>> -> memref<1x16x128xf32, #tpu.memory_space<vmem>>
      %dma_wait3A_1114 = tpu.memref_squeeze %dma_wait3A_1113 : memref<1x16x128xf32, #tpu.memory_space<vmem>> -> memref<16x128xf32, #tpu.memory_space<vmem>>
      %dma_wait3A_1115 = arith.constant 0 : i32
      %dma_wait3A_1116 = arith.constant 0 : i32
      %dma_wait3A_1117 = tpu.memref_slice %arg3[%dma_wait3A_1115, %dma_wait3A_1116] : memref<16x1000000xf32, #tpu.memory_space<hbm>> -> memref<16x128xf32, #tpu.memory_space<hbm>>
      %dma_wait3A_1118 = arith.constant 0 : i32
      %dma_wait3A_1119 = arith.constant 0 : i32
      %dma_wait3A_1120 = tpu.memref_slice %arg7[%dma_wait3A_1110, %dma_wait3A_1118, %dma_wait3A_1119] : memref<16x16x128xf32, #tpu.memory_space<vmem>> -> memref<1x16x128xf32, #tpu.memory_space<vmem>>
      %dma_wait3A_1121 = tpu.memref_squeeze %dma_wait3A_1120 : memref<1x16x128xf32, #tpu.memory_space<vmem>> -> memref<16x128xf32, #tpu.memory_space<vmem>>
      %dma_wait3A_1122 = arith.constant 0 : i32
      %dma_wait3A_1123 = arith.constant 0 : i32
      %dma_wait3A_1124 = tpu.memref_slice %arg3[%dma_wait3A_1122, %dma_wait3A_1123] : memref<16x1000000xf32, #tpu.memory_space<hbm>> -> memref<16x128xf32, #tpu.memory_space<hbm>>
      tpu.wait_dma2 semaphore(%arg10 : memref<!tpu.dma_semaphore, #tpu.memory_space<semaphore_mem>>) src(%dma_wait3A_1124 : memref<16x128xf32, #tpu.memory_space<hbm>>) dst(%dma_wait3A_1121 : memref<16x128xf32, #tpu.memory_space<vmem>>)
      %dma_wait3A_1125 = arith.constant 0 : i32
      %dma_wait3A_1126 = arith.constant 0 : i32
      %dma_wait3A_1127 = arith.constant 0 : i32
      %dma_wait3A_1128 = tpu.memref_slice %arg8[%dma_wait3A_1125, %dma_wait3A_1126, %dma_wait3A_1127] : memref<16x16x128xf32, #tpu.memory_space<vmem>> -> memref<1x16x128xf32, #tpu.memory_space<vmem>>
      %dma_wait3A_1129 = tpu.memref_squeeze %dma_wait3A_1128 : memref<1x16x128xf32, #tpu.memory_space<vmem>> -> memref<16x128xf32, #tpu.memory_space<vmem>>
      %dma_wait3A_1130 = arith.constant 0 : i32
      %dma_wait3A_1131 = arith.constant 0 : i32
      %dma_wait3A_1132 = tpu.memref_slice %arg4[%dma_wait3A_1130, %dma_wait3A_1131] : memref<16x1000000xf32, #tpu.memory_space<hbm>> -> memref<16x128xf32, #tpu.memory_space<hbm>>
      %dma_wait3A_1133 = arith.constant 0 : i32
      %dma_wait3A_1134 = arith.constant 0 : i32
      %dma_wait3A_1135 = tpu.memref_slice %arg8[%dma_wait3A_1125, %dma_wait3A_1133, %dma_wait3A_1134] : memref<16x16x128xf32, #tpu.memory_space<vmem>> -> memref<1x16x128xf32, #tpu.memory_space<vmem>>
      %dma_wait3A_1136 = tpu.memref_squeeze %dma_wait3A_1135 : memref<1x16x128xf32, #tpu.memory_space<vmem>> -> memref<16x128xf32, #tpu.memory_space<vmem>>
      %dma_wait3A_1137 = arith.constant 0 : i32
      %dma_wait3A_1138 = arith.constant 0 : i32
      %dma_wait3A_1139 = tpu.memref_slice %arg4[%dma_wait3A_1137, %dma_wait3A_1138] : memref<16x1000000xf32, #tpu.memory_space<hbm>> -> memref<16x128xf32, #tpu.memory_space<hbm>>
      tpu.wait_dma2 semaphore(%arg11 : memref<!tpu.dma_semaphore, #tpu.memory_space<semaphore_mem>>) src(%dma_wait3A_1139 : memref<16x128xf32, #tpu.memory_space<hbm>>) dst(%dma_wait3A_1136 : memref<16x128xf32, #tpu.memory_space<vmem>>)
      %and3A = arith.constant 127 : i32
      %and3A_1140 = vector.broadcast %and3A : i32 to vector<16xi32>
      %and3A_1141 = arith.andi %gather3A, %and3A_1140 : vector<16xi32>
      %and3A_1142 = arith.constant 127 : i32
      %and3A_1143 = vector.broadcast %and3A_1142 : i32 to vector<16xi32>
      %and3A_1144 = arith.andi %gather3A_24, %and3A_1143 : vector<16xi32>
      %broadcast_in_dim3A_1145 = arith.constant 0 : i32
      %broadcast_in_dim3A_1146 = vector.broadcast %broadcast_in_dim3A_1145 : i32 to vector<16xi32>
      %gather3A_1147 = tpu.vector_load_idx %arg7[%iota3A, %broadcast_in_dim3A_1146, %and3A_1141] : memref<16x16x128xf32, #tpu.memory_space<vmem>>[vector<16xi32>, vector<16xi32>, vector<16xi32>], vector<16xf32>,
      %broadcast_in_dim3A_1148 = arith.constant 0 : i32
      %broadcast_in_dim3A_1149 = vector.broadcast %broadcast_in_dim3A_1148 : i32 to vector<16xi32>
      %gather3A_1150 = tpu.vector_load_idx %arg8[%iota3A, %broadcast_in_dim3A_1149, %and3A_1144] : memref<16x16x128xf32, #tpu.memory_space<vmem>>[vector<16xi32>, vector<16xi32>, vector<16xi32>], vector<16xf32>,
      %mul3A_1151 = arith.mulf %gather3A_1147, %gather3A_1150 : vector<16xf32>
      %broadcast_in_dim3A_1152 = arith.constant 1 : i32
      %broadcast_in_dim3A_1153 = vector.broadcast %broadcast_in_dim3A_1152 : i32 to vector<16xi32>
      %gather3A_1154 = tpu.vector_load_idx %arg7[%iota3A, %broadcast_in_dim3A_1153, %and3A_1141] : memref<16x16x128xf32, #tpu.memory_space<vmem>>[vector<16xi32>, vector<16xi32>, vector<16xi32>], vector<16xf32>,
      %gather3A_1155 = tpu.vector_load_idx %arg8[%iota3A, %broadcast_in_dim3A_1153, %and3A_1144] : memref<16x16x128xf32, #tpu.memory_space<vmem>>[vector<16xi32>, vector<16xi32>, vector<16xi32>], vector<16xf32>,
      %mul3A_1156 = arith.mulf %gather3A_1154, %gather3A_1155 : vector<16xf32>
      %add3A_1157 = arith.addf %mul3A_1151, %mul3A_1156 : vector<16xf32>
      %broadcast_in_dim3A_1158 = arith.constant 2 : i32
      %broadcast_in_dim3A_1159 = vector.broadcast %broadcast_in_dim3A_1158 : i32 to vector<16xi32>
      %gather3A_1160 = tpu.vector_load_idx %arg7[%iota3A, %broadcast_in_dim3A_1159, %and3A_1141] : memref<16x16x128xf32, #tpu.memory_space<vmem>>[vector<16xi32>, vector<16xi32>, vector<16xi32>], vector<16xf32>,
      %gather3A_1161 = tpu.vector_load_idx %arg8[%iota3A, %broadcast_in_dim3A_1159, %and3A_1144] : memref<16x16x128xf32, #tpu.memory_space<vmem>>[vector<16xi32>, vector<16xi32>, vector<16xi32>], vector<16xf32>,
      %mul3A_1162 = arith.mulf %gather3A_1160, %gather3A_1161 : vector<16xf32>
      %add3A_1163 = arith.addf %add3A_1157, %mul3A_1162 : vector<16xf32>
      %broadcast_in_dim3A_1164 = arith.constant 3 : i32
      %broadcast_in_dim3A_1165 = vector.broadcast %broadcast_in_dim3A_1164 : i32 to vector<16xi32>
      %gather3A_1166 = tpu.vector_load_idx %arg7[%iota3A, %broadcast_in_dim3A_1165, %and3A_1141] : memref<16x16x128xf32, #tpu.memory_space<vmem>>[vector<16xi32>, vector<16xi32>, vector<16xi32>], vector<16xf32>,
      %gather3A_1167 = tpu.vector_load_idx %arg8[%iota3A, %broadcast_in_dim3A_1165, %and3A_1144] : memref<16x16x128xf32, #tpu.memory_space<vmem>>[vector<16xi32>, vector<16xi32>, vector<16xi32>], vector<16xf32>,
      %mul3A_1168 = arith.mulf %gather3A_1166, %gather3A_1167 : vector<16xf32>
      %add3A_1169 = arith.addf %add3A_1163, %mul3A_1168 : vector<16xf32>
      %broadcast_in_dim3A_1170 = arith.constant 4 : i32
      %broadcast_in_dim3A_1171 = vector.broadcast %broadcast_in_dim3A_1170 : i32 to vector<16xi32>
      %gather3A_1172 = tpu.vector_load_idx %arg7[%iota3A, %broadcast_in_dim3A_1171, %and3A_1141] : memref<16x16x128xf32, #tpu.memory_space<vmem>>[vector<16xi32>, vector<16xi32>, vector<16xi32>], vector<16xf32>,
      %gather3A_1173 = tpu.vector_load_idx %arg8[%iota3A, %broadcast_in_dim3A_1171, %and3A_1144] : memref<16x16x128xf32, #tpu.memory_space<vmem>>[vector<16xi32>, vector<16xi32>, vector<16xi32>], vector<16xf32>,
      %mul3A_1174 = arith.mulf %gather3A_1172, %gather3A_1173 : vector<16xf32>
      %add3A_1175 = arith.addf %add3A_1169, %mul3A_1174 : vector<16xf32>
      %broadcast_in_dim3A_1176 = arith.constant 5 : i32
      %broadcast_in_dim3A_1177 = vector.broadcast %broadcast_in_dim3A_1176 : i32 to vector<16xi32>
      %gather3A_1178 = tpu.vector_load_idx %arg7[%iota3A, %broadcast_in_dim3A_1177, %and3A_1141] : memref<16x16x128xf32, #tpu.memory_space<vmem>>[vector<16xi32>, vector<16xi32>, vector<16xi32>], vector<16xf32>,
      %gather3A_1179 = tpu.vector_load_idx %arg8[%iota3A, %broadcast_in_dim3A_1177, %and3A_1144] : memref<16x16x128xf32, #tpu.memory_space<vmem>>[vector<16xi32>, vector<16xi32>, vector<16xi32>], vector<16xf32>,
      %mul3A_1180 = arith.mulf %gather3A_1178, %gather3A_1179 : vector<16xf32>
      %add3A_1181 = arith.addf %add3A_1175, %mul3A_1180 : vector<16xf32>
      %broadcast_in_dim3A_1182 = arith.constant 6 : i32
      %broadcast_in_dim3A_1183 = vector.broadcast %broadcast_in_dim3A_1182 : i32 to vector<16xi32>
      %gather3A_1184 = tpu.vector_load_idx %arg7[%iota3A, %broadcast_in_dim3A_1183, %and3A_1141] : memref<16x16x128xf32, #tpu.memory_space<vmem>>[vector<16xi32>, vector<16xi32>, vector<16xi32>], vector<16xf32>,
      %gather3A_1185 = tpu.vector_load_idx %arg8[%iota3A, %broadcast_in_dim3A_1183, %and3A_1144] : memref<16x16x128xf32, #tpu.memory_space<vmem>>[vector<16xi32>, vector<16xi32>, vector<16xi32>], vector<16xf32>,
      %mul3A_1186 = arith.mulf %gather3A_1184, %gather3A_1185 : vector<16xf32>
      %add3A_1187 = arith.addf %add3A_1181, %mul3A_1186 : vector<16xf32>
      %broadcast_in_dim3A_1188 = arith.constant 7 : i32
      %broadcast_in_dim3A_1189 = vector.broadcast %broadcast_in_dim3A_1188 : i32 to vector<16xi32>
      %gather3A_1190 = tpu.vector_load_idx %arg7[%iota3A, %broadcast_in_dim3A_1189, %and3A_1141] : memref<16x16x128xf32, #tpu.memory_space<vmem>>[vector<16xi32>, vector<16xi32>, vector<16xi32>], vector<16xf32>,
      %gather3A_1191 = tpu.vector_load_idx %arg8[%iota3A, %broadcast_in_dim3A_1189, %and3A_1144] : memref<16x16x128xf32, #tpu.memory_space<vmem>>[vector<16xi32>, vector<16xi32>, vector<16xi32>], vector<16xf32>,
      %mul3A_1192 = arith.mulf %gather3A_1190, %gather3A_1191 : vector<16xf32>
      %add3A_1193 = arith.addf %add3A_1187, %mul3A_1192 : vector<16xf32>
      %broadcast_in_dim3A_1194 = arith.constant 8 : i32
      %broadcast_in_dim3A_1195 = vector.broadcast %broadcast_in_dim3A_1194 : i32 to vector<16xi32>
      %gather3A_1196 = tpu.vector_load_idx %arg7[%iota3A, %broadcast_in_dim3A_1195, %and3A_1141] : memref<16x16x128xf32, #tpu.memory_space<vmem>>[vector<16xi32>, vector<16xi32>, vector<16xi32>], vector<16xf32>,
      %gather3A_1197 = tpu.vector_load_idx %arg8[%iota3A, %broadcast_in_dim3A_1195, %and3A_1144] : memref<16x16x128xf32, #tpu.memory_space<vmem>>[vector<16xi32>, vector<16xi32>, vector<16xi32>], vector<16xf32>,
      %mul3A_1198 = arith.mulf %gather3A_1196, %gather3A_1197 : vector<16xf32>
      %add3A_1199 = arith.addf %add3A_1193, %mul3A_1198 : vector<16xf32>
      %broadcast_in_dim3A_1200 = arith.constant 9 : i32
      %broadcast_in_dim3A_1201 = vector.broadcast %broadcast_in_dim3A_1200 : i32 to vector<16xi32>
      %gather3A_1202 = tpu.vector_load_idx %arg7[%iota3A, %broadcast_in_dim3A_1201, %and3A_1141] : memref<16x16x128xf32, #tpu.memory_space<vmem>>[vector<16xi32>, vector<16xi32>, vector<16xi32>], vector<16xf32>,
      %gather3A_1203 = tpu.vector_load_idx %arg8[%iota3A, %broadcast_in_dim3A_1201, %and3A_1144] : memref<16x16x128xf32, #tpu.memory_space<vmem>>[vector<16xi32>, vector<16xi32>, vector<16xi32>], vector<16xf32>,
      %mul3A_1204 = arith.mulf %gather3A_1202, %gather3A_1203 : vector<16xf32>
      %add3A_1205 = arith.addf %add3A_1199, %mul3A_1204 : vector<16xf32>
      %broadcast_in_dim3A_1206 = arith.constant 10 : i32
      %broadcast_in_dim3A_1207 = vector.broadcast %broadcast_in_dim3A_1206 : i32 to vector<16xi32>
      %gather3A_1208 = tpu.vector_load_idx %arg7[%iota3A, %broadcast_in_dim3A_1207, %and3A_1141] : memref<16x16x128xf32, #tpu.memory_space<vmem>>[vector<16xi32>, vector<16xi32>, vector<16xi32>], vector<16xf32>,
      %gather3A_1209 = tpu.vector_load_idx %arg8[%iota3A, %broadcast_in_dim3A_1207, %and3A_1144] : memref<16x16x128xf32, #tpu.memory_space<vmem>>[vector<16xi32>, vector<16xi32>, vector<16xi32>], vector<16xf32>,
      %mul3A_1210 = arith.mulf %gather3A_1208, %gather3A_1209 : vector<16xf32>
      %add3A_1211 = arith.addf %add3A_1205, %mul3A_1210 : vector<16xf32>
      %broadcast_in_dim3A_1212 = arith.constant 11 : i32
      %broadcast_in_dim3A_1213 = vector.broadcast %broadcast_in_dim3A_1212 : i32 to vector<16xi32>
      %gather3A_1214 = tpu.vector_load_idx %arg7[%iota3A, %broadcast_in_dim3A_1213, %and3A_1141] : memref<16x16x128xf32, #tpu.memory_space<vmem>>[vector<16xi32>, vector<16xi32>, vector<16xi32>], vector<16xf32>,
      %gather3A_1215 = tpu.vector_load_idx %arg8[%iota3A, %broadcast_in_dim3A_1213, %and3A_1144] : memref<16x16x128xf32, #tpu.memory_space<vmem>>[vector<16xi32>, vector<16xi32>, vector<16xi32>], vector<16xf32>,
      %mul3A_1216 = arith.mulf %gather3A_1214, %gather3A_1215 : vector<16xf32>
      %add3A_1217 = arith.addf %add3A_1211, %mul3A_1216 : vector<16xf32>
      %broadcast_in_dim3A_1218 = arith.constant 12 : i32
      %broadcast_in_dim3A_1219 = vector.broadcast %broadcast_in_dim3A_1218 : i32 to vector<16xi32>
      %gather3A_1220 = tpu.vector_load_idx %arg7[%iota3A, %broadcast_in_dim3A_1219, %and3A_1141] : memref<16x16x128xf32, #tpu.memory_space<vmem>>[vector<16xi32>, vector<16xi32>, vector<16xi32>], vector<16xf32>,
      %gather3A_1221 = tpu.vector_load_idx %arg8[%iota3A, %broadcast_in_dim3A_1219, %and3A_1144] : memref<16x16x128xf32, #tpu.memory_space<vmem>>[vector<16xi32>, vector<16xi32>, vector<16xi32>], vector<16xf32>,
      %mul3A_1222 = arith.mulf %gather3A_1220, %gather3A_1221 : vector<16xf32>
      %add3A_1223 = arith.addf %add3A_1217, %mul3A_1222 : vector<16xf32>
      %broadcast_in_dim3A_1224 = arith.constant 13 : i32
      %broadcast_in_dim3A_1225 = vector.broadcast %broadcast_in_dim3A_1224 : i32 to vector<16xi32>
      %gather3A_1226 = tpu.vector_load_idx %arg7[%iota3A, %broadcast_in_dim3A_1225, %and3A_1141] : memref<16x16x128xf32, #tpu.memory_space<vmem>>[vector<16xi32>, vector<16xi32>, vector<16xi32>], vector<16xf32>,
      %gather3A_1227 = tpu.vector_load_idx %arg8[%iota3A, %broadcast_in_dim3A_1225, %and3A_1144] : memref<16x16x128xf32, #tpu.memory_space<vmem>>[vector<16xi32>, vector<16xi32>, vector<16xi32>], vector<16xf32>,
      %mul3A_1228 = arith.mulf %gather3A_1226, %gather3A_1227 : vector<16xf32>
      %add3A_1229 = arith.addf %add3A_1223, %mul3A_1228 : vector<16xf32>
      %broadcast_in_dim3A_1230 = arith.constant 14 : i32
      %broadcast_in_dim3A_1231 = vector.broadcast %broadcast_in_dim3A_1230 : i32 to vector<16xi32>
      %gather3A_1232 = tpu.vector_load_idx %arg7[%iota3A, %broadcast_in_dim3A_1231, %and3A_1141] : memref<16x16x128xf32, #tpu.memory_space<vmem>>[vector<16xi32>, vector<16xi32>, vector<16xi32>], vector<16xf32>,
      %gather3A_1233 = tpu.vector_load_idx %arg8[%iota3A, %broadcast_in_dim3A_1231, %and3A_1144] : memref<16x16x128xf32, #tpu.memory_space<vmem>>[vector<16xi32>, vector<16xi32>, vector<16xi32>], vector<16xf32>,
      %mul3A_1234 = arith.mulf %gather3A_1232, %gather3A_1233 : vector<16xf32>
      %add3A_1235 = arith.addf %add3A_1229, %mul3A_1234 : vector<16xf32>
      %broadcast_in_dim3A_1236 = arith.constant 15 : i32
      %broadcast_in_dim3A_1237 = vector.broadcast %broadcast_in_dim3A_1236 : i32 to vector<16xi32>
      %gather3A_1238 = tpu.vector_load_idx %arg7[%iota3A, %broadcast_in_dim3A_1237, %and3A_1141] : memref<16x16x128xf32, #tpu.memory_space<vmem>>[vector<16xi32>, vector<16xi32>, vector<16xi32>], vector<16xf32>,
      %gather3A_1239 = tpu.vector_load_idx %arg8[%iota3A, %broadcast_in_dim3A_1237, %and3A_1144] : memref<16x16x128xf32, #tpu.memory_space<vmem>>[vector<16xi32>, vector<16xi32>, vector<16xi32>], vector<16xf32>,
      %mul3A_1240 = arith.mulf %gather3A_1238, %gather3A_1239 : vector<16xf32>
      %add3A_1241 = arith.addf %add3A_1235, %mul3A_1240 : vector<16xf32>
      %mul3A_1242 = arith.constant 16 : i32
      %mul3A_1243 = arith.muli %scan3A_11, %mul3A_1242 : i32
      %multiple_of3A_1244 = tpu.assume_multiple %mul3A_1243, 16 : i32
      %swap3A = arith.index_cast %multiple_of3A_1244 : i32 to index
      %swap3A_1245 = tpu.vector_load %arg9[%swap3A] {strides = array<i32>} : memref<512xf32, #tpu.memory_space<vmem>>, vector<16xf32>,
      tpu.vector_store %arg9[%swap3A], %add3A_1241 {strides = array<i32>} : memref<512xf32, #tpu.memory_space<vmem>>, vector<16xf32>,
      %scan3A_1246 = arith.constant 0 : i32
      %scan3A_1247 = arith.constant 1 : i32
      %scan3A_1248 = arith.addi %scan3A_11, %scan3A_1247 : i32
      %mul3A_1249 = arith.constant 2 : i32
      %mul3A_1250 = arith.muli %mul3A_1249, %scan3A_1248 : i32
      %mul3A_1251 = arith.constant 16 : i32
      %mul3A_1252 = arith.muli %mul3A_1250, %mul3A_1251 : i32
      %broadcast_in_dim3A_1253 = vector.broadcast %mul3A_1252 : i32 to vector<16xi32>
      %mul3A_1254 = arith.constant 2 : i32
      %mul3A_1255 = vector.broadcast %mul3A_1254 : i32 to vector<16xi32>
      %mul3A_1256 = arith.muli %mul3A_1255, %iota3A : vector<16xi32>
      %add3A_1257 = arith.addi %broadcast_in_dim3A_1253, %mul3A_1256 : vector<16xi32>
      %gather3A_1258 = tpu.vector_load_idx %arg6[%add3A_1257] : memref<1024xi32, #tpu.memory_space<vmem>>[vector<16xi32>], vector<16xi32>,
      %add3A_1259 = arith.constant 1 : i32
      %add3A_1260 = vector.broadcast %add3A_1259 : i32 to vector<16xi32>
      %add3A_1261 = arith.addi %add3A_1257, %add3A_1260 : vector<16xi32>
      %gather3A_1262 = tpu.vector_load_idx %arg6[%add3A_1261] : memref<1024xi32, #tpu.memory_space<vmem>>[vector<16xi32>], vector<16xi32>,
      %slice3A_1263 = vector.extract_strided_slice %gather3A_1258 {offsets = [0], sizes = [1], strides = [1]} : vector<16xi32> to vector<1xi32>
      %squeeze3A_1264 = vector.extract %slice3A_1263[0] : i32 from vector<1xi32>
      %shift_right_arithmetic3A_1265 = arith.constant 7 : i32
      %shift_right_arithmetic3A_1266 = arith.shrsi %squeeze3A_1264, %shift_right_arithmetic3A_1265 : i32
      %mul3A_1267 = arith.constant 128 : i32
      %mul3A_1268 = arith.muli %shift_right_arithmetic3A_1266, %mul3A_1267 : i32
      %multiple_of3A_1269 = tpu.assume_multiple %mul3A_1268, 128 : i32
      %slice3A_1270 = vector.extract_strided_slice %gather3A_1262 {offsets = [0], sizes = [1], strides = [1]} : vector<16xi32> to vector<1xi32>
      %squeeze3A_1271 = vector.extract %slice3A_1270[0] : i32 from vector<1xi32>
      %shift_right_arithmetic3A_1272 = arith.constant 7 : i32
      %shift_right_arithmetic3A_1273 = arith.shrsi %squeeze3A_1271, %shift_right_arithmetic3A_1272 : i32
      %mul3A_1274 = arith.constant 128 : i32
      %mul3A_1275 = arith.muli %shift_right_arithmetic3A_1273, %mul3A_1274 : i32
      %multiple_of3A_1276 = tpu.assume_multiple %mul3A_1275, 128 : i32
      %dma_start3A_1277 = arith.constant 0 : i32
      %dma_start3A_1278 = arith.constant 0 : i32
      %dma_start3A_1279 = arith.constant 0 : i32
      %dma_start3A_1280 = tpu.memref_slice %arg7[%dma_start3A_1277, %dma_start3A_1278, %dma_start3A_1279] : memref<16x16x128xf32, #tpu.memory_space<vmem>> -> memref<1x16x128xf32, #tpu.memory_space<vmem>>
      %dma_start3A_1281 = tpu.memref_squeeze %dma_start3A_1280 : memref<1x16x128xf32, #tpu.memory_space<vmem>> -> memref<16x128xf32, #tpu.memory_space<vmem>>
      %dma_start3A_1282 = arith.constant 0 : i32
      %dma_start3A_1283 = tpu.memref_slice %arg3[%dma_start3A_1282, %multiple_of3A_1269] : memref<16x1000000xf32, #tpu.memory_space<hbm>> -> memref<16x128xf32, #tpu.memory_space<hbm>>
      %dma_start3A_1284 = arith.constant 0 : i32
      %dma_start3A_1285 = arith.constant 0 : i32
      %dma_start3A_1286 = tpu.memref_slice %arg7[%dma_start3A_1277, %dma_start3A_1284, %dma_start3A_1285] : memref<16x16x128xf32, #tpu.memory_space<vmem>> -> memref<1x16x128xf32, #tpu.memory_space<vmem>>
      %dma_start3A_1287 = tpu.memref_squeeze %dma_start3A_1286 : memref<1x16x128xf32, #tpu.memory_space<vmem>> -> memref<16x128xf32, #tpu.memory_space<vmem>>
      %dma_start3A_1288 = arith.constant 0 : i32
      %dma_start3A_1289 = tpu.memref_slice %arg3[%dma_start3A_1288, %multiple_of3A_1269] : memref<16x1000000xf32, #tpu.memory_space<hbm>> -> memref<16x128xf32, #tpu.memory_space<hbm>>
      tpu.enqueue_dma source(%dma_start3A_1289 : memref<16x128xf32, #tpu.memory_space<hbm>>) target(%dma_start3A_1287 : memref<16x128xf32, #tpu.memory_space<vmem>>) target_semaphore(%arg10 : memref<!tpu.dma_semaphore, #tpu.memory_space<semaphore_mem>>)
      %dma_start3A_1290 = arith.constant 0 : i32
      %dma_start3A_1291 = arith.constant 0 : i32
      %dma_start3A_1292 = arith.constant 0 : i32
      %dma_start3A_1293 = tpu.memref_slice %arg8[%dma_start3A_1290, %dma_start3A_1291, %dma_start3A_1292] : memref<16x16x128xf32, #tpu.memory_space<vmem>> -> memref<1x16x128xf32, #tpu.memory_space<vmem>>
      %dma_start3A_1294 = tpu.memref_squeeze %dma_start3A_1293 : memref<1x16x128xf32, #tpu.memory_space<vmem>> -> memref<16x128xf32, #tpu.memory_space<vmem>>
      %dma_start3A_1295 = arith.constant 0 : i32
      %dma_start3A_1296 = tpu.memref_slice %arg4[%dma_start3A_1295, %multiple_of3A_1276] : memref<16x1000000xf32, #tpu.memory_space<hbm>> -> memref<16x128xf32, #tpu.memory_space<hbm>>
      %dma_start3A_1297 = arith.constant 0 : i32
      %dma_start3A_1298 = arith.constant 0 : i32
      %dma_start3A_1299 = tpu.memref_slice %arg8[%dma_start3A_1290, %dma_start3A_1297, %dma_start3A_1298] : memref<16x16x128xf32, #tpu.memory_space<vmem>> -> memref<1x16x128xf32, #tpu.memory_space<vmem>>
      %dma_start3A_1300 = tpu.memref_squeeze %dma_start3A_1299 : memref<1x16x128xf32, #tpu.memory_space<vmem>> -> memref<16x128xf32, #tpu.memory_space<vmem>>
      %dma_start3A_1301 = arith.constant 0 : i32
      %dma_start3A_1302 = tpu.memref_slice %arg4[%dma_start3A_1301, %multiple_of3A_1276] : memref<16x1000000xf32, #tpu.memory_space<hbm>> -> memref<16x128xf32, #tpu.memory_space<hbm>>
      tpu.enqueue_dma source(%dma_start3A_1302 : memref<16x128xf32, #tpu.memory_space<hbm>>) target(%dma_start3A_1300 : memref<16x128xf32, #tpu.memory_space<vmem>>) target_semaphore(%arg11 : memref<!tpu.dma_semaphore, #tpu.memory_space<semaphore_mem>>)
      %slice3A_1303 = vector.extract_strided_slice %gather3A_1258 {offsets = [1], sizes = [1], strides = [1]} : vector<16xi32> to vector<1xi32>
      %squeeze3A_1304 = vector.extract %slice3A_1303[0] : i32 from vector<1xi32>
      %shift_right_arithmetic3A_1305 = arith.constant 7 : i32
      %shift_right_arithmetic3A_1306 = arith.shrsi %squeeze3A_1304, %shift_right_arithmetic3A_1305 : i32
      %mul3A_1307 = arith.constant 128 : i32
      %mul3A_1308 = arith.muli %shift_right_arithmetic3A_1306, %mul3A_1307 : i32
      %multiple_of3A_1309 = tpu.assume_multiple %mul3A_1308, 128 : i32
      %slice3A_1310 = vector.extract_strided_slice %gather3A_1262 {offsets = [1], sizes = [1], strides = [1]} : vector<16xi32> to vector<1xi32>
      %squeeze3A_1311 = vector.extract %slice3A_1310[0] : i32 from vector<1xi32>
      %shift_right_arithmetic3A_1312 = arith.constant 7 : i32
      %shift_right_arithmetic3A_1313 = arith.shrsi %squeeze3A_1311, %shift_right_arithmetic3A_1312 : i32
      %mul3A_1314 = arith.constant 128 : i32
      %mul3A_1315 = arith.muli %shift_right_arithmetic3A_1313, %mul3A_1314 : i32
      %multiple_of3A_1316 = tpu.assume_multiple %mul3A_1315, 128 : i32
      %dma_start3A_1317 = arith.constant 1 : i32
      %dma_start3A_1318 = arith.constant 0 : i32
      %dma_start3A_1319 = arith.constant 0 : i32
      %dma_start3A_1320 = tpu.memref_slice %arg7[%dma_start3A_1317, %dma_start3A_1318, %dma_start3A_1319] : memref<16x16x128xf32, #tpu.memory_space<vmem>> -> memref<1x16x128xf32, #tpu.memory_space<vmem>>
      %dma_start3A_1321 = tpu.memref_squeeze %dma_start3A_1320 : memref<1x16x128xf32, #tpu.memory_space<vmem>> -> memref<16x128xf32, #tpu.memory_space<vmem>>
      %dma_start3A_1322 = arith.constant 0 : i32
      %dma_start3A_1323 = tpu.memref_slice %arg3[%dma_start3A_1322, %multiple_of3A_1309] : memref<16x1000000xf32, #tpu.memory_space<hbm>> -> memref<16x128xf32, #tpu.memory_space<hbm>>
      %dma_start3A_1324 = arith.constant 0 : i32
      %dma_start3A_1325 = arith.constant 0 : i32
      %dma_start3A_1326 = tpu.memref_slice %arg7[%dma_start3A_1317, %dma_start3A_1324, %dma_start3A_1325] : memref<16x16x128xf32, #tpu.memory_space<vmem>> -> memref<1x16x128xf32, #tpu.memory_space<vmem>>
      %dma_start3A_1327 = tpu.memref_squeeze %dma_start3A_1326 : memref<1x16x128xf32, #tpu.memory_space<vmem>> -> memref<16x128xf32, #tpu.memory_space<vmem>>
      %dma_start3A_1328 = arith.constant 0 : i32
      %dma_start3A_1329 = tpu.memref_slice %arg3[%dma_start3A_1328, %multiple_of3A_1309] : memref<16x1000000xf32, #tpu.memory_space<hbm>> -> memref<16x128xf32, #tpu.memory_space<hbm>>
      tpu.enqueue_dma source(%dma_start3A_1329 : memref<16x128xf32, #tpu.memory_space<hbm>>) target(%dma_start3A_1327 : memref<16x128xf32, #tpu.memory_space<vmem>>) target_semaphore(%arg10 : memref<!tpu.dma_semaphore, #tpu.memory_space<semaphore_mem>>)
      %dma_start3A_1330 = arith.constant 1 : i32
      %dma_start3A_1331 = arith.constant 0 : i32
      %dma_start3A_1332 = arith.constant 0 : i32
      %dma_start3A_1333 = tpu.memref_slice %arg8[%dma_start3A_1330, %dma_start3A_1331, %dma_start3A_1332] : memref<16x16x128xf32, #tpu.memory_space<vmem>> -> memref<1x16x128xf32, #tpu.memory_space<vmem>>
      %dma_start3A_1334 = tpu.memref_squeeze %dma_start3A_1333 : memref<1x16x128xf32, #tpu.memory_space<vmem>> -> memref<16x128xf32, #tpu.memory_space<vmem>>
      %dma_start3A_1335 = arith.constant 0 : i32
      %dma_start3A_1336 = tpu.memref_slice %arg4[%dma_start3A_1335, %multiple_of3A_1316] : memref<16x1000000xf32, #tpu.memory_space<hbm>> -> memref<16x128xf32, #tpu.memory_space<hbm>>
      %dma_start3A_1337 = arith.constant 0 : i32
      %dma_start3A_1338 = arith.constant 0 : i32
      %dma_start3A_1339 = tpu.memref_slice %arg8[%dma_start3A_1330, %dma_start3A_1337, %dma_start3A_1338] : memref<16x16x128xf32, #tpu.memory_space<vmem>> -> memref<1x16x128xf32, #tpu.memory_space<vmem>>
      %dma_start3A_1340 = tpu.memref_squeeze %dma_start3A_1339 : memref<1x16x128xf32, #tpu.memory_space<vmem>> -> memref<16x128xf32, #tpu.memory_space<vmem>>
      %dma_start3A_1341 = arith.constant 0 : i32
      %dma_start3A_1342 = tpu.memref_slice %arg4[%dma_start3A_1341, %multiple_of3A_1316] : memref<16x1000000xf32, #tpu.memory_space<hbm>> -> memref<16x128xf32, #tpu.memory_space<hbm>>
      tpu.enqueue_dma source(%dma_start3A_1342 : memref<16x128xf32, #tpu.memory_space<hbm>>) target(%dma_start3A_1340 : memref<16x128xf32, #tpu.memory_space<vmem>>) target_semaphore(%arg11 : memref<!tpu.dma_semaphore, #tpu.memory_space<semaphore_mem>>)
      %slice3A_1343 = vector.extract_strided_slice %gather3A_1258 {offsets = [2], sizes = [1], strides = [1]} : vector<16xi32> to vector<1xi32>
      %squeeze3A_1344 = vector.extract %slice3A_1343[0] : i32 from vector<1xi32>
      %shift_right_arithmetic3A_1345 = arith.constant 7 : i32
      %shift_right_arithmetic3A_1346 = arith.shrsi %squeeze3A_1344, %shift_right_arithmetic3A_1345 : i32
      %mul3A_1347 = arith.constant 128 : i32
      %mul3A_1348 = arith.muli %shift_right_arithmetic3A_1346, %mul3A_1347 : i32
      %multiple_of3A_1349 = tpu.assume_multiple %mul3A_1348, 128 : i32
      %slice3A_1350 = vector.extract_strided_slice %gather3A_1262 {offsets = [2], sizes = [1], strides = [1]} : vector<16xi32> to vector<1xi32>
      %squeeze3A_1351 = vector.extract %slice3A_1350[0] : i32 from vector<1xi32>
      %shift_right_arithmetic3A_1352 = arith.constant 7 : i32
      %shift_right_arithmetic3A_1353 = arith.shrsi %squeeze3A_1351, %shift_right_arithmetic3A_1352 : i32
      %mul3A_1354 = arith.constant 128 : i32
      %mul3A_1355 = arith.muli %shift_right_arithmetic3A_1353, %mul3A_1354 : i32
      %multiple_of3A_1356 = tpu.assume_multiple %mul3A_1355, 128 : i32
      %dma_start3A_1357 = arith.constant 2 : i32
      %dma_start3A_1358 = arith.constant 0 : i32
      %dma_start3A_1359 = arith.constant 0 : i32
      %dma_start3A_1360 = tpu.memref_slice %arg7[%dma_start3A_1357, %dma_start3A_1358, %dma_start3A_1359] : memref<16x16x128xf32, #tpu.memory_space<vmem>> -> memref<1x16x128xf32, #tpu.memory_space<vmem>>
      %dma_start3A_1361 = tpu.memref_squeeze %dma_start3A_1360 : memref<1x16x128xf32, #tpu.memory_space<vmem>> -> memref<16x128xf32, #tpu.memory_space<vmem>>
      %dma_start3A_1362 = arith.constant 0 : i32
      %dma_start3A_1363 = tpu.memref_slice %arg3[%dma_start3A_1362, %multiple_of3A_1349] : memref<16x1000000xf32, #tpu.memory_space<hbm>> -> memref<16x128xf32, #tpu.memory_space<hbm>>
      %dma_start3A_1364 = arith.constant 0 : i32
      %dma_start3A_1365 = arith.constant 0 : i32
      %dma_start3A_1366 = tpu.memref_slice %arg7[%dma_start3A_1357, %dma_start3A_1364, %dma_start3A_1365] : memref<16x16x128xf32, #tpu.memory_space<vmem>> -> memref<1x16x128xf32, #tpu.memory_space<vmem>>
      %dma_start3A_1367 = tpu.memref_squeeze %dma_start3A_1366 : memref<1x16x128xf32, #tpu.memory_space<vmem>> -> memref<16x128xf32, #tpu.memory_space<vmem>>
      %dma_start3A_1368 = arith.constant 0 : i32
      %dma_start3A_1369 = tpu.memref_slice %arg3[%dma_start3A_1368, %multiple_of3A_1349] : memref<16x1000000xf32, #tpu.memory_space<hbm>> -> memref<16x128xf32, #tpu.memory_space<hbm>>
      tpu.enqueue_dma source(%dma_start3A_1369 : memref<16x128xf32, #tpu.memory_space<hbm>>) target(%dma_start3A_1367 : memref<16x128xf32, #tpu.memory_space<vmem>>) target_semaphore(%arg10 : memref<!tpu.dma_semaphore, #tpu.memory_space<semaphore_mem>>)
      %dma_start3A_1370 = arith.constant 2 : i32
      %dma_start3A_1371 = arith.constant 0 : i32
      %dma_start3A_1372 = arith.constant 0 : i32
      %dma_start3A_1373 = tpu.memref_slice %arg8[%dma_start3A_1370, %dma_start3A_1371, %dma_start3A_1372] : memref<16x16x128xf32, #tpu.memory_space<vmem>> -> memref<1x16x128xf32, #tpu.memory_space<vmem>>
      %dma_start3A_1374 = tpu.memref_squeeze %dma_start3A_1373 : memref<1x16x128xf32, #tpu.memory_space<vmem>> -> memref<16x128xf32, #tpu.memory_space<vmem>>
      %dma_start3A_1375 = arith.constant 0 : i32
      %dma_start3A_1376 = tpu.memref_slice %arg4[%dma_start3A_1375, %multiple_of3A_1356] : memref<16x1000000xf32, #tpu.memory_space<hbm>> -> memref<16x128xf32, #tpu.memory_space<hbm>>
      %dma_start3A_1377 = arith.constant 0 : i32
      %dma_start3A_1378 = arith.constant 0 : i32
      %dma_start3A_1379 = tpu.memref_slice %arg8[%dma_start3A_1370, %dma_start3A_1377, %dma_start3A_1378] : memref<16x16x128xf32, #tpu.memory_space<vmem>> -> memref<1x16x128xf32, #tpu.memory_space<vmem>>
      %dma_start3A_1380 = tpu.memref_squeeze %dma_start3A_1379 : memref<1x16x128xf32, #tpu.memory_space<vmem>> -> memref<16x128xf32, #tpu.memory_space<vmem>>
      %dma_start3A_1381 = arith.constant 0 : i32
      %dma_start3A_1382 = tpu.memref_slice %arg4[%dma_start3A_1381, %multiple_of3A_1356] : memref<16x1000000xf32, #tpu.memory_space<hbm>> -> memref<16x128xf32, #tpu.memory_space<hbm>>
      tpu.enqueue_dma source(%dma_start3A_1382 : memref<16x128xf32, #tpu.memory_space<hbm>>) target(%dma_start3A_1380 : memref<16x128xf32, #tpu.memory_space<vmem>>) target_semaphore(%arg11 : memref<!tpu.dma_semaphore, #tpu.memory_space<semaphore_mem>>)
      %slice3A_1383 = vector.extract_strided_slice %gather3A_1258 {offsets = [3], sizes = [1], strides = [1]} : vector<16xi32> to vector<1xi32>
      %squeeze3A_1384 = vector.extract %slice3A_1383[0] : i32 from vector<1xi32>
      %shift_right_arithmetic3A_1385 = arith.constant 7 : i32
      %shift_right_arithmetic3A_1386 = arith.shrsi %squeeze3A_1384, %shift_right_arithmetic3A_1385 : i32
      %mul3A_1387 = arith.constant 128 : i32
      %mul3A_1388 = arith.muli %shift_right_arithmetic3A_1386, %mul3A_1387 : i32
      %multiple_of3A_1389 = tpu.assume_multiple %mul3A_1388, 128 : i32
      %slice3A_1390 = vector.extract_strided_slice %gather3A_1262 {offsets = [3], sizes = [1], strides = [1]} : vector<16xi32> to vector<1xi32>
      %squeeze3A_1391 = vector.extract %slice3A_1390[0] : i32 from vector<1xi32>
      %shift_right_arithmetic3A_1392 = arith.constant 7 : i32
      %shift_right_arithmetic3A_1393 = arith.shrsi %squeeze3A_1391, %shift_right_arithmetic3A_1392 : i32
      %mul3A_1394 = arith.constant 128 : i32
      %mul3A_1395 = arith.muli %shift_right_arithmetic3A_1393, %mul3A_1394 : i32
      %multiple_of3A_1396 = tpu.assume_multiple %mul3A_1395, 128 : i32
      %dma_start3A_1397 = arith.constant 3 : i32
      %dma_start3A_1398 = arith.constant 0 : i32
      %dma_start3A_1399 = arith.constant 0 : i32
      %dma_start3A_1400 = tpu.memref_slice %arg7[%dma_start3A_1397, %dma_start3A_1398, %dma_start3A_1399] : memref<16x16x128xf32, #tpu.memory_space<vmem>> -> memref<1x16x128xf32, #tpu.memory_space<vmem>>
      %dma_start3A_1401 = tpu.memref_squeeze %dma_start3A_1400 : memref<1x16x128xf32, #tpu.memory_space<vmem>> -> memref<16x128xf32, #tpu.memory_space<vmem>>
      %dma_start3A_1402 = arith.constant 0 : i32
      %dma_start3A_1403 = tpu.memref_slice %arg3[%dma_start3A_1402, %multiple_of3A_1389] : memref<16x1000000xf32, #tpu.memory_space<hbm>> -> memref<16x128xf32, #tpu.memory_space<hbm>>
      %dma_start3A_1404 = arith.constant 0 : i32
      %dma_start3A_1405 = arith.constant 0 : i32
      %dma_start3A_1406 = tpu.memref_slice %arg7[%dma_start3A_1397, %dma_start3A_1404, %dma_start3A_1405] : memref<16x16x128xf32, #tpu.memory_space<vmem>> -> memref<1x16x128xf32, #tpu.memory_space<vmem>>
      %dma_start3A_1407 = tpu.memref_squeeze %dma_start3A_1406 : memref<1x16x128xf32, #tpu.memory_space<vmem>> -> memref<16x128xf32, #tpu.memory_space<vmem>>
      %dma_start3A_1408 = arith.constant 0 : i32
      %dma_start3A_1409 = tpu.memref_slice %arg3[%dma_start3A_1408, %multiple_of3A_1389] : memref<16x1000000xf32, #tpu.memory_space<hbm>> -> memref<16x128xf32, #tpu.memory_space<hbm>>
      tpu.enqueue_dma source(%dma_start3A_1409 : memref<16x128xf32, #tpu.memory_space<hbm>>) target(%dma_start3A_1407 : memref<16x128xf32, #tpu.memory_space<vmem>>) target_semaphore(%arg10 : memref<!tpu.dma_semaphore, #tpu.memory_space<semaphore_mem>>)
      %dma_start3A_1410 = arith.constant 3 : i32
      %dma_start3A_1411 = arith.constant 0 : i32
      %dma_start3A_1412 = arith.constant 0 : i32
      %dma_start3A_1413 = tpu.memref_slice %arg8[%dma_start3A_1410, %dma_start3A_1411, %dma_start3A_1412] : memref<16x16x128xf32, #tpu.memory_space<vmem>> -> memref<1x16x128xf32, #tpu.memory_space<vmem>>
      %dma_start3A_1414 = tpu.memref_squeeze %dma_start3A_1413 : memref<1x16x128xf32, #tpu.memory_space<vmem>> -> memref<16x128xf32, #tpu.memory_space<vmem>>
      %dma_start3A_1415 = arith.constant 0 : i32
      %dma_start3A_1416 = tpu.memref_slice %arg4[%dma_start3A_1415, %multiple_of3A_1396] : memref<16x1000000xf32, #tpu.memory_space<hbm>> -> memref<16x128xf32, #tpu.memory_space<hbm>>
      %dma_start3A_1417 = arith.constant 0 : i32
      %dma_start3A_1418 = arith.constant 0 : i32
      %dma_start3A_1419 = tpu.memref_slice %arg8[%dma_start3A_1410, %dma_start3A_1417, %dma_start3A_1418] : memref<16x16x128xf32, #tpu.memory_space<vmem>> -> memref<1x16x128xf32, #tpu.memory_space<vmem>>
      %dma_start3A_1420 = tpu.memref_squeeze %dma_start3A_1419 : memref<1x16x128xf32, #tpu.memory_space<vmem>> -> memref<16x128xf32, #tpu.memory_space<vmem>>
      %dma_start3A_1421 = arith.constant 0 : i32
      %dma_start3A_1422 = tpu.memref_slice %arg4[%dma_start3A_1421, %multiple_of3A_1396] : memref<16x1000000xf32, #tpu.memory_space<hbm>> -> memref<16x128xf32, #tpu.memory_space<hbm>>
      tpu.enqueue_dma source(%dma_start3A_1422 : memref<16x128xf32, #tpu.memory_space<hbm>>) target(%dma_start3A_1420 : memref<16x128xf32, #tpu.memory_space<vmem>>) target_semaphore(%arg11 : memref<!tpu.dma_semaphore, #tpu.memory_space<semaphore_mem>>)
      %slice3A_1423 = vector.extract_strided_slice %gather3A_1258 {offsets = [4], sizes = [1], strides = [1]} : vector<16xi32> to vector<1xi32>
      %squeeze3A_1424 = vector.extract %slice3A_1423[0] : i32 from vector<1xi32>
      %shift_right_arithmetic3A_1425 = arith.constant 7 : i32
      %shift_right_arithmetic3A_1426 = arith.shrsi %squeeze3A_1424, %shift_right_arithmetic3A_1425 : i32
      %mul3A_1427 = arith.constant 128 : i32
      %mul3A_1428 = arith.muli %shift_right_arithmetic3A_1426, %mul3A_1427 : i32
      %multiple_of3A_1429 = tpu.assume_multiple %mul3A_1428, 128 : i32
      %slice3A_1430 = vector.extract_strided_slice %gather3A_1262 {offsets = [4], sizes = [1], strides = [1]} : vector<16xi32> to vector<1xi32>
      %squeeze3A_1431 = vector.extract %slice3A_1430[0] : i32 from vector<1xi32>
      %shift_right_arithmetic3A_1432 = arith.constant 7 : i32
      %shift_right_arithmetic3A_1433 = arith.shrsi %squeeze3A_1431, %shift_right_arithmetic3A_1432 : i32
      %mul3A_1434 = arith.constant 128 : i32
      %mul3A_1435 = arith.muli %shift_right_arithmetic3A_1433, %mul3A_1434 : i32
      %multiple_of3A_1436 = tpu.assume_multiple %mul3A_1435, 128 : i32
      %dma_start3A_1437 = arith.constant 4 : i32
      %dma_start3A_1438 = arith.constant 0 : i32
      %dma_start3A_1439 = arith.constant 0 : i32
      %dma_start3A_1440 = tpu.memref_slice %arg7[%dma_start3A_1437, %dma_start3A_1438, %dma_start3A_1439] : memref<16x16x128xf32, #tpu.memory_space<vmem>> -> memref<1x16x128xf32, #tpu.memory_space<vmem>>
      %dma_start3A_1441 = tpu.memref_squeeze %dma_start3A_1440 : memref<1x16x128xf32, #tpu.memory_space<vmem>> -> memref<16x128xf32, #tpu.memory_space<vmem>>
      %dma_start3A_1442 = arith.constant 0 : i32
      %dma_start3A_1443 = tpu.memref_slice %arg3[%dma_start3A_1442, %multiple_of3A_1429] : memref<16x1000000xf32, #tpu.memory_space<hbm>> -> memref<16x128xf32, #tpu.memory_space<hbm>>
      %dma_start3A_1444 = arith.constant 0 : i32
      %dma_start3A_1445 = arith.constant 0 : i32
      %dma_start3A_1446 = tpu.memref_slice %arg7[%dma_start3A_1437, %dma_start3A_1444, %dma_start3A_1445] : memref<16x16x128xf32, #tpu.memory_space<vmem>> -> memref<1x16x128xf32, #tpu.memory_space<vmem>>
      %dma_start3A_1447 = tpu.memref_squeeze %dma_start3A_1446 : memref<1x16x128xf32, #tpu.memory_space<vmem>> -> memref<16x128xf32, #tpu.memory_space<vmem>>
      %dma_start3A_1448 = arith.constant 0 : i32
      %dma_start3A_1449 = tpu.memref_slice %arg3[%dma_start3A_1448, %multiple_of3A_1429] : memref<16x1000000xf32, #tpu.memory_space<hbm>> -> memref<16x128xf32, #tpu.memory_space<hbm>>
      tpu.enqueue_dma source(%dma_start3A_1449 : memref<16x128xf32, #tpu.memory_space<hbm>>) target(%dma_start3A_1447 : memref<16x128xf32, #tpu.memory_space<vmem>>) target_semaphore(%arg10 : memref<!tpu.dma_semaphore, #tpu.memory_space<semaphore_mem>>)
      %dma_start3A_1450 = arith.constant 4 : i32
      %dma_start3A_1451 = arith.constant 0 : i32
      %dma_start3A_1452 = arith.constant 0 : i32
      %dma_start3A_1453 = tpu.memref_slice %arg8[%dma_start3A_1450, %dma_start3A_1451, %dma_start3A_1452] : memref<16x16x128xf32, #tpu.memory_space<vmem>> -> memref<1x16x128xf32, #tpu.memory_space<vmem>>
      %dma_start3A_1454 = tpu.memref_squeeze %dma_start3A_1453 : memref<1x16x128xf32, #tpu.memory_space<vmem>> -> memref<16x128xf32, #tpu.memory_space<vmem>>
      %dma_start3A_1455 = arith.constant 0 : i32
      %dma_start3A_1456 = tpu.memref_slice %arg4[%dma_start3A_1455, %multiple_of3A_1436] : memref<16x1000000xf32, #tpu.memory_space<hbm>> -> memref<16x128xf32, #tpu.memory_space<hbm>>
      %dma_start3A_1457 = arith.constant 0 : i32
      %dma_start3A_1458 = arith.constant 0 : i32
      %dma_start3A_1459 = tpu.memref_slice %arg8[%dma_start3A_1450, %dma_start3A_1457, %dma_start3A_1458] : memref<16x16x128xf32, #tpu.memory_space<vmem>> -> memref<1x16x128xf32, #tpu.memory_space<vmem>>
      %dma_start3A_1460 = tpu.memref_squeeze %dma_start3A_1459 : memref<1x16x128xf32, #tpu.memory_space<vmem>> -> memref<16x128xf32, #tpu.memory_space<vmem>>
      %dma_start3A_1461 = arith.constant 0 : i32
      %dma_start3A_1462 = tpu.memref_slice %arg4[%dma_start3A_1461, %multiple_of3A_1436] : memref<16x1000000xf32, #tpu.memory_space<hbm>> -> memref<16x128xf32, #tpu.memory_space<hbm>>
      tpu.enqueue_dma source(%dma_start3A_1462 : memref<16x128xf32, #tpu.memory_space<hbm>>) target(%dma_start3A_1460 : memref<16x128xf32, #tpu.memory_space<vmem>>) target_semaphore(%arg11 : memref<!tpu.dma_semaphore, #tpu.memory_space<semaphore_mem>>)
      %slice3A_1463 = vector.extract_strided_slice %gather3A_1258 {offsets = [5], sizes = [1], strides = [1]} : vector<16xi32> to vector<1xi32>
      %squeeze3A_1464 = vector.extract %slice3A_1463[0] : i32 from vector<1xi32>
      %shift_right_arithmetic3A_1465 = arith.constant 7 : i32
      %shift_right_arithmetic3A_1466 = arith.shrsi %squeeze3A_1464, %shift_right_arithmetic3A_1465 : i32
      %mul3A_1467 = arith.constant 128 : i32
      %mul3A_1468 = arith.muli %shift_right_arithmetic3A_1466, %mul3A_1467 : i32
      %multiple_of3A_1469 = tpu.assume_multiple %mul3A_1468, 128 : i32
      %slice3A_1470 = vector.extract_strided_slice %gather3A_1262 {offsets = [5], sizes = [1], strides = [1]} : vector<16xi32> to vector<1xi32>
      %squeeze3A_1471 = vector.extract %slice3A_1470[0] : i32 from vector<1xi32>
      %shift_right_arithmetic3A_1472 = arith.constant 7 : i32
      %shift_right_arithmetic3A_1473 = arith.shrsi %squeeze3A_1471, %shift_right_arithmetic3A_1472 : i32
      %mul3A_1474 = arith.constant 128 : i32
      %mul3A_1475 = arith.muli %shift_right_arithmetic3A_1473, %mul3A_1474 : i32
      %multiple_of3A_1476 = tpu.assume_multiple %mul3A_1475, 128 : i32
      %dma_start3A_1477 = arith.constant 5 : i32
      %dma_start3A_1478 = arith.constant 0 : i32
      %dma_start3A_1479 = arith.constant 0 : i32
      %dma_start3A_1480 = tpu.memref_slice %arg7[%dma_start3A_1477, %dma_start3A_1478, %dma_start3A_1479] : memref<16x16x128xf32, #tpu.memory_space<vmem>> -> memref<1x16x128xf32, #tpu.memory_space<vmem>>
      %dma_start3A_1481 = tpu.memref_squeeze %dma_start3A_1480 : memref<1x16x128xf32, #tpu.memory_space<vmem>> -> memref<16x128xf32, #tpu.memory_space<vmem>>
      %dma_start3A_1482 = arith.constant 0 : i32
      %dma_start3A_1483 = tpu.memref_slice %arg3[%dma_start3A_1482, %multiple_of3A_1469] : memref<16x1000000xf32, #tpu.memory_space<hbm>> -> memref<16x128xf32, #tpu.memory_space<hbm>>
      %dma_start3A_1484 = arith.constant 0 : i32
      %dma_start3A_1485 = arith.constant 0 : i32
      %dma_start3A_1486 = tpu.memref_slice %arg7[%dma_start3A_1477, %dma_start3A_1484, %dma_start3A_1485] : memref<16x16x128xf32, #tpu.memory_space<vmem>> -> memref<1x16x128xf32, #tpu.memory_space<vmem>>
      %dma_start3A_1487 = tpu.memref_squeeze %dma_start3A_1486 : memref<1x16x128xf32, #tpu.memory_space<vmem>> -> memref<16x128xf32, #tpu.memory_space<vmem>>
      %dma_start3A_1488 = arith.constant 0 : i32
      %dma_start3A_1489 = tpu.memref_slice %arg3[%dma_start3A_1488, %multiple_of3A_1469] : memref<16x1000000xf32, #tpu.memory_space<hbm>> -> memref<16x128xf32, #tpu.memory_space<hbm>>
      tpu.enqueue_dma source(%dma_start3A_1489 : memref<16x128xf32, #tpu.memory_space<hbm>>) target(%dma_start3A_1487 : memref<16x128xf32, #tpu.memory_space<vmem>>) target_semaphore(%arg10 : memref<!tpu.dma_semaphore, #tpu.memory_space<semaphore_mem>>)
      %dma_start3A_1490 = arith.constant 5 : i32
      %dma_start3A_1491 = arith.constant 0 : i32
      %dma_start3A_1492 = arith.constant 0 : i32
      %dma_start3A_1493 = tpu.memref_slice %arg8[%dma_start3A_1490, %dma_start3A_1491, %dma_start3A_1492] : memref<16x16x128xf32, #tpu.memory_space<vmem>> -> memref<1x16x128xf32, #tpu.memory_space<vmem>>
      %dma_start3A_1494 = tpu.memref_squeeze %dma_start3A_1493 : memref<1x16x128xf32, #tpu.memory_space<vmem>> -> memref<16x128xf32, #tpu.memory_space<vmem>>
      %dma_start3A_1495 = arith.constant 0 : i32
      %dma_start3A_1496 = tpu.memref_slice %arg4[%dma_start3A_1495, %multiple_of3A_1476] : memref<16x1000000xf32, #tpu.memory_space<hbm>> -> memref<16x128xf32, #tpu.memory_space<hbm>>
      %dma_start3A_1497 = arith.constant 0 : i32
      %dma_start3A_1498 = arith.constant 0 : i32
      %dma_start3A_1499 = tpu.memref_slice %arg8[%dma_start3A_1490, %dma_start3A_1497, %dma_start3A_1498] : memref<16x16x128xf32, #tpu.memory_space<vmem>> -> memref<1x16x128xf32, #tpu.memory_space<vmem>>
      %dma_start3A_1500 = tpu.memref_squeeze %dma_start3A_1499 : memref<1x16x128xf32, #tpu.memory_space<vmem>> -> memref<16x128xf32, #tpu.memory_space<vmem>>
      %dma_start3A_1501 = arith.constant 0 : i32
      %dma_start3A_1502 = tpu.memref_slice %arg4[%dma_start3A_1501, %multiple_of3A_1476] : memref<16x1000000xf32, #tpu.memory_space<hbm>> -> memref<16x128xf32, #tpu.memory_space<hbm>>
      tpu.enqueue_dma source(%dma_start3A_1502 : memref<16x128xf32, #tpu.memory_space<hbm>>) target(%dma_start3A_1500 : memref<16x128xf32, #tpu.memory_space<vmem>>) target_semaphore(%arg11 : memref<!tpu.dma_semaphore, #tpu.memory_space<semaphore_mem>>)
      %slice3A_1503 = vector.extract_strided_slice %gather3A_1258 {offsets = [6], sizes = [1], strides = [1]} : vector<16xi32> to vector<1xi32>
      %squeeze3A_1504 = vector.extract %slice3A_1503[0] : i32 from vector<1xi32>
      %shift_right_arithmetic3A_1505 = arith.constant 7 : i32
      %shift_right_arithmetic3A_1506 = arith.shrsi %squeeze3A_1504, %shift_right_arithmetic3A_1505 : i32
      %mul3A_1507 = arith.constant 128 : i32
      %mul3A_1508 = arith.muli %shift_right_arithmetic3A_1506, %mul3A_1507 : i32
      %multiple_of3A_1509 = tpu.assume_multiple %mul3A_1508, 128 : i32
      %slice3A_1510 = vector.extract_strided_slice %gather3A_1262 {offsets = [6], sizes = [1], strides = [1]} : vector<16xi32> to vector<1xi32>
      %squeeze3A_1511 = vector.extract %slice3A_1510[0] : i32 from vector<1xi32>
      %shift_right_arithmetic3A_1512 = arith.constant 7 : i32
      %shift_right_arithmetic3A_1513 = arith.shrsi %squeeze3A_1511, %shift_right_arithmetic3A_1512 : i32
      %mul3A_1514 = arith.constant 128 : i32
      %mul3A_1515 = arith.muli %shift_right_arithmetic3A_1513, %mul3A_1514 : i32
      %multiple_of3A_1516 = tpu.assume_multiple %mul3A_1515, 128 : i32
      %dma_start3A_1517 = arith.constant 6 : i32
      %dma_start3A_1518 = arith.constant 0 : i32
      %dma_start3A_1519 = arith.constant 0 : i32
      %dma_start3A_1520 = tpu.memref_slice %arg7[%dma_start3A_1517, %dma_start3A_1518, %dma_start3A_1519] : memref<16x16x128xf32, #tpu.memory_space<vmem>> -> memref<1x16x128xf32, #tpu.memory_space<vmem>>
      %dma_start3A_1521 = tpu.memref_squeeze %dma_start3A_1520 : memref<1x16x128xf32, #tpu.memory_space<vmem>> -> memref<16x128xf32, #tpu.memory_space<vmem>>
      %dma_start3A_1522 = arith.constant 0 : i32
      %dma_start3A_1523 = tpu.memref_slice %arg3[%dma_start3A_1522, %multiple_of3A_1509] : memref<16x1000000xf32, #tpu.memory_space<hbm>> -> memref<16x128xf32, #tpu.memory_space<hbm>>
      %dma_start3A_1524 = arith.constant 0 : i32
      %dma_start3A_1525 = arith.constant 0 : i32
      %dma_start3A_1526 = tpu.memref_slice %arg7[%dma_start3A_1517, %dma_start3A_1524, %dma_start3A_1525] : memref<16x16x128xf32, #tpu.memory_space<vmem>> -> memref<1x16x128xf32, #tpu.memory_space<vmem>>
      %dma_start3A_1527 = tpu.memref_squeeze %dma_start3A_1526 : memref<1x16x128xf32, #tpu.memory_space<vmem>> -> memref<16x128xf32, #tpu.memory_space<vmem>>
      %dma_start3A_1528 = arith.constant 0 : i32
      %dma_start3A_1529 = tpu.memref_slice %arg3[%dma_start3A_1528, %multiple_of3A_1509] : memref<16x1000000xf32, #tpu.memory_space<hbm>> -> memref<16x128xf32, #tpu.memory_space<hbm>>
      tpu.enqueue_dma source(%dma_start3A_1529 : memref<16x128xf32, #tpu.memory_space<hbm>>) target(%dma_start3A_1527 : memref<16x128xf32, #tpu.memory_space<vmem>>) target_semaphore(%arg10 : memref<!tpu.dma_semaphore, #tpu.memory_space<semaphore_mem>>)
      %dma_start3A_1530 = arith.constant 6 : i32
      %dma_start3A_1531 = arith.constant 0 : i32
      %dma_start3A_1532 = arith.constant 0 : i32
      %dma_start3A_1533 = tpu.memref_slice %arg8[%dma_start3A_1530, %dma_start3A_1531, %dma_start3A_1532] : memref<16x16x128xf32, #tpu.memory_space<vmem>> -> memref<1x16x128xf32, #tpu.memory_space<vmem>>
      %dma_start3A_1534 = tpu.memref_squeeze %dma_start3A_1533 : memref<1x16x128xf32, #tpu.memory_space<vmem>> -> memref<16x128xf32, #tpu.memory_space<vmem>>
      %dma_start3A_1535 = arith.constant 0 : i32
      %dma_start3A_1536 = tpu.memref_slice %arg4[%dma_start3A_1535, %multiple_of3A_1516] : memref<16x1000000xf32, #tpu.memory_space<hbm>> -> memref<16x128xf32, #tpu.memory_space<hbm>>
      %dma_start3A_1537 = arith.constant 0 : i32
      %dma_start3A_1538 = arith.constant 0 : i32
      %dma_start3A_1539 = tpu.memref_slice %arg8[%dma_start3A_1530, %dma_start3A_1537, %dma_start3A_1538] : memref<16x16x128xf32, #tpu.memory_space<vmem>> -> memref<1x16x128xf32, #tpu.memory_space<vmem>>
      %dma_start3A_1540 = tpu.memref_squeeze %dma_start3A_1539 : memref<1x16x128xf32, #tpu.memory_space<vmem>> -> memref<16x128xf32, #tpu.memory_space<vmem>>
      %dma_start3A_1541 = arith.constant 0 : i32
      %dma_start3A_1542 = tpu.memref_slice %arg4[%dma_start3A_1541, %multiple_of3A_1516] : memref<16x1000000xf32, #tpu.memory_space<hbm>> -> memref<16x128xf32, #tpu.memory_space<hbm>>
      tpu.enqueue_dma source(%dma_start3A_1542 : memref<16x128xf32, #tpu.memory_space<hbm>>) target(%dma_start3A_1540 : memref<16x128xf32, #tpu.memory_space<vmem>>) target_semaphore(%arg11 : memref<!tpu.dma_semaphore, #tpu.memory_space<semaphore_mem>>)
      %slice3A_1543 = vector.extract_strided_slice %gather3A_1258 {offsets = [7], sizes = [1], strides = [1]} : vector<16xi32> to vector<1xi32>
      %squeeze3A_1544 = vector.extract %slice3A_1543[0] : i32 from vector<1xi32>
      %shift_right_arithmetic3A_1545 = arith.constant 7 : i32
      %shift_right_arithmetic3A_1546 = arith.shrsi %squeeze3A_1544, %shift_right_arithmetic3A_1545 : i32
      %mul3A_1547 = arith.constant 128 : i32
      %mul3A_1548 = arith.muli %shift_right_arithmetic3A_1546, %mul3A_1547 : i32
      %multiple_of3A_1549 = tpu.assume_multiple %mul3A_1548, 128 : i32
      %slice3A_1550 = vector.extract_strided_slice %gather3A_1262 {offsets = [7], sizes = [1], strides = [1]} : vector<16xi32> to vector<1xi32>
      %squeeze3A_1551 = vector.extract %slice3A_1550[0] : i32 from vector<1xi32>
      %shift_right_arithmetic3A_1552 = arith.constant 7 : i32
      %shift_right_arithmetic3A_1553 = arith.shrsi %squeeze3A_1551, %shift_right_arithmetic3A_1552 : i32
      %mul3A_1554 = arith.constant 128 : i32
      %mul3A_1555 = arith.muli %shift_right_arithmetic3A_1553, %mul3A_1554 : i32
      %multiple_of3A_1556 = tpu.assume_multiple %mul3A_1555, 128 : i32
      %dma_start3A_1557 = arith.constant 7 : i32
      %dma_start3A_1558 = arith.constant 0 : i32
      %dma_start3A_1559 = arith.constant 0 : i32
      %dma_start3A_1560 = tpu.memref_slice %arg7[%dma_start3A_1557, %dma_start3A_1558, %dma_start3A_1559] : memref<16x16x128xf32, #tpu.memory_space<vmem>> -> memref<1x16x128xf32, #tpu.memory_space<vmem>>
      %dma_start3A_1561 = tpu.memref_squeeze %dma_start3A_1560 : memref<1x16x128xf32, #tpu.memory_space<vmem>> -> memref<16x128xf32, #tpu.memory_space<vmem>>
      %dma_start3A_1562 = arith.constant 0 : i32
      %dma_start3A_1563 = tpu.memref_slice %arg3[%dma_start3A_1562, %multiple_of3A_1549] : memref<16x1000000xf32, #tpu.memory_space<hbm>> -> memref<16x128xf32, #tpu.memory_space<hbm>>
      %dma_start3A_1564 = arith.constant 0 : i32
      %dma_start3A_1565 = arith.constant 0 : i32
      %dma_start3A_1566 = tpu.memref_slice %arg7[%dma_start3A_1557, %dma_start3A_1564, %dma_start3A_1565] : memref<16x16x128xf32, #tpu.memory_space<vmem>> -> memref<1x16x128xf32, #tpu.memory_space<vmem>>
      %dma_start3A_1567 = tpu.memref_squeeze %dma_start3A_1566 : memref<1x16x128xf32, #tpu.memory_space<vmem>> -> memref<16x128xf32, #tpu.memory_space<vmem>>
      %dma_start3A_1568 = arith.constant 0 : i32
      %dma_start3A_1569 = tpu.memref_slice %arg3[%dma_start3A_1568, %multiple_of3A_1549] : memref<16x1000000xf32, #tpu.memory_space<hbm>> -> memref<16x128xf32, #tpu.memory_space<hbm>>
      tpu.enqueue_dma source(%dma_start3A_1569 : memref<16x128xf32, #tpu.memory_space<hbm>>) target(%dma_start3A_1567 : memref<16x128xf32, #tpu.memory_space<vmem>>) target_semaphore(%arg10 : memref<!tpu.dma_semaphore, #tpu.memory_space<semaphore_mem>>)
      %dma_start3A_1570 = arith.constant 7 : i32
      %dma_start3A_1571 = arith.constant 0 : i32
      %dma_start3A_1572 = arith.constant 0 : i32
      %dma_start3A_1573 = tpu.memref_slice %arg8[%dma_start3A_1570, %dma_start3A_1571, %dma_start3A_1572] : memref<16x16x128xf32, #tpu.memory_space<vmem>> -> memref<1x16x128xf32, #tpu.memory_space<vmem>>
      %dma_start3A_1574 = tpu.memref_squeeze %dma_start3A_1573 : memref<1x16x128xf32, #tpu.memory_space<vmem>> -> memref<16x128xf32, #tpu.memory_space<vmem>>
      %dma_start3A_1575 = arith.constant 0 : i32
      %dma_start3A_1576 = tpu.memref_slice %arg4[%dma_start3A_1575, %multiple_of3A_1556] : memref<16x1000000xf32, #tpu.memory_space<hbm>> -> memref<16x128xf32, #tpu.memory_space<hbm>>
      %dma_start3A_1577 = arith.constant 0 : i32
      %dma_start3A_1578 = arith.constant 0 : i32
      %dma_start3A_1579 = tpu.memref_slice %arg8[%dma_start3A_1570, %dma_start3A_1577, %dma_start3A_1578] : memref<16x16x128xf32, #tpu.memory_space<vmem>> -> memref<1x16x128xf32, #tpu.memory_space<vmem>>
      %dma_start3A_1580 = tpu.memref_squeeze %dma_start3A_1579 : memref<1x16x128xf32, #tpu.memory_space<vmem>> -> memref<16x128xf32, #tpu.memory_space<vmem>>
      %dma_start3A_1581 = arith.constant 0 : i32
      %dma_start3A_1582 = tpu.memref_slice %arg4[%dma_start3A_1581, %multiple_of3A_1556] : memref<16x1000000xf32, #tpu.memory_space<hbm>> -> memref<16x128xf32, #tpu.memory_space<hbm>>
      tpu.enqueue_dma source(%dma_start3A_1582 : memref<16x128xf32, #tpu.memory_space<hbm>>) target(%dma_start3A_1580 : memref<16x128xf32, #tpu.memory_space<vmem>>) target_semaphore(%arg11 : memref<!tpu.dma_semaphore, #tpu.memory_space<semaphore_mem>>)
      %slice3A_1583 = vector.extract_strided_slice %gather3A_1258 {offsets = [8], sizes = [1], strides = [1]} : vector<16xi32> to vector<1xi32>
      %squeeze3A_1584 = vector.extract %slice3A_1583[0] : i32 from vector<1xi32>
      %shift_right_arithmetic3A_1585 = arith.constant 7 : i32
      %shift_right_arithmetic3A_1586 = arith.shrsi %squeeze3A_1584, %shift_right_arithmetic3A_1585 : i32
      %mul3A_1587 = arith.constant 128 : i32
      %mul3A_1588 = arith.muli %shift_right_arithmetic3A_1586, %mul3A_1587 : i32
      %multiple_of3A_1589 = tpu.assume_multiple %mul3A_1588, 128 : i32
      %slice3A_1590 = vector.extract_strided_slice %gather3A_1262 {offsets = [8], sizes = [1], strides = [1]} : vector<16xi32> to vector<1xi32>
      %squeeze3A_1591 = vector.extract %slice3A_1590[0] : i32 from vector<1xi32>
      %shift_right_arithmetic3A_1592 = arith.constant 7 : i32
      %shift_right_arithmetic3A_1593 = arith.shrsi %squeeze3A_1591, %shift_right_arithmetic3A_1592 : i32
      %mul3A_1594 = arith.constant 128 : i32
      %mul3A_1595 = arith.muli %shift_right_arithmetic3A_1593, %mul3A_1594 : i32
      %multiple_of3A_1596 = tpu.assume_multiple %mul3A_1595, 128 : i32
      %dma_start3A_1597 = arith.constant 8 : i32
      %dma_start3A_1598 = arith.constant 0 : i32
      %dma_start3A_1599 = arith.constant 0 : i32
      %dma_start3A_1600 = tpu.memref_slice %arg7[%dma_start3A_1597, %dma_start3A_1598, %dma_start3A_1599] : memref<16x16x128xf32, #tpu.memory_space<vmem>> -> memref<1x16x128xf32, #tpu.memory_space<vmem>>
      %dma_start3A_1601 = tpu.memref_squeeze %dma_start3A_1600 : memref<1x16x128xf32, #tpu.memory_space<vmem>> -> memref<16x128xf32, #tpu.memory_space<vmem>>
      %dma_start3A_1602 = arith.constant 0 : i32
      %dma_start3A_1603 = tpu.memref_slice %arg3[%dma_start3A_1602, %multiple_of3A_1589] : memref<16x1000000xf32, #tpu.memory_space<hbm>> -> memref<16x128xf32, #tpu.memory_space<hbm>>
      %dma_start3A_1604 = arith.constant 0 : i32
      %dma_start3A_1605 = arith.constant 0 : i32
      %dma_start3A_1606 = tpu.memref_slice %arg7[%dma_start3A_1597, %dma_start3A_1604, %dma_start3A_1605] : memref<16x16x128xf32, #tpu.memory_space<vmem>> -> memref<1x16x128xf32, #tpu.memory_space<vmem>>
      %dma_start3A_1607 = tpu.memref_squeeze %dma_start3A_1606 : memref<1x16x128xf32, #tpu.memory_space<vmem>> -> memref<16x128xf32, #tpu.memory_space<vmem>>
      %dma_start3A_1608 = arith.constant 0 : i32
      %dma_start3A_1609 = tpu.memref_slice %arg3[%dma_start3A_1608, %multiple_of3A_1589] : memref<16x1000000xf32, #tpu.memory_space<hbm>> -> memref<16x128xf32, #tpu.memory_space<hbm>>
      tpu.enqueue_dma source(%dma_start3A_1609 : memref<16x128xf32, #tpu.memory_space<hbm>>) target(%dma_start3A_1607 : memref<16x128xf32, #tpu.memory_space<vmem>>) target_semaphore(%arg10 : memref<!tpu.dma_semaphore, #tpu.memory_space<semaphore_mem>>)
      %dma_start3A_1610 = arith.constant 8 : i32
      %dma_start3A_1611 = arith.constant 0 : i32
      %dma_start3A_1612 = arith.constant 0 : i32
      %dma_start3A_1613 = tpu.memref_slice %arg8[%dma_start3A_1610, %dma_start3A_1611, %dma_start3A_1612] : memref<16x16x128xf32, #tpu.memory_space<vmem>> -> memref<1x16x128xf32, #tpu.memory_space<vmem>>
      %dma_start3A_1614 = tpu.memref_squeeze %dma_start3A_1613 : memref<1x16x128xf32, #tpu.memory_space<vmem>> -> memref<16x128xf32, #tpu.memory_space<vmem>>
      %dma_start3A_1615 = arith.constant 0 : i32
      %dma_start3A_1616 = tpu.memref_slice %arg4[%dma_start3A_1615, %multiple_of3A_1596] : memref<16x1000000xf32, #tpu.memory_space<hbm>> -> memref<16x128xf32, #tpu.memory_space<hbm>>
      %dma_start3A_1617 = arith.constant 0 : i32
      %dma_start3A_1618 = arith.constant 0 : i32
      %dma_start3A_1619 = tpu.memref_slice %arg8[%dma_start3A_1610, %dma_start3A_1617, %dma_start3A_1618] : memref<16x16x128xf32, #tpu.memory_space<vmem>> -> memref<1x16x128xf32, #tpu.memory_space<vmem>>
      %dma_start3A_1620 = tpu.memref_squeeze %dma_start3A_1619 : memref<1x16x128xf32, #tpu.memory_space<vmem>> -> memref<16x128xf32, #tpu.memory_space<vmem>>
      %dma_start3A_1621 = arith.constant 0 : i32
      %dma_start3A_1622 = tpu.memref_slice %arg4[%dma_start3A_1621, %multiple_of3A_1596] : memref<16x1000000xf32, #tpu.memory_space<hbm>> -> memref<16x128xf32, #tpu.memory_space<hbm>>
      tpu.enqueue_dma source(%dma_start3A_1622 : memref<16x128xf32, #tpu.memory_space<hbm>>) target(%dma_start3A_1620 : memref<16x128xf32, #tpu.memory_space<vmem>>) target_semaphore(%arg11 : memref<!tpu.dma_semaphore, #tpu.memory_space<semaphore_mem>>)
      %slice3A_1623 = vector.extract_strided_slice %gather3A_1258 {offsets = [9], sizes = [1], strides = [1]} : vector<16xi32> to vector<1xi32>
      %squeeze3A_1624 = vector.extract %slice3A_1623[0] : i32 from vector<1xi32>
      %shift_right_arithmetic3A_1625 = arith.constant 7 : i32
      %shift_right_arithmetic3A_1626 = arith.shrsi %squeeze3A_1624, %shift_right_arithmetic3A_1625 : i32
      %mul3A_1627 = arith.constant 128 : i32
      %mul3A_1628 = arith.muli %shift_right_arithmetic3A_1626, %mul3A_1627 : i32
      %multiple_of3A_1629 = tpu.assume_multiple %mul3A_1628, 128 : i32
      %slice3A_1630 = vector.extract_strided_slice %gather3A_1262 {offsets = [9], sizes = [1], strides = [1]} : vector<16xi32> to vector<1xi32>
      %squeeze3A_1631 = vector.extract %slice3A_1630[0] : i32 from vector<1xi32>
      %shift_right_arithmetic3A_1632 = arith.constant 7 : i32
      %shift_right_arithmetic3A_1633 = arith.shrsi %squeeze3A_1631, %shift_right_arithmetic3A_1632 : i32
      %mul3A_1634 = arith.constant 128 : i32
      %mul3A_1635 = arith.muli %shift_right_arithmetic3A_1633, %mul3A_1634 : i32
      %multiple_of3A_1636 = tpu.assume_multiple %mul3A_1635, 128 : i32
      %dma_start3A_1637 = arith.constant 9 : i32
      %dma_start3A_1638 = arith.constant 0 : i32
      %dma_start3A_1639 = arith.constant 0 : i32
      %dma_start3A_1640 = tpu.memref_slice %arg7[%dma_start3A_1637, %dma_start3A_1638, %dma_start3A_1639] : memref<16x16x128xf32, #tpu.memory_space<vmem>> -> memref<1x16x128xf32, #tpu.memory_space<vmem>>
      %dma_start3A_1641 = tpu.memref_squeeze %dma_start3A_1640 : memref<1x16x128xf32, #tpu.memory_space<vmem>> -> memref<16x128xf32, #tpu.memory_space<vmem>>
      %dma_start3A_1642 = arith.constant 0 : i32
      %dma_start3A_1643 = tpu.memref_slice %arg3[%dma_start3A_1642, %multiple_of3A_1629] : memref<16x1000000xf32, #tpu.memory_space<hbm>> -> memref<16x128xf32, #tpu.memory_space<hbm>>
      %dma_start3A_1644 = arith.constant 0 : i32
      %dma_start3A_1645 = arith.constant 0 : i32
      %dma_start3A_1646 = tpu.memref_slice %arg7[%dma_start3A_1637, %dma_start3A_1644, %dma_start3A_1645] : memref<16x16x128xf32, #tpu.memory_space<vmem>> -> memref<1x16x128xf32, #tpu.memory_space<vmem>>
      %dma_start3A_1647 = tpu.memref_squeeze %dma_start3A_1646 : memref<1x16x128xf32, #tpu.memory_space<vmem>> -> memref<16x128xf32, #tpu.memory_space<vmem>>
      %dma_start3A_1648 = arith.constant 0 : i32
      %dma_start3A_1649 = tpu.memref_slice %arg3[%dma_start3A_1648, %multiple_of3A_1629] : memref<16x1000000xf32, #tpu.memory_space<hbm>> -> memref<16x128xf32, #tpu.memory_space<hbm>>
      tpu.enqueue_dma source(%dma_start3A_1649 : memref<16x128xf32, #tpu.memory_space<hbm>>) target(%dma_start3A_1647 : memref<16x128xf32, #tpu.memory_space<vmem>>) target_semaphore(%arg10 : memref<!tpu.dma_semaphore, #tpu.memory_space<semaphore_mem>>)
      %dma_start3A_1650 = arith.constant 9 : i32
      %dma_start3A_1651 = arith.constant 0 : i32
      %dma_start3A_1652 = arith.constant 0 : i32
      %dma_start3A_1653 = tpu.memref_slice %arg8[%dma_start3A_1650, %dma_start3A_1651, %dma_start3A_1652] : memref<16x16x128xf32, #tpu.memory_space<vmem>> -> memref<1x16x128xf32, #tpu.memory_space<vmem>>
      %dma_start3A_1654 = tpu.memref_squeeze %dma_start3A_1653 : memref<1x16x128xf32, #tpu.memory_space<vmem>> -> memref<16x128xf32, #tpu.memory_space<vmem>>
      %dma_start3A_1655 = arith.constant 0 : i32
      %dma_start3A_1656 = tpu.memref_slice %arg4[%dma_start3A_1655, %multiple_of3A_1636] : memref<16x1000000xf32, #tpu.memory_space<hbm>> -> memref<16x128xf32, #tpu.memory_space<hbm>>
      %dma_start3A_1657 = arith.constant 0 : i32
      %dma_start3A_1658 = arith.constant 0 : i32
      %dma_start3A_1659 = tpu.memref_slice %arg8[%dma_start3A_1650, %dma_start3A_1657, %dma_start3A_1658] : memref<16x16x128xf32, #tpu.memory_space<vmem>> -> memref<1x16x128xf32, #tpu.memory_space<vmem>>
      %dma_start3A_1660 = tpu.memref_squeeze %dma_start3A_1659 : memref<1x16x128xf32, #tpu.memory_space<vmem>> -> memref<16x128xf32, #tpu.memory_space<vmem>>
      %dma_start3A_1661 = arith.constant 0 : i32
      %dma_start3A_1662 = tpu.memref_slice %arg4[%dma_start3A_1661, %multiple_of3A_1636] : memref<16x1000000xf32, #tpu.memory_space<hbm>> -> memref<16x128xf32, #tpu.memory_space<hbm>>
      tpu.enqueue_dma source(%dma_start3A_1662 : memref<16x128xf32, #tpu.memory_space<hbm>>) target(%dma_start3A_1660 : memref<16x128xf32, #tpu.memory_space<vmem>>) target_semaphore(%arg11 : memref<!tpu.dma_semaphore, #tpu.memory_space<semaphore_mem>>)
      %slice3A_1663 = vector.extract_strided_slice %gather3A_1258 {offsets = [10], sizes = [1], strides = [1]} : vector<16xi32> to vector<1xi32>
      %squeeze3A_1664 = vector.extract %slice3A_1663[0] : i32 from vector<1xi32>
      %shift_right_arithmetic3A_1665 = arith.constant 7 : i32
      %shift_right_arithmetic3A_1666 = arith.shrsi %squeeze3A_1664, %shift_right_arithmetic3A_1665 : i32
      %mul3A_1667 = arith.constant 128 : i32
      %mul3A_1668 = arith.muli %shift_right_arithmetic3A_1666, %mul3A_1667 : i32
      %multiple_of3A_1669 = tpu.assume_multiple %mul3A_1668, 128 : i32
      %slice3A_1670 = vector.extract_strided_slice %gather3A_1262 {offsets = [10], sizes = [1], strides = [1]} : vector<16xi32> to vector<1xi32>
      %squeeze3A_1671 = vector.extract %slice3A_1670[0] : i32 from vector<1xi32>
      %shift_right_arithmetic3A_1672 = arith.constant 7 : i32
      %shift_right_arithmetic3A_1673 = arith.shrsi %squeeze3A_1671, %shift_right_arithmetic3A_1672 : i32
      %mul3A_1674 = arith.constant 128 : i32
      %mul3A_1675 = arith.muli %shift_right_arithmetic3A_1673, %mul3A_1674 : i32
      %multiple_of3A_1676 = tpu.assume_multiple %mul3A_1675, 128 : i32
      %dma_start3A_1677 = arith.constant 10 : i32
      %dma_start3A_1678 = arith.constant 0 : i32
      %dma_start3A_1679 = arith.constant 0 : i32
      %dma_start3A_1680 = tpu.memref_slice %arg7[%dma_start3A_1677, %dma_start3A_1678, %dma_start3A_1679] : memref<16x16x128xf32, #tpu.memory_space<vmem>> -> memref<1x16x128xf32, #tpu.memory_space<vmem>>
      %dma_start3A_1681 = tpu.memref_squeeze %dma_start3A_1680 : memref<1x16x128xf32, #tpu.memory_space<vmem>> -> memref<16x128xf32, #tpu.memory_space<vmem>>
      %dma_start3A_1682 = arith.constant 0 : i32
      %dma_start3A_1683 = tpu.memref_slice %arg3[%dma_start3A_1682, %multiple_of3A_1669] : memref<16x1000000xf32, #tpu.memory_space<hbm>> -> memref<16x128xf32, #tpu.memory_space<hbm>>
      %dma_start3A_1684 = arith.constant 0 : i32
      %dma_start3A_1685 = arith.constant 0 : i32
      %dma_start3A_1686 = tpu.memref_slice %arg7[%dma_start3A_1677, %dma_start3A_1684, %dma_start3A_1685] : memref<16x16x128xf32, #tpu.memory_space<vmem>> -> memref<1x16x128xf32, #tpu.memory_space<vmem>>
      %dma_start3A_1687 = tpu.memref_squeeze %dma_start3A_1686 : memref<1x16x128xf32, #tpu.memory_space<vmem>> -> memref<16x128xf32, #tpu.memory_space<vmem>>
      %dma_start3A_1688 = arith.constant 0 : i32
      %dma_start3A_1689 = tpu.memref_slice %arg3[%dma_start3A_1688, %multiple_of3A_1669] : memref<16x1000000xf32, #tpu.memory_space<hbm>> -> memref<16x128xf32, #tpu.memory_space<hbm>>
      tpu.enqueue_dma source(%dma_start3A_1689 : memref<16x128xf32, #tpu.memory_space<hbm>>) target(%dma_start3A_1687 : memref<16x128xf32, #tpu.memory_space<vmem>>) target_semaphore(%arg10 : memref<!tpu.dma_semaphore, #tpu.memory_space<semaphore_mem>>)
      %dma_start3A_1690 = arith.constant 10 : i32
      %dma_start3A_1691 = arith.constant 0 : i32
      %dma_start3A_1692 = arith.constant 0 : i32
      %dma_start3A_1693 = tpu.memref_slice %arg8[%dma_start3A_1690, %dma_start3A_1691, %dma_start3A_1692] : memref<16x16x128xf32, #tpu.memory_space<vmem>> -> memref<1x16x128xf32, #tpu.memory_space<vmem>>
      %dma_start3A_1694 = tpu.memref_squeeze %dma_start3A_1693 : memref<1x16x128xf32, #tpu.memory_space<vmem>> -> memref<16x128xf32, #tpu.memory_space<vmem>>
      %dma_start3A_1695 = arith.constant 0 : i32
      %dma_start3A_1696 = tpu.memref_slice %arg4[%dma_start3A_1695, %multiple_of3A_1676] : memref<16x1000000xf32, #tpu.memory_space<hbm>> -> memref<16x128xf32, #tpu.memory_space<hbm>>
      %dma_start3A_1697 = arith.constant 0 : i32
      %dma_start3A_1698 = arith.constant 0 : i32
      %dma_start3A_1699 = tpu.memref_slice %arg8[%dma_start3A_1690, %dma_start3A_1697, %dma_start3A_1698] : memref<16x16x128xf32, #tpu.memory_space<vmem>> -> memref<1x16x128xf32, #tpu.memory_space<vmem>>
      %dma_start3A_1700 = tpu.memref_squeeze %dma_start3A_1699 : memref<1x16x128xf32, #tpu.memory_space<vmem>> -> memref<16x128xf32, #tpu.memory_space<vmem>>
      %dma_start3A_1701 = arith.constant 0 : i32
      %dma_start3A_1702 = tpu.memref_slice %arg4[%dma_start3A_1701, %multiple_of3A_1676] : memref<16x1000000xf32, #tpu.memory_space<hbm>> -> memref<16x128xf32, #tpu.memory_space<hbm>>
      tpu.enqueue_dma source(%dma_start3A_1702 : memref<16x128xf32, #tpu.memory_space<hbm>>) target(%dma_start3A_1700 : memref<16x128xf32, #tpu.memory_space<vmem>>) target_semaphore(%arg11 : memref<!tpu.dma_semaphore, #tpu.memory_space<semaphore_mem>>)
      %slice3A_1703 = vector.extract_strided_slice %gather3A_1258 {offsets = [11], sizes = [1], strides = [1]} : vector<16xi32> to vector<1xi32>
      %squeeze3A_1704 = vector.extract %slice3A_1703[0] : i32 from vector<1xi32>
      %shift_right_arithmetic3A_1705 = arith.constant 7 : i32
      %shift_right_arithmetic3A_1706 = arith.shrsi %squeeze3A_1704, %shift_right_arithmetic3A_1705 : i32
      %mul3A_1707 = arith.constant 128 : i32
      %mul3A_1708 = arith.muli %shift_right_arithmetic3A_1706, %mul3A_1707 : i32
      %multiple_of3A_1709 = tpu.assume_multiple %mul3A_1708, 128 : i32
      %slice3A_1710 = vector.extract_strided_slice %gather3A_1262 {offsets = [11], sizes = [1], strides = [1]} : vector<16xi32> to vector<1xi32>
      %squeeze3A_1711 = vector.extract %slice3A_1710[0] : i32 from vector<1xi32>
      %shift_right_arithmetic3A_1712 = arith.constant 7 : i32
      %shift_right_arithmetic3A_1713 = arith.shrsi %squeeze3A_1711, %shift_right_arithmetic3A_1712 : i32
      %mul3A_1714 = arith.constant 128 : i32
      %mul3A_1715 = arith.muli %shift_right_arithmetic3A_1713, %mul3A_1714 : i32
      %multiple_of3A_1716 = tpu.assume_multiple %mul3A_1715, 128 : i32
      %dma_start3A_1717 = arith.constant 11 : i32
      %dma_start3A_1718 = arith.constant 0 : i32
      %dma_start3A_1719 = arith.constant 0 : i32
      %dma_start3A_1720 = tpu.memref_slice %arg7[%dma_start3A_1717, %dma_start3A_1718, %dma_start3A_1719] : memref<16x16x128xf32, #tpu.memory_space<vmem>> -> memref<1x16x128xf32, #tpu.memory_space<vmem>>
      %dma_start3A_1721 = tpu.memref_squeeze %dma_start3A_1720 : memref<1x16x128xf32, #tpu.memory_space<vmem>> -> memref<16x128xf32, #tpu.memory_space<vmem>>
      %dma_start3A_1722 = arith.constant 0 : i32
      %dma_start3A_1723 = tpu.memref_slice %arg3[%dma_start3A_1722, %multiple_of3A_1709] : memref<16x1000000xf32, #tpu.memory_space<hbm>> -> memref<16x128xf32, #tpu.memory_space<hbm>>
      %dma_start3A_1724 = arith.constant 0 : i32
      %dma_start3A_1725 = arith.constant 0 : i32
      %dma_start3A_1726 = tpu.memref_slice %arg7[%dma_start3A_1717, %dma_start3A_1724, %dma_start3A_1725] : memref<16x16x128xf32, #tpu.memory_space<vmem>> -> memref<1x16x128xf32, #tpu.memory_space<vmem>>
      %dma_start3A_1727 = tpu.memref_squeeze %dma_start3A_1726 : memref<1x16x128xf32, #tpu.memory_space<vmem>> -> memref<16x128xf32, #tpu.memory_space<vmem>>
      %dma_start3A_1728 = arith.constant 0 : i32
      %dma_start3A_1729 = tpu.memref_slice %arg3[%dma_start3A_1728, %multiple_of3A_1709] : memref<16x1000000xf32, #tpu.memory_space<hbm>> -> memref<16x128xf32, #tpu.memory_space<hbm>>
      tpu.enqueue_dma source(%dma_start3A_1729 : memref<16x128xf32, #tpu.memory_space<hbm>>) target(%dma_start3A_1727 : memref<16x128xf32, #tpu.memory_space<vmem>>) target_semaphore(%arg10 : memref<!tpu.dma_semaphore, #tpu.memory_space<semaphore_mem>>)
      %dma_start3A_1730 = arith.constant 11 : i32
      %dma_start3A_1731 = arith.constant 0 : i32
      %dma_start3A_1732 = arith.constant 0 : i32
      %dma_start3A_1733 = tpu.memref_slice %arg8[%dma_start3A_1730, %dma_start3A_1731, %dma_start3A_1732] : memref<16x16x128xf32, #tpu.memory_space<vmem>> -> memref<1x16x128xf32, #tpu.memory_space<vmem>>
      %dma_start3A_1734 = tpu.memref_squeeze %dma_start3A_1733 : memref<1x16x128xf32, #tpu.memory_space<vmem>> -> memref<16x128xf32, #tpu.memory_space<vmem>>
      %dma_start3A_1735 = arith.constant 0 : i32
      %dma_start3A_1736 = tpu.memref_slice %arg4[%dma_start3A_1735, %multiple_of3A_1716] : memref<16x1000000xf32, #tpu.memory_space<hbm>> -> memref<16x128xf32, #tpu.memory_space<hbm>>
      %dma_start3A_1737 = arith.constant 0 : i32
      %dma_start3A_1738 = arith.constant 0 : i32
      %dma_start3A_1739 = tpu.memref_slice %arg8[%dma_start3A_1730, %dma_start3A_1737, %dma_start3A_1738] : memref<16x16x128xf32, #tpu.memory_space<vmem>> -> memref<1x16x128xf32, #tpu.memory_space<vmem>>
      %dma_start3A_1740 = tpu.memref_squeeze %dma_start3A_1739 : memref<1x16x128xf32, #tpu.memory_space<vmem>> -> memref<16x128xf32, #tpu.memory_space<vmem>>
      %dma_start3A_1741 = arith.constant 0 : i32
      %dma_start3A_1742 = tpu.memref_slice %arg4[%dma_start3A_1741, %multiple_of3A_1716] : memref<16x1000000xf32, #tpu.memory_space<hbm>> -> memref<16x128xf32, #tpu.memory_space<hbm>>
      tpu.enqueue_dma source(%dma_start3A_1742 : memref<16x128xf32, #tpu.memory_space<hbm>>) target(%dma_start3A_1740 : memref<16x128xf32, #tpu.memory_space<vmem>>) target_semaphore(%arg11 : memref<!tpu.dma_semaphore, #tpu.memory_space<semaphore_mem>>)
      %slice3A_1743 = vector.extract_strided_slice %gather3A_1258 {offsets = [12], sizes = [1], strides = [1]} : vector<16xi32> to vector<1xi32>
      %squeeze3A_1744 = vector.extract %slice3A_1743[0] : i32 from vector<1xi32>
      %shift_right_arithmetic3A_1745 = arith.constant 7 : i32
      %shift_right_arithmetic3A_1746 = arith.shrsi %squeeze3A_1744, %shift_right_arithmetic3A_1745 : i32
      %mul3A_1747 = arith.constant 128 : i32
      %mul3A_1748 = arith.muli %shift_right_arithmetic3A_1746, %mul3A_1747 : i32
      %multiple_of3A_1749 = tpu.assume_multiple %mul3A_1748, 128 : i32
      %slice3A_1750 = vector.extract_strided_slice %gather3A_1262 {offsets = [12], sizes = [1], strides = [1]} : vector<16xi32> to vector<1xi32>
      %squeeze3A_1751 = vector.extract %slice3A_1750[0] : i32 from vector<1xi32>
      %shift_right_arithmetic3A_1752 = arith.constant 7 : i32
      %shift_right_arithmetic3A_1753 = arith.shrsi %squeeze3A_1751, %shift_right_arithmetic3A_1752 : i32
      %mul3A_1754 = arith.constant 128 : i32
      %mul3A_1755 = arith.muli %shift_right_arithmetic3A_1753, %mul3A_1754 : i32
      %multiple_of3A_1756 = tpu.assume_multiple %mul3A_1755, 128 : i32
      %dma_start3A_1757 = arith.constant 12 : i32
      %dma_start3A_1758 = arith.constant 0 : i32
      %dma_start3A_1759 = arith.constant 0 : i32
      %dma_start3A_1760 = tpu.memref_slice %arg7[%dma_start3A_1757, %dma_start3A_1758, %dma_start3A_1759] : memref<16x16x128xf32, #tpu.memory_space<vmem>> -> memref<1x16x128xf32, #tpu.memory_space<vmem>>
      %dma_start3A_1761 = tpu.memref_squeeze %dma_start3A_1760 : memref<1x16x128xf32, #tpu.memory_space<vmem>> -> memref<16x128xf32, #tpu.memory_space<vmem>>
      %dma_start3A_1762 = arith.constant 0 : i32
      %dma_start3A_1763 = tpu.memref_slice %arg3[%dma_start3A_1762, %multiple_of3A_1749] : memref<16x1000000xf32, #tpu.memory_space<hbm>> -> memref<16x128xf32, #tpu.memory_space<hbm>>
      %dma_start3A_1764 = arith.constant 0 : i32
      %dma_start3A_1765 = arith.constant 0 : i32
      %dma_start3A_1766 = tpu.memref_slice %arg7[%dma_start3A_1757, %dma_start3A_1764, %dma_start3A_1765] : memref<16x16x128xf32, #tpu.memory_space<vmem>> -> memref<1x16x128xf32, #tpu.memory_space<vmem>>
      %dma_start3A_1767 = tpu.memref_squeeze %dma_start3A_1766 : memref<1x16x128xf32, #tpu.memory_space<vmem>> -> memref<16x128xf32, #tpu.memory_space<vmem>>
      %dma_start3A_1768 = arith.constant 0 : i32
      %dma_start3A_1769 = tpu.memref_slice %arg3[%dma_start3A_1768, %multiple_of3A_1749] : memref<16x1000000xf32, #tpu.memory_space<hbm>> -> memref<16x128xf32, #tpu.memory_space<hbm>>
      tpu.enqueue_dma source(%dma_start3A_1769 : memref<16x128xf32, #tpu.memory_space<hbm>>) target(%dma_start3A_1767 : memref<16x128xf32, #tpu.memory_space<vmem>>) target_semaphore(%arg10 : memref<!tpu.dma_semaphore, #tpu.memory_space<semaphore_mem>>)
      %dma_start3A_1770 = arith.constant 12 : i32
      %dma_start3A_1771 = arith.constant 0 : i32
      %dma_start3A_1772 = arith.constant 0 : i32
      %dma_start3A_1773 = tpu.memref_slice %arg8[%dma_start3A_1770, %dma_start3A_1771, %dma_start3A_1772] : memref<16x16x128xf32, #tpu.memory_space<vmem>> -> memref<1x16x128xf32, #tpu.memory_space<vmem>>
      %dma_start3A_1774 = tpu.memref_squeeze %dma_start3A_1773 : memref<1x16x128xf32, #tpu.memory_space<vmem>> -> memref<16x128xf32, #tpu.memory_space<vmem>>
      %dma_start3A_1775 = arith.constant 0 : i32
      %dma_start3A_1776 = tpu.memref_slice %arg4[%dma_start3A_1775, %multiple_of3A_1756] : memref<16x1000000xf32, #tpu.memory_space<hbm>> -> memref<16x128xf32, #tpu.memory_space<hbm>>
      %dma_start3A_1777 = arith.constant 0 : i32
      %dma_start3A_1778 = arith.constant 0 : i32
      %dma_start3A_1779 = tpu.memref_slice %arg8[%dma_start3A_1770, %dma_start3A_1777, %dma_start3A_1778] : memref<16x16x128xf32, #tpu.memory_space<vmem>> -> memref<1x16x128xf32, #tpu.memory_space<vmem>>
      %dma_start3A_1780 = tpu.memref_squeeze %dma_start3A_1779 : memref<1x16x128xf32, #tpu.memory_space<vmem>> -> memref<16x128xf32, #tpu.memory_space<vmem>>
      %dma_start3A_1781 = arith.constant 0 : i32
      %dma_start3A_1782 = tpu.memref_slice %arg4[%dma_start3A_1781, %multiple_of3A_1756] : memref<16x1000000xf32, #tpu.memory_space<hbm>> -> memref<16x128xf32, #tpu.memory_space<hbm>>
      tpu.enqueue_dma source(%dma_start3A_1782 : memref<16x128xf32, #tpu.memory_space<hbm>>) target(%dma_start3A_1780 : memref<16x128xf32, #tpu.memory_space<vmem>>) target_semaphore(%arg11 : memref<!tpu.dma_semaphore, #tpu.memory_space<semaphore_mem>>)
      %slice3A_1783 = vector.extract_strided_slice %gather3A_1258 {offsets = [13], sizes = [1], strides = [1]} : vector<16xi32> to vector<1xi32>
      %squeeze3A_1784 = vector.extract %slice3A_1783[0] : i32 from vector<1xi32>
      %shift_right_arithmetic3A_1785 = arith.constant 7 : i32
      %shift_right_arithmetic3A_1786 = arith.shrsi %squeeze3A_1784, %shift_right_arithmetic3A_1785 : i32
      %mul3A_1787 = arith.constant 128 : i32
      %mul3A_1788 = arith.muli %shift_right_arithmetic3A_1786, %mul3A_1787 : i32
      %multiple_of3A_1789 = tpu.assume_multiple %mul3A_1788, 128 : i32
      %slice3A_1790 = vector.extract_strided_slice %gather3A_1262 {offsets = [13], sizes = [1], strides = [1]} : vector<16xi32> to vector<1xi32>
      %squeeze3A_1791 = vector.extract %slice3A_1790[0] : i32 from vector<1xi32>
      %shift_right_arithmetic3A_1792 = arith.constant 7 : i32
      %shift_right_arithmetic3A_1793 = arith.shrsi %squeeze3A_1791, %shift_right_arithmetic3A_1792 : i32
      %mul3A_1794 = arith.constant 128 : i32
      %mul3A_1795 = arith.muli %shift_right_arithmetic3A_1793, %mul3A_1794 : i32
      %multiple_of3A_1796 = tpu.assume_multiple %mul3A_1795, 128 : i32
      %dma_start3A_1797 = arith.constant 13 : i32
      %dma_start3A_1798 = arith.constant 0 : i32
      %dma_start3A_1799 = arith.constant 0 : i32
      %dma_start3A_1800 = tpu.memref_slice %arg7[%dma_start3A_1797, %dma_start3A_1798, %dma_start3A_1799] : memref<16x16x128xf32, #tpu.memory_space<vmem>> -> memref<1x16x128xf32, #tpu.memory_space<vmem>>
      %dma_start3A_1801 = tpu.memref_squeeze %dma_start3A_1800 : memref<1x16x128xf32, #tpu.memory_space<vmem>> -> memref<16x128xf32, #tpu.memory_space<vmem>>
      %dma_start3A_1802 = arith.constant 0 : i32
      %dma_start3A_1803 = tpu.memref_slice %arg3[%dma_start3A_1802, %multiple_of3A_1789] : memref<16x1000000xf32, #tpu.memory_space<hbm>> -> memref<16x128xf32, #tpu.memory_space<hbm>>
      %dma_start3A_1804 = arith.constant 0 : i32
      %dma_start3A_1805 = arith.constant 0 : i32
      %dma_start3A_1806 = tpu.memref_slice %arg7[%dma_start3A_1797, %dma_start3A_1804, %dma_start3A_1805] : memref<16x16x128xf32, #tpu.memory_space<vmem>> -> memref<1x16x128xf32, #tpu.memory_space<vmem>>
      %dma_start3A_1807 = tpu.memref_squeeze %dma_start3A_1806 : memref<1x16x128xf32, #tpu.memory_space<vmem>> -> memref<16x128xf32, #tpu.memory_space<vmem>>
      %dma_start3A_1808 = arith.constant 0 : i32
      %dma_start3A_1809 = tpu.memref_slice %arg3[%dma_start3A_1808, %multiple_of3A_1789] : memref<16x1000000xf32, #tpu.memory_space<hbm>> -> memref<16x128xf32, #tpu.memory_space<hbm>>
      tpu.enqueue_dma source(%dma_start3A_1809 : memref<16x128xf32, #tpu.memory_space<hbm>>) target(%dma_start3A_1807 : memref<16x128xf32, #tpu.memory_space<vmem>>) target_semaphore(%arg10 : memref<!tpu.dma_semaphore, #tpu.memory_space<semaphore_mem>>)
      %dma_start3A_1810 = arith.constant 13 : i32
      %dma_start3A_1811 = arith.constant 0 : i32
      %dma_start3A_1812 = arith.constant 0 : i32
      %dma_start3A_1813 = tpu.memref_slice %arg8[%dma_start3A_1810, %dma_start3A_1811, %dma_start3A_1812] : memref<16x16x128xf32, #tpu.memory_space<vmem>> -> memref<1x16x128xf32, #tpu.memory_space<vmem>>
      %dma_start3A_1814 = tpu.memref_squeeze %dma_start3A_1813 : memref<1x16x128xf32, #tpu.memory_space<vmem>> -> memref<16x128xf32, #tpu.memory_space<vmem>>
      %dma_start3A_1815 = arith.constant 0 : i32
      %dma_start3A_1816 = tpu.memref_slice %arg4[%dma_start3A_1815, %multiple_of3A_1796] : memref<16x1000000xf32, #tpu.memory_space<hbm>> -> memref<16x128xf32, #tpu.memory_space<hbm>>
      %dma_start3A_1817 = arith.constant 0 : i32
      %dma_start3A_1818 = arith.constant 0 : i32
      %dma_start3A_1819 = tpu.memref_slice %arg8[%dma_start3A_1810, %dma_start3A_1817, %dma_start3A_1818] : memref<16x16x128xf32, #tpu.memory_space<vmem>> -> memref<1x16x128xf32, #tpu.memory_space<vmem>>
      %dma_start3A_1820 = tpu.memref_squeeze %dma_start3A_1819 : memref<1x16x128xf32, #tpu.memory_space<vmem>> -> memref<16x128xf32, #tpu.memory_space<vmem>>
      %dma_start3A_1821 = arith.constant 0 : i32
      %dma_start3A_1822 = tpu.memref_slice %arg4[%dma_start3A_1821, %multiple_of3A_1796] : memref<16x1000000xf32, #tpu.memory_space<hbm>> -> memref<16x128xf32, #tpu.memory_space<hbm>>
      tpu.enqueue_dma source(%dma_start3A_1822 : memref<16x128xf32, #tpu.memory_space<hbm>>) target(%dma_start3A_1820 : memref<16x128xf32, #tpu.memory_space<vmem>>) target_semaphore(%arg11 : memref<!tpu.dma_semaphore, #tpu.memory_space<semaphore_mem>>)
      %slice3A_1823 = vector.extract_strided_slice %gather3A_1258 {offsets = [14], sizes = [1], strides = [1]} : vector<16xi32> to vector<1xi32>
      %squeeze3A_1824 = vector.extract %slice3A_1823[0] : i32 from vector<1xi32>
      %shift_right_arithmetic3A_1825 = arith.constant 7 : i32
      %shift_right_arithmetic3A_1826 = arith.shrsi %squeeze3A_1824, %shift_right_arithmetic3A_1825 : i32
      %mul3A_1827 = arith.constant 128 : i32
      %mul3A_1828 = arith.muli %shift_right_arithmetic3A_1826, %mul3A_1827 : i32
      %multiple_of3A_1829 = tpu.assume_multiple %mul3A_1828, 128 : i32
      %slice3A_1830 = vector.extract_strided_slice %gather3A_1262 {offsets = [14], sizes = [1], strides = [1]} : vector<16xi32> to vector<1xi32>
      %squeeze3A_1831 = vector.extract %slice3A_1830[0] : i32 from vector<1xi32>
      %shift_right_arithmetic3A_1832 = arith.constant 7 : i32
      %shift_right_arithmetic3A_1833 = arith.shrsi %squeeze3A_1831, %shift_right_arithmetic3A_1832 : i32
      %mul3A_1834 = arith.constant 128 : i32
      %mul3A_1835 = arith.muli %shift_right_arithmetic3A_1833, %mul3A_1834 : i32
      %multiple_of3A_1836 = tpu.assume_multiple %mul3A_1835, 128 : i32
      %dma_start3A_1837 = arith.constant 14 : i32
      %dma_start3A_1838 = arith.constant 0 : i32
      %dma_start3A_1839 = arith.constant 0 : i32
      %dma_start3A_1840 = tpu.memref_slice %arg7[%dma_start3A_1837, %dma_start3A_1838, %dma_start3A_1839] : memref<16x16x128xf32, #tpu.memory_space<vmem>> -> memref<1x16x128xf32, #tpu.memory_space<vmem>>
      %dma_start3A_1841 = tpu.memref_squeeze %dma_start3A_1840 : memref<1x16x128xf32, #tpu.memory_space<vmem>> -> memref<16x128xf32, #tpu.memory_space<vmem>>
      %dma_start3A_1842 = arith.constant 0 : i32
      %dma_start3A_1843 = tpu.memref_slice %arg3[%dma_start3A_1842, %multiple_of3A_1829] : memref<16x1000000xf32, #tpu.memory_space<hbm>> -> memref<16x128xf32, #tpu.memory_space<hbm>>
      %dma_start3A_1844 = arith.constant 0 : i32
      %dma_start3A_1845 = arith.constant 0 : i32
      %dma_start3A_1846 = tpu.memref_slice %arg7[%dma_start3A_1837, %dma_start3A_1844, %dma_start3A_1845] : memref<16x16x128xf32, #tpu.memory_space<vmem>> -> memref<1x16x128xf32, #tpu.memory_space<vmem>>
      %dma_start3A_1847 = tpu.memref_squeeze %dma_start3A_1846 : memref<1x16x128xf32, #tpu.memory_space<vmem>> -> memref<16x128xf32, #tpu.memory_space<vmem>>
      %dma_start3A_1848 = arith.constant 0 : i32
      %dma_start3A_1849 = tpu.memref_slice %arg3[%dma_start3A_1848, %multiple_of3A_1829] : memref<16x1000000xf32, #tpu.memory_space<hbm>> -> memref<16x128xf32, #tpu.memory_space<hbm>>
      tpu.enqueue_dma source(%dma_start3A_1849 : memref<16x128xf32, #tpu.memory_space<hbm>>) target(%dma_start3A_1847 : memref<16x128xf32, #tpu.memory_space<vmem>>) target_semaphore(%arg10 : memref<!tpu.dma_semaphore, #tpu.memory_space<semaphore_mem>>)
      %dma_start3A_1850 = arith.constant 14 : i32
      %dma_start3A_1851 = arith.constant 0 : i32
      %dma_start3A_1852 = arith.constant 0 : i32
      %dma_start3A_1853 = tpu.memref_slice %arg8[%dma_start3A_1850, %dma_start3A_1851, %dma_start3A_1852] : memref<16x16x128xf32, #tpu.memory_space<vmem>> -> memref<1x16x128xf32, #tpu.memory_space<vmem>>
      %dma_start3A_1854 = tpu.memref_squeeze %dma_start3A_1853 : memref<1x16x128xf32, #tpu.memory_space<vmem>> -> memref<16x128xf32, #tpu.memory_space<vmem>>
      %dma_start3A_1855 = arith.constant 0 : i32
      %dma_start3A_1856 = tpu.memref_slice %arg4[%dma_start3A_1855, %multiple_of3A_1836] : memref<16x1000000xf32, #tpu.memory_space<hbm>> -> memref<16x128xf32, #tpu.memory_space<hbm>>
      %dma_start3A_1857 = arith.constant 0 : i32
      %dma_start3A_1858 = arith.constant 0 : i32
      %dma_start3A_1859 = tpu.memref_slice %arg8[%dma_start3A_1850, %dma_start3A_1857, %dma_start3A_1858] : memref<16x16x128xf32, #tpu.memory_space<vmem>> -> memref<1x16x128xf32, #tpu.memory_space<vmem>>
      %dma_start3A_1860 = tpu.memref_squeeze %dma_start3A_1859 : memref<1x16x128xf32, #tpu.memory_space<vmem>> -> memref<16x128xf32, #tpu.memory_space<vmem>>
      %dma_start3A_1861 = arith.constant 0 : i32
      %dma_start3A_1862 = tpu.memref_slice %arg4[%dma_start3A_1861, %multiple_of3A_1836] : memref<16x1000000xf32, #tpu.memory_space<hbm>> -> memref<16x128xf32, #tpu.memory_space<hbm>>
      tpu.enqueue_dma source(%dma_start3A_1862 : memref<16x128xf32, #tpu.memory_space<hbm>>) target(%dma_start3A_1860 : memref<16x128xf32, #tpu.memory_space<vmem>>) target_semaphore(%arg11 : memref<!tpu.dma_semaphore, #tpu.memory_space<semaphore_mem>>)
      %slice3A_1863 = vector.extract_strided_slice %gather3A_1258 {offsets = [15], sizes = [1], strides = [1]} : vector<16xi32> to vector<1xi32>
      %squeeze3A_1864 = vector.extract %slice3A_1863[0] : i32 from vector<1xi32>
      %shift_right_arithmetic3A_1865 = arith.constant 7 : i32
      %shift_right_arithmetic3A_1866 = arith.shrsi %squeeze3A_1864, %shift_right_arithmetic3A_1865 : i32
      %mul3A_1867 = arith.constant 128 : i32
      %mul3A_1868 = arith.muli %shift_right_arithmetic3A_1866, %mul3A_1867 : i32
      %multiple_of3A_1869 = tpu.assume_multiple %mul3A_1868, 128 : i32
      %slice3A_1870 = vector.extract_strided_slice %gather3A_1262 {offsets = [15], sizes = [1], strides = [1]} : vector<16xi32> to vector<1xi32>
      %squeeze3A_1871 = vector.extract %slice3A_1870[0] : i32 from vector<1xi32>
      %shift_right_arithmetic3A_1872 = arith.constant 7 : i32
      %shift_right_arithmetic3A_1873 = arith.shrsi %squeeze3A_1871, %shift_right_arithmetic3A_1872 : i32
      %mul3A_1874 = arith.constant 128 : i32
      %mul3A_1875 = arith.muli %shift_right_arithmetic3A_1873, %mul3A_1874 : i32
      %multiple_of3A_1876 = tpu.assume_multiple %mul3A_1875, 128 : i32
      %dma_start3A_1877 = arith.constant 15 : i32
      %dma_start3A_1878 = arith.constant 0 : i32
      %dma_start3A_1879 = arith.constant 0 : i32
      %dma_start3A_1880 = tpu.memref_slice %arg7[%dma_start3A_1877, %dma_start3A_1878, %dma_start3A_1879] : memref<16x16x128xf32, #tpu.memory_space<vmem>> -> memref<1x16x128xf32, #tpu.memory_space<vmem>>
      %dma_start3A_1881 = tpu.memref_squeeze %dma_start3A_1880 : memref<1x16x128xf32, #tpu.memory_space<vmem>> -> memref<16x128xf32, #tpu.memory_space<vmem>>
      %dma_start3A_1882 = arith.constant 0 : i32
      %dma_start3A_1883 = tpu.memref_slice %arg3[%dma_start3A_1882, %multiple_of3A_1869] : memref<16x1000000xf32, #tpu.memory_space<hbm>> -> memref<16x128xf32, #tpu.memory_space<hbm>>
      %dma_start3A_1884 = arith.constant 0 : i32
      %dma_start3A_1885 = arith.constant 0 : i32
      %dma_start3A_1886 = tpu.memref_slice %arg7[%dma_start3A_1877, %dma_start3A_1884, %dma_start3A_1885] : memref<16x16x128xf32, #tpu.memory_space<vmem>> -> memref<1x16x128xf32, #tpu.memory_space<vmem>>
      %dma_start3A_1887 = tpu.memref_squeeze %dma_start3A_1886 : memref<1x16x128xf32, #tpu.memory_space<vmem>> -> memref<16x128xf32, #tpu.memory_space<vmem>>
      %dma_start3A_1888 = arith.constant 0 : i32
      %dma_start3A_1889 = tpu.memref_slice %arg3[%dma_start3A_1888, %multiple_of3A_1869] : memref<16x1000000xf32, #tpu.memory_space<hbm>> -> memref<16x128xf32, #tpu.memory_space<hbm>>
      tpu.enqueue_dma source(%dma_start3A_1889 : memref<16x128xf32, #tpu.memory_space<hbm>>) target(%dma_start3A_1887 : memref<16x128xf32, #tpu.memory_space<vmem>>) target_semaphore(%arg10 : memref<!tpu.dma_semaphore, #tpu.memory_space<semaphore_mem>>)
      %dma_start3A_1890 = arith.constant 15 : i32
      %dma_start3A_1891 = arith.constant 0 : i32
      %dma_start3A_1892 = arith.constant 0 : i32
      %dma_start3A_1893 = tpu.memref_slice %arg8[%dma_start3A_1890, %dma_start3A_1891, %dma_start3A_1892] : memref<16x16x128xf32, #tpu.memory_space<vmem>> -> memref<1x16x128xf32, #tpu.memory_space<vmem>>
      %dma_start3A_1894 = tpu.memref_squeeze %dma_start3A_1893 : memref<1x16x128xf32, #tpu.memory_space<vmem>> -> memref<16x128xf32, #tpu.memory_space<vmem>>
      %dma_start3A_1895 = arith.constant 0 : i32
      %dma_start3A_1896 = tpu.memref_slice %arg4[%dma_start3A_1895, %multiple_of3A_1876] : memref<16x1000000xf32, #tpu.memory_space<hbm>> -> memref<16x128xf32, #tpu.memory_space<hbm>>
      %dma_start3A_1897 = arith.constant 0 : i32
      %dma_start3A_1898 = arith.constant 0 : i32
      %dma_start3A_1899 = tpu.memref_slice %arg8[%dma_start3A_1890, %dma_start3A_1897, %dma_start3A_1898] : memref<16x16x128xf32, #tpu.memory_space<vmem>> -> memref<1x16x128xf32, #tpu.memory_space<vmem>>
      %dma_start3A_1900 = tpu.memref_squeeze %dma_start3A_1899 : memref<1x16x128xf32, #tpu.memory_space<vmem>> -> memref<16x128xf32, #tpu.memory_space<vmem>>
      %dma_start3A_1901 = arith.constant 0 : i32
      %dma_start3A_1902 = tpu.memref_slice %arg4[%dma_start3A_1901, %multiple_of3A_1876] : memref<16x1000000xf32, #tpu.memory_space<hbm>> -> memref<16x128xf32, #tpu.memory_space<hbm>>
      tpu.enqueue_dma source(%dma_start3A_1902 : memref<16x128xf32, #tpu.memory_space<hbm>>) target(%dma_start3A_1900 : memref<16x128xf32, #tpu.memory_space<vmem>>) target_semaphore(%arg11 : memref<!tpu.dma_semaphore, #tpu.memory_space<semaphore_mem>>)
      %dma_wait3A_1903 = arith.constant 0 : i32
      %dma_wait3A_1904 = arith.constant 0 : i32
      %dma_wait3A_1905 = arith.constant 0 : i32
      %dma_wait3A_1906 = tpu.memref_slice %arg7[%dma_wait3A_1903, %dma_wait3A_1904, %dma_wait3A_1905] : memref<16x16x128xf32, #tpu.memory_space<vmem>> -> memref<1x16x128xf32, #tpu.memory_space<vmem>>
      %dma_wait3A_1907 = tpu.memref_squeeze %dma_wait3A_1906 : memref<1x16x128xf32, #tpu.memory_space<vmem>> -> memref<16x128xf32, #tpu.memory_space<vmem>>
      %dma_wait3A_1908 = arith.constant 0 : i32
      %dma_wait3A_1909 = arith.constant 0 : i32
      %dma_wait3A_1910 = tpu.memref_slice %arg3[%dma_wait3A_1908, %dma_wait3A_1909] : memref<16x1000000xf32, #tpu.memory_space<hbm>> -> memref<16x128xf32, #tpu.memory_space<hbm>>
      %dma_wait3A_1911 = arith.constant 0 : i32
      %dma_wait3A_1912 = arith.constant 0 : i32
      %dma_wait3A_1913 = tpu.memref_slice %arg7[%dma_wait3A_1903, %dma_wait3A_1911, %dma_wait3A_1912] : memref<16x16x128xf32, #tpu.memory_space<vmem>> -> memref<1x16x128xf32, #tpu.memory_space<vmem>>
      %dma_wait3A_1914 = tpu.memref_squeeze %dma_wait3A_1913 : memref<1x16x128xf32, #tpu.memory_space<vmem>> -> memref<16x128xf32, #tpu.memory_space<vmem>>
      %dma_wait3A_1915 = arith.constant 0 : i32
      %dma_wait3A_1916 = arith.constant 0 : i32
      %dma_wait3A_1917 = tpu.memref_slice %arg3[%dma_wait3A_1915, %dma_wait3A_1916] : memref<16x1000000xf32, #tpu.memory_space<hbm>> -> memref<16x128xf32, #tpu.memory_space<hbm>>
      tpu.wait_dma2 semaphore(%arg10 : memref<!tpu.dma_semaphore, #tpu.memory_space<semaphore_mem>>) src(%dma_wait3A_1917 : memref<16x128xf32, #tpu.memory_space<hbm>>) dst(%dma_wait3A_1914 : memref<16x128xf32, #tpu.memory_space<vmem>>)
      %dma_wait3A_1918 = arith.constant 0 : i32
      %dma_wait3A_1919 = arith.constant 0 : i32
      %dma_wait3A_1920 = arith.constant 0 : i32
      %dma_wait3A_1921 = tpu.memref_slice %arg8[%dma_wait3A_1918, %dma_wait3A_1919, %dma_wait3A_1920] : memref<16x16x128xf32, #tpu.memory_space<vmem>> -> memref<1x16x128xf32, #tpu.memory_space<vmem>>
      %dma_wait3A_1922 = tpu.memref_squeeze %dma_wait3A_1921 : memref<1x16x128xf32, #tpu.memory_space<vmem>> -> memref<16x128xf32, #tpu.memory_space<vmem>>
      %dma_wait3A_1923 = arith.constant 0 : i32
      %dma_wait3A_1924 = arith.constant 0 : i32
      %dma_wait3A_1925 = tpu.memref_slice %arg4[%dma_wait3A_1923, %dma_wait3A_1924] : memref<16x1000000xf32, #tpu.memory_space<hbm>> -> memref<16x128xf32, #tpu.memory_space<hbm>>
      %dma_wait3A_1926 = arith.constant 0 : i32
      %dma_wait3A_1927 = arith.constant 0 : i32
      %dma_wait3A_1928 = tpu.memref_slice %arg8[%dma_wait3A_1918, %dma_wait3A_1926, %dma_wait3A_1927] : memref<16x16x128xf32, #tpu.memory_space<vmem>> -> memref<1x16x128xf32, #tpu.memory_space<vmem>>
      %dma_wait3A_1929 = tpu.memref_squeeze %dma_wait3A_1928 : memref<1x16x128xf32, #tpu.memory_space<vmem>> -> memref<16x128xf32, #tpu.memory_space<vmem>>
      %dma_wait3A_1930 = arith.constant 0 : i32
      %dma_wait3A_1931 = arith.constant 0 : i32
      %dma_wait3A_1932 = tpu.memref_slice %arg4[%dma_wait3A_1930, %dma_wait3A_1931] : memref<16x1000000xf32, #tpu.memory_space<hbm>> -> memref<16x128xf32, #tpu.memory_space<hbm>>
      tpu.wait_dma2 semaphore(%arg11 : memref<!tpu.dma_semaphore, #tpu.memory_space<semaphore_mem>>) src(%dma_wait3A_1932 : memref<16x128xf32, #tpu.memory_space<hbm>>) dst(%dma_wait3A_1929 : memref<16x128xf32, #tpu.memory_space<vmem>>)
      %dma_wait3A_1933 = arith.constant 0 : i32
      %dma_wait3A_1934 = arith.constant 0 : i32
      %dma_wait3A_1935 = arith.constant 0 : i32
      %dma_wait3A_1936 = tpu.memref_slice %arg7[%dma_wait3A_1933, %dma_wait3A_1934, %dma_wait3A_1935] : memref<16x16x128xf32, #tpu.memory_space<vmem>> -> memref<1x16x128xf32, #tpu.memory_space<vmem>>
      %dma_wait3A_1937 = tpu.memref_squeeze %dma_wait3A_1936 : memref<1x16x128xf32, #tpu.memory_space<vmem>> -> memref<16x128xf32, #tpu.memory_space<vmem>>
      %dma_wait3A_1938 = arith.constant 0 : i32
      %dma_wait3A_1939 = arith.constant 0 : i32
      %dma_wait3A_1940 = tpu.memref_slice %arg3[%dma_wait3A_1938, %dma_wait3A_1939] : memref<16x1000000xf32, #tpu.memory_space<hbm>> -> memref<16x128xf32, #tpu.memory_space<hbm>>
      %dma_wait3A_1941 = arith.constant 0 : i32
      %dma_wait3A_1942 = arith.constant 0 : i32
      %dma_wait3A_1943 = tpu.memref_slice %arg7[%dma_wait3A_1933, %dma_wait3A_1941, %dma_wait3A_1942] : memref<16x16x128xf32, #tpu.memory_space<vmem>> -> memref<1x16x128xf32, #tpu.memory_space<vmem>>
      %dma_wait3A_1944 = tpu.memref_squeeze %dma_wait3A_1943 : memref<1x16x128xf32, #tpu.memory_space<vmem>> -> memref<16x128xf32, #tpu.memory_space<vmem>>
      %dma_wait3A_1945 = arith.constant 0 : i32
      %dma_wait3A_1946 = arith.constant 0 : i32
      %dma_wait3A_1947 = tpu.memref_slice %arg3[%dma_wait3A_1945, %dma_wait3A_1946] : memref<16x1000000xf32, #tpu.memory_space<hbm>> -> memref<16x128xf32, #tpu.memory_space<hbm>>
      tpu.wait_dma2 semaphore(%arg10 : memref<!tpu.dma_semaphore, #tpu.memory_space<semaphore_mem>>) src(%dma_wait3A_1947 : memref<16x128xf32, #tpu.memory_space<hbm>>) dst(%dma_wait3A_1944 : memref<16x128xf32, #tpu.memory_space<vmem>>)
      %dma_wait3A_1948 = arith.constant 0 : i32
      %dma_wait3A_1949 = arith.constant 0 : i32
      %dma_wait3A_1950 = arith.constant 0 : i32
      %dma_wait3A_1951 = tpu.memref_slice %arg8[%dma_wait3A_1948, %dma_wait3A_1949, %dma_wait3A_1950] : memref<16x16x128xf32, #tpu.memory_space<vmem>> -> memref<1x16x128xf32, #tpu.memory_space<vmem>>
      %dma_wait3A_1952 = tpu.memref_squeeze %dma_wait3A_1951 : memref<1x16x128xf32, #tpu.memory_space<vmem>> -> memref<16x128xf32, #tpu.memory_space<vmem>>
      %dma_wait3A_1953 = arith.constant 0 : i32
      %dma_wait3A_1954 = arith.constant 0 : i32
      %dma_wait3A_1955 = tpu.memref_slice %arg4[%dma_wait3A_1953, %dma_wait3A_1954] : memref<16x1000000xf32, #tpu.memory_space<hbm>> -> memref<16x128xf32, #tpu.memory_space<hbm>>
      %dma_wait3A_1956 = arith.constant 0 : i32
      %dma_wait3A_1957 = arith.constant 0 : i32
      %dma_wait3A_1958 = tpu.memref_slice %arg8[%dma_wait3A_1948, %dma_wait3A_1956, %dma_wait3A_1957] : memref<16x16x128xf32, #tpu.memory_space<vmem>> -> memref<1x16x128xf32, #tpu.memory_space<vmem>>
      %dma_wait3A_1959 = tpu.memref_squeeze %dma_wait3A_1958 : memref<1x16x128xf32, #tpu.memory_space<vmem>> -> memref<16x128xf32, #tpu.memory_space<vmem>>
      %dma_wait3A_1960 = arith.constant 0 : i32
      %dma_wait3A_1961 = arith.constant 0 : i32
      %dma_wait3A_1962 = tpu.memref_slice %arg4[%dma_wait3A_1960, %dma_wait3A_1961] : memref<16x1000000xf32, #tpu.memory_space<hbm>> -> memref<16x128xf32, #tpu.memory_space<hbm>>
      tpu.wait_dma2 semaphore(%arg11 : memref<!tpu.dma_semaphore, #tpu.memory_space<semaphore_mem>>) src(%dma_wait3A_1962 : memref<16x128xf32, #tpu.memory_space<hbm>>) dst(%dma_wait3A_1959 : memref<16x128xf32, #tpu.memory_space<vmem>>)
      %dma_wait3A_1963 = arith.constant 0 : i32
      %dma_wait3A_1964 = arith.constant 0 : i32
      %dma_wait3A_1965 = arith.constant 0 : i32
      %dma_wait3A_1966 = tpu.memref_slice %arg7[%dma_wait3A_1963, %dma_wait3A_1964, %dma_wait3A_1965] : memref<16x16x128xf32, #tpu.memory_space<vmem>> -> memref<1x16x128xf32, #tpu.memory_space<vmem>>
      %dma_wait3A_1967 = tpu.memref_squeeze %dma_wait3A_1966 : memref<1x16x128xf32, #tpu.memory_space<vmem>> -> memref<16x128xf32, #tpu.memory_space<vmem>>
      %dma_wait3A_1968 = arith.constant 0 : i32
      %dma_wait3A_1969 = arith.constant 0 : i32
      %dma_wait3A_1970 = tpu.memref_slice %arg3[%dma_wait3A_1968, %dma_wait3A_1969] : memref<16x1000000xf32, #tpu.memory_space<hbm>> -> memref<16x128xf32, #tpu.memory_space<hbm>>
      %dma_wait3A_1971 = arith.constant 0 : i32
      %dma_wait3A_1972 = arith.constant 0 : i32
      %dma_wait3A_1973 = tpu.memref_slice %arg7[%dma_wait3A_1963, %dma_wait3A_1971, %dma_wait3A_1972] : memref<16x16x128xf32, #tpu.memory_space<vmem>> -> memref<1x16x128xf32, #tpu.memory_space<vmem>>
      %dma_wait3A_1974 = tpu.memref_squeeze %dma_wait3A_1973 : memref<1x16x128xf32, #tpu.memory_space<vmem>> -> memref<16x128xf32, #tpu.memory_space<vmem>>
      %dma_wait3A_1975 = arith.constant 0 : i32
      %dma_wait3A_1976 = arith.constant 0 : i32
      %dma_wait3A_1977 = tpu.memref_slice %arg3[%dma_wait3A_1975, %dma_wait3A_1976] : memref<16x1000000xf32, #tpu.memory_space<hbm>> -> memref<16x128xf32, #tpu.memory_space<hbm>>
      tpu.wait_dma2 semaphore(%arg10 : memref<!tpu.dma_semaphore, #tpu.memory_space<semaphore_mem>>) src(%dma_wait3A_1977 : memref<16x128xf32, #tpu.memory_space<hbm>>) dst(%dma_wait3A_1974 : memref<16x128xf32, #tpu.memory_space<vmem>>)
      %dma_wait3A_1978 = arith.constant 0 : i32
      %dma_wait3A_1979 = arith.constant 0 : i32
      %dma_wait3A_1980 = arith.constant 0 : i32
      %dma_wait3A_1981 = tpu.memref_slice %arg8[%dma_wait3A_1978, %dma_wait3A_1979, %dma_wait3A_1980] : memref<16x16x128xf32, #tpu.memory_space<vmem>> -> memref<1x16x128xf32, #tpu.memory_space<vmem>>
      %dma_wait3A_1982 = tpu.memref_squeeze %dma_wait3A_1981 : memref<1x16x128xf32, #tpu.memory_space<vmem>> -> memref<16x128xf32, #tpu.memory_space<vmem>>
      %dma_wait3A_1983 = arith.constant 0 : i32
      %dma_wait3A_1984 = arith.constant 0 : i32
      %dma_wait3A_1985 = tpu.memref_slice %arg4[%dma_wait3A_1983, %dma_wait3A_1984] : memref<16x1000000xf32, #tpu.memory_space<hbm>> -> memref<16x128xf32, #tpu.memory_space<hbm>>
      %dma_wait3A_1986 = arith.constant 0 : i32
      %dma_wait3A_1987 = arith.constant 0 : i32
      %dma_wait3A_1988 = tpu.memref_slice %arg8[%dma_wait3A_1978, %dma_wait3A_1986, %dma_wait3A_1987] : memref<16x16x128xf32, #tpu.memory_space<vmem>> -> memref<1x16x128xf32, #tpu.memory_space<vmem>>
      %dma_wait3A_1989 = tpu.memref_squeeze %dma_wait3A_1988 : memref<1x16x128xf32, #tpu.memory_space<vmem>> -> memref<16x128xf32, #tpu.memory_space<vmem>>
      %dma_wait3A_1990 = arith.constant 0 : i32
      %dma_wait3A_1991 = arith.constant 0 : i32
      %dma_wait3A_1992 = tpu.memref_slice %arg4[%dma_wait3A_1990, %dma_wait3A_1991] : memref<16x1000000xf32, #tpu.memory_space<hbm>> -> memref<16x128xf32, #tpu.memory_space<hbm>>
      tpu.wait_dma2 semaphore(%arg11 : memref<!tpu.dma_semaphore, #tpu.memory_space<semaphore_mem>>) src(%dma_wait3A_1992 : memref<16x128xf32, #tpu.memory_space<hbm>>) dst(%dma_wait3A_1989 : memref<16x128xf32, #tpu.memory_space<vmem>>)
      %dma_wait3A_1993 = arith.constant 0 : i32
      %dma_wait3A_1994 = arith.constant 0 : i32
      %dma_wait3A_1995 = arith.constant 0 : i32
      %dma_wait3A_1996 = tpu.memref_slice %arg7[%dma_wait3A_1993, %dma_wait3A_1994, %dma_wait3A_1995] : memref<16x16x128xf32, #tpu.memory_space<vmem>> -> memref<1x16x128xf32, #tpu.memory_space<vmem>>
      %dma_wait3A_1997 = tpu.memref_squeeze %dma_wait3A_1996 : memref<1x16x128xf32, #tpu.memory_space<vmem>> -> memref<16x128xf32, #tpu.memory_space<vmem>>
      %dma_wait3A_1998 = arith.constant 0 : i32
      %dma_wait3A_1999 = arith.constant 0 : i32
      %dma_wait3A_2000 = tpu.memref_slice %arg3[%dma_wait3A_1998, %dma_wait3A_1999] : memref<16x1000000xf32, #tpu.memory_space<hbm>> -> memref<16x128xf32, #tpu.memory_space<hbm>>
      %dma_wait3A_2001 = arith.constant 0 : i32
      %dma_wait3A_2002 = arith.constant 0 : i32
      %dma_wait3A_2003 = tpu.memref_slice %arg7[%dma_wait3A_1993, %dma_wait3A_2001, %dma_wait3A_2002] : memref<16x16x128xf32, #tpu.memory_space<vmem>> -> memref<1x16x128xf32, #tpu.memory_space<vmem>>
      %dma_wait3A_2004 = tpu.memref_squeeze %dma_wait3A_2003 : memref<1x16x128xf32, #tpu.memory_space<vmem>> -> memref<16x128xf32, #tpu.memory_space<vmem>>
      %dma_wait3A_2005 = arith.constant 0 : i32
      %dma_wait3A_2006 = arith.constant 0 : i32
      %dma_wait3A_2007 = tpu.memref_slice %arg3[%dma_wait3A_2005, %dma_wait3A_2006] : memref<16x1000000xf32, #tpu.memory_space<hbm>> -> memref<16x128xf32, #tpu.memory_space<hbm>>
      tpu.wait_dma2 semaphore(%arg10 : memref<!tpu.dma_semaphore, #tpu.memory_space<semaphore_mem>>) src(%dma_wait3A_2007 : memref<16x128xf32, #tpu.memory_space<hbm>>) dst(%dma_wait3A_2004 : memref<16x128xf32, #tpu.memory_space<vmem>>)
      %dma_wait3A_2008 = arith.constant 0 : i32
      %dma_wait3A_2009 = arith.constant 0 : i32
      %dma_wait3A_2010 = arith.constant 0 : i32
      %dma_wait3A_2011 = tpu.memref_slice %arg8[%dma_wait3A_2008, %dma_wait3A_2009, %dma_wait3A_2010] : memref<16x16x128xf32, #tpu.memory_space<vmem>> -> memref<1x16x128xf32, #tpu.memory_space<vmem>>
      %dma_wait3A_2012 = tpu.memref_squeeze %dma_wait3A_2011 : memref<1x16x128xf32, #tpu.memory_space<vmem>> -> memref<16x128xf32, #tpu.memory_space<vmem>>
      %dma_wait3A_2013 = arith.constant 0 : i32
      %dma_wait3A_2014 = arith.constant 0 : i32
      %dma_wait3A_2015 = tpu.memref_slice %arg4[%dma_wait3A_2013, %dma_wait3A_2014] : memref<16x1000000xf32, #tpu.memory_space<hbm>> -> memref<16x128xf32, #tpu.memory_space<hbm>>
      %dma_wait3A_2016 = arith.constant 0 : i32
      %dma_wait3A_2017 = arith.constant 0 : i32
      %dma_wait3A_2018 = tpu.memref_slice %arg8[%dma_wait3A_2008, %dma_wait3A_2016, %dma_wait3A_2017] : memref<16x16x128xf32, #tpu.memory_space<vmem>> -> memref<1x16x128xf32, #tpu.memory_space<vmem>>
      %dma_wait3A_2019 = tpu.memref_squeeze %dma_wait3A_2018 : memref<1x16x128xf32, #tpu.memory_space<vmem>> -> memref<16x128xf32, #tpu.memory_space<vmem>>
      %dma_wait3A_2020 = arith.constant 0 : i32
      %dma_wait3A_2021 = arith.constant 0 : i32
      %dma_wait3A_2022 = tpu.memref_slice %arg4[%dma_wait3A_2020, %dma_wait3A_2021] : memref<16x1000000xf32, #tpu.memory_space<hbm>> -> memref<16x128xf32, #tpu.memory_space<hbm>>
      tpu.wait_dma2 semaphore(%arg11 : memref<!tpu.dma_semaphore, #tpu.memory_space<semaphore_mem>>) src(%dma_wait3A_2022 : memref<16x128xf32, #tpu.memory_space<hbm>>) dst(%dma_wait3A_2019 : memref<16x128xf32, #tpu.memory_space<vmem>>)
      %dma_wait3A_2023 = arith.constant 0 : i32
      %dma_wait3A_2024 = arith.constant 0 : i32
      %dma_wait3A_2025 = arith.constant 0 : i32
      %dma_wait3A_2026 = tpu.memref_slice %arg7[%dma_wait3A_2023, %dma_wait3A_2024, %dma_wait3A_2025] : memref<16x16x128xf32, #tpu.memory_space<vmem>> -> memref<1x16x128xf32, #tpu.memory_space<vmem>>
      %dma_wait3A_2027 = tpu.memref_squeeze %dma_wait3A_2026 : memref<1x16x128xf32, #tpu.memory_space<vmem>> -> memref<16x128xf32, #tpu.memory_space<vmem>>
      %dma_wait3A_2028 = arith.constant 0 : i32
      %dma_wait3A_2029 = arith.constant 0 : i32
      %dma_wait3A_2030 = tpu.memref_slice %arg3[%dma_wait3A_2028, %dma_wait3A_2029] : memref<16x1000000xf32, #tpu.memory_space<hbm>> -> memref<16x128xf32, #tpu.memory_space<hbm>>
      %dma_wait3A_2031 = arith.constant 0 : i32
      %dma_wait3A_2032 = arith.constant 0 : i32
      %dma_wait3A_2033 = tpu.memref_slice %arg7[%dma_wait3A_2023, %dma_wait3A_2031, %dma_wait3A_2032] : memref<16x16x128xf32, #tpu.memory_space<vmem>> -> memref<1x16x128xf32, #tpu.memory_space<vmem>>
      %dma_wait3A_2034 = tpu.memref_squeeze %dma_wait3A_2033 : memref<1x16x128xf32, #tpu.memory_space<vmem>> -> memref<16x128xf32, #tpu.memory_space<vmem>>
      %dma_wait3A_2035 = arith.constant 0 : i32
      %dma_wait3A_2036 = arith.constant 0 : i32
      %dma_wait3A_2037 = tpu.memref_slice %arg3[%dma_wait3A_2035, %dma_wait3A_2036] : memref<16x1000000xf32, #tpu.memory_space<hbm>> -> memref<16x128xf32, #tpu.memory_space<hbm>>
      tpu.wait_dma2 semaphore(%arg10 : memref<!tpu.dma_semaphore, #tpu.memory_space<semaphore_mem>>) src(%dma_wait3A_2037 : memref<16x128xf32, #tpu.memory_space<hbm>>) dst(%dma_wait3A_2034 : memref<16x128xf32, #tpu.memory_space<vmem>>)
      %dma_wait3A_2038 = arith.constant 0 : i32
      %dma_wait3A_2039 = arith.constant 0 : i32
      %dma_wait3A_2040 = arith.constant 0 : i32
      %dma_wait3A_2041 = tpu.memref_slice %arg8[%dma_wait3A_2038, %dma_wait3A_2039, %dma_wait3A_2040] : memref<16x16x128xf32, #tpu.memory_space<vmem>> -> memref<1x16x128xf32, #tpu.memory_space<vmem>>
      %dma_wait3A_2042 = tpu.memref_squeeze %dma_wait3A_2041 : memref<1x16x128xf32, #tpu.memory_space<vmem>> -> memref<16x128xf32, #tpu.memory_space<vmem>>
      %dma_wait3A_2043 = arith.constant 0 : i32
      %dma_wait3A_2044 = arith.constant 0 : i32
      %dma_wait3A_2045 = tpu.memref_slice %arg4[%dma_wait3A_2043, %dma_wait3A_2044] : memref<16x1000000xf32, #tpu.memory_space<hbm>> -> memref<16x128xf32, #tpu.memory_space<hbm>>
      %dma_wait3A_2046 = arith.constant 0 : i32
      %dma_wait3A_2047 = arith.constant 0 : i32
      %dma_wait3A_2048 = tpu.memref_slice %arg8[%dma_wait3A_2038, %dma_wait3A_2046, %dma_wait3A_2047] : memref<16x16x128xf32, #tpu.memory_space<vmem>> -> memref<1x16x128xf32, #tpu.memory_space<vmem>>
      %dma_wait3A_2049 = tpu.memref_squeeze %dma_wait3A_2048 : memref<1x16x128xf32, #tpu.memory_space<vmem>> -> memref<16x128xf32, #tpu.memory_space<vmem>>
      %dma_wait3A_2050 = arith.constant 0 : i32
      %dma_wait3A_2051 = arith.constant 0 : i32
      %dma_wait3A_2052 = tpu.memref_slice %arg4[%dma_wait3A_2050, %dma_wait3A_2051] : memref<16x1000000xf32, #tpu.memory_space<hbm>> -> memref<16x128xf32, #tpu.memory_space<hbm>>
      tpu.wait_dma2 semaphore(%arg11 : memref<!tpu.dma_semaphore, #tpu.memory_space<semaphore_mem>>) src(%dma_wait3A_2052 : memref<16x128xf32, #tpu.memory_space<hbm>>) dst(%dma_wait3A_2049 : memref<16x128xf32, #tpu.memory_space<vmem>>)
      %dma_wait3A_2053 = arith.constant 0 : i32
      %dma_wait3A_2054 = arith.constant 0 : i32
      %dma_wait3A_2055 = arith.constant 0 : i32
      %dma_wait3A_2056 = tpu.memref_slice %arg7[%dma_wait3A_2053, %dma_wait3A_2054, %dma_wait3A_2055] : memref<16x16x128xf32, #tpu.memory_space<vmem>> -> memref<1x16x128xf32, #tpu.memory_space<vmem>>
      %dma_wait3A_2057 = tpu.memref_squeeze %dma_wait3A_2056 : memref<1x16x128xf32, #tpu.memory_space<vmem>> -> memref<16x128xf32, #tpu.memory_space<vmem>>
      %dma_wait3A_2058 = arith.constant 0 : i32
      %dma_wait3A_2059 = arith.constant 0 : i32
      %dma_wait3A_2060 = tpu.memref_slice %arg3[%dma_wait3A_2058, %dma_wait3A_2059] : memref<16x1000000xf32, #tpu.memory_space<hbm>> -> memref<16x128xf32, #tpu.memory_space<hbm>>
      %dma_wait3A_2061 = arith.constant 0 : i32
      %dma_wait3A_2062 = arith.constant 0 : i32
      %dma_wait3A_2063 = tpu.memref_slice %arg7[%dma_wait3A_2053, %dma_wait3A_2061, %dma_wait3A_2062] : memref<16x16x128xf32, #tpu.memory_space<vmem>> -> memref<1x16x128xf32, #tpu.memory_space<vmem>>
      %dma_wait3A_2064 = tpu.memref_squeeze %dma_wait3A_2063 : memref<1x16x128xf32, #tpu.memory_space<vmem>> -> memref<16x128xf32, #tpu.memory_space<vmem>>
      %dma_wait3A_2065 = arith.constant 0 : i32
      %dma_wait3A_2066 = arith.constant 0 : i32
      %dma_wait3A_2067 = tpu.memref_slice %arg3[%dma_wait3A_2065, %dma_wait3A_2066] : memref<16x1000000xf32, #tpu.memory_space<hbm>> -> memref<16x128xf32, #tpu.memory_space<hbm>>
      tpu.wait_dma2 semaphore(%arg10 : memref<!tpu.dma_semaphore, #tpu.memory_space<semaphore_mem>>) src(%dma_wait3A_2067 : memref<16x128xf32, #tpu.memory_space<hbm>>) dst(%dma_wait3A_2064 : memref<16x128xf32, #tpu.memory_space<vmem>>)
      %dma_wait3A_2068 = arith.constant 0 : i32
      %dma_wait3A_2069 = arith.constant 0 : i32
      %dma_wait3A_2070 = arith.constant 0 : i32
      %dma_wait3A_2071 = tpu.memref_slice %arg8[%dma_wait3A_2068, %dma_wait3A_2069, %dma_wait3A_2070] : memref<16x16x128xf32, #tpu.memory_space<vmem>> -> memref<1x16x128xf32, #tpu.memory_space<vmem>>
      %dma_wait3A_2072 = tpu.memref_squeeze %dma_wait3A_2071 : memref<1x16x128xf32, #tpu.memory_space<vmem>> -> memref<16x128xf32, #tpu.memory_space<vmem>>
      %dma_wait3A_2073 = arith.constant 0 : i32
      %dma_wait3A_2074 = arith.constant 0 : i32
      %dma_wait3A_2075 = tpu.memref_slice %arg4[%dma_wait3A_2073, %dma_wait3A_2074] : memref<16x1000000xf32, #tpu.memory_space<hbm>> -> memref<16x128xf32, #tpu.memory_space<hbm>>
      %dma_wait3A_2076 = arith.constant 0 : i32
      %dma_wait3A_2077 = arith.constant 0 : i32
      %dma_wait3A_2078 = tpu.memref_slice %arg8[%dma_wait3A_2068, %dma_wait3A_2076, %dma_wait3A_2077] : memref<16x16x128xf32, #tpu.memory_space<vmem>> -> memref<1x16x128xf32, #tpu.memory_space<vmem>>
      %dma_wait3A_2079 = tpu.memref_squeeze %dma_wait3A_2078 : memref<1x16x128xf32, #tpu.memory_space<vmem>> -> memref<16x128xf32, #tpu.memory_space<vmem>>
      %dma_wait3A_2080 = arith.constant 0 : i32
      %dma_wait3A_2081 = arith.constant 0 : i32
      %dma_wait3A_2082 = tpu.memref_slice %arg4[%dma_wait3A_2080, %dma_wait3A_2081] : memref<16x1000000xf32, #tpu.memory_space<hbm>> -> memref<16x128xf32, #tpu.memory_space<hbm>>
      tpu.wait_dma2 semaphore(%arg11 : memref<!tpu.dma_semaphore, #tpu.memory_space<semaphore_mem>>) src(%dma_wait3A_2082 : memref<16x128xf32, #tpu.memory_space<hbm>>) dst(%dma_wait3A_2079 : memref<16x128xf32, #tpu.memory_space<vmem>>)
      %dma_wait3A_2083 = arith.constant 0 : i32
      %dma_wait3A_2084 = arith.constant 0 : i32
      %dma_wait3A_2085 = arith.constant 0 : i32
      %dma_wait3A_2086 = tpu.memref_slice %arg7[%dma_wait3A_2083, %dma_wait3A_2084, %dma_wait3A_2085] : memref<16x16x128xf32, #tpu.memory_space<vmem>> -> memref<1x16x128xf32, #tpu.memory_space<vmem>>
      %dma_wait3A_2087 = tpu.memref_squeeze %dma_wait3A_2086 : memref<1x16x128xf32, #tpu.memory_space<vmem>> -> memref<16x128xf32, #tpu.memory_space<vmem>>
      %dma_wait3A_2088 = arith.constant 0 : i32
      %dma_wait3A_2089 = arith.constant 0 : i32
      %dma_wait3A_2090 = tpu.memref_slice %arg3[%dma_wait3A_2088, %dma_wait3A_2089] : memref<16x1000000xf32, #tpu.memory_space<hbm>> -> memref<16x128xf32, #tpu.memory_space<hbm>>
      %dma_wait3A_2091 = arith.constant 0 : i32
      %dma_wait3A_2092 = arith.constant 0 : i32
      %dma_wait3A_2093 = tpu.memref_slice %arg7[%dma_wait3A_2083, %dma_wait3A_2091, %dma_wait3A_2092] : memref<16x16x128xf32, #tpu.memory_space<vmem>> -> memref<1x16x128xf32, #tpu.memory_space<vmem>>
      %dma_wait3A_2094 = tpu.memref_squeeze %dma_wait3A_2093 : memref<1x16x128xf32, #tpu.memory_space<vmem>> -> memref<16x128xf32, #tpu.memory_space<vmem>>
      %dma_wait3A_2095 = arith.constant 0 : i32
      %dma_wait3A_2096 = arith.constant 0 : i32
      %dma_wait3A_2097 = tpu.memref_slice %arg3[%dma_wait3A_2095, %dma_wait3A_2096] : memref<16x1000000xf32, #tpu.memory_space<hbm>> -> memref<16x128xf32, #tpu.memory_space<hbm>>
      tpu.wait_dma2 semaphore(%arg10 : memref<!tpu.dma_semaphore, #tpu.memory_space<semaphore_mem>>) src(%dma_wait3A_2097 : memref<16x128xf32, #tpu.memory_space<hbm>>) dst(%dma_wait3A_2094 : memref<16x128xf32, #tpu.memory_space<vmem>>)
      %dma_wait3A_2098 = arith.constant 0 : i32
      %dma_wait3A_2099 = arith.constant 0 : i32
      %dma_wait3A_2100 = arith.constant 0 : i32
      %dma_wait3A_2101 = tpu.memref_slice %arg8[%dma_wait3A_2098, %dma_wait3A_2099, %dma_wait3A_2100] : memref<16x16x128xf32, #tpu.memory_space<vmem>> -> memref<1x16x128xf32, #tpu.memory_space<vmem>>
      %dma_wait3A_2102 = tpu.memref_squeeze %dma_wait3A_2101 : memref<1x16x128xf32, #tpu.memory_space<vmem>> -> memref<16x128xf32, #tpu.memory_space<vmem>>
      %dma_wait3A_2103 = arith.constant 0 : i32
      %dma_wait3A_2104 = arith.constant 0 : i32
      %dma_wait3A_2105 = tpu.memref_slice %arg4[%dma_wait3A_2103, %dma_wait3A_2104] : memref<16x1000000xf32, #tpu.memory_space<hbm>> -> memref<16x128xf32, #tpu.memory_space<hbm>>
      %dma_wait3A_2106 = arith.constant 0 : i32
      %dma_wait3A_2107 = arith.constant 0 : i32
      %dma_wait3A_2108 = tpu.memref_slice %arg8[%dma_wait3A_2098, %dma_wait3A_2106, %dma_wait3A_2107] : memref<16x16x128xf32, #tpu.memory_space<vmem>> -> memref<1x16x128xf32, #tpu.memory_space<vmem>>
      %dma_wait3A_2109 = tpu.memref_squeeze %dma_wait3A_2108 : memref<1x16x128xf32, #tpu.memory_space<vmem>> -> memref<16x128xf32, #tpu.memory_space<vmem>>
      %dma_wait3A_2110 = arith.constant 0 : i32
      %dma_wait3A_2111 = arith.constant 0 : i32
      %dma_wait3A_2112 = tpu.memref_slice %arg4[%dma_wait3A_2110, %dma_wait3A_2111] : memref<16x1000000xf32, #tpu.memory_space<hbm>> -> memref<16x128xf32, #tpu.memory_space<hbm>>
      tpu.wait_dma2 semaphore(%arg11 : memref<!tpu.dma_semaphore, #tpu.memory_space<semaphore_mem>>) src(%dma_wait3A_2112 : memref<16x128xf32, #tpu.memory_space<hbm>>) dst(%dma_wait3A_2109 : memref<16x128xf32, #tpu.memory_space<vmem>>)
      %dma_wait3A_2113 = arith.constant 0 : i32
      %dma_wait3A_2114 = arith.constant 0 : i32
      %dma_wait3A_2115 = arith.constant 0 : i32
      %dma_wait3A_2116 = tpu.memref_slice %arg7[%dma_wait3A_2113, %dma_wait3A_2114, %dma_wait3A_2115] : memref<16x16x128xf32, #tpu.memory_space<vmem>> -> memref<1x16x128xf32, #tpu.memory_space<vmem>>
      %dma_wait3A_2117 = tpu.memref_squeeze %dma_wait3A_2116 : memref<1x16x128xf32, #tpu.memory_space<vmem>> -> memref<16x128xf32, #tpu.memory_space<vmem>>
      %dma_wait3A_2118 = arith.constant 0 : i32
      %dma_wait3A_2119 = arith.constant 0 : i32
      %dma_wait3A_2120 = tpu.memref_slice %arg3[%dma_wait3A_2118, %dma_wait3A_2119] : memref<16x1000000xf32, #tpu.memory_space<hbm>> -> memref<16x128xf32, #tpu.memory_space<hbm>>
      %dma_wait3A_2121 = arith.constant 0 : i32
      %dma_wait3A_2122 = arith.constant 0 : i32
      %dma_wait3A_2123 = tpu.memref_slice %arg7[%dma_wait3A_2113, %dma_wait3A_2121, %dma_wait3A_2122] : memref<16x16x128xf32, #tpu.memory_space<vmem>> -> memref<1x16x128xf32, #tpu.memory_space<vmem>>
      %dma_wait3A_2124 = tpu.memref_squeeze %dma_wait3A_2123 : memref<1x16x128xf32, #tpu.memory_space<vmem>> -> memref<16x128xf32, #tpu.memory_space<vmem>>
      %dma_wait3A_2125 = arith.constant 0 : i32
      %dma_wait3A_2126 = arith.constant 0 : i32
      %dma_wait3A_2127 = tpu.memref_slice %arg3[%dma_wait3A_2125, %dma_wait3A_2126] : memref<16x1000000xf32, #tpu.memory_space<hbm>> -> memref<16x128xf32, #tpu.memory_space<hbm>>
      tpu.wait_dma2 semaphore(%arg10 : memref<!tpu.dma_semaphore, #tpu.memory_space<semaphore_mem>>) src(%dma_wait3A_2127 : memref<16x128xf32, #tpu.memory_space<hbm>>) dst(%dma_wait3A_2124 : memref<16x128xf32, #tpu.memory_space<vmem>>)
      %dma_wait3A_2128 = arith.constant 0 : i32
      %dma_wait3A_2129 = arith.constant 0 : i32
      %dma_wait3A_2130 = arith.constant 0 : i32
      %dma_wait3A_2131 = tpu.memref_slice %arg8[%dma_wait3A_2128, %dma_wait3A_2129, %dma_wait3A_2130] : memref<16x16x128xf32, #tpu.memory_space<vmem>> -> memref<1x16x128xf32, #tpu.memory_space<vmem>>
      %dma_wait3A_2132 = tpu.memref_squeeze %dma_wait3A_2131 : memref<1x16x128xf32, #tpu.memory_space<vmem>> -> memref<16x128xf32, #tpu.memory_space<vmem>>
      %dma_wait3A_2133 = arith.constant 0 : i32
      %dma_wait3A_2134 = arith.constant 0 : i32
      %dma_wait3A_2135 = tpu.memref_slice %arg4[%dma_wait3A_2133, %dma_wait3A_2134] : memref<16x1000000xf32, #tpu.memory_space<hbm>> -> memref<16x128xf32, #tpu.memory_space<hbm>>
      %dma_wait3A_2136 = arith.constant 0 : i32
      %dma_wait3A_2137 = arith.constant 0 : i32
      %dma_wait3A_2138 = tpu.memref_slice %arg8[%dma_wait3A_2128, %dma_wait3A_2136, %dma_wait3A_2137] : memref<16x16x128xf32, #tpu.memory_space<vmem>> -> memref<1x16x128xf32, #tpu.memory_space<vmem>>
      %dma_wait3A_2139 = tpu.memref_squeeze %dma_wait3A_2138 : memref<1x16x128xf32, #tpu.memory_space<vmem>> -> memref<16x128xf32, #tpu.memory_space<vmem>>
      %dma_wait3A_2140 = arith.constant 0 : i32
      %dma_wait3A_2141 = arith.constant 0 : i32
      %dma_wait3A_2142 = tpu.memref_slice %arg4[%dma_wait3A_2140, %dma_wait3A_2141] : memref<16x1000000xf32, #tpu.memory_space<hbm>> -> memref<16x128xf32, #tpu.memory_space<hbm>>
      tpu.wait_dma2 semaphore(%arg11 : memref<!tpu.dma_semaphore, #tpu.memory_space<semaphore_mem>>) src(%dma_wait3A_2142 : memref<16x128xf32, #tpu.memory_space<hbm>>) dst(%dma_wait3A_2139 : memref<16x128xf32, #tpu.memory_space<vmem>>)
      %dma_wait3A_2143 = arith.constant 0 : i32
      %dma_wait3A_2144 = arith.constant 0 : i32
      %dma_wait3A_2145 = arith.constant 0 : i32
      %dma_wait3A_2146 = tpu.memref_slice %arg7[%dma_wait3A_2143, %dma_wait3A_2144, %dma_wait3A_2145] : memref<16x16x128xf32, #tpu.memory_space<vmem>> -> memref<1x16x128xf32, #tpu.memory_space<vmem>>
      %dma_wait3A_2147 = tpu.memref_squeeze %dma_wait3A_2146 : memref<1x16x128xf32, #tpu.memory_space<vmem>> -> memref<16x128xf32, #tpu.memory_space<vmem>>
      %dma_wait3A_2148 = arith.constant 0 : i32
      %dma_wait3A_2149 = arith.constant 0 : i32
      %dma_wait3A_2150 = tpu.memref_slice %arg3[%dma_wait3A_2148, %dma_wait3A_2149] : memref<16x1000000xf32, #tpu.memory_space<hbm>> -> memref<16x128xf32, #tpu.memory_space<hbm>>
      %dma_wait3A_2151 = arith.constant 0 : i32
      %dma_wait3A_2152 = arith.constant 0 : i32
      %dma_wait3A_2153 = tpu.memref_slice %arg7[%dma_wait3A_2143, %dma_wait3A_2151, %dma_wait3A_2152] : memref<16x16x128xf32, #tpu.memory_space<vmem>> -> memref<1x16x128xf32, #tpu.memory_space<vmem>>
      %dma_wait3A_2154 = tpu.memref_squeeze %dma_wait3A_2153 : memref<1x16x128xf32, #tpu.memory_space<vmem>> -> memref<16x128xf32, #tpu.memory_space<vmem>>
      %dma_wait3A_2155 = arith.constant 0 : i32
      %dma_wait3A_2156 = arith.constant 0 : i32
      %dma_wait3A_2157 = tpu.memref_slice %arg3[%dma_wait3A_2155, %dma_wait3A_2156] : memref<16x1000000xf32, #tpu.memory_space<hbm>> -> memref<16x128xf32, #tpu.memory_space<hbm>>
      tpu.wait_dma2 semaphore(%arg10 : memref<!tpu.dma_semaphore, #tpu.memory_space<semaphore_mem>>) src(%dma_wait3A_2157 : memref<16x128xf32, #tpu.memory_space<hbm>>) dst(%dma_wait3A_2154 : memref<16x128xf32, #tpu.memory_space<vmem>>)
      %dma_wait3A_2158 = arith.constant 0 : i32
      %dma_wait3A_2159 = arith.constant 0 : i32
      %dma_wait3A_2160 = arith.constant 0 : i32
      %dma_wait3A_2161 = tpu.memref_slice %arg8[%dma_wait3A_2158, %dma_wait3A_2159, %dma_wait3A_2160] : memref<16x16x128xf32, #tpu.memory_space<vmem>> -> memref<1x16x128xf32, #tpu.memory_space<vmem>>
      %dma_wait3A_2162 = tpu.memref_squeeze %dma_wait3A_2161 : memref<1x16x128xf32, #tpu.memory_space<vmem>> -> memref<16x128xf32, #tpu.memory_space<vmem>>
      %dma_wait3A_2163 = arith.constant 0 : i32
      %dma_wait3A_2164 = arith.constant 0 : i32
      %dma_wait3A_2165 = tpu.memref_slice %arg4[%dma_wait3A_2163, %dma_wait3A_2164] : memref<16x1000000xf32, #tpu.memory_space<hbm>> -> memref<16x128xf32, #tpu.memory_space<hbm>>
      %dma_wait3A_2166 = arith.constant 0 : i32
      %dma_wait3A_2167 = arith.constant 0 : i32
      %dma_wait3A_2168 = tpu.memref_slice %arg8[%dma_wait3A_2158, %dma_wait3A_2166, %dma_wait3A_2167] : memref<16x16x128xf32, #tpu.memory_space<vmem>> -> memref<1x16x128xf32, #tpu.memory_space<vmem>>
      %dma_wait3A_2169 = tpu.memref_squeeze %dma_wait3A_2168 : memref<1x16x128xf32, #tpu.memory_space<vmem>> -> memref<16x128xf32, #tpu.memory_space<vmem>>
      %dma_wait3A_2170 = arith.constant 0 : i32
      %dma_wait3A_2171 = arith.constant 0 : i32
      %dma_wait3A_2172 = tpu.memref_slice %arg4[%dma_wait3A_2170, %dma_wait3A_2171] : memref<16x1000000xf32, #tpu.memory_space<hbm>> -> memref<16x128xf32, #tpu.memory_space<hbm>>
      tpu.wait_dma2 semaphore(%arg11 : memref<!tpu.dma_semaphore, #tpu.memory_space<semaphore_mem>>) src(%dma_wait3A_2172 : memref<16x128xf32, #tpu.memory_space<hbm>>) dst(%dma_wait3A_2169 : memref<16x128xf32, #tpu.memory_space<vmem>>)
      %dma_wait3A_2173 = arith.constant 0 : i32
      %dma_wait3A_2174 = arith.constant 0 : i32
      %dma_wait3A_2175 = arith.constant 0 : i32
      %dma_wait3A_2176 = tpu.memref_slice %arg7[%dma_wait3A_2173, %dma_wait3A_2174, %dma_wait3A_2175] : memref<16x16x128xf32, #tpu.memory_space<vmem>> -> memref<1x16x128xf32, #tpu.memory_space<vmem>>
      %dma_wait3A_2177 = tpu.memref_squeeze %dma_wait3A_2176 : memref<1x16x128xf32, #tpu.memory_space<vmem>> -> memref<16x128xf32, #tpu.memory_space<vmem>>
      %dma_wait3A_2178 = arith.constant 0 : i32
      %dma_wait3A_2179 = arith.constant 0 : i32
      %dma_wait3A_2180 = tpu.memref_slice %arg3[%dma_wait3A_2178, %dma_wait3A_2179] : memref<16x1000000xf32, #tpu.memory_space<hbm>> -> memref<16x128xf32, #tpu.memory_space<hbm>>
      %dma_wait3A_2181 = arith.constant 0 : i32
      %dma_wait3A_2182 = arith.constant 0 : i32
      %dma_wait3A_2183 = tpu.memref_slice %arg7[%dma_wait3A_2173, %dma_wait3A_2181, %dma_wait3A_2182] : memref<16x16x128xf32, #tpu.memory_space<vmem>> -> memref<1x16x128xf32, #tpu.memory_space<vmem>>
      %dma_wait3A_2184 = tpu.memref_squeeze %dma_wait3A_2183 : memref<1x16x128xf32, #tpu.memory_space<vmem>> -> memref<16x128xf32, #tpu.memory_space<vmem>>
      %dma_wait3A_2185 = arith.constant 0 : i32
      %dma_wait3A_2186 = arith.constant 0 : i32
      %dma_wait3A_2187 = tpu.memref_slice %arg3[%dma_wait3A_2185, %dma_wait3A_2186] : memref<16x1000000xf32, #tpu.memory_space<hbm>> -> memref<16x128xf32, #tpu.memory_space<hbm>>
      tpu.wait_dma2 semaphore(%arg10 : memref<!tpu.dma_semaphore, #tpu.memory_space<semaphore_mem>>) src(%dma_wait3A_2187 : memref<16x128xf32, #tpu.memory_space<hbm>>) dst(%dma_wait3A_2184 : memref<16x128xf32, #tpu.memory_space<vmem>>)
      %dma_wait3A_2188 = arith.constant 0 : i32
      %dma_wait3A_2189 = arith.constant 0 : i32
      %dma_wait3A_2190 = arith.constant 0 : i32
      %dma_wait3A_2191 = tpu.memref_slice %arg8[%dma_wait3A_2188, %dma_wait3A_2189, %dma_wait3A_2190] : memref<16x16x128xf32, #tpu.memory_space<vmem>> -> memref<1x16x128xf32, #tpu.memory_space<vmem>>
      %dma_wait3A_2192 = tpu.memref_squeeze %dma_wait3A_2191 : memref<1x16x128xf32, #tpu.memory_space<vmem>> -> memref<16x128xf32, #tpu.memory_space<vmem>>
      %dma_wait3A_2193 = arith.constant 0 : i32
      %dma_wait3A_2194 = arith.constant 0 : i32
      %dma_wait3A_2195 = tpu.memref_slice %arg4[%dma_wait3A_2193, %dma_wait3A_2194] : memref<16x1000000xf32, #tpu.memory_space<hbm>> -> memref<16x128xf32, #tpu.memory_space<hbm>>
      %dma_wait3A_2196 = arith.constant 0 : i32
      %dma_wait3A_2197 = arith.constant 0 : i32
      %dma_wait3A_2198 = tpu.memref_slice %arg8[%dma_wait3A_2188, %dma_wait3A_2196, %dma_wait3A_2197] : memref<16x16x128xf32, #tpu.memory_space<vmem>> -> memref<1x16x128xf32, #tpu.memory_space<vmem>>
      %dma_wait3A_2199 = tpu.memref_squeeze %dma_wait3A_2198 : memref<1x16x128xf32, #tpu.memory_space<vmem>> -> memref<16x128xf32, #tpu.memory_space<vmem>>
      %dma_wait3A_2200 = arith.constant 0 : i32
      %dma_wait3A_2201 = arith.constant 0 : i32
      %dma_wait3A_2202 = tpu.memref_slice %arg4[%dma_wait3A_2200, %dma_wait3A_2201] : memref<16x1000000xf32, #tpu.memory_space<hbm>> -> memref<16x128xf32, #tpu.memory_space<hbm>>
      tpu.wait_dma2 semaphore(%arg11 : memref<!tpu.dma_semaphore, #tpu.memory_space<semaphore_mem>>) src(%dma_wait3A_2202 : memref<16x128xf32, #tpu.memory_space<hbm>>) dst(%dma_wait3A_2199 : memref<16x128xf32, #tpu.memory_space<vmem>>)
      %dma_wait3A_2203 = arith.constant 0 : i32
      %dma_wait3A_2204 = arith.constant 0 : i32
      %dma_wait3A_2205 = arith.constant 0 : i32
      %dma_wait3A_2206 = tpu.memref_slice %arg7[%dma_wait3A_2203, %dma_wait3A_2204, %dma_wait3A_2205] : memref<16x16x128xf32, #tpu.memory_space<vmem>> -> memref<1x16x128xf32, #tpu.memory_space<vmem>>
      %dma_wait3A_2207 = tpu.memref_squeeze %dma_wait3A_2206 : memref<1x16x128xf32, #tpu.memory_space<vmem>> -> memref<16x128xf32, #tpu.memory_space<vmem>>
      %dma_wait3A_2208 = arith.constant 0 : i32
      %dma_wait3A_2209 = arith.constant 0 : i32
      %dma_wait3A_2210 = tpu.memref_slice %arg3[%dma_wait3A_2208, %dma_wait3A_2209] : memref<16x1000000xf32, #tpu.memory_space<hbm>> -> memref<16x128xf32, #tpu.memory_space<hbm>>
      %dma_wait3A_2211 = arith.constant 0 : i32
      %dma_wait3A_2212 = arith.constant 0 : i32
      %dma_wait3A_2213 = tpu.memref_slice %arg7[%dma_wait3A_2203, %dma_wait3A_2211, %dma_wait3A_2212] : memref<16x16x128xf32, #tpu.memory_space<vmem>> -> memref<1x16x128xf32, #tpu.memory_space<vmem>>
      %dma_wait3A_2214 = tpu.memref_squeeze %dma_wait3A_2213 : memref<1x16x128xf32, #tpu.memory_space<vmem>> -> memref<16x128xf32, #tpu.memory_space<vmem>>
      %dma_wait3A_2215 = arith.constant 0 : i32
      %dma_wait3A_2216 = arith.constant 0 : i32
      %dma_wait3A_2217 = tpu.memref_slice %arg3[%dma_wait3A_2215, %dma_wait3A_2216] : memref<16x1000000xf32, #tpu.memory_space<hbm>> -> memref<16x128xf32, #tpu.memory_space<hbm>>
      tpu.wait_dma2 semaphore(%arg10 : memref<!tpu.dma_semaphore, #tpu.memory_space<semaphore_mem>>) src(%dma_wait3A_2217 : memref<16x128xf32, #tpu.memory_space<hbm>>) dst(%dma_wait3A_2214 : memref<16x128xf32, #tpu.memory_space<vmem>>)
      %dma_wait3A_2218 = arith.constant 0 : i32
      %dma_wait3A_2219 = arith.constant 0 : i32
      %dma_wait3A_2220 = arith.constant 0 : i32
      %dma_wait3A_2221 = tpu.memref_slice %arg8[%dma_wait3A_2218, %dma_wait3A_2219, %dma_wait3A_2220] : memref<16x16x128xf32, #tpu.memory_space<vmem>> -> memref<1x16x128xf32, #tpu.memory_space<vmem>>
      %dma_wait3A_2222 = tpu.memref_squeeze %dma_wait3A_2221 : memref<1x16x128xf32, #tpu.memory_space<vmem>> -> memref<16x128xf32, #tpu.memory_space<vmem>>
      %dma_wait3A_2223 = arith.constant 0 : i32
      %dma_wait3A_2224 = arith.constant 0 : i32
      %dma_wait3A_2225 = tpu.memref_slice %arg4[%dma_wait3A_2223, %dma_wait3A_2224] : memref<16x1000000xf32, #tpu.memory_space<hbm>> -> memref<16x128xf32, #tpu.memory_space<hbm>>
      %dma_wait3A_2226 = arith.constant 0 : i32
      %dma_wait3A_2227 = arith.constant 0 : i32
      %dma_wait3A_2228 = tpu.memref_slice %arg8[%dma_wait3A_2218, %dma_wait3A_2226, %dma_wait3A_2227] : memref<16x16x128xf32, #tpu.memory_space<vmem>> -> memref<1x16x128xf32, #tpu.memory_space<vmem>>
      %dma_wait3A_2229 = tpu.memref_squeeze %dma_wait3A_2228 : memref<1x16x128xf32, #tpu.memory_space<vmem>> -> memref<16x128xf32, #tpu.memory_space<vmem>>
      %dma_wait3A_2230 = arith.constant 0 : i32
      %dma_wait3A_2231 = arith.constant 0 : i32
      %dma_wait3A_2232 = tpu.memref_slice %arg4[%dma_wait3A_2230, %dma_wait3A_2231] : memref<16x1000000xf32, #tpu.memory_space<hbm>> -> memref<16x128xf32, #tpu.memory_space<hbm>>
      tpu.wait_dma2 semaphore(%arg11 : memref<!tpu.dma_semaphore, #tpu.memory_space<semaphore_mem>>) src(%dma_wait3A_2232 : memref<16x128xf32, #tpu.memory_space<hbm>>) dst(%dma_wait3A_2229 : memref<16x128xf32, #tpu.memory_space<vmem>>)
      %dma_wait3A_2233 = arith.constant 0 : i32
      %dma_wait3A_2234 = arith.constant 0 : i32
      %dma_wait3A_2235 = arith.constant 0 : i32
      %dma_wait3A_2236 = tpu.memref_slice %arg7[%dma_wait3A_2233, %dma_wait3A_2234, %dma_wait3A_2235] : memref<16x16x128xf32, #tpu.memory_space<vmem>> -> memref<1x16x128xf32, #tpu.memory_space<vmem>>
      %dma_wait3A_2237 = tpu.memref_squeeze %dma_wait3A_2236 : memref<1x16x128xf32, #tpu.memory_space<vmem>> -> memref<16x128xf32, #tpu.memory_space<vmem>>
      %dma_wait3A_2238 = arith.constant 0 : i32
      %dma_wait3A_2239 = arith.constant 0 : i32
      %dma_wait3A_2240 = tpu.memref_slice %arg3[%dma_wait3A_2238, %dma_wait3A_2239] : memref<16x1000000xf32, #tpu.memory_space<hbm>> -> memref<16x128xf32, #tpu.memory_space<hbm>>
      %dma_wait3A_2241 = arith.constant 0 : i32
      %dma_wait3A_2242 = arith.constant 0 : i32
      %dma_wait3A_2243 = tpu.memref_slice %arg7[%dma_wait3A_2233, %dma_wait3A_2241, %dma_wait3A_2242] : memref<16x16x128xf32, #tpu.memory_space<vmem>> -> memref<1x16x128xf32, #tpu.memory_space<vmem>>
      %dma_wait3A_2244 = tpu.memref_squeeze %dma_wait3A_2243 : memref<1x16x128xf32, #tpu.memory_space<vmem>> -> memref<16x128xf32, #tpu.memory_space<vmem>>
      %dma_wait3A_2245 = arith.constant 0 : i32
      %dma_wait3A_2246 = arith.constant 0 : i32
      %dma_wait3A_2247 = tpu.memref_slice %arg3[%dma_wait3A_2245, %dma_wait3A_2246] : memref<16x1000000xf32, #tpu.memory_space<hbm>> -> memref<16x128xf32, #tpu.memory_space<hbm>>
      tpu.wait_dma2 semaphore(%arg10 : memref<!tpu.dma_semaphore, #tpu.memory_space<semaphore_mem>>) src(%dma_wait3A_2247 : memref<16x128xf32, #tpu.memory_space<hbm>>) dst(%dma_wait3A_2244 : memref<16x128xf32, #tpu.memory_space<vmem>>)
      %dma_wait3A_2248 = arith.constant 0 : i32
      %dma_wait3A_2249 = arith.constant 0 : i32
      %dma_wait3A_2250 = arith.constant 0 : i32
      %dma_wait3A_2251 = tpu.memref_slice %arg8[%dma_wait3A_2248, %dma_wait3A_2249, %dma_wait3A_2250] : memref<16x16x128xf32, #tpu.memory_space<vmem>> -> memref<1x16x128xf32, #tpu.memory_space<vmem>>
      %dma_wait3A_2252 = tpu.memref_squeeze %dma_wait3A_2251 : memref<1x16x128xf32, #tpu.memory_space<vmem>> -> memref<16x128xf32, #tpu.memory_space<vmem>>
      %dma_wait3A_2253 = arith.constant 0 : i32
      %dma_wait3A_2254 = arith.constant 0 : i32
      %dma_wait3A_2255 = tpu.memref_slice %arg4[%dma_wait3A_2253, %dma_wait3A_2254] : memref<16x1000000xf32, #tpu.memory_space<hbm>> -> memref<16x128xf32, #tpu.memory_space<hbm>>
      %dma_wait3A_2256 = arith.constant 0 : i32
      %dma_wait3A_2257 = arith.constant 0 : i32
      %dma_wait3A_2258 = tpu.memref_slice %arg8[%dma_wait3A_2248, %dma_wait3A_2256, %dma_wait3A_2257] : memref<16x16x128xf32, #tpu.memory_space<vmem>> -> memref<1x16x128xf32, #tpu.memory_space<vmem>>
      %dma_wait3A_2259 = tpu.memref_squeeze %dma_wait3A_2258 : memref<1x16x128xf32, #tpu.memory_space<vmem>> -> memref<16x128xf32, #tpu.memory_space<vmem>>
      %dma_wait3A_2260 = arith.constant 0 : i32
      %dma_wait3A_2261 = arith.constant 0 : i32
      %dma_wait3A_2262 = tpu.memref_slice %arg4[%dma_wait3A_2260, %dma_wait3A_2261] : memref<16x1000000xf32, #tpu.memory_space<hbm>> -> memref<16x128xf32, #tpu.memory_space<hbm>>
      tpu.wait_dma2 semaphore(%arg11 : memref<!tpu.dma_semaphore, #tpu.memory_space<semaphore_mem>>) src(%dma_wait3A_2262 : memref<16x128xf32, #tpu.memory_space<hbm>>) dst(%dma_wait3A_2259 : memref<16x128xf32, #tpu.memory_space<vmem>>)
      %dma_wait3A_2263 = arith.constant 0 : i32
      %dma_wait3A_2264 = arith.constant 0 : i32
      %dma_wait3A_2265 = arith.constant 0 : i32
      %dma_wait3A_2266 = tpu.memref_slice %arg7[%dma_wait3A_2263, %dma_wait3A_2264, %dma_wait3A_2265] : memref<16x16x128xf32, #tpu.memory_space<vmem>> -> memref<1x16x128xf32, #tpu.memory_space<vmem>>
      %dma_wait3A_2267 = tpu.memref_squeeze %dma_wait3A_2266 : memref<1x16x128xf32, #tpu.memory_space<vmem>> -> memref<16x128xf32, #tpu.memory_space<vmem>>
      %dma_wait3A_2268 = arith.constant 0 : i32
      %dma_wait3A_2269 = arith.constant 0 : i32
      %dma_wait3A_2270 = tpu.memref_slice %arg3[%dma_wait3A_2268, %dma_wait3A_2269] : memref<16x1000000xf32, #tpu.memory_space<hbm>> -> memref<16x128xf32, #tpu.memory_space<hbm>>
      %dma_wait3A_2271 = arith.constant 0 : i32
      %dma_wait3A_2272 = arith.constant 0 : i32
      %dma_wait3A_2273 = tpu.memref_slice %arg7[%dma_wait3A_2263, %dma_wait3A_2271, %dma_wait3A_2272] : memref<16x16x128xf32, #tpu.memory_space<vmem>> -> memref<1x16x128xf32, #tpu.memory_space<vmem>>
      %dma_wait3A_2274 = tpu.memref_squeeze %dma_wait3A_2273 : memref<1x16x128xf32, #tpu.memory_space<vmem>> -> memref<16x128xf32, #tpu.memory_space<vmem>>
      %dma_wait3A_2275 = arith.constant 0 : i32
      %dma_wait3A_2276 = arith.constant 0 : i32
      %dma_wait3A_2277 = tpu.memref_slice %arg3[%dma_wait3A_2275, %dma_wait3A_2276] : memref<16x1000000xf32, #tpu.memory_space<hbm>> -> memref<16x128xf32, #tpu.memory_space<hbm>>
      tpu.wait_dma2 semaphore(%arg10 : memref<!tpu.dma_semaphore, #tpu.memory_space<semaphore_mem>>) src(%dma_wait3A_2277 : memref<16x128xf32, #tpu.memory_space<hbm>>) dst(%dma_wait3A_2274 : memref<16x128xf32, #tpu.memory_space<vmem>>)
      %dma_wait3A_2278 = arith.constant 0 : i32
      %dma_wait3A_2279 = arith.constant 0 : i32
      %dma_wait3A_2280 = arith.constant 0 : i32
      %dma_wait3A_2281 = tpu.memref_slice %arg8[%dma_wait3A_2278, %dma_wait3A_2279, %dma_wait3A_2280] : memref<16x16x128xf32, #tpu.memory_space<vmem>> -> memref<1x16x128xf32, #tpu.memory_space<vmem>>
      %dma_wait3A_2282 = tpu.memref_squeeze %dma_wait3A_2281 : memref<1x16x128xf32, #tpu.memory_space<vmem>> -> memref<16x128xf32, #tpu.memory_space<vmem>>
      %dma_wait3A_2283 = arith.constant 0 : i32
      %dma_wait3A_2284 = arith.constant 0 : i32
      %dma_wait3A_2285 = tpu.memref_slice %arg4[%dma_wait3A_2283, %dma_wait3A_2284] : memref<16x1000000xf32, #tpu.memory_space<hbm>> -> memref<16x128xf32, #tpu.memory_space<hbm>>
      %dma_wait3A_2286 = arith.constant 0 : i32
      %dma_wait3A_2287 = arith.constant 0 : i32
      %dma_wait3A_2288 = tpu.memref_slice %arg8[%dma_wait3A_2278, %dma_wait3A_2286, %dma_wait3A_2287] : memref<16x16x128xf32, #tpu.memory_space<vmem>> -> memref<1x16x128xf32, #tpu.memory_space<vmem>>
      %dma_wait3A_2289 = tpu.memref_squeeze %dma_wait3A_2288 : memref<1x16x128xf32, #tpu.memory_space<vmem>> -> memref<16x128xf32, #tpu.memory_space<vmem>>
      %dma_wait3A_2290 = arith.constant 0 : i32
      %dma_wait3A_2291 = arith.constant 0 : i32
      %dma_wait3A_2292 = tpu.memref_slice %arg4[%dma_wait3A_2290, %dma_wait3A_2291] : memref<16x1000000xf32, #tpu.memory_space<hbm>> -> memref<16x128xf32, #tpu.memory_space<hbm>>
      tpu.wait_dma2 semaphore(%arg11 : memref<!tpu.dma_semaphore, #tpu.memory_space<semaphore_mem>>) src(%dma_wait3A_2292 : memref<16x128xf32, #tpu.memory_space<hbm>>) dst(%dma_wait3A_2289 : memref<16x128xf32, #tpu.memory_space<vmem>>)
      %dma_wait3A_2293 = arith.constant 0 : i32
      %dma_wait3A_2294 = arith.constant 0 : i32
      %dma_wait3A_2295 = arith.constant 0 : i32
      %dma_wait3A_2296 = tpu.memref_slice %arg7[%dma_wait3A_2293, %dma_wait3A_2294, %dma_wait3A_2295] : memref<16x16x128xf32, #tpu.memory_space<vmem>> -> memref<1x16x128xf32, #tpu.memory_space<vmem>>
      %dma_wait3A_2297 = tpu.memref_squeeze %dma_wait3A_2296 : memref<1x16x128xf32, #tpu.memory_space<vmem>> -> memref<16x128xf32, #tpu.memory_space<vmem>>
      %dma_wait3A_2298 = arith.constant 0 : i32
      %dma_wait3A_2299 = arith.constant 0 : i32
      %dma_wait3A_2300 = tpu.memref_slice %arg3[%dma_wait3A_2298, %dma_wait3A_2299] : memref<16x1000000xf32, #tpu.memory_space<hbm>> -> memref<16x128xf32, #tpu.memory_space<hbm>>
      %dma_wait3A_2301 = arith.constant 0 : i32
      %dma_wait3A_2302 = arith.constant 0 : i32
      %dma_wait3A_2303 = tpu.memref_slice %arg7[%dma_wait3A_2293, %dma_wait3A_2301, %dma_wait3A_2302] : memref<16x16x128xf32, #tpu.memory_space<vmem>> -> memref<1x16x128xf32, #tpu.memory_space<vmem>>
      %dma_wait3A_2304 = tpu.memref_squeeze %dma_wait3A_2303 : memref<1x16x128xf32, #tpu.memory_space<vmem>> -> memref<16x128xf32, #tpu.memory_space<vmem>>
      %dma_wait3A_2305 = arith.constant 0 : i32
      %dma_wait3A_2306 = arith.constant 0 : i32
      %dma_wait3A_2307 = tpu.memref_slice %arg3[%dma_wait3A_2305, %dma_wait3A_2306] : memref<16x1000000xf32, #tpu.memory_space<hbm>> -> memref<16x128xf32, #tpu.memory_space<hbm>>
      tpu.wait_dma2 semaphore(%arg10 : memref<!tpu.dma_semaphore, #tpu.memory_space<semaphore_mem>>) src(%dma_wait3A_2307 : memref<16x128xf32, #tpu.memory_space<hbm>>) dst(%dma_wait3A_2304 : memref<16x128xf32, #tpu.memory_space<vmem>>)
      %dma_wait3A_2308 = arith.constant 0 : i32
      %dma_wait3A_2309 = arith.constant 0 : i32
      %dma_wait3A_2310 = arith.constant 0 : i32
      %dma_wait3A_2311 = tpu.memref_slice %arg8[%dma_wait3A_2308, %dma_wait3A_2309, %dma_wait3A_2310] : memref<16x16x128xf32, #tpu.memory_space<vmem>> -> memref<1x16x128xf32, #tpu.memory_space<vmem>>
      %dma_wait3A_2312 = tpu.memref_squeeze %dma_wait3A_2311 : memref<1x16x128xf32, #tpu.memory_space<vmem>> -> memref<16x128xf32, #tpu.memory_space<vmem>>
      %dma_wait3A_2313 = arith.constant 0 : i32
      %dma_wait3A_2314 = arith.constant 0 : i32
      %dma_wait3A_2315 = tpu.memref_slice %arg4[%dma_wait3A_2313, %dma_wait3A_2314] : memref<16x1000000xf32, #tpu.memory_space<hbm>> -> memref<16x128xf32, #tpu.memory_space<hbm>>
      %dma_wait3A_2316 = arith.constant 0 : i32
      %dma_wait3A_2317 = arith.constant 0 : i32
      %dma_wait3A_2318 = tpu.memref_slice %arg8[%dma_wait3A_2308, %dma_wait3A_2316, %dma_wait3A_2317] : memref<16x16x128xf32, #tpu.memory_space<vmem>> -> memref<1x16x128xf32, #tpu.memory_space<vmem>>
      %dma_wait3A_2319 = tpu.memref_squeeze %dma_wait3A_2318 : memref<1x16x128xf32, #tpu.memory_space<vmem>> -> memref<16x128xf32, #tpu.memory_space<vmem>>
      %dma_wait3A_2320 = arith.constant 0 : i32
      %dma_wait3A_2321 = arith.constant 0 : i32
      %dma_wait3A_2322 = tpu.memref_slice %arg4[%dma_wait3A_2320, %dma_wait3A_2321] : memref<16x1000000xf32, #tpu.memory_space<hbm>> -> memref<16x128xf32, #tpu.memory_space<hbm>>
      tpu.wait_dma2 semaphore(%arg11 : memref<!tpu.dma_semaphore, #tpu.memory_space<semaphore_mem>>) src(%dma_wait3A_2322 : memref<16x128xf32, #tpu.memory_space<hbm>>) dst(%dma_wait3A_2319 : memref<16x128xf32, #tpu.memory_space<vmem>>)
      %dma_wait3A_2323 = arith.constant 0 : i32
      %dma_wait3A_2324 = arith.constant 0 : i32
      %dma_wait3A_2325 = arith.constant 0 : i32
      %dma_wait3A_2326 = tpu.memref_slice %arg7[%dma_wait3A_2323, %dma_wait3A_2324, %dma_wait3A_2325] : memref<16x16x128xf32, #tpu.memory_space<vmem>> -> memref<1x16x128xf32, #tpu.memory_space<vmem>>
      %dma_wait3A_2327 = tpu.memref_squeeze %dma_wait3A_2326 : memref<1x16x128xf32, #tpu.memory_space<vmem>> -> memref<16x128xf32, #tpu.memory_space<vmem>>
      %dma_wait3A_2328 = arith.constant 0 : i32
      %dma_wait3A_2329 = arith.constant 0 : i32
      %dma_wait3A_2330 = tpu.memref_slice %arg3[%dma_wait3A_2328, %dma_wait3A_2329] : memref<16x1000000xf32, #tpu.memory_space<hbm>> -> memref<16x128xf32, #tpu.memory_space<hbm>>
      %dma_wait3A_2331 = arith.constant 0 : i32
      %dma_wait3A_2332 = arith.constant 0 : i32
      %dma_wait3A_2333 = tpu.memref_slice %arg7[%dma_wait3A_2323, %dma_wait3A_2331, %dma_wait3A_2332] : memref<16x16x128xf32, #tpu.memory_space<vmem>> -> memref<1x16x128xf32, #tpu.memory_space<vmem>>
      %dma_wait3A_2334 = tpu.memref_squeeze %dma_wait3A_2333 : memref<1x16x128xf32, #tpu.memory_space<vmem>> -> memref<16x128xf32, #tpu.memory_space<vmem>>
      %dma_wait3A_2335 = arith.constant 0 : i32
      %dma_wait3A_2336 = arith.constant 0 : i32
      %dma_wait3A_2337 = tpu.memref_slice %arg3[%dma_wait3A_2335, %dma_wait3A_2336] : memref<16x1000000xf32, #tpu.memory_space<hbm>> -> memref<16x128xf32, #tpu.memory_space<hbm>>
      tpu.wait_dma2 semaphore(%arg10 : memref<!tpu.dma_semaphore, #tpu.memory_space<semaphore_mem>>) src(%dma_wait3A_2337 : memref<16x128xf32, #tpu.memory_space<hbm>>) dst(%dma_wait3A_2334 : memref<16x128xf32, #tpu.memory_space<vmem>>)
      %dma_wait3A_2338 = arith.constant 0 : i32
      %dma_wait3A_2339 = arith.constant 0 : i32
      %dma_wait3A_2340 = arith.constant 0 : i32
      %dma_wait3A_2341 = tpu.memref_slice %arg8[%dma_wait3A_2338, %dma_wait3A_2339, %dma_wait3A_2340] : memref<16x16x128xf32, #tpu.memory_space<vmem>> -> memref<1x16x128xf32, #tpu.memory_space<vmem>>
      %dma_wait3A_2342 = tpu.memref_squeeze %dma_wait3A_2341 : memref<1x16x128xf32, #tpu.memory_space<vmem>> -> memref<16x128xf32, #tpu.memory_space<vmem>>
      %dma_wait3A_2343 = arith.constant 0 : i32
      %dma_wait3A_2344 = arith.constant 0 : i32
      %dma_wait3A_2345 = tpu.memref_slice %arg4[%dma_wait3A_2343, %dma_wait3A_2344] : memref<16x1000000xf32, #tpu.memory_space<hbm>> -> memref<16x128xf32, #tpu.memory_space<hbm>>
      %dma_wait3A_2346 = arith.constant 0 : i32
      %dma_wait3A_2347 = arith.constant 0 : i32
      %dma_wait3A_2348 = tpu.memref_slice %arg8[%dma_wait3A_2338, %dma_wait3A_2346, %dma_wait3A_2347] : memref<16x16x128xf32, #tpu.memory_space<vmem>> -> memref<1x16x128xf32, #tpu.memory_space<vmem>>
      %dma_wait3A_2349 = tpu.memref_squeeze %dma_wait3A_2348 : memref<1x16x128xf32, #tpu.memory_space<vmem>> -> memref<16x128xf32, #tpu.memory_space<vmem>>
      %dma_wait3A_2350 = arith.constant 0 : i32
      %dma_wait3A_2351 = arith.constant 0 : i32
      %dma_wait3A_2352 = tpu.memref_slice %arg4[%dma_wait3A_2350, %dma_wait3A_2351] : memref<16x1000000xf32, #tpu.memory_space<hbm>> -> memref<16x128xf32, #tpu.memory_space<hbm>>
      tpu.wait_dma2 semaphore(%arg11 : memref<!tpu.dma_semaphore, #tpu.memory_space<semaphore_mem>>) src(%dma_wait3A_2352 : memref<16x128xf32, #tpu.memory_space<hbm>>) dst(%dma_wait3A_2349 : memref<16x128xf32, #tpu.memory_space<vmem>>)
      %dma_wait3A_2353 = arith.constant 0 : i32
      %dma_wait3A_2354 = arith.constant 0 : i32
      %dma_wait3A_2355 = arith.constant 0 : i32
      %dma_wait3A_2356 = tpu.memref_slice %arg7[%dma_wait3A_2353, %dma_wait3A_2354, %dma_wait3A_2355] : memref<16x16x128xf32, #tpu.memory_space<vmem>> -> memref<1x16x128xf32, #tpu.memory_space<vmem>>
      %dma_wait3A_2357 = tpu.memref_squeeze %dma_wait3A_2356 : memref<1x16x128xf32, #tpu.memory_space<vmem>> -> memref<16x128xf32, #tpu.memory_space<vmem>>
      %dma_wait3A_2358 = arith.constant 0 : i32
      %dma_wait3A_2359 = arith.constant 0 : i32
      %dma_wait3A_2360 = tpu.memref_slice %arg3[%dma_wait3A_2358, %dma_wait3A_2359] : memref<16x1000000xf32, #tpu.memory_space<hbm>> -> memref<16x128xf32, #tpu.memory_space<hbm>>
      %dma_wait3A_2361 = arith.constant 0 : i32
      %dma_wait3A_2362 = arith.constant 0 : i32
      %dma_wait3A_2363 = tpu.memref_slice %arg7[%dma_wait3A_2353, %dma_wait3A_2361, %dma_wait3A_2362] : memref<16x16x128xf32, #tpu.memory_space<vmem>> -> memref<1x16x128xf32, #tpu.memory_space<vmem>>
      %dma_wait3A_2364 = tpu.memref_squeeze %dma_wait3A_2363 : memref<1x16x128xf32, #tpu.memory_space<vmem>> -> memref<16x128xf32, #tpu.memory_space<vmem>>
      %dma_wait3A_2365 = arith.constant 0 : i32
      %dma_wait3A_2366 = arith.constant 0 : i32
      %dma_wait3A_2367 = tpu.memref_slice %arg3[%dma_wait3A_2365, %dma_wait3A_2366] : memref<16x1000000xf32, #tpu.memory_space<hbm>> -> memref<16x128xf32, #tpu.memory_space<hbm>>
      tpu.wait_dma2 semaphore(%arg10 : memref<!tpu.dma_semaphore, #tpu.memory_space<semaphore_mem>>) src(%dma_wait3A_2367 : memref<16x128xf32, #tpu.memory_space<hbm>>) dst(%dma_wait3A_2364 : memref<16x128xf32, #tpu.memory_space<vmem>>)
      %dma_wait3A_2368 = arith.constant 0 : i32
      %dma_wait3A_2369 = arith.constant 0 : i32
      %dma_wait3A_2370 = arith.constant 0 : i32
      %dma_wait3A_2371 = tpu.memref_slice %arg8[%dma_wait3A_2368, %dma_wait3A_2369, %dma_wait3A_2370] : memref<16x16x128xf32, #tpu.memory_space<vmem>> -> memref<1x16x128xf32, #tpu.memory_space<vmem>>
      %dma_wait3A_2372 = tpu.memref_squeeze %dma_wait3A_2371 : memref<1x16x128xf32, #tpu.memory_space<vmem>> -> memref<16x128xf32, #tpu.memory_space<vmem>>
      %dma_wait3A_2373 = arith.constant 0 : i32
      %dma_wait3A_2374 = arith.constant 0 : i32
      %dma_wait3A_2375 = tpu.memref_slice %arg4[%dma_wait3A_2373, %dma_wait3A_2374] : memref<16x1000000xf32, #tpu.memory_space<hbm>> -> memref<16x128xf32, #tpu.memory_space<hbm>>
      %dma_wait3A_2376 = arith.constant 0 : i32
      %dma_wait3A_2377 = arith.constant 0 : i32
      %dma_wait3A_2378 = tpu.memref_slice %arg8[%dma_wait3A_2368, %dma_wait3A_2376, %dma_wait3A_2377] : memref<16x16x128xf32, #tpu.memory_space<vmem>> -> memref<1x16x128xf32, #tpu.memory_space<vmem>>
      %dma_wait3A_2379 = tpu.memref_squeeze %dma_wait3A_2378 : memref<1x16x128xf32, #tpu.memory_space<vmem>> -> memref<16x128xf32, #tpu.memory_space<vmem>>
      %dma_wait3A_2380 = arith.constant 0 : i32
      %dma_wait3A_2381 = arith.constant 0 : i32
      %dma_wait3A_2382 = tpu.memref_slice %arg4[%dma_wait3A_2380, %dma_wait3A_2381] : memref<16x1000000xf32, #tpu.memory_space<hbm>> -> memref<16x128xf32, #tpu.memory_space<hbm>>
      tpu.wait_dma2 semaphore(%arg11 : memref<!tpu.dma_semaphore, #tpu.memory_space<semaphore_mem>>) src(%dma_wait3A_2382 : memref<16x128xf32, #tpu.memory_space<hbm>>) dst(%dma_wait3A_2379 : memref<16x128xf32, #tpu.memory_space<vmem>>)
      %and3A_2383 = arith.constant 127 : i32
      %and3A_2384 = vector.broadcast %and3A_2383 : i32 to vector<16xi32>
      %and3A_2385 = arith.andi %gather3A_1258, %and3A_2384 : vector<16xi32>
      %and3A_2386 = arith.constant 127 : i32
      %and3A_2387 = vector.broadcast %and3A_2386 : i32 to vector<16xi32>
      %and3A_2388 = arith.andi %gather3A_1262, %and3A_2387 : vector<16xi32>
      %broadcast_in_dim3A_2389 = arith.constant 0 : i32
      %broadcast_in_dim3A_2390 = vector.broadcast %broadcast_in_dim3A_2389 : i32 to vector<16xi32>
      %gather3A_2391 = tpu.vector_load_idx %arg7[%iota3A, %broadcast_in_dim3A_2390, %and3A_2385] : memref<16x16x128xf32, #tpu.memory_space<vmem>>[vector<16xi32>, vector<16xi32>, vector<16xi32>], vector<16xf32>,
      %broadcast_in_dim3A_2392 = arith.constant 0 : i32
      %broadcast_in_dim3A_2393 = vector.broadcast %broadcast_in_dim3A_2392 : i32 to vector<16xi32>
      %gather3A_2394 = tpu.vector_load_idx %arg8[%iota3A, %broadcast_in_dim3A_2393, %and3A_2388] : memref<16x16x128xf32, #tpu.memory_space<vmem>>[vector<16xi32>, vector<16xi32>, vector<16xi32>], vector<16xf32>,
      %mul3A_2395 = arith.mulf %gather3A_2391, %gather3A_2394 : vector<16xf32>
      %broadcast_in_dim3A_2396 = arith.constant 1 : i32
      %broadcast_in_dim3A_2397 = vector.broadcast %broadcast_in_dim3A_2396 : i32 to vector<16xi32>
      %gather3A_2398 = tpu.vector_load_idx %arg7[%iota3A, %broadcast_in_dim3A_2397, %and3A_2385] : memref<16x16x128xf32, #tpu.memory_space<vmem>>[vector<16xi32>, vector<16xi32>, vector<16xi32>], vector<16xf32>,
      %gather3A_2399 = tpu.vector_load_idx %arg8[%iota3A, %broadcast_in_dim3A_2397, %and3A_2388] : memref<16x16x128xf32, #tpu.memory_space<vmem>>[vector<16xi32>, vector<16xi32>, vector<16xi32>], vector<16xf32>,
      %mul3A_2400 = arith.mulf %gather3A_2398, %gather3A_2399 : vector<16xf32>
      %add3A_2401 = arith.addf %mul3A_2395, %mul3A_2400 : vector<16xf32>
      %broadcast_in_dim3A_2402 = arith.constant 2 : i32
      %broadcast_in_dim3A_2403 = vector.broadcast %broadcast_in_dim3A_2402 : i32 to vector<16xi32>
      %gather3A_2404 = tpu.vector_load_idx %arg7[%iota3A, %broadcast_in_dim3A_2403, %and3A_2385] : memref<16x16x128xf32, #tpu.memory_space<vmem>>[vector<16xi32>, vector<16xi32>, vector<16xi32>], vector<16xf32>,
      %gather3A_2405 = tpu.vector_load_idx %arg8[%iota3A, %broadcast_in_dim3A_2403, %and3A_2388] : memref<16x16x128xf32, #tpu.memory_space<vmem>>[vector<16xi32>, vector<16xi32>, vector<16xi32>], vector<16xf32>,
      %mul3A_2406 = arith.mulf %gather3A_2404, %gather3A_2405 : vector<16xf32>
      %add3A_2407 = arith.addf %add3A_2401, %mul3A_2406 : vector<16xf32>
      %broadcast_in_dim3A_2408 = arith.constant 3 : i32
      %broadcast_in_dim3A_2409 = vector.broadcast %broadcast_in_dim3A_2408 : i32 to vector<16xi32>
      %gather3A_2410 = tpu.vector_load_idx %arg7[%iota3A, %broadcast_in_dim3A_2409, %and3A_2385] : memref<16x16x128xf32, #tpu.memory_space<vmem>>[vector<16xi32>, vector<16xi32>, vector<16xi32>], vector<16xf32>,
      %gather3A_2411 = tpu.vector_load_idx %arg8[%iota3A, %broadcast_in_dim3A_2409, %and3A_2388] : memref<16x16x128xf32, #tpu.memory_space<vmem>>[vector<16xi32>, vector<16xi32>, vector<16xi32>], vector<16xf32>,
      %mul3A_2412 = arith.mulf %gather3A_2410, %gather3A_2411 : vector<16xf32>
      %add3A_2413 = arith.addf %add3A_2407, %mul3A_2412 : vector<16xf32>
      %broadcast_in_dim3A_2414 = arith.constant 4 : i32
      %broadcast_in_dim3A_2415 = vector.broadcast %broadcast_in_dim3A_2414 : i32 to vector<16xi32>
      %gather3A_2416 = tpu.vector_load_idx %arg7[%iota3A, %broadcast_in_dim3A_2415, %and3A_2385] : memref<16x16x128xf32, #tpu.memory_space<vmem>>[vector<16xi32>, vector<16xi32>, vector<16xi32>], vector<16xf32>,
      %gather3A_2417 = tpu.vector_load_idx %arg8[%iota3A, %broadcast_in_dim3A_2415, %and3A_2388] : memref<16x16x128xf32, #tpu.memory_space<vmem>>[vector<16xi32>, vector<16xi32>, vector<16xi32>], vector<16xf32>,
      %mul3A_2418 = arith.mulf %gather3A_2416, %gather3A_2417 : vector<16xf32>
      %add3A_2419 = arith.addf %add3A_2413, %mul3A_2418 : vector<16xf32>
      %broadcast_in_dim3A_2420 = arith.constant 5 : i32
      %broadcast_in_dim3A_2421 = vector.broadcast %broadcast_in_dim3A_2420 : i32 to vector<16xi32>
      %gather3A_2422 = tpu.vector_load_idx %arg7[%iota3A, %broadcast_in_dim3A_2421, %and3A_2385] : memref<16x16x128xf32, #tpu.memory_space<vmem>>[vector<16xi32>, vector<16xi32>, vector<16xi32>], vector<16xf32>,
      %gather3A_2423 = tpu.vector_load_idx %arg8[%iota3A, %broadcast_in_dim3A_2421, %and3A_2388] : memref<16x16x128xf32, #tpu.memory_space<vmem>>[vector<16xi32>, vector<16xi32>, vector<16xi32>], vector<16xf32>,
      %mul3A_2424 = arith.mulf %gather3A_2422, %gather3A_2423 : vector<16xf32>
      %add3A_2425 = arith.addf %add3A_2419, %mul3A_2424 : vector<16xf32>
      %broadcast_in_dim3A_2426 = arith.constant 6 : i32
      %broadcast_in_dim3A_2427 = vector.broadcast %broadcast_in_dim3A_2426 : i32 to vector<16xi32>
      %gather3A_2428 = tpu.vector_load_idx %arg7[%iota3A, %broadcast_in_dim3A_2427, %and3A_2385] : memref<16x16x128xf32, #tpu.memory_space<vmem>>[vector<16xi32>, vector<16xi32>, vector<16xi32>], vector<16xf32>,
      %gather3A_2429 = tpu.vector_load_idx %arg8[%iota3A, %broadcast_in_dim3A_2427, %and3A_2388] : memref<16x16x128xf32, #tpu.memory_space<vmem>>[vector<16xi32>, vector<16xi32>, vector<16xi32>], vector<16xf32>,
      %mul3A_2430 = arith.mulf %gather3A_2428, %gather3A_2429 : vector<16xf32>
      %add3A_2431 = arith.addf %add3A_2425, %mul3A_2430 : vector<16xf32>
      %broadcast_in_dim3A_2432 = arith.constant 7 : i32
      %broadcast_in_dim3A_2433 = vector.broadcast %broadcast_in_dim3A_2432 : i32 to vector<16xi32>
      %gather3A_2434 = tpu.vector_load_idx %arg7[%iota3A, %broadcast_in_dim3A_2433, %and3A_2385] : memref<16x16x128xf32, #tpu.memory_space<vmem>>[vector<16xi32>, vector<16xi32>, vector<16xi32>], vector<16xf32>,
      %gather3A_2435 = tpu.vector_load_idx %arg8[%iota3A, %broadcast_in_dim3A_2433, %and3A_2388] : memref<16x16x128xf32, #tpu.memory_space<vmem>>[vector<16xi32>, vector<16xi32>, vector<16xi32>], vector<16xf32>,
      %mul3A_2436 = arith.mulf %gather3A_2434, %gather3A_2435 : vector<16xf32>
      %add3A_2437 = arith.addf %add3A_2431, %mul3A_2436 : vector<16xf32>
      %broadcast_in_dim3A_2438 = arith.constant 8 : i32
      %broadcast_in_dim3A_2439 = vector.broadcast %broadcast_in_dim3A_2438 : i32 to vector<16xi32>
      %gather3A_2440 = tpu.vector_load_idx %arg7[%iota3A, %broadcast_in_dim3A_2439, %and3A_2385] : memref<16x16x128xf32, #tpu.memory_space<vmem>>[vector<16xi32>, vector<16xi32>, vector<16xi32>], vector<16xf32>,
      %gather3A_2441 = tpu.vector_load_idx %arg8[%iota3A, %broadcast_in_dim3A_2439, %and3A_2388] : memref<16x16x128xf32, #tpu.memory_space<vmem>>[vector<16xi32>, vector<16xi32>, vector<16xi32>], vector<16xf32>,
      %mul3A_2442 = arith.mulf %gather3A_2440, %gather3A_2441 : vector<16xf32>
      %add3A_2443 = arith.addf %add3A_2437, %mul3A_2442 : vector<16xf32>
      %broadcast_in_dim3A_2444 = arith.constant 9 : i32
      %broadcast_in_dim3A_2445 = vector.broadcast %broadcast_in_dim3A_2444 : i32 to vector<16xi32>
      %gather3A_2446 = tpu.vector_load_idx %arg7[%iota3A, %broadcast_in_dim3A_2445, %and3A_2385] : memref<16x16x128xf32, #tpu.memory_space<vmem>>[vector<16xi32>, vector<16xi32>, vector<16xi32>], vector<16xf32>,
      %gather3A_2447 = tpu.vector_load_idx %arg8[%iota3A, %broadcast_in_dim3A_2445, %and3A_2388] : memref<16x16x128xf32, #tpu.memory_space<vmem>>[vector<16xi32>, vector<16xi32>, vector<16xi32>], vector<16xf32>,
      %mul3A_2448 = arith.mulf %gather3A_2446, %gather3A_2447 : vector<16xf32>
      %add3A_2449 = arith.addf %add3A_2443, %mul3A_2448 : vector<16xf32>
      %broadcast_in_dim3A_2450 = arith.constant 10 : i32
      %broadcast_in_dim3A_2451 = vector.broadcast %broadcast_in_dim3A_2450 : i32 to vector<16xi32>
      %gather3A_2452 = tpu.vector_load_idx %arg7[%iota3A, %broadcast_in_dim3A_2451, %and3A_2385] : memref<16x16x128xf32, #tpu.memory_space<vmem>>[vector<16xi32>, vector<16xi32>, vector<16xi32>], vector<16xf32>,
      %gather3A_2453 = tpu.vector_load_idx %arg8[%iota3A, %broadcast_in_dim3A_2451, %and3A_2388] : memref<16x16x128xf32, #tpu.memory_space<vmem>>[vector<16xi32>, vector<16xi32>, vector<16xi32>], vector<16xf32>,
      %mul3A_2454 = arith.mulf %gather3A_2452, %gather3A_2453 : vector<16xf32>
      %add3A_2455 = arith.addf %add3A_2449, %mul3A_2454 : vector<16xf32>
      %broadcast_in_dim3A_2456 = arith.constant 11 : i32
      %broadcast_in_dim3A_2457 = vector.broadcast %broadcast_in_dim3A_2456 : i32 to vector<16xi32>
      %gather3A_2458 = tpu.vector_load_idx %arg7[%iota3A, %broadcast_in_dim3A_2457, %and3A_2385] : memref<16x16x128xf32, #tpu.memory_space<vmem>>[vector<16xi32>, vector<16xi32>, vector<16xi32>], vector<16xf32>,
      %gather3A_2459 = tpu.vector_load_idx %arg8[%iota3A, %broadcast_in_dim3A_2457, %and3A_2388] : memref<16x16x128xf32, #tpu.memory_space<vmem>>[vector<16xi32>, vector<16xi32>, vector<16xi32>], vector<16xf32>,
      %mul3A_2460 = arith.mulf %gather3A_2458, %gather3A_2459 : vector<16xf32>
      %add3A_2461 = arith.addf %add3A_2455, %mul3A_2460 : vector<16xf32>
      %broadcast_in_dim3A_2462 = arith.constant 12 : i32
      %broadcast_in_dim3A_2463 = vector.broadcast %broadcast_in_dim3A_2462 : i32 to vector<16xi32>
      %gather3A_2464 = tpu.vector_load_idx %arg7[%iota3A, %broadcast_in_dim3A_2463, %and3A_2385] : memref<16x16x128xf32, #tpu.memory_space<vmem>>[vector<16xi32>, vector<16xi32>, vector<16xi32>], vector<16xf32>,
      %gather3A_2465 = tpu.vector_load_idx %arg8[%iota3A, %broadcast_in_dim3A_2463, %and3A_2388] : memref<16x16x128xf32, #tpu.memory_space<vmem>>[vector<16xi32>, vector<16xi32>, vector<16xi32>], vector<16xf32>,
      %mul3A_2466 = arith.mulf %gather3A_2464, %gather3A_2465 : vector<16xf32>
      %add3A_2467 = arith.addf %add3A_2461, %mul3A_2466 : vector<16xf32>
      %broadcast_in_dim3A_2468 = arith.constant 13 : i32
      %broadcast_in_dim3A_2469 = vector.broadcast %broadcast_in_dim3A_2468 : i32 to vector<16xi32>
      %gather3A_2470 = tpu.vector_load_idx %arg7[%iota3A, %broadcast_in_dim3A_2469, %and3A_2385] : memref<16x16x128xf32, #tpu.memory_space<vmem>>[vector<16xi32>, vector<16xi32>, vector<16xi32>], vector<16xf32>,
      %gather3A_2471 = tpu.vector_load_idx %arg8[%iota3A, %broadcast_in_dim3A_2469, %and3A_2388] : memref<16x16x128xf32, #tpu.memory_space<vmem>>[vector<16xi32>, vector<16xi32>, vector<16xi32>], vector<16xf32>,
      %mul3A_2472 = arith.mulf %gather3A_2470, %gather3A_2471 : vector<16xf32>
      %add3A_2473 = arith.addf %add3A_2467, %mul3A_2472 : vector<16xf32>
      %broadcast_in_dim3A_2474 = arith.constant 14 : i32
      %broadcast_in_dim3A_2475 = vector.broadcast %broadcast_in_dim3A_2474 : i32 to vector<16xi32>
      %gather3A_2476 = tpu.vector_load_idx %arg7[%iota3A, %broadcast_in_dim3A_2475, %and3A_2385] : memref<16x16x128xf32, #tpu.memory_space<vmem>>[vector<16xi32>, vector<16xi32>, vector<16xi32>], vector<16xf32>,
      %gather3A_2477 = tpu.vector_load_idx %arg8[%iota3A, %broadcast_in_dim3A_2475, %and3A_2388] : memref<16x16x128xf32, #tpu.memory_space<vmem>>[vector<16xi32>, vector<16xi32>, vector<16xi32>], vector<16xf32>,
      %mul3A_2478 = arith.mulf %gather3A_2476, %gather3A_2477 : vector<16xf32>
      %add3A_2479 = arith.addf %add3A_2473, %mul3A_2478 : vector<16xf32>
      %broadcast_in_dim3A_2480 = arith.constant 15 : i32
      %broadcast_in_dim3A_2481 = vector.broadcast %broadcast_in_dim3A_2480 : i32 to vector<16xi32>
      %gather3A_2482 = tpu.vector_load_idx %arg7[%iota3A, %broadcast_in_dim3A_2481, %and3A_2385] : memref<16x16x128xf32, #tpu.memory_space<vmem>>[vector<16xi32>, vector<16xi32>, vector<16xi32>], vector<16xf32>,
      %gather3A_2483 = tpu.vector_load_idx %arg8[%iota3A, %broadcast_in_dim3A_2481, %and3A_2388] : memref<16x16x128xf32, #tpu.memory_space<vmem>>[vector<16xi32>, vector<16xi32>, vector<16xi32>], vector<16xf32>,
      %mul3A_2484 = arith.mulf %gather3A_2482, %gather3A_2483 : vector<16xf32>
      %add3A_2485 = arith.addf %add3A_2479, %mul3A_2484 : vector<16xf32>
      %mul3A_2486 = arith.constant 16 : i32
      %mul3A_2487 = arith.muli %scan3A_1248, %mul3A_2486 : i32
      %multiple_of3A_2488 = tpu.assume_multiple %mul3A_2487, 16 : i32
      %swap3A_2489 = arith.index_cast %multiple_of3A_2488 : i32 to index
      %swap3A_2490 = tpu.vector_load %arg9[%swap3A_2489] {strides = array<i32>} : memref<512xf32, #tpu.memory_space<vmem>>, vector<16xf32>,
      tpu.vector_store %arg9[%swap3A_2489], %add3A_2485 {strides = array<i32>} : memref<512xf32, #tpu.memory_space<vmem>>, vector<16xf32>,
      %scan3A_2491 = arith.constant 0 : i32
      scf.yield %scan3A_2491 : i32
    }
    %scan3A_10 = arith.constant 32 : i32
    "tpu.region"() ({
      %run_scoped3A = tpu.sem_alloc : memref<!tpu.dma_semaphore, #tpu.memory_space<semaphore_mem>>
      %dma_start3A = tpu.memref_slice %arg5[%multiple_of3A] : memref<16384xf32, #tpu.memory_space<hbm>> -> memref<512xf32, #tpu.memory_space<hbm>>
      %dma_start3A_11 = tpu.memref_slice %arg5[%multiple_of3A] : memref<16384xf32, #tpu.memory_space<hbm>> -> memref<512xf32, #tpu.memory_space<hbm>>
      tpu.enqueue_dma source(%arg9 : memref<512xf32, #tpu.memory_space<vmem>>) target(%dma_start3A_11 : memref<512xf32, #tpu.memory_space<hbm>>) target_semaphore(%run_scoped3A : memref<!tpu.dma_semaphore, #tpu.memory_space<semaphore_mem>>)
      %dma_wait3A = tpu.memref_slice %arg5[%multiple_of3A] : memref<16384xf32, #tpu.memory_space<hbm>> -> memref<512xf32, #tpu.memory_space<hbm>>
      %dma_wait3A_12 = tpu.memref_slice %arg5[%multiple_of3A] : memref<16384xf32, #tpu.memory_space<hbm>> -> memref<512xf32, #tpu.memory_space<hbm>>
      tpu.wait_dma2 semaphore(%run_scoped3A : memref<!tpu.dma_semaphore, #tpu.memory_space<semaphore_mem>>) src(%arg9 : memref<512xf32, #tpu.memory_space<vmem>>) dst(%dma_wait3A_12 : memref<512xf32, #tpu.memory_space<hbm>>)
      tpu.yield
    }) : () -> ()
    return
  }
}

</mosaic_0001>

<sc_bundles>
// kernel: _mf_kernel.3.cloned.1.call-start
scs
__scs_entry_jumppad:
0x0: {  	(pc) =	sbr.rel $0x88, $3  }
0x1: {  	(tag) =	ssettag $0x0;
	lr =	simm.s32 $0x1  }
0x2: {  	[smem:$0x3F9E] =	sst lr;
	_ =	strace $0xD0000000  }
0x3: {  	_ = 	snop  }
0x4: {  	_ = 	snop  }
0x5: {  	_ = 	snop  }
0x6: {  	_ = 	snop  }
0x7: {  	_ = 	snop  }
__scs_overlays_trampoline_lowered:
0x8: {  	[smem:$0x3FAD] =	sst s0  }
0x9: {  	[smem:$0x3FAE] =	sst s1  }
0xa: {  	[smem:$0x3FAF] =	sst s2  }
0xb: {  	[smem:$0x3FB0] =	sst s3  }
0xc: {  	[smem:$0x3FB1] =	sst s4  }
0xd: {  	[smem:$0x3FB2] =	sst s5  }
0xe: {  	[smem:$0x3FB3] =	sst s6  }
0xf: {  	[smem:$0x3FB4] =	sst s7  }
0x10: {  	[smem:$0x3FB5] =	sst s8  }
0x11: {  	[smem:$0x3FB6] =	sst s9;
	s0 =	simm.s32 @!p0 $0x0  }
0x12: {  	s1 =	sld [smem:$0x3F9C];
	s0 =	simm.s32 @p0 $0x1  }
0x13: {  	[smem:$0x3FB7] =	sst s0;
	s0 =	simm.s32 @!p1 $0x0  }
0x14: {  	s2 =	sld [smem:$0x3F9B];
	s0 =	simm.s32 @p1 $0x1  }
0x15: {  	[smem:$0x3FB8] =	sst s0;
	s0 =	simm.s32 @!p2 $0x0  }
0x16: {  	s3 =	sld [smem:$0x3FDB];
	s0 =	simm.s32 @p2 $0x1  }
0x17: {  	s4 =	simm.s32 $0x1BF5;
	[smem:$0x3FBA] =	sst s0  }
0x18: {  	s0 =	sld [smem:$0x3F9D];
	_ =	swait.ge [sflag:s4], $0x0  }
0x19: {  	s7 =	sld [smem:$0x3F9E]  }
0x1a: {  	s8 =	sadd.s32 $0xFFFFE003, lr  }
0x1b: {  	s9 =	sadd.s32 $0xFFFFFEF7, lr;
	s5 =	simm.s32 $0xFFFFFFFF;
	p2 =	slt.u32 s8, $0xFFFFF086  }
0x1c: {  	p1 =	slt.u32 s9, $0xF7A;
	s5 =	simm.s32 @!p2 $0x0  }
0x1d: {  	s5 =	simm.s32 @p1 $0x1;
	p0 =	seq.s32 s7, s2  }
0x1e: {  	s7 =	smul.u32 @!p0 $0xF7A, s2;
	p2 =	seq.s32 @!p0 s5, $0x0  }
0x1f: {  	s9 =	smul.u32 $0xF7A, s1;
	s8 =	simm.s32 @!p0 $0x1BF5;
	p2 =	por !p2, p0  }
0x20: {  	[sflag:s8] =	ssyncset.s32 @!p0 $0xFFFFF086;
	s6 =	sadd.s32 @!p0 s3, s7;
	s7 =	simm.s32 @!p0 $0x108  }
0x21: {  	s3 =	sadd.s32 s3, s9;
	s6 =	sadd.s32 @!p0 $0x88, s6;
	s7 =	simm.s32 @p2 $0x1082  }
0x22: {  	[simem:s7], [sflag:s8] =	dma.local @!p0 [hbm:s6], $0xF7A  }
0x23: {  	s9 =	sor.u32 $0xD0000000, s2;
	s6 =	simm.s32 $0x108;
	_ =	swait.ge @!p0 [sflag:s8], $0x0  }
0x24: {  	s3 =	sadd.s32 $0x88, s3;
	s6 =	simm.s32 @!p1 $0x1082;
	[sflag:s4] =	ssyncset.s32 $0xFFFFF086  }
0x25: {  	[simem:s6], [sflag:s4] =	dma.local [hbm:s3], $0xF7A  }
0x26: {  	[smem:$0x3F9E] =	sst s1;
	(tag) =	ssettag s2;
	_ =	strace s9  }
0x27: {  	s1 =	sld [smem:$0x3FAE]  }
0x28: {  	s2 =	sld [smem:$0x3FAF]  }
0x29: {  	s4 =	sld [smem:$0x3FB1]  }
0x2a: {  	p0 =	seq.s32 s5, $0x0;
	s5 =	sld [smem:$0x3FB2]  }
0x2b: {  	s6 =	sld [smem:$0x3FB3]  }
0x2c: {  	s7 =	sld [smem:$0x3FB4]  }
0x2d: {  	s3 =	simm.s32 $0x108;
	s8 =	sld [smem:$0x3FB5]  }
0x2e: {  	s3 =	simm.s32 @!p0 $0x1082;
	s9 =	sld [smem:$0x3FB6]  }
0x2f: {  	lr =	sadd.s32 s0, s3;
	s0 =	sld [smem:$0x3FAD]  }
0x30: {  	s3 =	sld [smem:$0x3FB0]  }
0x31: {  	[smem:$0x3FB9] =	sst s10  }
0x32: {  	s10 =	sld [smem:$0x3FB7];
	_ =	sdelay $0x3  }
0x33: {  	p0 =	seq.s32 s10, $0x1;
	s10 =	sld [smem:$0x3FB9];
	_ =	sdelay $0x3  }
0x34: {  	[smem:$0x3FB9] =	sst s10  }
0x35: {  	s10 =	sld [smem:$0x3FB8];
	_ =	sdelay $0x3  }
0x36: {  	p1 =	seq.s32 s10, $0x1;
	s10 =	sld [smem:$0x3FB9];
	_ =	sdelay $0x3  }
0x37: {  	[smem:$0x3FB9] =	sst s10  }
0x38: {  	s10 =	sld [smem:$0x3FBA]  }
0x39: {  	_ = 	snop;
	(pc) =	sbr.ind lr, $3  }
0x3a: {  	_ = 	snop  }
0x3b: {  	_ = 	snop  }
0x3c: {  	p2 =	seq.s32 s10, $0x1;
	s10 =	sld [smem:$0x3FB9]  }
0x3d: {  	_ =	shalt  }
0x3e: {  	_ =	shalt  }
0x3f: {  	_ =	shalt  }
0x40: {  	_ =	shalt  }
0x41: {  	_ =	shalt  }
0x42: {  	_ =	shalt  }
0x43: {  	_ =	shalt  }
0x44: {  	_ =	shalt  }
0x45: {  	_ =	shalt  }
0x46: {  	_ =	shalt  }
0x47: {  	_ =	shalt  }
0x48: {  	_ =	shalt  }
0x49: {  	_ =	shalt  }
0x4a: {  	_ =	shalt  }
0x4b: {  	_ =	shalt  }
0x4c: {  	_ =	shalt  }
0x4d: {  	_ =	shalt  }
0x4e: {  	_ =	shalt  }
0x4f: {  	_ =	shalt  }
0x50: {  	_ =	shalt  }
0x51: {  	_ =	shalt  }
0x52: {  	_ =	shalt  }
0x53: {  	_ =	shalt  }
0x54: {  	_ =	shalt  }
0x55: {  	_ =	shalt  }
0x56: {  	_ =	shalt  }
0x57: {  	_ =	shalt  }
0x58: {  	_ =	shalt  }
0x59: {  	_ =	shalt  }
0x5a: {  	_ =	shalt  }
0x5b: {  	_ =	shalt  }
0x5c: {  	_ =	shalt  }
0x5d: {  	_ =	shalt  }
0x5e: {  	_ =	shalt  }
0x5f: {  	_ =	shalt  }
0x60: {  	_ =	shalt  }
0x61: {  	_ =	shalt  }
0x62: {  	_ =	shalt  }
0x63: {  	_ =	shalt  }
0x64: {  	_ =	shalt  }
0x65: {  	_ =	shalt  }
0x66: {  	_ =	shalt  }
0x67: {  	_ =	shalt  }
0x68: {  	_ =	shalt  }
0x69: {  	_ =	shalt  }
0x6a: {  	_ =	shalt  }
0x6b: {  	_ =	shalt  }
0x6c: {  	_ =	shalt  }
0x6d: {  	_ =	shalt  }
0x6e: {  	_ =	shalt  }
0x6f: {  	_ =	shalt  }
0x70: {  	_ =	shalt  }
0x71: {  	_ =	shalt  }
0x72: {  	_ =	shalt  }
0x73: {  	_ =	shalt  }
0x74: {  	_ =	shalt  }
0x75: {  	_ =	shalt  }
0x76: {  	_ =	shalt  }
0x77: {  	_ =	shalt  }
0x78: {  	_ =	shalt  }
0x79: {  	_ =	shalt  }
0x7a: {  	_ =	shalt  }
0x7b: {  	_ =	shalt  }
0x7c: {  	_ =	shalt  }
0x7d: {  	_ =	shalt  }
0x7e: {  	_ =	shalt  }
0x7f: {  	_ =	shalt  }
0x80: {  	_ =	shalt  }
0x81: {  	_ =	shalt  }
0x82: {  	_ =	shalt  }
0x83: {  	_ =	shalt  }
0x84: {  	_ =	shalt  }
0x85: {  	_ =	shalt  }
0x86: {  	_ =	shalt  }
0x87: {  	_ =	shalt  }
.Lfunc_end0:
.L_simem_size_0:
called_computation_lowered:
.L_overlay_start_0:
0x88: {  	s2 =	sld [smem:$0x3FD9]  }
0x89: {  	s3 =	sld [smem:$0x3FFE];
	_ =	sdelay $0x1  }
0x8a: {  	s1 =	srdreg.scid  }
0x8b: {  	s0 =	sand.u32 $0x1, s1  }
0x8c: {  	s18 =	sshll.u32 s0, $0xA;
	s2 =	sadd.s32 s3, s2  }
0x8d: {  	s2 =	sadd.s32 s2, s18  }
0x8e: {  	[smem:$0x3FC5] =	sst s2  }
0x8f: {  	_ = 	snop  }
0x90: {  	s2 =	sld [smem:$0x3FC9]  }
0x91: {  	s19 =	sld [smem:$0x3FC8]  }
0x92: {  	s4 =	sld [smem:$0x3FC7]  }
0x93: {  	s5 =	sld [smem:$0x3FD0];
	(tm) =	ssettm $0x1  }
0x94: {  	s6 =	sld [smem:$0x3FFB];
	_ =	sdelay $0x3  }
0x95: {  	_ =	strace s6  }
0x96: {  	s6 =	sld [smem:$0x3FFC];
	_ =	sdelay $0x3  }
0x97: {  	_ =	strace s6  }
0x98: {  	s6 =	sld [smem:$0x3FFD];
	_ =	sdelay $0x3  }
0x99: {  	_ =	strace s6  }
0x9a: {  	_ =	strace $0x8FFFFFFF  }
0x9b: {  	s20 =	sld [smem:$0x3FDB];
	_ =	sdelay $0x1  }
0x9c: {  	s7 =	simm.s32 $_scs_section_size  }
0x9d: {  	s8 =	simm.s32 $_size__tile_overlayer_lowered;
	s9 =	simm.s32 $_tile_overlayer_lowered  }
0x9e: {  	s23 =	simm.s32 $0x1BFF;
	s22 =	sshll.u32 s9, $0x1;
	s6 =	sadd.s32 s7, s20  }
0x9f: {  	s10 =	simm.s32 $0x0;
	s21 =	sshll.u32 s8, $0x1;
	s8 =	sadd.s32 s22, s6  }
0xa0: {  	[timem:s10], [sflag:s23] =	dma.local [hbm:s8], s21  }
0xa1: {  	_ =	swait.ge [sflag:s23], s21  }
0xa2: {  	s7 =	ssub.s32 $0x0, s21;
	[sflag:s23] =	ssyncset.done $0x0  }
0xa3: {  	[sflag:s23] =	ssyncadd.s32 s7;
	_ =	sdelay $0x1  }
0xa4: {  	s24 =	simm.s32 $0x1B8B  }
0xa5: {  	_ =	swait.ge [sflag:s24], $0x1  }
0xa6: {  	[sflag:s24] =	ssyncset.done $0x0  }
0xa7: {  	s25 =	simm.s32 $0x1B8E;
	[sflag:s24] =	ssyncadd.s32 $0xFFFFFFFF  }
0xa8: {  	s26 =	simm.s32 $execute0_lowered;
	[smem:$0x3FD2] =	sst s25  }
0xa9: {  	s7 =	sshll.u32 s26, $0x1;
	_ =	strace $0x80000046;
	[dreg:$0x1] =	wrdreg $0xFFFFFFFF  }
0xaa: {  	s28 =	simm.s32 $_size_execute0_lowered;
	s6 =	sadd.s32 s6, s7;
	[dreg:$0x0] =	wrdreg $0x0  }
0xab: {  	s7 =	sshll.u32 s28, $0x1;
	[dreg:$0x2] =	wrdreg s6  }
0xac: {  	[dreg:$0x3] =	wrdreg s7  }
0xad: {  	[dreg:$0x4] =	wrdreg $0xC0  }
0xae: {  	_ =	task [dreg:s10], $0x5FFFF  }
0xaf: {  	[dreg:$0x1] =	wrdreg $0xFFFFFFFF  }
0xb0: {  	[dreg:$0x0] =	wrdreg $0x60  }
0xb1: {  	[dreg:$0x2] =	wrdreg s2  }
0xb2: {  	[dreg:$0x3] =	wrdreg s19  }
0xb3: {  	[dreg:$0x4] =	wrdreg s4  }
0xb4: {  	[dreg:$0x5] =	wrdreg s5  }
0xb5: {  	[dreg:$0x6] =	wrdreg $0x9  }
0xb6: {  	_ =	task.clear_ibuf [dreg:s10], $0x7FFFF;
	_ =	strace $0x90000046  }
0xb7: {  	s29 =	simm.s32 $0x9;
	_ =	strace $0x80000048  }
0xb8: {  	_ =	swait.ge [sflag:s29], $0x1  }
0xb9: {  	[sflag:s29] =	ssyncadd.s32 $0xFFFFFFFF  }
0xba: {  	_ =	strace $0x90000048  }
0xbb: {  	_ =	sfence  }
0xbc: {  	s30 =	sld [smem:$0x0];
	_ =	sdelay $0x2  }
0xbd: {  	s31 =	sshll.u32 s1, $0xD;
	s1 =	sshrl.u32 s1, $0x2  }
0xbe: {  	s3 =	sand.u32 $0x4000, s31;
	s1 =	sadd.s32 s1, s30  }
0xbf: {  	s0 =	sor.u32 s3, s0;
	s1 =	sshll.u32 s1, $0x11  }
0xc0: {  	s0 =	sor.u32 s1, s0  }
0xc1: {  	s0 =	sadd.s32 $0x8F2B, s0  }
0xc2: {  	[sflag:s0] =	ssyncadd.remote.s32 $0x1  }
0xc3: {  	_ =	sfence.sel $0xFFFF  }
0xc4: {  	[dreg:$0x0] =	wrdreg $0xFFFFFFFF;
	(pc) =	sbr.abs _section_cstart, $3  }
0xc5: {  	[dreg:$0x1] =	wrdreg $0xFFFFFFFF  }
0xc6: {  	_ =	task.clear_ibuf [dreg:s10], $0x2FFFF;
	_ =	strace $0x9FFFFFFF  }
0xc7: {  	(tm) =	ssettm $0x7FFFFFFF  }
tec
execute0_lowered:
.L_overlay_start_1:
0x0: {  	(tag) =	ssettag $0x1  }
0x1: {  	s0 =	rddreg [dreg:$0x0]  }
0x2: {  	s1 =	rddreg [dreg:$0x1]  }
0x3: {  	s2 =	rddreg [dreg:$0x2]  }
0x4: {  	s3 =	rddreg [dreg:$0x3];
	s5 =	srdreg.scid;
	s4 =	simm.s32 $0x0  }
0x5: {  	s6 =	stileid.u32;
	s21 =	simm.s32 $0x3;
	s9 =	simm.s32 $0x7A1400  }
0x6: {  	s10 =	simm.s32 $0x400;
	s11 =	simm.s32 $0x8400;
	s23 =	simm.s32 $0xC00  }
0x7: {  	s12 =	simm.s32 $0x3400;
	s13 =	simm.s32 $0xB400;
	s14 =	simm.s32 $0x3C00  }
0x8: {  	s15 =	simm.s32 $0xBC00;
	s16 =	simm.s32 $0x4400;
	s28 =	simm.s32 $0xC400  }
0x9: {  	s29 =	simm.s32 $0x4C00;
	s30 =	simm.s32 $0xCC00;
	s31 =	simm.s32 $0x5400  }
0xa: {  	s22 =	simm.s32 $0xD400;
	s17 =	simm.s32 $0x1;
	s18 =	simm.s32 $0x2  }
0xb: {  	v1 =	vlaneseq.u32;
	s20 =	simm.s32 $0x0;
	s5 =	sand.u32 $0x1, s5;
	[smem:$0x7FF] =	sst s4  }
0xc: {  	s6 =	sshll.u32 s6, $0xA;
	v0 =	vmul.u32 $0x2, v1;
	s7 =	sshll.u32 s5, $0x9;
	s5 =	ssub.s32 $0x2, s5  }
0xd: {  	v1 =	vmul.u32 $0x800, v1;
	_ =	strace $0x80000047;
	s6 =	sor.u32 s7, s6;
	s24 =	sshrl.u32 s5, $0x1  }
0xe: {  	s7 =	simm.s32 $0x2C00;
	v2 =	vor.u32 $0x1, v0;
	s8 =	sshrl.u32 s6, $0x2;
	s6 =	sshrl.u32 s6, $0x3  }
0xf: {  	v3 =	vor.u32 $0x80, v1;
	v4 =	vor.u32 $0x100, v1;
	v5 =	vor.u32 $0x180, v1;
	s5 =	ssub.s32 s5, s24;
	s24 =	simm.s32 $0x8C00;
	s0 =	sadd.s32 s0, s8  }
0x10: {  	v6 =	vor.u32 $0x200, v1;
	v7 =	vor.u32 $0x280, v1;
	v8 =	vor.u32 $0x300, v1;
	s25 =	sadd.s32 s3, s6;
	s26 =	smax.u32 s5, $0x1;
	[dreg:$0x5] =	wrdreg s0  }
0x11: {  	v9 =	vor.u32 $0x380, v1;
	v10 =	vor.u32 $0x400, v1;
	v11 =	vor.u32 $0x480, v1;
	s3 =	simm.s32 $0x9C00;
	s5 =	simm.s32 $0x2400;
	[dreg:$0x6] =	wrdreg s25  }
0x12: {  	v12 =	vor.u32 $0x500, v1;
	v13 =	vor.u32 $0x580, v1;
	v14 =	vor.u32 $0x600, v1;
	s6 =	simm.s32 $0xA400;
	s8 =	simm.s32 $0xAC00;
	[dreg:$0x7] =	wrdreg s26  }
0x13: {  	v15 =	vor.u32 $0x680, v1;
	v16 =	vor.u32 $0x700, v1;
	v17 =	vor.u32 $0x780, v1;
	s25 =	simm.s32 $0x1400;
	s26 =	simm.s32 $0x9400;
	s0 =	simm.s32 $0x1C00  }
.LBB2_1:
0x14: {  	[dreg:$0x8] =	wrdreg s20;
	s19 =	simm.s32 $0x0  }
0x15: {  	s20 =	rddreg [dreg:$0x5];
	s4 =	simm.s32 $0x0;
	v18 =	vor.u32 s19, v0  }
0x16: {  	[tilespmem:s4], [sflag:$0x3] =	stream.linear.gather [hbm4b:s20+s4], $0x400, $0x38;
	v19 =	vor.u32 s19, v2;
	[tilespmem:$0x10600] =	vst v63  }
0x17: {  	_ =	swait.ge [sflag:s21], $0x400  }
0x18: {  	[sflag:s21] =	ssyncset.done $0x0  }
0x19: {  	[sflag:s21] =	ssyncadd.s32 $0xFFFFFC00  }
0x1a: {  	v18 =	vld.idx.msk [tilespmem:v18+s4+$0x0], $0xffff  }
0x1b: {  	v19 =	vld.idx.msk [tilespmem:v19+s4+$0x0], $0xffff;
	_ =	sdelay $0x3  }
0x1c: {  	(v2sf) =	vpush v18, $0x0  }
0x1d: {  	(v2sf) =	vpush v19, $0x0  }
0x1e: {  	(v2sf) =	vpush v18, $0x1;
	_ =	sdelay $0x1  }
0x1f: {  	(v2sf) =	vpush v19, $0x1;
	_ =	sdelay $0x1  }
0x20: {  	(v2sf) =	vpush v18, $0x2;
	_ =	sdelay $0x1  }
0x21: {  	(v2sf) =	vpush v19, $0x2;
	_ =	sdelay $0x1  }
0x22: {  	(v2sf) =	vpush v18, $0x3;
	_ =	sdelay $0x1  }
0x23: {  	(v2sf) =	vpush v19, $0x3;
	_ =	sdelay $0x1  }
0x24: {  	(v2sf) =	vpush v18, $0x4  }
0x25: {  	s20 =	spop (v2sf)  }
0x26: {  	(v2sf) =	vpush v19, $0x4;
	s19 =	sand.u32 $0xFFFFF80, s20;
	s21 =	spop (v2sf)  }
0x27: {  	s19 =	sadd.s32 s1, s19;
	s20 =	sand.u32 $0xFFFFF80, s21;
	s21 =	spop (v2sf)  }
0x28: {  	(v2sf) =	vpush v18, $0x5;
	[tilespmem:s10], [sflag:$0x1] =	stream.strided.gather [hbm4b:s19+s10], $0x800, s9, s10, $0x38;
	[tilespmem:$0x10600] =	vst v63  }
0x29: {  	s19 =	sadd.s32 s2, s20;
	s20 =	sand.u32 $0xFFFFF80, s21;
	s21 =	spop (v2sf)  }
0x2a: {  	(v2sf) =	vpush v19, $0x5;
	[tilespmem:s11], [sflag:$0x2] =	stream.strided.gather [hbm4b:s19+s10], $0x800, s9, s10, $0x38;
	[tilespmem:$0x10600] =	vst v63  }
0x2b: {  	s19 =	sadd.s32 s1, s20;
	s20 =	sand.u32 $0xFFFFF80, s21;
	s21 =	spop (v2sf)  }
0x2c: {  	(v2sf) =	vpush v18, $0x6;
	[tilespmem:s23], [sflag:$0x1] =	stream.strided.gather [hbm4b:s19+s10], $0x800, s9, s10, $0x38;
	[tilespmem:$0x10600] =	vst v63  }
0x2d: {  	s19 =	sadd.s32 s2, s20;
	s20 =	sand.u32 $0xFFFFF80, s21;
	s21 =	spop (v2sf)  }
0x2e: {  	(v2sf) =	vpush v19, $0x6;
	[tilespmem:s24], [sflag:$0x2] =	stream.strided.gather [hbm4b:s19+s10], $0x800, s9, s10, $0x38;
	[tilespmem:$0x10600] =	vst v63  }
0x2f: {  	s19 =	sadd.s32 s1, s20;
	s20 =	sand.u32 $0xFFFFF80, s21;
	s21 =	spop (v2sf)  }
0x30: {  	(v2sf) =	vpush v18, $0x7;
	[tilespmem:s25], [sflag:$0x1] =	stream.strided.gather [hbm4b:s19+s10], $0x800, s9, s10, $0x38;
	[tilespmem:$0x10600] =	vst v63  }
0x31: {  	s19 =	sadd.s32 s2, s20;
	s20 =	sand.u32 $0xFFFFF80, s21;
	s21 =	spop (v2sf)  }
0x32: {  	(v2sf) =	vpush v19, $0x7;
	[tilespmem:s26], [sflag:$0x2] =	stream.strided.gather [hbm4b:s19+s10], $0x800, s9, s10, $0x38;
	[tilespmem:$0x10600] =	vst v63  }
0x33: {  	s19 =	sadd.s32 s1, s20;
	s20 =	sand.u32 $0xFFFFF80, s21;
	s21 =	spop (v2sf)  }
0x34: {  	(v2sf) =	vpush v18, $0x8;
	[tilespmem:s0], [sflag:$0x1] =	stream.strided.gather [hbm4b:s19+s10], $0x800, s9, s10, $0x38;
	[tilespmem:$0x10600] =	vst v63  }
0x35: {  	s19 =	sadd.s32 s2, s20;
	s20 =	sand.u32 $0xFFFFF80, s21;
	s21 =	spop (v2sf)  }
0x36: {  	(v2sf) =	vpush v19, $0x8;
	[tilespmem:s3], [sflag:$0x2] =	stream.strided.gather [hbm4b:s19+s10], $0x800, s9, s10, $0x38;
	[tilespmem:$0x10600] =	vst v63  }
0x37: {  	s19 =	sadd.s32 s1, s20;
	s20 =	sand.u32 $0xFFFFF80, s21;
	s21 =	spop (v2sf)  }
0x38: {  	(v2sf) =	vpush v18, $0x9;
	[tilespmem:s5], [sflag:$0x1] =	stream.strided.gather [hbm4b:s19+s10], $0x800, s9, s10, $0x38;
	[tilespmem:$0x10600] =	vst v63  }
0x39: {  	s19 =	sadd.s32 s2, s20;
	s20 =	sand.u32 $0xFFFFF80, s21;
	s21 =	spop (v2sf)  }
0x3a: {  	(v2sf) =	vpush v19, $0x9;
	[tilespmem:s6], [sflag:$0x2] =	stream.strided.gather [hbm4b:s19+s10], $0x800, s9, s10, $0x38;
	[tilespmem:$0x10600] =	vst v63  }
0x3b: {  	s19 =	sadd.s32 s1, s20;
	s20 =	sand.u32 $0xFFFFF80, s21;
	s21 =	spop (v2sf)  }
0x3c: {  	(v2sf) =	vpush v18, $0xA;
	[tilespmem:s7], [sflag:$0x1] =	stream.strided.gather [hbm4b:s19+s10], $0x800, s9, s10, $0x38;
	[tilespmem:$0x10600] =	vst v63  }
0x3d: {  	s19 =	sadd.s32 s2, s20;
	s20 =	sand.u32 $0xFFFFF80, s21;
	s21 =	spop (v2sf)  }
0x3e: {  	(v2sf) =	vpush v19, $0xA;
	[tilespmem:s8], [sflag:$0x2] =	stream.strided.gather [hbm4b:s19+s10], $0x800, s9, s10, $0x38;
	[tilespmem:$0x10600] =	vst v63  }
0x3f: {  	s19 =	sadd.s32 s1, s20;
	s20 =	sand.u32 $0xFFFFF80, s21;
	s21 =	spop (v2sf)  }
0x40: {  	(v2sf) =	vpush v18, $0xB;
	[tilespmem:s12], [sflag:$0x1] =	stream.strided.gather [hbm4b:s19+s10], $0x800, s9, s10, $0x38;
	[tilespmem:$0x10600] =	vst v63  }
0x41: {  	s19 =	sadd.s32 s2, s20;
	s20 =	sand.u32 $0xFFFFF80, s21;
	s21 =	spop (v2sf)  }
0x42: {  	(v2sf) =	vpush v19, $0xB;
	[tilespmem:s13], [sflag:$0x2] =	stream.strided.gather [hbm4b:s19+s10], $0x800, s9, s10, $0x38;
	[tilespmem:$0x10600] =	vst v63  }
0x43: {  	s19 =	sadd.s32 s1, s20;
	s20 =	sand.u32 $0xFFFFF80, s21;
	s21 =	spop (v2sf)  }
0x44: {  	[tilespmem:s14], [sflag:$0x1] =	stream.strided.gather [hbm4b:s19+s10], $0x800, s9, s10, $0x38;
	[tilespmem:$0x10600] =	vst v63  }
0x45: {  	s19 =	sadd.s32 s2, s20;
	s20 =	sand.u32 $0xFFFFF80, s21;
	s21 =	spop (v2sf)  }
0x46: {  	(v2sf) =	vpush v18, $0xC;
	[tilespmem:s15], [sflag:$0x2] =	stream.strided.gather [hbm4b:s19+s10], $0x800, s9, s10, $0x38;
	[tilespmem:$0x10600] =	vst v63  }
0x47: {  	(v2sf) =	vpush v19, $0xC;
	s19 =	sadd.s32 s1, s20;
	s20 =	sand.u32 $0xFFFFF80, s21;
	s21 =	spop (v2sf)  }
0x48: {  	[tilespmem:s16], [sflag:$0x1] =	stream.strided.gather [hbm4b:s19+s10], $0x800, s9, s10, $0x38;
	[tilespmem:$0x10600] =	vst v63  }
0x49: {  	s19 =	sadd.s32 s2, s20;
	s20 =	sand.u32 $0xFFFFF80, s21;
	s21 =	spop (v2sf)  }
0x4a: {  	[tilespmem:s28], [sflag:$0x2] =	stream.strided.gather [hbm4b:s19+s10], $0x800, s9, s10, $0x38;
	[tilespmem:$0x10600] =	vst v63  }
0x4b: {  	(v2sf) =	vpush v18, $0xD;
	s19 =	sadd.s32 s1, s20;
	s20 =	sand.u32 $0xFFFFF80, s21;
	s21 =	spop (v2sf)  }
0x4c: {  	(v2sf) =	vpush v19, $0xD;
	[tilespmem:s29], [sflag:$0x1] =	stream.strided.gather [hbm4b:s19+s10], $0x800, s9, s10, $0x38;
	[tilespmem:$0x10600] =	vst v63  }
0x4d: {  	s19 =	sadd.s32 s2, s20;
	s20 =	sand.u32 $0xFFFFF80, s21;
	s21 =	spop (v2sf)  }
0x4e: {  	[tilespmem:s30], [sflag:$0x2] =	stream.strided.gather [hbm4b:s19+s10], $0x800, s9, s10, $0x38;
	[tilespmem:$0x10600] =	vst v63  }
0x4f: {  	s19 =	sadd.s32 s1, s20;
	s20 =	sand.u32 $0xFFFFF80, s21;
	s21 =	spop (v2sf)  }
0x50: {  	(v2sf) =	vpush v18, $0xE;
	[tilespmem:s31], [sflag:$0x1] =	stream.strided.gather [hbm4b:s19+s10], $0x800, s9, s10, $0x38;
	[tilespmem:$0x10600] =	vst v63  }
0x51: {  	(v2sf) =	vpush v19, $0xE;
	s19 =	sadd.s32 s2, s20;
	s20 =	sand.u32 $0xFFFFF80, s21;
	s21 =	spop (v2sf)  }
0x52: {  	[tilespmem:s22], [sflag:$0x2] =	stream.strided.gather [hbm4b:s19+s10], $0x800, s9, s10, $0x38;
	[tilespmem:$0x10600] =	vst v63  }
0x53: {  	s19 =	sadd.s32 s1, s20;
	s20 =	sand.u32 $0xFFFFF80, s21;
	s22 =	simm.s32 $0x5C00  }
0x54: {  	[tilespmem:s22], [sflag:$0x1] =	stream.strided.gather [hbm4b:s19+s10], $0x800, s9, s10, $0x38;
	[tilespmem:$0x10600] =	vst v63  }
0x55: {  	(v2sf) =	vpush v18, $0xF;
	s21 =	spop (v2sf);
	s19 =	sadd.s32 s2, s20  }
0x56: {  	(v2sf) =	vpush v19, $0xF;
	s20 =	sand.u32 $0xFFFFF80, s21;
	s21 =	spop (v2sf);
	s22 =	simm.s32 $0xDC00  }
0x57: {  	[tilespmem:s22], [sflag:$0x2] =	stream.strided.gather [hbm4b:s19+s10], $0x800, s9, s10, $0x38;
	[tilespmem:$0x10600] =	vst v63  }
0x58: {  	s19 =	sadd.s32 s1, s20;
	s20 =	sand.u32 $0xFFFFF80, s21;
	s22 =	simm.s32 $0x6400  }
0x59: {  	[tilespmem:s22], [sflag:$0x1] =	stream.strided.gather [hbm4b:s19+s10], $0x800, s9, s10, $0x38;
	[tilespmem:$0x10600] =	vst v63  }
0x5a: {  	s21 =	spop (v2sf);
	s19 =	sadd.s32 s2, s20  }
0x5b: {  	s20 =	sand.u32 $0xFFFFF80, s21;
	s21 =	spop (v2sf);
	s22 =	simm.s32 $0xE400  }
0x5c: {  	[tilespmem:s22], [sflag:$0x2] =	stream.strided.gather [hbm4b:s19+s10], $0x800, s9, s10, $0x38;
	[tilespmem:$0x10600] =	vst v63  }
0x5d: {  	s19 =	sadd.s32 s1, s20;
	s20 =	sand.u32 $0xFFFFF80, s21;
	s22 =	simm.s32 $0x6C00  }
0x5e: {  	[tilespmem:s22], [sflag:$0x1] =	stream.strided.gather [hbm4b:s19+s10], $0x800, s9, s10, $0x38;
	[tilespmem:$0x10600] =	vst v63  }
0x5f: {  	s21 =	spop (v2sf);
	s19 =	sadd.s32 s2, s20  }
0x60: {  	s20 =	sand.u32 $0xFFFFF80, s21;
	s21 =	spop (v2sf);
	s22 =	simm.s32 $0xEC00  }
0x61: {  	[tilespmem:s22], [sflag:$0x2] =	stream.strided.gather [hbm4b:s19+s10], $0x800, s9, s10, $0x38;
	[tilespmem:$0x10600] =	vst v63  }
0x62: {  	s19 =	sadd.s32 s1, s20;
	s20 =	sand.u32 $0xFFFFF80, s21;
	s22 =	simm.s32 $0x7400  }
0x63: {  	[tilespmem:s22], [sflag:$0x1] =	stream.strided.gather [hbm4b:s19+s10], $0x800, s9, s10, $0x38;
	[tilespmem:$0x10600] =	vst v63  }
0x64: {  	s21 =	spop (v2sf);
	s19 =	sadd.s32 s2, s20  }
0x65: {  	s20 =	sand.u32 $0xFFFFF80, s21;
	s21 =	spop (v2sf);
	s22 =	simm.s32 $0xF400  }
0x66: {  	[tilespmem:s22], [sflag:$0x2] =	stream.strided.gather [hbm4b:s19+s10], $0x800, s9, s10, $0x38;
	[tilespmem:$0x10600] =	vst v63  }
0x67: {  	s19 =	sadd.s32 s1, s20;
	s20 =	sand.u32 $0xFFFFF80, s21;
	s22 =	simm.s32 $0x7C00  }
0x68: {  	[tilespmem:s22], [sflag:$0x1] =	stream.strided.gather [hbm4b:s19+s10], $0x800, s9, s10, $0x38;
	[tilespmem:$0x10600] =	vst v63  }
0x69: {  	s21 =	simm.s32 $0xFC00;
	s20 =	sadd.s32 s2, s20  }
0x6a: {  	[tilespmem:s21], [sflag:$0x2] =	stream.strided.gather [hbm4b:s20+s10], $0x800, s9, s10, $0x38;
	[tilespmem:$0x10600] =	vst v63  }
0x6b: {  	_ =	swait.ge [sflag:s17], $0x800  }
0x6c: {  	[sflag:s17] =	ssyncset.done $0x0  }
0x6d: {  	[sflag:s17] =	ssyncadd.s32 $0xFFFFF800  }
0x6e: {  	_ =	swait.ge [sflag:s18], $0x800  }
0x6f: {  	[sflag:s18] =	ssyncset.done $0x0  }
0x70: {  	[sflag:s18] =	ssyncadd.s32 $0xFFFFF800  }
0x71: {  	_ =	swait.ge [sflag:s17], $0x800  }
0x72: {  	[sflag:s17] =	ssyncset.done $0x0  }
0x73: {  	[sflag:s17] =	ssyncadd.s32 $0xFFFFF800  }
0x74: {  	_ =	swait.ge [sflag:s18], $0x800  }
0x75: {  	[sflag:s18] =	ssyncset.done $0x0  }
0x76: {  	[sflag:s18] =	ssyncadd.s32 $0xFFFFF800  }
0x77: {  	_ =	swait.ge [sflag:s17], $0x800  }
0x78: {  	[sflag:s17] =	ssyncset.done $0x0  }
0x79: {  	[sflag:s17] =	ssyncadd.s32 $0xFFFFF800  }
0x7a: {  	_ =	swait.ge [sflag:s18], $0x800  }
0x7b: {  	[sflag:s18] =	ssyncset.done $0x0  }
0x7c: {  	[sflag:s18] =	ssyncadd.s32 $0xFFFFF800  }
0x7d: {  	_ =	swait.ge [sflag:s17], $0x800  }
0x7e: {  	[sflag:s17] =	ssyncset.done $0x0  }
0x7f: {  	[sflag:s17] =	ssyncadd.s32 $0xFFFFF800  }
0x80: {  	_ =	swait.ge [sflag:s18], $0x800  }
0x81: {  	[sflag:s18] =	ssyncset.done $0x0  }
0x82: {  	[sflag:s18] =	ssyncadd.s32 $0xFFFFF800  }
0x83: {  	_ =	swait.ge [sflag:s17], $0x800  }
0x84: {  	[sflag:s17] =	ssyncset.done $0x0  }
0x85: {  	[sflag:s17] =	ssyncadd.s32 $0xFFFFF800  }
0x86: {  	_ =	swait.ge [sflag:s18], $0x800  }
0x87: {  	[sflag:s18] =	ssyncset.done $0x0  }
0x88: {  	[sflag:s18] =	ssyncadd.s32 $0xFFFFF800  }
0x89: {  	_ =	swait.ge [sflag:s17], $0x800  }
0x8a: {  	[sflag:s17] =	ssyncset.done $0x0  }
0x8b: {  	[sflag:s17] =	ssyncadd.s32 $0xFFFFF800  }
0x8c: {  	_ =	swait.ge [sflag:s18], $0x800  }
0x8d: {  	[sflag:s18] =	ssyncset.done $0x0  }
0x8e: {  	[sflag:s18] =	ssyncadd.s32 $0xFFFFF800  }
0x8f: {  	_ =	swait.ge [sflag:s17], $0x800  }
0x90: {  	[sflag:s17] =	ssyncset.done $0x0  }
0x91: {  	[sflag:s17] =	ssyncadd.s32 $0xFFFFF800  }
0x92: {  	_ =	swait.ge [sflag:s18], $0x800  }
0x93: {  	[sflag:s18] =	ssyncset.done $0x0  }
0x94: {  	[sflag:s18] =	ssyncadd.s32 $0xFFFFF800  }
0x95: {  	_ =	swait.ge [sflag:s17], $0x800  }
0x96: {  	[sflag:s17] =	ssyncset.done $0x0  }
0x97: {  	[sflag:s17] =	ssyncadd.s32 $0xFFFFF800  }
0x98: {  	_ =	swait.ge [sflag:s18], $0x800  }
0x99: {  	[sflag:s18] =	ssyncset.done $0x0  }
0x9a: {  	[sflag:s18] =	ssyncadd.s32 $0xFFFFF800  }
0x9b: {  	_ =	swait.ge [sflag:s17], $0x800  }
0x9c: {  	[sflag:s17] =	ssyncset.done $0x0  }
0x9d: {  	[sflag:s17] =	ssyncadd.s32 $0xFFFFF800  }
0x9e: {  	_ =	swait.ge [sflag:s18], $0x800  }
0x9f: {  	[sflag:s18] =	ssyncset.done $0x0  }
0xa0: {  	[sflag:s18] =	ssyncadd.s32 $0xFFFFF800  }
0xa1: {  	_ =	swait.ge [sflag:s17], $0x800  }
0xa2: {  	[sflag:s17] =	ssyncset.done $0x0  }
0xa3: {  	[sflag:s17] =	ssyncadd.s32 $0xFFFFF800  }
0xa4: {  	_ =	swait.ge [sflag:s18], $0x800  }
0xa5: {  	[sflag:s18] =	ssyncset.done $0x0  }
0xa6: {  	[sflag:s18] =	ssyncadd.s32 $0xFFFFF800  }
0xa7: {  	_ =	swait.ge [sflag:s17], $0x800  }
0xa8: {  	[sflag:s17] =	ssyncset.done $0x0  }
0xa9: {  	[sflag:s17] =	ssyncadd.s32 $0xFFFFF800  }
0xaa: {  	_ =	swait.ge [sflag:s18], $0x800  }
0xab: {  	[sflag:s18] =	ssyncset.done $0x0  }
0xac: {  	[sflag:s18] =	ssyncadd.s32 $0xFFFFF800  }
0xad: {  	_ =	swait.ge [sflag:s17], $0x800  }
0xae: {  	[sflag:s17] =	ssyncset.done $0x0  }
0xaf: {  	[sflag:s17] =	ssyncadd.s32 $0xFFFFF800  }
0xb0: {  	_ =	swait.ge [sflag:s18], $0x800  }
0xb1: {  	[sflag:s18] =	ssyncset.done $0x0  }
0xb2: {  	[sflag:s18] =	ssyncadd.s32 $0xFFFFF800  }
0xb3: {  	_ =	swait.ge [sflag:s17], $0x800  }
0xb4: {  	[sflag:s17] =	ssyncset.done $0x0  }
0xb5: {  	[sflag:s17] =	ssyncadd.s32 $0xFFFFF800  }
0xb6: {  	_ =	swait.ge [sflag:s18], $0x800  }
0xb7: {  	[sflag:s18] =	ssyncset.done $0x0  }
0xb8: {  	[sflag:s18] =	ssyncadd.s32 $0xFFFFF800  }
0xb9: {  	_ =	swait.ge [sflag:s17], $0x800  }
0xba: {  	[sflag:s17] =	ssyncset.done $0x0  }
0xbb: {  	[sflag:s17] =	ssyncadd.s32 $0xFFFFF800  }
0xbc: {  	_ =	swait.ge [sflag:s18], $0x800  }
0xbd: {  	[sflag:s18] =	ssyncset.done $0x0  }
0xbe: {  	[sflag:s18] =	ssyncadd.s32 $0xFFFFF800  }
0xbf: {  	_ =	swait.ge [sflag:s17], $0x800  }
0xc0: {  	[sflag:s17] =	ssyncset.done $0x0  }
0xc1: {  	[sflag:s17] =	ssyncadd.s32 $0xFFFFF800  }
0xc2: {  	_ =	swait.ge [sflag:s18], $0x800  }
0xc3: {  	[sflag:s18] =	ssyncset.done $0x0  }
0xc4: {  	[sflag:s18] =	ssyncadd.s32 $0xFFFFF800  }
0xc5: {  	v19 =	vand.u32 $0x7F, v19;
	_ =	swait.ge [sflag:s17], $0x800  }
0xc6: {  	v18 =	vand.u32 $0x7F, v18;
	v20 =	vor.u32 v3, v19;
	[sflag:s17] =	ssyncset.done $0x0  }
0xc7: {  	v21 =	vor.u32 v1, v18;
	[sflag:s17] =	ssyncadd.s32 $0xFFFFF800  }
0xc8: {  	v22 =	vor.u32 v1, v19;
	_ =	swait.ge [sflag:s18], $0x800  }
0xc9: {  	v23 =	vor.u32 v3, v18;
	[sflag:s18] =	ssyncset.done $0x0  }
0xca: {  	v24 =	vor.u32 v4, v19;
	[sflag:s18] =	ssyncadd.s32 $0xFFFFF800  }
0xcb: {  	v25 =	vor.u32 v4, v18;
	v20 =	vld.idx.msk [tilespmem:v20+s11+$0x0], $0xffff  }
0xcc: {  	v26 =	vor.u32 v5, v19;
	v21 =	vld.idx.msk [tilespmem:v21+s10+$0x0], $0xffff  }
0xcd: {  	v27 =	vor.u32 v5, v18;
	v22 =	vld.idx.msk [tilespmem:v22+s11+$0x0], $0xffff  }
0xce: {  	v28 =	vor.u32 v6, v19;
	v23 =	vld.idx.msk [tilespmem:v23+s10+$0x0], $0xffff  }
0xcf: {  	v29 =	vor.u32 v6, v18;
	v24 =	vld.idx.msk [tilespmem:v24+s11+$0x0], $0xffff  }
0xd0: {  	v30 =	vor.u32 v7, v19;
	v25 =	vld.idx.msk [tilespmem:v25+s10+$0x0], $0xffff  }
0xd1: {  	v31 =	vor.u32 v7, v18;
	v26 =	vld.idx.msk [tilespmem:v26+s11+$0x0], $0xffff  }
0xd2: {  	v32 =	vor.u32 v8, v19;
	v27 =	vld.idx.msk [tilespmem:v27+s10+$0x0], $0xffff  }
0xd3: {  	v58 =	vor.u32 v8, v18;
	v21 =	vmul.f32 v22, v21;
	v22 =	vld.idx.msk [tilespmem:v28+s11+$0x0], $0xffff;
	v20 =	vmul.f32 v20, v23  }
0xd4: {  	v59 =	vor.u32 v9, v19;
	v23 =	vld.idx.msk [tilespmem:v29+s10+$0x0], $0xffff  }
0xd5: {  	v33 =	vor.u32 v9, v18;
	v30 =	vld.idx.msk [tilespmem:v30+s11+$0x0], $0xffff;
	v20 =	vadd.f32 v20, v21;
	v21 =	vmul.f32 v24, v25  }
0xd6: {  	v24 =	vld.idx.msk [tilespmem:v31+s10+$0x0], $0xffff;
	v25 =	vor.u32 v10, v19  }
0xd7: {  	v61 =	vor.u32 v10, v18;
	v60 =	vld.idx.msk [tilespmem:v32+s11+$0x0], $0xffff;
	v20 =	vadd.f32 v21, v20;
	v21 =	vmul.f32 v26, v27  }
0xd8: {  	v26 =	vld.idx.msk [tilespmem:v58+s10+$0x0], $0xffff;
	v27 =	vor.u32 v11, v19  }
0xd9: {  	v63 =	vor.u32 v11, v18;
	v62 =	vld.idx.msk [tilespmem:v59+s11+$0x0], $0xffff;
	v20 =	vadd.f32 v21, v20;
	v21 =	vmul.f32 v22, v23  }
0xda: {  	v22 =	vld.idx.msk [tilespmem:v33+s10+$0x0], $0xffff;
	v23 =	vor.u32 v12, v19  }
0xdb: {  	v36 =	vor.u32 v12, v18;
	v25 =	vld.idx.msk [tilespmem:v25+s11+$0x0], $0xffff;
	v20 =	vadd.f32 v21, v20;
	v21 =	vmul.f32 v30, v24  }
0xdc: {  	v37 =	vor.u32 v13, v19;
	v24 =	vld.idx.msk [tilespmem:v61+s10+$0x0], $0xffff  }
0xdd: {  	v38 =	vor.u32 v13, v18;
	v27 =	vld.idx.msk [tilespmem:v27+s11+$0x0], $0xffff;
	v20 =	vadd.f32 v21, v20;
	v21 =	vmul.f32 v60, v26  }
0xde: {  	v39 =	vor.u32 v14, v19;
	v26 =	vld.idx.msk [tilespmem:v63+s10+$0x0], $0xffff  }
0xdf: {  	v40 =	vor.u32 v14, v18;
	v23 =	vld.idx.msk [tilespmem:v23+s11+$0x0], $0xffff;
	v20 =	vadd.f32 v21, v20;
	v21 =	vmul.f32 v62, v22  }
0xe0: {  	v41 =	vor.u32 v15, v19;
	v22 =	vld.idx.msk [tilespmem:v36+s10+$0x0], $0xffff  }
0xe1: {  	v42 =	vor.u32 v15, v18;
	v30 =	vld.idx.msk [tilespmem:v37+s11+$0x0], $0xffff;
	v20 =	vadd.f32 v21, v20;
	v21 =	vmul.f32 v25, v24  }
0xe2: {  	v24 =	vld.idx.msk [tilespmem:v38+s10+$0x0], $0xffff;
	v25 =	vor.u32 v16, v19  }
0xe3: {  	v43 =	vor.u32 v16, v18;
	v29 =	vld.idx.msk [tilespmem:v39+s11+$0x0], $0xffff;
	v20 =	vadd.f32 v21, v20;
	v21 =	vmul.f32 v27, v26  }
0xe4: {  	v18 =	vor.u32 v17, v18;
	v26 =	vld.idx.msk [tilespmem:v40+s10+$0x0], $0xffff  }
0xe5: {  	v19 =	vor.u32 v17, v19;
	v27 =	vld.idx.msk [tilespmem:v41+s11+$0x0], $0xffff;
	v20 =	vadd.f32 v21, v20;
	v21 =	vmul.f32 v23, v22  }
0xe6: {  	v22 =	vld.idx.msk [tilespmem:v42+s10+$0x0], $0xffff  }
0xe7: {  	v23 =	vld.idx.msk [tilespmem:v25+s11+$0x0], $0xffff;
	v20 =	vadd.f32 v21, v20;
	v21 =	vmul.f32 v30, v24  }
0xe8: {  	v24 =	vld.idx.msk [tilespmem:v43+s10+$0x0], $0xffff  }
0xe9: {  	v18 =	vld.idx.msk [tilespmem:v18+s10+$0x0], $0xffff;
	v20 =	vadd.f32 v21, v20;
	v21 =	vmul.f32 v29, v26  }
0xea: {  	v19 =	vld.idx.msk [tilespmem:v19+s11+$0x0], $0xffff  }
0xeb: {  	v20 =	vadd.f32 v21, v20;
	v21 =	vmul.f32 v27, v22;
	_ =	sdelay $0x1  }
0xec: {  	v20 =	vadd.f32 v21, v20;
	v21 =	vmul.f32 v23, v24  }
0xed: {  	s19 =	simm.s32 $0x20  }
0xee: {  	v18 =	vmul.f32 v19, v18;
	v19 =	vor.u32 s19, v0;
	v20 =	vadd.f32 v21, v20;
	_ =	sdelay $0x1  }
0xef: {  	v18 =	vadd.f32 v18, v20  }
0xf0: {  	s20 =	simm.s32 $0x10410  }
0xf1: {  	v20 =	vor.u32 s19, v2;
	[tilespmem:s20+$0xFFFFFFF0] =	vst v18  }
0xf2: {  	v19 =	vld.idx.msk [tilespmem:v19+s4+$0x0], $0xffff;
	_ =	sdelay $0x3  }
0xf3: {  	v18 =	vld.idx.msk [tilespmem:v20+s4+$0x0], $0xffff  }
0xf4: {  	(v2sf) =	vpush v19, $0x0;
	_ =	sdelay $0x1  }
0xf5: {  	(v2sf) =	vpush v19, $0x1;
	_ =	sdelay $0x1  }
0xf6: {  	(v2sf) =	vpush v18, $0x0;
	_ =	sdelay $0x4  }
0xf7: {  	(v2sf) =	vpush v18, $0x1;
	_ =	sdelay $0x1  }
0xf8: {  	(v2sf) =	vpush v19, $0x2  }
0xf9: {  	(v2sf) =	vpush v18, $0x2;
	_ =	sdelay $0x2  }
0xfa: {  	s22 =	spop (v2sf)  }
0xfb: {  	(v2sf) =	vpush v19, $0x3;
	s21 =	sand.u32 $0xFFFFF80, s22  }
0xfc: {  	s22 =	spop (v2sf);
	s21 =	sadd.s32 s1, s21  }
0xfd: {  	(v2sf) =	vpush v18, $0x3;
	[tilespmem:s10], [sflag:$0x1] =	stream.strided.gather [hbm4b:s21+s10], $0x800, s9, s10, $0x38;
	[tilespmem:$0x10600] =	vst v63  }
0xfe: {  	s21 =	spop (v2sf)  }
0xff: {  	s21 =	sand.u32 $0xFFFFF80, s21  }
0x100: {  	(v2sf) =	vpush v19, $0x4;
	s21 =	sadd.s32 s2, s21  }
0x101: {  	[tilespmem:s11], [sflag:$0x2] =	stream.strided.gather [hbm4b:s21+s10], $0x800, s9, s10, $0x38;
	[tilespmem:$0x10600] =	vst v63  }
0x102: {  	(v2sf) =	vpush v18, $0x4;
	s21 =	sand.u32 $0xFFFFF80, s22  }
0x103: {  	s22 =	spop (v2sf);
	s21 =	sadd.s32 s1, s21  }
0x104: {  	[tilespmem:s23], [sflag:$0x1] =	stream.strided.gather [hbm4b:s21+s10], $0x800, s9, s10, $0x38;
	[tilespmem:$0x10600] =	vst v63  }
0x105: {  	(v2sf) =	vpush v19, $0x5;
	s22 =	sand.u32 $0xFFFFF80, s22;
	s23 =	spop (v2sf)  }
0x106: {  	s22 =	sadd.s32 s2, s22;
	s21 =	sand.u32 $0xFFFFF80, s23;
	s23 =	spop (v2sf)  }
0x107: {  	(v2sf) =	vpush v18, $0x5;
	[tilespmem:s24], [sflag:$0x2] =	stream.strided.gather [hbm4b:s22+s10], $0x800, s9, s10, $0x38;
	[tilespmem:$0x10600] =	vst v63  }
0x108: {  	s22 =	sand.u32 $0xFFFFF80, s23;
	s21 =	sadd.s32 s1, s21  }
0x109: {  	[tilespmem:s25], [sflag:$0x1] =	stream.strided.gather [hbm4b:s21+s10], $0x800, s9, s10, $0x38;
	[tilespmem:$0x10600] =	vst v63  }
0x10a: {  	(v2sf) =	vpush v19, $0x6;
	s24 =	spop (v2sf);
	s22 =	sadd.s32 s2, s22  }
0x10b: {  	[tilespmem:s26], [sflag:$0x2] =	stream.strided.gather [hbm4b:s22+s10], $0x800, s9, s10, $0x38;
	[tilespmem:$0x10600] =	vst v63  }
0x10c: {  	(v2sf) =	vpush v18, $0x6;
	s21 =	sand.u32 $0xFFFFF80, s24;
	s25 =	spop (v2sf)  }
0x10d: {  	s21 =	sadd.s32 s1, s21;
	s22 =	sand.u32 $0xFFFFF80, s25  }
0x10e: {  	[tilespmem:s0], [sflag:$0x1] =	stream.strided.gather [hbm4b:s21+s10], $0x800, s9, s10, $0x38;
	[tilespmem:$0x10600] =	vst v63  }
0x10f: {  	(v2sf) =	vpush v19, $0x7;
	s0 =	spop (v2sf);
	s22 =	sadd.s32 s2, s22  }
0x110: {  	[tilespmem:s3], [sflag:$0x2] =	stream.strided.gather [hbm4b:s22+s10], $0x800, s9, s10, $0x38;
	[tilespmem:$0x10600] =	vst v63  }
0x111: {  	(v2sf) =	vpush v18, $0x7;
	s21 =	sand.u32 $0xFFFFF80, s0;
	s3 =	spop (v2sf)  }
0x112: {  	s21 =	sadd.s32 s1, s21;
	s22 =	sand.u32 $0xFFFFF80, s3  }
0x113: {  	[tilespmem:s5], [sflag:$0x1] =	stream.strided.gather [hbm4b:s21+s10], $0x800, s9, s10, $0x38;
	[tilespmem:$0x10600] =	vst v63  }
0x114: {  	(v2sf) =	vpush v19, $0x8;
	s22 =	sadd.s32 s2, s22;
	s5 =	spop (v2sf)  }
0x115: {  	[tilespmem:s6], [sflag:$0x2] =	stream.strided.gather [hbm4b:s22+s10], $0x800, s9, s10, $0x38;
	[tilespmem:$0x10600] =	vst v63  }
0x116: {  	(v2sf) =	vpush v18, $0x8;
	s21 =	sand.u32 $0xFFFFF80, s5;
	s6 =	spop (v2sf)  }
0x117: {  	s21 =	sadd.s32 s1, s21;
	s22 =	sand.u32 $0xFFFFF80, s6  }
0x118: {  	[tilespmem:s7], [sflag:$0x1] =	stream.strided.gather [hbm4b:s21+s10], $0x800, s9, s10, $0x38;
	[tilespmem:$0x10600] =	vst v63  }
0x119: {  	(v2sf) =	vpush v19, $0x9;
	s7 =	spop (v2sf);
	s22 =	sadd.s32 s2, s22  }
0x11a: {  	[tilespmem:s8], [sflag:$0x2] =	stream.strided.gather [hbm4b:s22+s10], $0x800, s9, s10, $0x38;
	[tilespmem:$0x10600] =	vst v63  }
0x11b: {  	s21 =	sand.u32 $0xFFFFF80, s7;
	s8 =	spop (v2sf)  }
0x11c: {  	(v2sf) =	vpush v18, $0x9;
	s21 =	sadd.s32 s1, s21;
	s22 =	sand.u32 $0xFFFFF80, s8  }
0x11d: {  	[tilespmem:s12], [sflag:$0x1] =	stream.strided.gather [hbm4b:s21+s10], $0x800, s9, s10, $0x38;
	[tilespmem:$0x10600] =	vst v63  }
0x11e: {  	(v2sf) =	vpush v19, $0xA;
	s22 =	sadd.s32 s2, s22;
	s12 =	spop (v2sf)  }
0x11f: {  	[tilespmem:s13], [sflag:$0x2] =	stream.strided.gather [hbm4b:s22+s10], $0x800, s9, s10, $0x38;
	[tilespmem:$0x10600] =	vst v63  }
0x120: {  	s21 =	sand.u32 $0xFFFFF80, s12;
	s13 =	spop (v2sf)  }
0x121: {  	(v2sf) =	vpush v18, $0xA;
	s22 =	sand.u32 $0xFFFFF80, s13;
	s21 =	sadd.s32 s1, s21  }
0x122: {  	[tilespmem:s14], [sflag:$0x1] =	stream.strided.gather [hbm4b:s21+s10], $0x800, s9, s10, $0x38;
	[tilespmem:$0x10600] =	vst v63  }
0x123: {  	s23 =	spop (v2sf);
	s22 =	sadd.s32 s2, s22  }
0x124: {  	(v2sf) =	vpush v19, $0xB;
	[tilespmem:s15], [sflag:$0x2] =	stream.strided.gather [hbm4b:s22+s10], $0x800, s9, s10, $0x38;
	[tilespmem:$0x10600] =	vst v63  }
0x125: {  	s21 =	sand.u32 $0xFFFFF80, s23;
	s24 =	spop (v2sf)  }
0x126: {  	(v2sf) =	vpush v18, $0xB;
	s21 =	sadd.s32 s1, s21;
	s22 =	sand.u32 $0xFFFFF80, s24  }
0x127: {  	[tilespmem:s16], [sflag:$0x1] =	stream.strided.gather [hbm4b:s21+s10], $0x800, s9, s10, $0x38;
	[tilespmem:$0x10600] =	vst v63  }
0x128: {  	s25 =	spop (v2sf);
	s22 =	sadd.s32 s2, s22  }
0x129: {  	(v2sf) =	vpush v19, $0xC;
	[tilespmem:s28], [sflag:$0x2] =	stream.strided.gather [hbm4b:s22+s10], $0x800, s9, s10, $0x38;
	[tilespmem:$0x10600] =	vst v63  }
0x12a: {  	s21 =	sand.u32 $0xFFFFF80, s25  }
0x12b: {  	(v2sf) =	vpush v18, $0xC;
	s28 =	spop (v2sf);
	s21 =	sadd.s32 s1, s21  }
0x12c: {  	[tilespmem:s29], [sflag:$0x1] =	stream.strided.gather [hbm4b:s21+s10], $0x800, s9, s10, $0x38;
	[tilespmem:$0x10600] =	vst v63  }
0x12d: {  	s22 =	sand.u32 $0xFFFFF80, s28;
	s29 =	spop (v2sf)  }
0x12e: {  	(v2sf) =	vpush v19, $0xD;
	s22 =	sadd.s32 s2, s22;
	s21 =	sand.u32 $0xFFFFF80, s29  }
0x12f: {  	[tilespmem:s30], [sflag:$0x2] =	stream.strided.gather [hbm4b:s22+s10], $0x800, s9, s10, $0x38;
	[tilespmem:$0x10600] =	vst v63  }
0x130: {  	(v2sf) =	vpush v18, $0xD;
	s21 =	sadd.s32 s1, s21;
	s30 =	spop (v2sf)  }
0x131: {  	[tilespmem:s31], [sflag:$0x1] =	stream.strided.gather [hbm4b:s21+s10], $0x800, s9, s10, $0x38;
	[tilespmem:$0x10600] =	vst v63  }
0x132: {  	s22 =	sand.u32 $0xFFFFF80, s30  }
0x133: {  	s4 =	simm.s32 $0xD400;
	(v2sf) =	vpush v19, $0xE;
	s31 =	spop (v2sf);
	s22 =	sadd.s32 s2, s22  }
0x134: {  	[tilespmem:s4], [sflag:$0x2] =	stream.strided.gather [hbm4b:s22+s10], $0x800, s9, s10, $0x38;
	[tilespmem:$0x10600] =	vst v63  }
0x135: {  	(v2sf) =	vpush v18, $0xE;
	s21 =	sand.u32 $0xFFFFF80, s31;
	s0 =	spop (v2sf)  }
0x136: {  	s3 =	simm.s32 $0x5C00;
	s21 =	sadd.s32 s1, s21;
	s22 =	sand.u32 $0xFFFFF80, s0  }
0x137: {  	[tilespmem:s3], [sflag:$0x1] =	stream.strided.gather [hbm4b:s21+s10], $0x800, s9, s10, $0x38;
	[tilespmem:$0x10600] =	vst v63  }
0x138: {  	s5 =	simm.s32 $0xDC00;
	(v2sf) =	vpush v19, $0xF;
	s22 =	sadd.s32 s2, s22;
	s4 =	spop (v2sf)  }
0x139: {  	[tilespmem:s5], [sflag:$0x2] =	stream.strided.gather [hbm4b:s22+s10], $0x800, s9, s10, $0x38;
	[tilespmem:$0x10600] =	vst v63  }
0x13a: {  	(v2sf) =	vpush v18, $0xF;
	s21 =	sand.u32 $0xFFFFF80, s4;
	s6 =	spop (v2sf)  }
0x13b: {  	s7 =	simm.s32 $0x6400;
	s21 =	sadd.s32 s1, s21;
	s22 =	sand.u32 $0xFFFFF80, s6  }
0x13c: {  	[tilespmem:s7], [sflag:$0x1] =	stream.strided.gather [hbm4b:s21+s10], $0x800, s9, s10, $0x38;
	[tilespmem:$0x10600] =	vst v63  }
0x13d: {  	s12 =	simm.s32 $0xE400;
	s8 =	spop (v2sf);
	s22 =	sadd.s32 s2, s22  }
0x13e: {  	[tilespmem:s12], [sflag:$0x2] =	stream.strided.gather [hbm4b:s22+s10], $0x800, s9, s10, $0x38;
	[tilespmem:$0x10600] =	vst v63  }
0x13f: {  	s21 =	sand.u32 $0xFFFFF80, s8;
	s13 =	spop (v2sf)  }
0x140: {  	s14 =	simm.s32 $0x6C00;
	s21 =	sadd.s32 s1, s21;
	s22 =	sand.u32 $0xFFFFF80, s13  }
0x141: {  	[tilespmem:s14], [sflag:$0x1] =	stream.strided.gather [hbm4b:s21+s10], $0x800, s9, s10, $0x38;
	[tilespmem:$0x10600] =	vst v63  }
0x142: {  	s16 =	simm.s32 $0xEC00;
	s22 =	sadd.s32 s2, s22;
	s15 =	spop (v2sf)  }
0x143: {  	[tilespmem:s16], [sflag:$0x2] =	stream.strided.gather [hbm4b:s22+s10], $0x800, s9, s10, $0x38;
	[tilespmem:$0x10600] =	vst v63  }
0x144: {  	s21 =	sand.u32 $0xFFFFF80, s15;
	s23 =	spop (v2sf)  }
0x145: {  	s24 =	simm.s32 $0x7400;
	s22 =	sand.u32 $0xFFFFF80, s23;
	s21 =	sadd.s32 s1, s21  }
0x146: {  	[tilespmem:s24], [sflag:$0x1] =	stream.strided.gather [hbm4b:s21+s10], $0x800, s9, s10, $0x38;
	[tilespmem:$0x10600] =	vst v63  }
0x147: {  	s26 =	simm.s32 $0xF400;
	s25 =	spop (v2sf);
	s22 =	sadd.s32 s2, s22  }
0x148: {  	[tilespmem:s26], [sflag:$0x2] =	stream.strided.gather [hbm4b:s22+s10], $0x800, s9, s10, $0x38;
	[tilespmem:$0x10600] =	vst v63  }
0x149: {  	s21 =	sand.u32 $0xFFFFF80, s25;
	s28 =	spop (v2sf)  }
0x14a: {  	s29 =	simm.s32 $0x7C00;
	s21 =	sadd.s32 s1, s21;
	s22 =	sand.u32 $0xFFFFF80, s28  }
0x14b: {  	[tilespmem:s29], [sflag:$0x1] =	stream.strided.gather [hbm4b:s21+s10], $0x800, s9, s10, $0x38;
	[tilespmem:$0x10600] =	vst v63  }
0x14c: {  	s31 =	simm.s32 $0xFC00;
	s30 =	sadd.s32 s2, s22  }
0x14d: {  	[tilespmem:s31], [sflag:$0x2] =	stream.strided.gather [hbm4b:s30+s10], $0x800, s9, s10, $0x38;
	[tilespmem:$0x10600] =	vst v63  }
0x14e: {  	_ =	swait.ge [sflag:s17], $0x800  }
0x14f: {  	[sflag:s17] =	ssyncset.done $0x0  }
0x150: {  	[sflag:s17] =	ssyncadd.s32 $0xFFFFF800  }
0x151: {  	_ =	swait.ge [sflag:s18], $0x800  }
0x152: {  	[sflag:s18] =	ssyncset.done $0x0  }
0x153: {  	[sflag:s18] =	ssyncadd.s32 $0xFFFFF800  }
0x154: {  	_ =	swait.ge [sflag:s17], $0x800  }
0x155: {  	[sflag:s17] =	ssyncset.done $0x0  }
0x156: {  	[sflag:s17] =	ssyncadd.s32 $0xFFFFF800  }
0x157: {  	_ =	swait.ge [sflag:s18], $0x800  }
0x158: {  	[sflag:s18] =	ssyncset.done $0x0  }
0x159: {  	[sflag:s18] =	ssyncadd.s32 $0xFFFFF800  }
0x15a: {  	_ =	swait.ge [sflag:s17], $0x800  }
0x15b: {  	[sflag:s17] =	ssyncset.done $0x0  }
0x15c: {  	[sflag:s17] =	ssyncadd.s32 $0xFFFFF800  }
0x15d: {  	_ =	swait.ge [sflag:s18], $0x800  }
0x15e: {  	[sflag:s18] =	ssyncset.done $0x0  }
0x15f: {  	[sflag:s18] =	ssyncadd.s32 $0xFFFFF800  }
0x160: {  	_ =	swait.ge [sflag:s17], $0x800  }
0x161: {  	[sflag:s17] =	ssyncset.done $0x0  }
0x162: {  	[sflag:s17] =	ssyncadd.s32 $0xFFFFF800  }
0x163: {  	_ =	swait.ge [sflag:s18], $0x800  }
0x164: {  	[sflag:s18] =	ssyncset.done $0x0  }
0x165: {  	[sflag:s18] =	ssyncadd.s32 $0xFFFFF800  }
0x166: {  	_ =	swait.ge [sflag:s17], $0x800  }
0x167: {  	[sflag:s17] =	ssyncset.done $0x0  }
0x168: {  	[sflag:s17] =	ssyncadd.s32 $0xFFFFF800  }
0x169: {  	_ =	swait.ge [sflag:s18], $0x800  }
0x16a: {  	[sflag:s18] =	ssyncset.done $0x0  }
0x16b: {  	[sflag:s18] =	ssyncadd.s32 $0xFFFFF800  }
0x16c: {  	_ =	swait.ge [sflag:s17], $0x800  }
0x16d: {  	[sflag:s17] =	ssyncset.done $0x0  }
0x16e: {  	[sflag:s17] =	ssyncadd.s32 $0xFFFFF800  }
0x16f: {  	_ =	swait.ge [sflag:s18], $0x800  }
0x170: {  	[sflag:s18] =	ssyncset.done $0x0  }
0x171: {  	[sflag:s18] =	ssyncadd.s32 $0xFFFFF800  }
0x172: {  	_ =	swait.ge [sflag:s17], $0x800  }
0x173: {  	[sflag:s17] =	ssyncset.done $0x0  }
0x174: {  	[sflag:s17] =	ssyncadd.s32 $0xFFFFF800  }
0x175: {  	_ =	swait.ge [sflag:s18], $0x800  }
0x176: {  	[sflag:s18] =	ssyncset.done $0x0  }
0x177: {  	[sflag:s18] =	ssyncadd.s32 $0xFFFFF800  }
0x178: {  	_ =	swait.ge [sflag:s17], $0x800  }
0x179: {  	[sflag:s17] =	ssyncset.done $0x0  }
0x17a: {  	[sflag:s17] =	ssyncadd.s32 $0xFFFFF800  }
0x17b: {  	_ =	swait.ge [sflag:s18], $0x800  }
0x17c: {  	[sflag:s18] =	ssyncset.done $0x0  }
0x17d: {  	[sflag:s18] =	ssyncadd.s32 $0xFFFFF800  }
0x17e: {  	_ =	swait.ge [sflag:s17], $0x800  }
0x17f: {  	[sflag:s17] =	ssyncset.done $0x0  }
0x180: {  	[sflag:s17] =	ssyncadd.s32 $0xFFFFF800  }
0x181: {  	_ =	swait.ge [sflag:s18], $0x800  }
0x182: {  	[sflag:s18] =	ssyncset.done $0x0  }
0x183: {  	[sflag:s18] =	ssyncadd.s32 $0xFFFFF800  }
0x184: {  	_ =	swait.ge [sflag:s17], $0x800  }
0x185: {  	[sflag:s17] =	ssyncset.done $0x0  }
0x186: {  	[sflag:s17] =	ssyncadd.s32 $0xFFFFF800  }
0x187: {  	_ =	swait.ge [sflag:s18], $0x800  }
0x188: {  	[sflag:s18] =	ssyncset.done $0x0  }
0x189: {  	[sflag:s18] =	ssyncadd.s32 $0xFFFFF800  }
0x18a: {  	_ =	swait.ge [sflag:s17], $0x800  }
0x18b: {  	[sflag:s17] =	ssyncset.done $0x0  }
0x18c: {  	[sflag:s17] =	ssyncadd.s32 $0xFFFFF800  }
0x18d: {  	_ =	swait.ge [sflag:s18], $0x800  }
0x18e: {  	[sflag:s18] =	ssyncset.done $0x0  }
0x18f: {  	[sflag:s18] =	ssyncadd.s32 $0xFFFFF800  }
0x190: {  	_ =	swait.ge [sflag:s17], $0x800  }
0x191: {  	[sflag:s17] =	ssyncset.done $0x0  }
0x192: {  	[sflag:s17] =	ssyncadd.s32 $0xFFFFF800  }
0x193: {  	_ =	swait.ge [sflag:s18], $0x800  }
0x194: {  	[sflag:s18] =	ssyncset.done $0x0  }
0x195: {  	[sflag:s18] =	ssyncadd.s32 $0xFFFFF800  }
0x196: {  	_ =	swait.ge [sflag:s17], $0x800  }
0x197: {  	[sflag:s17] =	ssyncset.done $0x0  }
0x198: {  	[sflag:s17] =	ssyncadd.s32 $0xFFFFF800  }
0x199: {  	_ =	swait.ge [sflag:s18], $0x800  }
0x19a: {  	[sflag:s18] =	ssyncset.done $0x0  }
0x19b: {  	[sflag:s18] =	ssyncadd.s32 $0xFFFFF800  }
0x19c: {  	_ =	swait.ge [sflag:s17], $0x800  }
0x19d: {  	[sflag:s17] =	ssyncset.done $0x0  }
0x19e: {  	[sflag:s17] =	ssyncadd.s32 $0xFFFFF800  }
0x19f: {  	_ =	swait.ge [sflag:s18], $0x800  }
0x1a0: {  	[sflag:s18] =	ssyncset.done $0x0  }
0x1a1: {  	[sflag:s18] =	ssyncadd.s32 $0xFFFFF800  }
0x1a2: {  	_ =	swait.ge [sflag:s17], $0x800  }
0x1a3: {  	[sflag:s17] =	ssyncset.done $0x0  }
0x1a4: {  	[sflag:s17] =	ssyncadd.s32 $0xFFFFF800  }
0x1a5: {  	_ =	swait.ge [sflag:s18], $0x800  }
0x1a6: {  	[sflag:s18] =	ssyncset.done $0x0  }
0x1a7: {  	[sflag:s18] =	ssyncadd.s32 $0xFFFFF800  }
0x1a8: {  	v19 =	vand.u32 $0x7F, v19;
	_ =	swait.ge [sflag:s17], $0x800  }
0x1a9: {  	v20 =	vor.u32 v4, v19;
	[sflag:s17] =	ssyncset.done $0x0  }
0x1aa: {  	v21 =	vand.u32 $0x7F, v18;
	v18 =	vor.u32 v1, v19;
	[sflag:s17] =	ssyncadd.s32 $0xFFFFF800  }
0x1ab: {  	v22 =	vor.u32 v4, v21;
	_ =	swait.ge [sflag:s18], $0x800  }
0x1ac: {  	v23 =	vor.u32 v3, v21;
	[sflag:s18] =	ssyncset.done $0x0  }
0x1ad: {  	v24 =	vor.u32 v1, v21;
	[sflag:s18] =	ssyncadd.s32 $0xFFFFF800  }
0x1ae: {  	v25 =	vor.u32 v3, v19;
	v20 =	vld.idx.msk [tilespmem:v20+s10+$0x0], $0xffff  }
0x1af: {  	v26 =	vor.u32 v5, v19;
	v18 =	vld.idx.msk [tilespmem:v18+s10+$0x0], $0xffff  }
0x1b0: {  	v27 =	vor.u32 v5, v21;
	v22 =	vld.idx.msk [tilespmem:v22+s11+$0x0], $0xffff  }
0x1b1: {  	v44 =	vor.u32 v6, v19;
	v23 =	vld.idx.msk [tilespmem:v23+s11+$0x0], $0xffff  }
0x1b2: {  	v45 =	vor.u32 v6, v21;
	v24 =	vld.idx.msk [tilespmem:v24+s11+$0x0], $0xffff  }
0x1b3: {  	v46 =	vor.u32 v7, v19;
	v25 =	vld.idx.msk [tilespmem:v25+s10+$0x0], $0xffff  }
0x1b4: {  	v48 =	vor.u32 v8, v19;
	v26 =	vld.idx.msk [tilespmem:v26+s10+$0x0], $0xffff  }
0x1b5: {  	v34 =	vor.u32 v9, v19;
	v27 =	vld.idx.msk [tilespmem:v27+s11+$0x0], $0xffff  }
0x1b6: {  	v53 =	vor.u32 v11, v21;
	v28 =	vld.idx.msk [tilespmem:v44+s10+$0x0], $0xffff  }
0x1b7: {  	v47 =	vor.u32 v7, v21;
	v29 =	vld.idx.msk [tilespmem:v45+s11+$0x0], $0xffff  }
0x1b8: {  	v56 =	vor.u32 v13, v21;
	v30 =	vld.idx.msk [tilespmem:v46+s10+$0x0], $0xffff  }
0x1b9: {  	v49 =	vor.u32 v8, v21;
	v50 =	vld.idx.msk [tilespmem:v48+s10+$0x0], $0xffff;
	v18 =	vmul.f32 v24, v18;
	v23 =	vmul.f32 v23, v25  }
0x1ba: {  	v59 =	vor.u32 v14, v21;
	v52 =	vld.idx.msk [tilespmem:v34+s10+$0x0], $0xffff  }
0x1bb: {  	v35 =	vor.u32 v9, v21;
	v57 =	vld.idx.msk [tilespmem:v53+s11+$0x0], $0xffff;
	v20 =	vmul.f32 v22, v20;
	v18 =	vadd.f32 v23, v18  }
0x1bc: {  	v24 =	vld.idx.msk [tilespmem:v47+s11+$0x0], $0xffff;
	v25 =	vor.u32 v10, v19  }
0x1bd: {  	v51 =	vor.u32 v10, v21;
	v32 =	vld.idx.msk [tilespmem:v56+s11+$0x0], $0xffff;
	v26 =	vmul.f32 v27, v26;
	v18 =	vadd.f32 v20, v18  }
0x1be: {  	v55 =	vor.u32 v13, v19;
	v22 =	vld.idx.msk [tilespmem:v49+s11+$0x0], $0xffff  }
0x1bf: {  	v34 =	vld.idx.msk [tilespmem:v59+s11+$0x0], $0xffff;
	v28 =	vmul.f32 v29, v28;
	v23 =	vor.u32 v11, v19;
	v18 =	vadd.f32 v26, v18  }
0x1c0: {  	v27 =	vor.u32 v12, v19;
	v20 =	vld.idx.msk [tilespmem:v35+s11+$0x0], $0xffff  }
0x1c1: {  	v54 =	vor.u32 v12, v21;
	v25 =	vld.idx.msk [tilespmem:v25+s10+$0x0], $0xffff;
	v24 =	vmul.f32 v24, v30;
	v18 =	vadd.f32 v28, v18  }
0x1c2: {  	v58 =	vor.u32 v14, v19;
	v26 =	vld.idx.msk [tilespmem:v51+s11+$0x0], $0xffff  }
0x1c3: {  	v60 =	vor.u32 v15, v19;
	v29 =	vld.idx.msk [tilespmem:v55+s10+$0x0], $0xffff;
	v22 =	vmul.f32 v22, v50;
	v18 =	vadd.f32 v24, v18  }
0x1c4: {  	v61 =	vor.u32 v15, v21;
	v23 =	vld.idx.msk [tilespmem:v23+s10+$0x0], $0xffff  }
0x1c5: {  	v27 =	vld.idx.msk [tilespmem:v27+s10+$0x0], $0xffff;
	v20 =	vmul.f32 v20, v52;
	v18 =	vadd.f32 v22, v18;
	v22 =	vor.u32 v16, v19  }
0x1c6: {  	v62 =	vor.u32 v16, v21;
	v24 =	vld.idx.msk [tilespmem:v54+s11+$0x0], $0xffff  }
0x1c7: {  	v30 =	vld.idx.msk [tilespmem:v58+s10+$0x0], $0xffff;
	v25 =	vmul.f32 v26, v25;
	v26 =	vor.u32 v17, v19;
	v20 =	vadd.f32 v20, v18  }
0x1c8: {  	v63 =	vor.u32 v17, v21;
	v18 =	vld.idx.msk [tilespmem:v60+s10+$0x0], $0xffff  }
0x1c9: {  	v21 =	vmul.f32 v57, v23;
	v23 =	vadd.f32 v25, v20;
	v20 =	vld.idx.msk [tilespmem:v61+s11+$0x0], $0xffff  }
0x1ca: {  	v19 =	vld.idx.msk [tilespmem:v22+s10+$0x0], $0xffff  }
0x1cb: {  	v24 =	vmul.f32 v24, v27;
	v22 =	vld.idx.msk [tilespmem:v62+s11+$0x0], $0xffff;
	v23 =	vadd.f32 v21, v23  }
0x1cc: {  	v21 =	vld.idx.msk [tilespmem:v26+s10+$0x0], $0xffff  }
0x1cd: {  	s21 =	simm.s32 $0x10410;
	s22 =	simm.s32 $0x0;
	v25 =	vmul.f32 v32, v29;
	v26 =	vadd.f32 v24, v23;
	v24 =	vmul.f32 v34, v30;
	v23 =	vld.idx.msk [tilespmem:v63+s11+$0x0], $0xffff  }
.LBB2_2:
0x1ce: {  	_ = 	snop  }
0x1cf: {  	s22 =	sadd.s32 $0x2, s22;
	s20 =	sadd.s32 $0x20, s20;
	s19 =	sadd.s32 $0x40, s19;
	v25 =	vadd.f32 v25, v26  }
0x1d0: {  	v18 =	vmul.f32 v20, v18;
	p0 =	slt.u32 s22, $0x1E  }
0x1d1: {  	v19 =	vmul.f32 v22, v19;
	v20 =	vadd.f32 v24, v25;
	_ =	sdelay $0x1  }
0x1d2: {  	s23 =	sadd.s32 $0xFFFFFFE0, s19;
	v18 =	vadd.f32 v18, v20;
	v20 =	vmul.f32 v23, v21  }
0x1d3: {  	v22 =	vor.u32 s23, v2;
	v21 =	vor.u32 s23, v0  }
0x1d4: {  	v18 =	vadd.f32 v19, v18;
	_ =	sdelay $0x1  }
0x1d5: {  	v18 =	vadd.f32 v20, v18;
	_ =	sdelay $0x1  }
0x1d6: {  	s0 =	simm.s32 $0x0;
	[tilespmem:s21+$0x0] =	vst v18;
	s21 =	smov.u32 s20  }
0x1d7: {  	v21 =	vld.idx.msk [tilespmem:v21+s0+$0x0], $0xffff  }
0x1d8: {  	v20 =	vld.idx.msk [tilespmem:v22+s0+$0x0], $0xffff;
	_ =	sdelay $0x4  }
0x1d9: {  	v18 =	vand.u32 $0x7F, v21;
	(v2sf) =	vpush v21, $0x0  }
0x1da: {  	v19 =	vand.u32 $0x7F, v20;
	(v2sf) =	vpush v20, $0x0  }
0x1db: {  	(v2sf) =	vpush v21, $0x1;
	_ =	sdelay $0x1  }
0x1dc: {  	(v2sf) =	vpush v20, $0x1;
	_ =	sdelay $0x1  }
0x1dd: {  	(v2sf) =	vpush v21, $0x2;
	_ =	sdelay $0x1  }
0x1de: {  	(v2sf) =	vpush v20, $0x2;
	_ =	sdelay $0x1  }
0x1df: {  	(v2sf) =	vpush v21, $0x3;
	_ =	sdelay $0x1  }
0x1e0: {  	(v2sf) =	vpush v20, $0x3;
	_ =	sdelay $0x1  }
0x1e1: {  	(v2sf) =	vpush v21, $0x4  }
0x1e2: {  	s23 =	spop (v2sf)  }
0x1e3: {  	s3 =	simm.s32 $0xC00;
	s23 =	sand.u32 $0xFFFFF80, s23;
	s24 =	spop (v2sf);
	(v2sf) =	vpush v20, $0x4  }
0x1e4: {  	s23 =	sadd.s32 s1, s23;
	s24 =	sand.u32 $0xFFFFF80, s24;
	s25 =	spop (v2sf)  }
0x1e5: {  	[tilespmem:s10], [sflag:$0x1] =	stream.strided.gather [hbm4b:s23+s10], $0x800, s9, s10, $0x38;
	(v2sf) =	vpush v21, $0x5;
	[tilespmem:$0x10600] =	vst v63  }
0x1e6: {  	s23 =	sadd.s32 s2, s24;
	s24 =	sand.u32 $0xFFFFF80, s25;
	s25 =	spop (v2sf)  }
0x1e7: {  	[tilespmem:s11], [sflag:$0x2] =	stream.strided.gather [hbm4b:s23+s10], $0x800, s9, s10, $0x38;
	(v2sf) =	vpush v20, $0x5;
	[tilespmem:$0x10600] =	vst v63  }
0x1e8: {  	s23 =	sadd.s32 s1, s24;
	s24 =	sand.u32 $0xFFFFF80, s25;
	s25 =	spop (v2sf)  }
0x1e9: {  	[tilespmem:s3], [sflag:$0x1] =	stream.strided.gather [hbm4b:s23+s10], $0x800, s9, s10, $0x38;
	[tilespmem:$0x10600] =	vst v63  }
0x1ea: {  	(v2sf) =	vpush v21, $0x6;
	s23 =	sadd.s32 s2, s24  }
0x1eb: {  	s24 =	sand.u32 $0xFFFFF80, s25;
	s3 =	simm.s32 $0x8C00;
	s25 =	spop (v2sf)  }
0x1ec: {  	[tilespmem:s3], [sflag:$0x2] =	stream.strided.gather [hbm4b:s23+s10], $0x800, s9, s10, $0x38;
	[tilespmem:$0x10600] =	vst v63  }
0x1ed: {  	s16 =	simm.s32 $0x9400;
	s31 =	simm.s32 $0x1C00;
	(v2sf) =	vpush v20, $0x6;
	s23 =	sadd.s32 s1, s24  }
0x1ee: {  	s24 =	sand.u32 $0xFFFFF80, s25;
	s3 =	simm.s32 $0x1400;
	s25 =	spop (v2sf)  }
0x1ef: {  	[tilespmem:s3], [sflag:$0x1] =	stream.strided.gather [hbm4b:s23+s10], $0x800, s9, s10, $0x38;
	[tilespmem:$0x10600] =	vst v63  }
0x1f0: {  	s29 =	simm.s32 $0x9C00;
	s28 =	simm.s32 $0x2400;
	(v2sf) =	vpush v21, $0x7;
	s23 =	sadd.s32 s2, s24  }
0x1f1: {  	s24 =	sand.u32 $0xFFFFF80, s25;
	s3 =	simm.s32 $0xA400;
	s25 =	spop (v2sf)  }
0x1f2: {  	[tilespmem:s16], [sflag:$0x2] =	stream.strided.gather [hbm4b:s23+s10], $0x800, s9, s10, $0x38;
	(v2sf) =	vpush v20, $0x7;
	[tilespmem:$0x10600] =	vst v63  }
0x1f3: {  	s23 =	sadd.s32 s1, s24;
	s24 =	sand.u32 $0xFFFFF80, s25;
	s25 =	spop (v2sf)  }
0x1f4: {  	[tilespmem:s31], [sflag:$0x1] =	stream.strided.gather [hbm4b:s23+s10], $0x800, s9, s10, $0x38;
	(v2sf) =	vpush v21, $0x8;
	[tilespmem:$0x10600] =	vst v63  }
0x1f5: {  	s23 =	sadd.s32 s2, s24;
	s24 =	sand.u32 $0xFFFFF80, s25;
	s25 =	spop (v2sf)  }
0x1f6: {  	[tilespmem:s29], [sflag:$0x2] =	stream.strided.gather [hbm4b:s23+s10], $0x800, s9, s10, $0x38;
	(v2sf) =	vpush v20, $0x8;
	[tilespmem:$0x10600] =	vst v63  }
0x1f7: {  	s23 =	sadd.s32 s1, s24;
	s24 =	sand.u32 $0xFFFFF80, s25;
	s25 =	spop (v2sf)  }
0x1f8: {  	[tilespmem:s28], [sflag:$0x1] =	stream.strided.gather [hbm4b:s23+s10], $0x800, s9, s10, $0x38;
	(v2sf) =	vpush v21, $0x9;
	[tilespmem:$0x10600] =	vst v63  }
0x1f9: {  	s23 =	sadd.s32 s2, s24;
	s24 =	sand.u32 $0xFFFFF80, s25;
	s25 =	spop (v2sf)  }
0x1fa: {  	[tilespmem:s3], [sflag:$0x2] =	stream.strided.gather [hbm4b:s23+s10], $0x800, s9, s10, $0x38;
	[tilespmem:$0x10600] =	vst v63  }
0x1fb: {  	(v2sf) =	vpush v20, $0x9;
	s23 =	sadd.s32 s1, s24  }
0x1fc: {  	s24 =	sand.u32 $0xFFFFF80, s25;
	s3 =	simm.s32 $0x2C00;
	s25 =	spop (v2sf)  }
0x1fd: {  	[tilespmem:s3], [sflag:$0x1] =	stream.strided.gather [hbm4b:s23+s10], $0x800, s9, s10, $0x38;
	[tilespmem:$0x10600] =	vst v63  }
0x1fe: {  	(v2sf) =	vpush v21, $0xA;
	s23 =	sadd.s32 s2, s24  }
0x1ff: {  	s24 =	sand.u32 $0xFFFFF80, s25;
	s3 =	simm.s32 $0xAC00;
	s25 =	spop (v2sf)  }
0x200: {  	[tilespmem:s3], [sflag:$0x2] =	stream.strided.gather [hbm4b:s23+s10], $0x800, s9, s10, $0x38;
	[tilespmem:$0x10600] =	vst v63  }
0x201: {  	(v2sf) =	vpush v20, $0xA;
	s23 =	sadd.s32 s1, s24  }
0x202: {  	s24 =	sand.u32 $0xFFFFF80, s25;
	s3 =	simm.s32 $0x3400;
	s25 =	spop (v2sf)  }
0x203: {  	[tilespmem:s3], [sflag:$0x1] =	stream.strided.gather [hbm4b:s23+s10], $0x800, s9, s10, $0x38;
	[tilespmem:$0x10600] =	vst v63  }
0x204: {  	(v2sf) =	vpush v21, $0xB;
	s23 =	sadd.s32 s2, s24  }
0x205: {  	s24 =	sand.u32 $0xFFFFF80, s25;
	s3 =	simm.s32 $0xB400;
	s25 =	spop (v2sf)  }
0x206: {  	[tilespmem:s3], [sflag:$0x2] =	stream.strided.gather [hbm4b:s23+s10], $0x800, s9, s10, $0x38;
	[tilespmem:$0x10600] =	vst v63  }
0x207: {  	(v2sf) =	vpush v20, $0xB;
	s23 =	sadd.s32 s1, s24  }
0x208: {  	s24 =	sand.u32 $0xFFFFF80, s25;
	s3 =	simm.s32 $0x3C00;
	s25 =	spop (v2sf)  }
0x209: {  	[tilespmem:s3], [sflag:$0x1] =	stream.strided.gather [hbm4b:s23+s10], $0x800, s9, s10, $0x38;
	[tilespmem:$0x10600] =	vst v63  }
0x20a: {  	(v2sf) =	vpush v21, $0xC;
	s23 =	sadd.s32 s2, s24  }
0x20b: {  	s24 =	sand.u32 $0xFFFFF80, s25;
	s3 =	simm.s32 $0xBC00;
	s25 =	spop (v2sf)  }
0x20c: {  	[tilespmem:s3], [sflag:$0x2] =	stream.strided.gather [hbm4b:s23+s10], $0x800, s9, s10, $0x38;
	[tilespmem:$0x10600] =	vst v63  }
0x20d: {  	(v2sf) =	vpush v20, $0xC;
	s23 =	sadd.s32 s1, s24  }
0x20e: {  	s24 =	sand.u32 $0xFFFFF80, s25;
	s3 =	simm.s32 $0x4400;
	s25 =	spop (v2sf)  }
0x20f: {  	[tilespmem:s3], [sflag:$0x1] =	stream.strided.gather [hbm4b:s23+s10], $0x800, s9, s10, $0x38;
	[tilespmem:$0x10600] =	vst v63  }
0x210: {  	(v2sf) =	vpush v21, $0xD;
	s23 =	sadd.s32 s2, s24  }
0x211: {  	s24 =	sand.u32 $0xFFFFF80, s25;
	s3 =	simm.s32 $0xC400;
	s25 =	spop (v2sf)  }
0x212: {  	[tilespmem:s3], [sflag:$0x2] =	stream.strided.gather [hbm4b:s23+s10], $0x800, s9, s10, $0x38;
	[tilespmem:$0x10600] =	vst v63  }
0x213: {  	s15 =	simm.s32 $0xD400;
	(v2sf) =	vpush v20, $0xD;
	s23 =	sadd.s32 s1, s24  }
0x214: {  	s24 =	sand.u32 $0xFFFFF80, s25;
	s3 =	simm.s32 $0x4C00;
	s25 =	spop (v2sf)  }
0x215: {  	[tilespmem:s3], [sflag:$0x1] =	stream.strided.gather [hbm4b:s23+s10], $0x800, s9, s10, $0x38;
	[tilespmem:$0x10600] =	vst v63  }
0x216: {  	s30 =	simm.s32 $0xDC00;
	s5 =	simm.s32 $0x6400;
	(v2sf) =	vpush v21, $0xE;
	s23 =	sadd.s32 s2, s24  }
0x217: {  	s24 =	sand.u32 $0xFFFFF80, s25;
	s3 =	simm.s32 $0xCC00;
	s25 =	spop (v2sf)  }
0x218: {  	[tilespmem:s3], [sflag:$0x2] =	stream.strided.gather [hbm4b:s23+s10], $0x800, s9, s10, $0x38;
	[tilespmem:$0x10600] =	vst v63  }
0x219: {  	s6 =	simm.s32 $0xE400;
	s7 =	simm.s32 $0x6C00;
	(v2sf) =	vpush v20, $0xE;
	s23 =	sadd.s32 s1, s24  }
0x21a: {  	s24 =	sand.u32 $0xFFFFF80, s25;
	s3 =	simm.s32 $0x5400;
	s25 =	spop (v2sf)  }
0x21b: {  	[tilespmem:s3], [sflag:$0x1] =	stream.strided.gather [hbm4b:s23+s10], $0x800, s9, s10, $0x38;
	[tilespmem:$0x10600] =	vst v63  }
0x21c: {  	s8 =	simm.s32 $0xEC00;
	s12 =	simm.s32 $0x7400;
	(v2sf) =	vpush v21, $0xF;
	s23 =	sadd.s32 s2, s24  }
0x21d: {  	s24 =	sand.u32 $0xFFFFF80, s25;
	s3 =	simm.s32 $0x5C00;
	s25 =	spop (v2sf)  }
0x21e: {  	[tilespmem:s15], [sflag:$0x2] =	stream.strided.gather [hbm4b:s23+s10], $0x800, s9, s10, $0x38;
	(v2sf) =	vpush v20, $0xF;
	[tilespmem:$0x10600] =	vst v63  }
0x21f: {  	s23 =	sadd.s32 s1, s24;
	s24 =	sand.u32 $0xFFFFF80, s25;
	s25 =	spop (v2sf)  }
0x220: {  	[tilespmem:s3], [sflag:$0x1] =	stream.strided.gather [hbm4b:s23+s10], $0x800, s9, s10, $0x38;
	[tilespmem:$0x10600] =	vst v63  }
0x221: {  	s23 =	sadd.s32 s2, s24;
	s24 =	sand.u32 $0xFFFFF80, s25;
	s25 =	spop (v2sf)  }
0x222: {  	[tilespmem:s30], [sflag:$0x2] =	stream.strided.gather [hbm4b:s23+s10], $0x800, s9, s10, $0x38;
	[tilespmem:$0x10600] =	vst v63  }
0x223: {  	s23 =	sadd.s32 s1, s24;
	s24 =	sand.u32 $0xFFFFF80, s25;
	s25 =	spop (v2sf)  }
0x224: {  	[tilespmem:s5], [sflag:$0x1] =	stream.strided.gather [hbm4b:s23+s10], $0x800, s9, s10, $0x38;
	[tilespmem:$0x10600] =	vst v63  }
0x225: {  	s23 =	sadd.s32 s2, s24;
	s24 =	sand.u32 $0xFFFFF80, s25;
	s25 =	spop (v2sf)  }
0x226: {  	[tilespmem:s6], [sflag:$0x2] =	stream.strided.gather [hbm4b:s23+s10], $0x800, s9, s10, $0x38;
	[tilespmem:$0x10600] =	vst v63  }
0x227: {  	s23 =	sadd.s32 s1, s24;
	s24 =	sand.u32 $0xFFFFF80, s25;
	s25 =	spop (v2sf)  }
0x228: {  	[tilespmem:s7], [sflag:$0x1] =	stream.strided.gather [hbm4b:s23+s10], $0x800, s9, s10, $0x38;
	[tilespmem:$0x10600] =	vst v63  }
0x229: {  	s23 =	sadd.s32 s2, s24;
	s24 =	sand.u32 $0xFFFFF80, s25;
	s25 =	spop (v2sf)  }
0x22a: {  	[tilespmem:s8], [sflag:$0x2] =	stream.strided.gather [hbm4b:s23+s10], $0x800, s9, s10, $0x38;
	[tilespmem:$0x10600] =	vst v63  }
0x22b: {  	s23 =	sadd.s32 s1, s24;
	s24 =	sand.u32 $0xFFFFF80, s25;
	s25 =	spop (v2sf)  }
0x22c: {  	[tilespmem:s12], [sflag:$0x1] =	stream.strided.gather [hbm4b:s23+s10], $0x800, s9, s10, $0x38;
	[tilespmem:$0x10600] =	vst v63  }
0x22d: {  	s23 =	sadd.s32 s2, s24;
	s24 =	sand.u32 $0xFFFFF80, s25;
	s25 =	spop (v2sf)  }
0x22e: {  	[tilespmem:s26], [sflag:$0x2] =	stream.strided.gather [hbm4b:s23+s10], $0x800, s9, s10, $0x38;
	[tilespmem:$0x10600] =	vst v63  }
0x22f: {  	s13 =	simm.s32 $0x7C00;
	s23 =	sadd.s32 s1, s24;
	s24 =	sand.u32 $0xFFFFF80, s25  }
0x230: {  	[tilespmem:s13], [sflag:$0x1] =	stream.strided.gather [hbm4b:s23+s10], $0x800, s9, s10, $0x38;
	[tilespmem:$0x10600] =	vst v63  }
0x231: {  	s14 =	simm.s32 $0xFC00;
	s23 =	sadd.s32 s2, s24  }
0x232: {  	[tilespmem:s14], [sflag:$0x2] =	stream.strided.gather [hbm4b:s23+s10], $0x800, s9, s10, $0x38;
	[tilespmem:$0x10600] =	vst v63  }
0x233: {  	_ =	swait.ge [sflag:s17], $0x800  }
0x234: {  	[sflag:s17] =	ssyncset.done $0x0  }
0x235: {  	[sflag:s17] =	ssyncadd.s32 $0xFFFFF800  }
0x236: {  	_ =	swait.ge [sflag:s18], $0x800  }
0x237: {  	[sflag:s18] =	ssyncset.done $0x0  }
0x238: {  	[sflag:s18] =	ssyncadd.s32 $0xFFFFF800  }
0x239: {  	_ =	swait.ge [sflag:s17], $0x800  }
0x23a: {  	[sflag:s17] =	ssyncset.done $0x0  }
0x23b: {  	[sflag:s17] =	ssyncadd.s32 $0xFFFFF800  }
0x23c: {  	_ =	swait.ge [sflag:s18], $0x800  }
0x23d: {  	[sflag:s18] =	ssyncset.done $0x0  }
0x23e: {  	[sflag:s18] =	ssyncadd.s32 $0xFFFFF800  }
0x23f: {  	_ =	swait.ge [sflag:s17], $0x800  }
0x240: {  	[sflag:s17] =	ssyncset.done $0x0  }
0x241: {  	[sflag:s17] =	ssyncadd.s32 $0xFFFFF800  }
0x242: {  	_ =	swait.ge [sflag:s18], $0x800  }
0x243: {  	[sflag:s18] =	ssyncset.done $0x0  }
0x244: {  	[sflag:s18] =	ssyncadd.s32 $0xFFFFF800  }
0x245: {  	_ =	swait.ge [sflag:s17], $0x800  }
0x246: {  	[sflag:s17] =	ssyncset.done $0x0  }
0x247: {  	[sflag:s17] =	ssyncadd.s32 $0xFFFFF800  }
0x248: {  	_ =	swait.ge [sflag:s18], $0x800  }
0x249: {  	[sflag:s18] =	ssyncset.done $0x0  }
0x24a: {  	[sflag:s18] =	ssyncadd.s32 $0xFFFFF800  }
0x24b: {  	_ =	swait.ge [sflag:s17], $0x800  }
0x24c: {  	[sflag:s17] =	ssyncset.done $0x0  }
0x24d: {  	[sflag:s17] =	ssyncadd.s32 $0xFFFFF800  }
0x24e: {  	_ =	swait.ge [sflag:s18], $0x800  }
0x24f: {  	[sflag:s18] =	ssyncset.done $0x0  }
0x250: {  	[sflag:s18] =	ssyncadd.s32 $0xFFFFF800  }
0x251: {  	_ =	swait.ge [sflag:s17], $0x800  }
0x252: {  	[sflag:s17] =	ssyncset.done $0x0  }
0x253: {  	[sflag:s17] =	ssyncadd.s32 $0xFFFFF800  }
0x254: {  	_ =	swait.ge [sflag:s18], $0x800  }
0x255: {  	[sflag:s18] =	ssyncset.done $0x0  }
0x256: {  	[sflag:s18] =	ssyncadd.s32 $0xFFFFF800  }
0x257: {  	_ =	swait.ge [sflag:s17], $0x800  }
0x258: {  	[sflag:s17] =	ssyncset.done $0x0  }
0x259: {  	[sflag:s17] =	ssyncadd.s32 $0xFFFFF800  }
0x25a: {  	_ =	swait.ge [sflag:s18], $0x800  }
0x25b: {  	[sflag:s18] =	ssyncset.done $0x0  }
0x25c: {  	[sflag:s18] =	ssyncadd.s32 $0xFFFFF800  }
0x25d: {  	_ =	swait.ge [sflag:s17], $0x800  }
0x25e: {  	[sflag:s17] =	ssyncset.done $0x0  }
0x25f: {  	[sflag:s17] =	ssyncadd.s32 $0xFFFFF800  }
0x260: {  	_ =	swait.ge [sflag:s18], $0x800  }
0x261: {  	[sflag:s18] =	ssyncset.done $0x0  }
0x262: {  	[sflag:s18] =	ssyncadd.s32 $0xFFFFF800  }
0x263: {  	_ =	swait.ge [sflag:s17], $0x800  }
0x264: {  	[sflag:s17] =	ssyncset.done $0x0  }
0x265: {  	[sflag:s17] =	ssyncadd.s32 $0xFFFFF800  }
0x266: {  	_ =	swait.ge [sflag:s18], $0x800  }
0x267: {  	[sflag:s18] =	ssyncset.done $0x0  }
0x268: {  	[sflag:s18] =	ssyncadd.s32 $0xFFFFF800  }
0x269: {  	_ =	swait.ge [sflag:s17], $0x800  }
0x26a: {  	[sflag:s17] =	ssyncset.done $0x0  }
0x26b: {  	[sflag:s17] =	ssyncadd.s32 $0xFFFFF800  }
0x26c: {  	_ =	swait.ge [sflag:s18], $0x800  }
0x26d: {  	[sflag:s18] =	ssyncset.done $0x0  }
0x26e: {  	[sflag:s18] =	ssyncadd.s32 $0xFFFFF800  }
0x26f: {  	_ =	swait.ge [sflag:s17], $0x800  }
0x270: {  	[sflag:s17] =	ssyncset.done $0x0  }
0x271: {  	[sflag:s17] =	ssyncadd.s32 $0xFFFFF800  }
0x272: {  	_ =	swait.ge [sflag:s18], $0x800  }
0x273: {  	[sflag:s18] =	ssyncset.done $0x0  }
0x274: {  	[sflag:s18] =	ssyncadd.s32 $0xFFFFF800  }
0x275: {  	_ =	swait.ge [sflag:s17], $0x800  }
0x276: {  	[sflag:s17] =	ssyncset.done $0x0  }
0x277: {  	[sflag:s17] =	ssyncadd.s32 $0xFFFFF800  }
0x278: {  	_ =	swait.ge [sflag:s18], $0x800  }
0x279: {  	[sflag:s18] =	ssyncset.done $0x0  }
0x27a: {  	[sflag:s18] =	ssyncadd.s32 $0xFFFFF800  }
0x27b: {  	_ =	swait.ge [sflag:s17], $0x800  }
0x27c: {  	[sflag:s17] =	ssyncset.done $0x0  }
0x27d: {  	[sflag:s17] =	ssyncadd.s32 $0xFFFFF800  }
0x27e: {  	_ =	swait.ge [sflag:s18], $0x800  }
0x27f: {  	[sflag:s18] =	ssyncset.done $0x0  }
0x280: {  	[sflag:s18] =	ssyncadd.s32 $0xFFFFF800  }
0x281: {  	_ =	swait.ge [sflag:s17], $0x800  }
0x282: {  	[sflag:s17] =	ssyncset.done $0x0  }
0x283: {  	[sflag:s17] =	ssyncadd.s32 $0xFFFFF800  }
0x284: {  	_ =	swait.ge [sflag:s18], $0x800  }
0x285: {  	[sflag:s18] =	ssyncset.done $0x0  }
0x286: {  	[sflag:s18] =	ssyncadd.s32 $0xFFFFF800  }
0x287: {  	_ =	swait.ge [sflag:s17], $0x800  }
0x288: {  	[sflag:s17] =	ssyncset.done $0x0  }
0x289: {  	[sflag:s17] =	ssyncadd.s32 $0xFFFFF800  }
0x28a: {  	_ =	swait.ge [sflag:s18], $0x800  }
0x28b: {  	[sflag:s18] =	ssyncset.done $0x0  }
0x28c: {  	[sflag:s18] =	ssyncadd.s32 $0xFFFFF800  }
0x28d: {  	_ =	swait.ge [sflag:s17], $0x800  }
0x28e: {  	v20 =	vor.u32 v3, v19;
	[sflag:s17] =	ssyncset.done $0x0  }
0x28f: {  	v21 =	vor.u32 v1, v18;
	[sflag:s17] =	ssyncadd.s32 $0xFFFFF800  }
0x290: {  	v22 =	vor.u32 v1, v19;
	_ =	swait.ge [sflag:s18], $0x800  }
0x291: {  	v23 =	vor.u32 v3, v18;
	[sflag:s18] =	ssyncset.done $0x0  }
0x292: {  	v24 =	vor.u32 v4, v19;
	[sflag:s18] =	ssyncadd.s32 $0xFFFFF800  }
0x293: {  	v25 =	vor.u32 v4, v18;
	v20 =	vld.idx.msk [tilespmem:v20+s11+$0x0], $0xffff  }
0x294: {  	v26 =	vor.u32 v5, v19;
	v21 =	vld.idx.msk [tilespmem:v21+s10+$0x0], $0xffff  }
0x295: {  	v27 =	vor.u32 v5, v18;
	v22 =	vld.idx.msk [tilespmem:v22+s11+$0x0], $0xffff  }
0x296: {  	v28 =	vor.u32 v6, v19;
	v23 =	vld.idx.msk [tilespmem:v23+s10+$0x0], $0xffff  }
0x297: {  	v29 =	vor.u32 v6, v18;
	v24 =	vld.idx.msk [tilespmem:v24+s11+$0x0], $0xffff  }
0x298: {  	v30 =	vor.u32 v7, v19;
	v25 =	vld.idx.msk [tilespmem:v25+s10+$0x0], $0xffff  }
0x299: {  	v31 =	vor.u32 v7, v18;
	v26 =	vld.idx.msk [tilespmem:v26+s11+$0x0], $0xffff  }
0x29a: {  	v32 =	vor.u32 v8, v19;
	v27 =	vld.idx.msk [tilespmem:v27+s10+$0x0], $0xffff  }
0x29b: {  	v21 =	vmul.f32 v22, v21;
	v22 =	vld.idx.msk [tilespmem:v28+s11+$0x0], $0xffff;
	v28 =	vor.u32 v8, v18  }
0x29c: {  	v20 =	vmul.f32 v20, v23;
	v23 =	vld.idx.msk [tilespmem:v29+s10+$0x0], $0xffff;
	v29 =	vor.u32 v9, v19  }
0x29d: {  	v33 =	vor.u32 v9, v18;
	v30 =	vld.idx.msk [tilespmem:v30+s11+$0x0], $0xffff  }
0x29e: {  	v20 =	vadd.f32 v20, v21;
	v21 =	vmul.f32 v24, v25;
	v25 =	vor.u32 v10, v19;
	v24 =	vld.idx.msk [tilespmem:v31+s10+$0x0], $0xffff  }
0x29f: {  	v31 =	vld.idx.msk [tilespmem:v32+s11+$0x0], $0xffff;
	v32 =	vor.u32 v10, v18  }
0x2a0: {  	v20 =	vadd.f32 v21, v20;
	v21 =	vmul.f32 v26, v27;
	v27 =	vor.u32 v11, v19;
	v26 =	vld.idx.msk [tilespmem:v28+s10+$0x0], $0xffff  }
0x2a1: {  	v28 =	vld.idx.msk [tilespmem:v29+s11+$0x0], $0xffff;
	v29 =	vor.u32 v11, v18  }
0x2a2: {  	v20 =	vadd.f32 v21, v20;
	v21 =	vmul.f32 v22, v23;
	v23 =	vor.u32 v12, v19;
	v22 =	vld.idx.msk [tilespmem:v33+s10+$0x0], $0xffff  }
0x2a3: {  	v33 =	vor.u32 v12, v18;
	v25 =	vld.idx.msk [tilespmem:v25+s11+$0x0], $0xffff  }
0x2a4: {  	v20 =	vadd.f32 v21, v20;
	v21 =	vmul.f32 v30, v24;
	v30 =	vor.u32 v13, v19;
	v24 =	vld.idx.msk [tilespmem:v32+s10+$0x0], $0xffff  }
0x2a5: {  	v32 =	vor.u32 v13, v18;
	v27 =	vld.idx.msk [tilespmem:v27+s11+$0x0], $0xffff  }
0x2a6: {  	v20 =	vadd.f32 v21, v20;
	v21 =	vmul.f32 v31, v26;
	v26 =	vld.idx.msk [tilespmem:v29+s10+$0x0], $0xffff;
	v29 =	vor.u32 v14, v19  }
0x2a7: {  	v31 =	vor.u32 v14, v18;
	v23 =	vld.idx.msk [tilespmem:v23+s11+$0x0], $0xffff  }
0x2a8: {  	v20 =	vadd.f32 v21, v20;
	v21 =	vmul.f32 v28, v22;
	v28 =	vor.u32 v15, v19;
	v22 =	vld.idx.msk [tilespmem:v33+s10+$0x0], $0xffff  }
0x2a9: {  	v33 =	vor.u32 v15, v18;
	v30 =	vld.idx.msk [tilespmem:v30+s11+$0x0], $0xffff  }
0x2aa: {  	v20 =	vadd.f32 v21, v20;
	v21 =	vmul.f32 v25, v24;
	v25 =	vor.u32 v16, v19;
	v24 =	vld.idx.msk [tilespmem:v32+s10+$0x0], $0xffff  }
0x2ab: {  	v32 =	vor.u32 v16, v18;
	v29 =	vld.idx.msk [tilespmem:v29+s11+$0x0], $0xffff  }
0x2ac: {  	v19 =	vor.u32 v17, v19;
	v20 =	vadd.f32 v21, v20;
	v21 =	vmul.f32 v27, v26;
	v26 =	vld.idx.msk [tilespmem:v31+s10+$0x0], $0xffff  }
0x2ad: {  	v18 =	vor.u32 v17, v18;
	v27 =	vld.idx.msk [tilespmem:v28+s11+$0x0], $0xffff  }
0x2ae: {  	v20 =	vadd.f32 v21, v20;
	v21 =	vmul.f32 v23, v22;
	v22 =	vld.idx.msk [tilespmem:v33+s10+$0x0], $0xffff  }
0x2af: {  	v23 =	vld.idx.msk [tilespmem:v25+s11+$0x0], $0xffff  }
0x2b0: {  	v20 =	vadd.f32 v21, v20;
	v21 =	vmul.f32 v30, v24;
	v24 =	vld.idx.msk [tilespmem:v32+s10+$0x0], $0xffff  }
0x2b1: {  	v19 =	vld.idx.msk [tilespmem:v19+s11+$0x0], $0xffff  }
0x2b2: {  	v20 =	vadd.f32 v21, v20;
	v21 =	vmul.f32 v29, v26;
	v18 =	vld.idx.msk [tilespmem:v18+s10+$0x0], $0xffff;
	_ =	sdelay $0x1  }
0x2b3: {  	v20 =	vadd.f32 v21, v20;
	v21 =	vmul.f32 v27, v22;
	_ =	sdelay $0x1  }
0x2b4: {  	v20 =	vadd.f32 v21, v20;
	v21 =	vmul.f32 v23, v24;
	_ =	sdelay $0x1  }
0x2b5: {  	v20 =	vadd.f32 v21, v20;
	v18 =	vmul.f32 v19, v18;
	v19 =	vor.u32 s19, v0;
	_ =	sdelay $0x1  }
0x2b6: {  	v18 =	vadd.f32 v18, v20;
	v20 =	vor.u32 s19, v2;
	_ =	sdelay $0x1  }
0x2b7: {  	[tilespmem:s20+$0xFFFFFFF0] =	vst v18  }
0x2b8: {  	v21 =	vld.idx.msk [tilespmem:v19+s0+$0x0], $0xffff;
	_ =	sdelay $0x1  }
0x2b9: {  	s4 =	simm.s32 $0x0;
	v20 =	vld.idx.msk [tilespmem:v20+s0+$0x0], $0xffff;
	_ =	sdelay $0x3  }
0x2ba: {  	v18 =	vand.u32 $0x7F, v21;
	(v2sf) =	vpush v21, $0x0  }
0x2bb: {  	(v2sf) =	vpush v21, $0x1  }
0x2bc: {  	v19 =	vand.u32 $0x7F, v20;
	(v2sf) =	vpush v20, $0x0;
	_ =	sdelay $0x1  }
0x2bd: {  	(v2sf) =	vpush v20, $0x1  }
0x2be: {  	(v2sf) =	vpush v21, $0x2;
	_ =	sdelay $0x1  }
0x2bf: {  	(v2sf) =	vpush v20, $0x2;
	_ =	sdelay $0x1  }
0x2c0: {  	(v2sf) =	vpush v21, $0x3;
	_ =	sdelay $0x1  }
0x2c1: {  	(v2sf) =	vpush v20, $0x3;
	_ =	sdelay $0x1  }
0x2c2: {  	(v2sf) =	vpush v21, $0x4;
	_ =	sdelay $0x1  }
0x2c3: {  	s23 =	spop (v2sf);
	(v2sf) =	vpush v20, $0x4  }
0x2c4: {  	s23 =	sand.u32 $0xFFFFF80, s23;
	s24 =	spop (v2sf)  }
0x2c5: {  	s23 =	sadd.s32 s1, s23;
	s24 =	sand.u32 $0xFFFFF80, s24;
	s25 =	spop (v2sf);
	(v2sf) =	vpush v21, $0x5  }
0x2c6: {  	[tilespmem:s10], [sflag:$0x1] =	stream.strided.gather [hbm4b:s23+s10], $0x800, s9, s10, $0x38;
	[tilespmem:$0x10600] =	vst v63  }
0x2c7: {  	s0 =	simm.s32 $0xC00;
	s23 =	sand.u32 $0xFFFFF80, s25;
	s25 =	spop (v2sf);
	(v2sf) =	vpush v20, $0x5  }
0x2c8: {  	s23 =	sadd.s32 s2, s23;
	s25 =	sand.u32 $0xFFFFF80, s25;
	s26 =	spop (v2sf)  }
0x2c9: {  	[tilespmem:s11], [sflag:$0x2] =	stream.strided.gather [hbm4b:s23+s10], $0x800, s9, s10, $0x38;
	(v2sf) =	vpush v21, $0x6;
	[tilespmem:$0x10600] =	vst v63  }
0x2ca: {  	s23 =	sadd.s32 s1, s24;
	s24 =	sand.u32 $0xFFFFF80, s26;
	s26 =	spop (v2sf)  }
0x2cb: {  	[tilespmem:s0], [sflag:$0x1] =	stream.strided.gather [hbm4b:s23+s10], $0x800, s9, s10, $0x38;
	[tilespmem:$0x10600] =	vst v63  }
0x2cc: {  	(v2sf) =	vpush v20, $0x6;
	s23 =	sadd.s32 s2, s25  }
0x2cd: {  	s25 =	sand.u32 $0xFFFFF80, s26;
	s0 =	simm.s32 $0x8C00;
	s26 =	spop (v2sf)  }
0x2ce: {  	[tilespmem:s0], [sflag:$0x2] =	stream.strided.gather [hbm4b:s23+s10], $0x800, s9, s10, $0x38;
	[tilespmem:$0x10600] =	vst v63  }
0x2cf: {  	(v2sf) =	vpush v21, $0x7;
	s23 =	sadd.s32 s1, s24  }
0x2d0: {  	s24 =	sand.u32 $0xFFFFF80, s26;
	s0 =	simm.s32 $0x1400;
	s26 =	spop (v2sf)  }
0x2d1: {  	[tilespmem:s0], [sflag:$0x1] =	stream.strided.gather [hbm4b:s23+s10], $0x800, s9, s10, $0x38;
	[tilespmem:$0x10600] =	vst v63  }
0x2d2: {  	(v2sf) =	vpush v20, $0x7;
	s23 =	sadd.s32 s2, s25  }
0x2d3: {  	s25 =	sand.u32 $0xFFFFF80, s26;
	s0 =	simm.s32 $0xA400;
	s26 =	spop (v2sf)  }
0x2d4: {  	[tilespmem:s16], [sflag:$0x2] =	stream.strided.gather [hbm4b:s23+s10], $0x800, s9, s10, $0x38;
	(v2sf) =	vpush v21, $0x8;
	[tilespmem:$0x10600] =	vst v63  }
0x2d5: {  	s23 =	sadd.s32 s1, s24;
	s24 =	sand.u32 $0xFFFFF80, s26;
	s26 =	spop (v2sf)  }
0x2d6: {  	[tilespmem:s31], [sflag:$0x1] =	stream.strided.gather [hbm4b:s23+s10], $0x800, s9, s10, $0x38;
	(v2sf) =	vpush v20, $0x8;
	[tilespmem:$0x10600] =	vst v63  }
0x2d7: {  	s23 =	sadd.s32 s2, s25;
	s25 =	sand.u32 $0xFFFFF80, s26;
	s26 =	spop (v2sf)  }
0x2d8: {  	[tilespmem:s29], [sflag:$0x2] =	stream.strided.gather [hbm4b:s23+s10], $0x800, s9, s10, $0x38;
	(v2sf) =	vpush v21, $0x9;
	[tilespmem:$0x10600] =	vst v63  }
0x2d9: {  	s23 =	sadd.s32 s1, s24;
	s24 =	sand.u32 $0xFFFFF80, s26;
	s26 =	spop (v2sf)  }
0x2da: {  	[tilespmem:s28], [sflag:$0x1] =	stream.strided.gather [hbm4b:s23+s10], $0x800, s9, s10, $0x38;
	(v2sf) =	vpush v20, $0x9;
	[tilespmem:$0x10600] =	vst v63  }
0x2db: {  	s23 =	sadd.s32 s2, s25;
	s25 =	sand.u32 $0xFFFFF80, s26;
	s26 =	spop (v2sf)  }
0x2dc: {  	[tilespmem:s0], [sflag:$0x2] =	stream.strided.gather [hbm4b:s23+s10], $0x800, s9, s10, $0x38;
	[tilespmem:$0x10600] =	vst v63  }
0x2dd: {  	(v2sf) =	vpush v21, $0xA;
	s23 =	sadd.s32 s1, s24  }
0x2de: {  	s24 =	sand.u32 $0xFFFFF80, s26;
	s0 =	simm.s32 $0x2C00;
	s26 =	spop (v2sf)  }
0x2df: {  	[tilespmem:s0], [sflag:$0x1] =	stream.strided.gather [hbm4b:s23+s10], $0x800, s9, s10, $0x38;
	[tilespmem:$0x10600] =	vst v63  }
0x2e0: {  	(v2sf) =	vpush v20, $0xA;
	s23 =	sadd.s32 s2, s25  }
0x2e1: {  	s25 =	sand.u32 $0xFFFFF80, s26;
	s0 =	simm.s32 $0xAC00;
	s26 =	spop (v2sf)  }
0x2e2: {  	[tilespmem:s0], [sflag:$0x2] =	stream.strided.gather [hbm4b:s23+s10], $0x800, s9, s10, $0x38;
	[tilespmem:$0x10600] =	vst v63  }
0x2e3: {  	(v2sf) =	vpush v21, $0xB;
	s23 =	sadd.s32 s1, s24  }
0x2e4: {  	s24 =	sand.u32 $0xFFFFF80, s26;
	s0 =	simm.s32 $0x3400;
	s26 =	spop (v2sf)  }
0x2e5: {  	[tilespmem:s0], [sflag:$0x1] =	stream.strided.gather [hbm4b:s23+s10], $0x800, s9, s10, $0x38;
	[tilespmem:$0x10600] =	vst v63  }
0x2e6: {  	(v2sf) =	vpush v20, $0xB;
	s23 =	sadd.s32 s2, s25  }
0x2e7: {  	s25 =	sand.u32 $0xFFFFF80, s26;
	s0 =	simm.s32 $0xB400;
	s26 =	spop (v2sf)  }
0x2e8: {  	[tilespmem:s0], [sflag:$0x2] =	stream.strided.gather [hbm4b:s23+s10], $0x800, s9, s10, $0x38;
	[tilespmem:$0x10600] =	vst v63  }
0x2e9: {  	(v2sf) =	vpush v21, $0xC;
	s23 =	sadd.s32 s1, s24  }
0x2ea: {  	s24 =	sand.u32 $0xFFFFF80, s26;
	s0 =	simm.s32 $0x3C00;
	s26 =	spop (v2sf)  }
0x2eb: {  	[tilespmem:s0], [sflag:$0x1] =	stream.strided.gather [hbm4b:s23+s10], $0x800, s9, s10, $0x38;
	[tilespmem:$0x10600] =	vst v63  }
0x2ec: {  	(v2sf) =	vpush v20, $0xC;
	s23 =	sadd.s32 s2, s25  }
0x2ed: {  	s25 =	sand.u32 $0xFFFFF80, s26;
	s0 =	simm.s32 $0xBC00;
	s26 =	spop (v2sf)  }
0x2ee: {  	[tilespmem:s0], [sflag:$0x2] =	stream.strided.gather [hbm4b:s23+s10], $0x800, s9, s10, $0x38;
	[tilespmem:$0x10600] =	vst v63  }
0x2ef: {  	(v2sf) =	vpush v21, $0xD;
	s23 =	sadd.s32 s1, s24  }
0x2f0: {  	s24 =	sand.u32 $0xFFFFF80, s26;
	s0 =	simm.s32 $0x4400;
	s26 =	spop (v2sf)  }
0x2f1: {  	[tilespmem:s0], [sflag:$0x1] =	stream.strided.gather [hbm4b:s23+s10], $0x800, s9, s10, $0x38;
	[tilespmem:$0x10600] =	vst v63  }
0x2f2: {  	(v2sf) =	vpush v20, $0xD;
	s23 =	sadd.s32 s2, s25  }
0x2f3: {  	s25 =	sand.u32 $0xFFFFF80, s26;
	s0 =	simm.s32 $0xC400;
	s26 =	spop (v2sf)  }
0x2f4: {  	[tilespmem:s0], [sflag:$0x2] =	stream.strided.gather [hbm4b:s23+s10], $0x800, s9, s10, $0x38;
	[tilespmem:$0x10600] =	vst v63  }
0x2f5: {  	(v2sf) =	vpush v21, $0xE;
	s23 =	sadd.s32 s1, s24  }
0x2f6: {  	s24 =	sand.u32 $0xFFFFF80, s26;
	s0 =	simm.s32 $0x4C00;
	s26 =	spop (v2sf)  }
0x2f7: {  	[tilespmem:s0], [sflag:$0x1] =	stream.strided.gather [hbm4b:s23+s10], $0x800, s9, s10, $0x38;
	[tilespmem:$0x10600] =	vst v63  }
0x2f8: {  	(v2sf) =	vpush v20, $0xE;
	s23 =	sadd.s32 s2, s25  }
0x2f9: {  	s25 =	sand.u32 $0xFFFFF80, s26;
	s0 =	simm.s32 $0xCC00;
	s26 =	spop (v2sf)  }
0x2fa: {  	[tilespmem:s0], [sflag:$0x2] =	stream.strided.gather [hbm4b:s23+s10], $0x800, s9, s10, $0x38;
	[tilespmem:$0x10600] =	vst v63  }
0x2fb: {  	(v2sf) =	vpush v21, $0xF;
	s23 =	sadd.s32 s1, s24  }
0x2fc: {  	s24 =	sand.u32 $0xFFFFF80, s26;
	s0 =	simm.s32 $0x5400;
	s26 =	spop (v2sf)  }
0x2fd: {  	[tilespmem:s0], [sflag:$0x1] =	stream.strided.gather [hbm4b:s23+s10], $0x800, s9, s10, $0x38;
	(v2sf) =	vpush v20, $0xF;
	[tilespmem:$0x10600] =	vst v63  }
0x2fe: {  	s23 =	sadd.s32 s2, s25;
	s25 =	sand.u32 $0xFFFFF80, s26;
	s26 =	spop (v2sf)  }
0x2ff: {  	[tilespmem:s15], [sflag:$0x2] =	stream.strided.gather [hbm4b:s23+s10], $0x800, s9, s10, $0x38;
	[tilespmem:$0x10600] =	vst v63  }
0x300: {  	s23 =	sadd.s32 s1, s24;
	s24 =	sand.u32 $0xFFFFF80, s26;
	s26 =	spop (v2sf)  }
0x301: {  	[tilespmem:s3], [sflag:$0x1] =	stream.strided.gather [hbm4b:s23+s10], $0x800, s9, s10, $0x38;
	[tilespmem:$0x10600] =	vst v63  }
0x302: {  	s23 =	sadd.s32 s2, s25;
	s25 =	sand.u32 $0xFFFFF80, s26;
	s26 =	spop (v2sf)  }
0x303: {  	[tilespmem:s30], [sflag:$0x2] =	stream.strided.gather [hbm4b:s23+s10], $0x800, s9, s10, $0x38;
	[tilespmem:$0x10600] =	vst v63  }
0x304: {  	s23 =	sadd.s32 s1, s24;
	s24 =	sand.u32 $0xFFFFF80, s26;
	s26 =	spop (v2sf)  }
0x305: {  	[tilespmem:s5], [sflag:$0x1] =	stream.strided.gather [hbm4b:s23+s10], $0x800, s9, s10, $0x38;
	[tilespmem:$0x10600] =	vst v63  }
0x306: {  	s23 =	sadd.s32 s2, s25;
	s25 =	sand.u32 $0xFFFFF80, s26;
	s26 =	spop (v2sf)  }
0x307: {  	[tilespmem:s6], [sflag:$0x2] =	stream.strided.gather [hbm4b:s23+s10], $0x800, s9, s10, $0x38;
	[tilespmem:$0x10600] =	vst v63  }
0x308: {  	s23 =	sadd.s32 s1, s24;
	s24 =	sand.u32 $0xFFFFF80, s26;
	s26 =	spop (v2sf)  }
0x309: {  	[tilespmem:s7], [sflag:$0x1] =	stream.strided.gather [hbm4b:s23+s10], $0x800, s9, s10, $0x38;
	[tilespmem:$0x10600] =	vst v63  }
0x30a: {  	s23 =	sadd.s32 s2, s25;
	s25 =	sand.u32 $0xFFFFF80, s26;
	s26 =	spop (v2sf)  }
0x30b: {  	[tilespmem:s8], [sflag:$0x2] =	stream.strided.gather [hbm4b:s23+s10], $0x800, s9, s10, $0x38;
	[tilespmem:$0x10600] =	vst v63  }
0x30c: {  	s23 =	sadd.s32 s1, s24;
	s24 =	sand.u32 $0xFFFFF80, s26;
	s26 =	spop (v2sf)  }
0x30d: {  	[tilespmem:s12], [sflag:$0x1] =	stream.strided.gather [hbm4b:s23+s10], $0x800, s9, s10, $0x38;
	[tilespmem:$0x10600] =	vst v63  }
0x30e: {  	s23 =	sadd.s32 s2, s25;
	s25 =	sand.u32 $0xFFFFF80, s26;
	s26 =	simm.s32 $0xF400  }
0x30f: {  	[tilespmem:s26], [sflag:$0x2] =	stream.strided.gather [hbm4b:s23+s10], $0x800, s9, s10, $0x38;
	[tilespmem:$0x10600] =	vst v63  }
0x310: {  	s23 =	sadd.s32 s1, s24  }
0x311: {  	[tilespmem:s13], [sflag:$0x1] =	stream.strided.gather [hbm4b:s23+s10], $0x800, s9, s10, $0x38;
	[tilespmem:$0x10600] =	vst v63  }
0x312: {  	s23 =	sadd.s32 s2, s25  }
0x313: {  	[tilespmem:s14], [sflag:$0x2] =	stream.strided.gather [hbm4b:s23+s10], $0x800, s9, s10, $0x38;
	[tilespmem:$0x10600] =	vst v63  }
0x314: {  	_ =	swait.ge [sflag:s17], $0x800  }
0x315: {  	[sflag:s17] =	ssyncset.done $0x0  }
0x316: {  	[sflag:s17] =	ssyncadd.s32 $0xFFFFF800  }
0x317: {  	_ =	swait.ge [sflag:s18], $0x800  }
0x318: {  	[sflag:s18] =	ssyncset.done $0x0  }
0x319: {  	[sflag:s18] =	ssyncadd.s32 $0xFFFFF800  }
0x31a: {  	_ =	swait.ge [sflag:s17], $0x800  }
0x31b: {  	[sflag:s17] =	ssyncset.done $0x0  }
0x31c: {  	[sflag:s17] =	ssyncadd.s32 $0xFFFFF800  }
0x31d: {  	_ =	swait.ge [sflag:s18], $0x800  }
0x31e: {  	[sflag:s18] =	ssyncset.done $0x0  }
0x31f: {  	[sflag:s18] =	ssyncadd.s32 $0xFFFFF800  }
0x320: {  	_ =	swait.ge [sflag:s17], $0x800  }
0x321: {  	[sflag:s17] =	ssyncset.done $0x0  }
0x322: {  	[sflag:s17] =	ssyncadd.s32 $0xFFFFF800  }
0x323: {  	_ =	swait.ge [sflag:s18], $0x800  }
0x324: {  	[sflag:s18] =	ssyncset.done $0x0  }
0x325: {  	[sflag:s18] =	ssyncadd.s32 $0xFFFFF800  }
0x326: {  	_ =	swait.ge [sflag:s17], $0x800  }
0x327: {  	[sflag:s17] =	ssyncset.done $0x0  }
0x328: {  	[sflag:s17] =	ssyncadd.s32 $0xFFFFF800  }
0x329: {  	_ =	swait.ge [sflag:s18], $0x800  }
0x32a: {  	[sflag:s18] =	ssyncset.done $0x0  }
0x32b: {  	[sflag:s18] =	ssyncadd.s32 $0xFFFFF800  }
0x32c: {  	_ =	swait.ge [sflag:s17], $0x800  }
0x32d: {  	[sflag:s17] =	ssyncset.done $0x0  }
0x32e: {  	[sflag:s17] =	ssyncadd.s32 $0xFFFFF800  }
0x32f: {  	_ =	swait.ge [sflag:s18], $0x800  }
0x330: {  	[sflag:s18] =	ssyncset.done $0x0  }
0x331: {  	[sflag:s18] =	ssyncadd.s32 $0xFFFFF800  }
0x332: {  	_ =	swait.ge [sflag:s17], $0x800  }
0x333: {  	[sflag:s17] =	ssyncset.done $0x0  }
0x334: {  	[sflag:s17] =	ssyncadd.s32 $0xFFFFF800  }
0x335: {  	_ =	swait.ge [sflag:s18], $0x800  }
0x336: {  	[sflag:s18] =	ssyncset.done $0x0  }
0x337: {  	[sflag:s18] =	ssyncadd.s32 $0xFFFFF800  }
0x338: {  	_ =	swait.ge [sflag:s17], $0x800  }
0x339: {  	[sflag:s17] =	ssyncset.done $0x0  }
0x33a: {  	[sflag:s17] =	ssyncadd.s32 $0xFFFFF800  }
0x33b: {  	_ =	swait.ge [sflag:s18], $0x800  }
0x33c: {  	[sflag:s18] =	ssyncset.done $0x0  }
0x33d: {  	[sflag:s18] =	ssyncadd.s32 $0xFFFFF800  }
0x33e: {  	_ =	swait.ge [sflag:s17], $0x800  }
0x33f: {  	[sflag:s17] =	ssyncset.done $0x0  }
0x340: {  	[sflag:s17] =	ssyncadd.s32 $0xFFFFF800  }
0x341: {  	_ =	swait.ge [sflag:s18], $0x800  }
0x342: {  	[sflag:s18] =	ssyncset.done $0x0  }
0x343: {  	[sflag:s18] =	ssyncadd.s32 $0xFFFFF800  }
0x344: {  	_ =	swait.ge [sflag:s17], $0x800  }
0x345: {  	[sflag:s17] =	ssyncset.done $0x0  }
0x346: {  	[sflag:s17] =	ssyncadd.s32 $0xFFFFF800  }
0x347: {  	_ =	swait.ge [sflag:s18], $0x800  }
0x348: {  	[sflag:s18] =	ssyncset.done $0x0  }
0x349: {  	[sflag:s18] =	ssyncadd.s32 $0xFFFFF800  }
0x34a: {  	_ =	swait.ge [sflag:s17], $0x800  }
0x34b: {  	[sflag:s17] =	ssyncset.done $0x0  }
0x34c: {  	[sflag:s17] =	ssyncadd.s32 $0xFFFFF800  }
0x34d: {  	_ =	swait.ge [sflag:s18], $0x800  }
0x34e: {  	[sflag:s18] =	ssyncset.done $0x0  }
0x34f: {  	[sflag:s18] =	ssyncadd.s32 $0xFFFFF800  }
0x350: {  	_ =	swait.ge [sflag:s17], $0x800  }
0x351: {  	[sflag:s17] =	ssyncset.done $0x0  }
0x352: {  	[sflag:s17] =	ssyncadd.s32 $0xFFFFF800  }
0x353: {  	_ =	swait.ge [sflag:s18], $0x800  }
0x354: {  	[sflag:s18] =	ssyncset.done $0x0  }
0x355: {  	[sflag:s18] =	ssyncadd.s32 $0xFFFFF800  }
0x356: {  	_ =	swait.ge [sflag:s17], $0x800  }
0x357: {  	[sflag:s17] =	ssyncset.done $0x0  }
0x358: {  	[sflag:s17] =	ssyncadd.s32 $0xFFFFF800  }
0x359: {  	_ =	swait.ge [sflag:s18], $0x800  }
0x35a: {  	[sflag:s18] =	ssyncset.done $0x0  }
0x35b: {  	[sflag:s18] =	ssyncadd.s32 $0xFFFFF800  }
0x35c: {  	_ =	swait.ge [sflag:s17], $0x800  }
0x35d: {  	[sflag:s17] =	ssyncset.done $0x0  }
0x35e: {  	[sflag:s17] =	ssyncadd.s32 $0xFFFFF800  }
0x35f: {  	_ =	swait.ge [sflag:s18], $0x800  }
0x360: {  	[sflag:s18] =	ssyncset.done $0x0  }
0x361: {  	[sflag:s18] =	ssyncadd.s32 $0xFFFFF800  }
0x362: {  	_ =	swait.ge [sflag:s17], $0x800  }
0x363: {  	[sflag:s17] =	ssyncset.done $0x0  }
0x364: {  	[sflag:s17] =	ssyncadd.s32 $0xFFFFF800  }
0x365: {  	_ =	swait.ge [sflag:s18], $0x800  }
0x366: {  	[sflag:s18] =	ssyncset.done $0x0  }
0x367: {  	[sflag:s18] =	ssyncadd.s32 $0xFFFFF800  }
0x368: {  	_ =	swait.ge [sflag:s17], $0x800  }
0x369: {  	[sflag:s17] =	ssyncset.done $0x0  }
0x36a: {  	[sflag:s17] =	ssyncadd.s32 $0xFFFFF800  }
0x36b: {  	_ =	swait.ge [sflag:s18], $0x800  }
0x36c: {  	[sflag:s18] =	ssyncset.done $0x0  }
0x36d: {  	[sflag:s18] =	ssyncadd.s32 $0xFFFFF800  }
0x36e: {  	_ =	swait.ge [sflag:s17], $0x800  }
0x36f: {  	v20 =	vor.u32 v4, v18;
	[sflag:s17] =	ssyncset.done $0x0  }
0x370: {  	v21 =	vor.u32 v1, v18;
	[sflag:s17] =	ssyncadd.s32 $0xFFFFF800  }
0x371: {  	v22 =	vor.u32 v4, v19;
	_ =	swait.ge [sflag:s18], $0x800  }
0x372: {  	v23 =	vor.u32 v3, v19;
	[sflag:s18] =	ssyncset.done $0x0  }
0x373: {  	v25 =	vor.u32 v3, v18;
	v24 =	vor.u32 v1, v19;
	[sflag:s18] =	ssyncadd.s32 $0xFFFFF800  }
0x374: {  	v20 =	vld.idx.msk [tilespmem:v20+s10+$0x0], $0xffff  }
0x375: {  	v26 =	vor.u32 v5, v18;
	v21 =	vld.idx.msk [tilespmem:v21+s10+$0x0], $0xffff  }
0x376: {  	v27 =	vor.u32 v5, v19;
	v22 =	vld.idx.msk [tilespmem:v22+s11+$0x0], $0xffff  }
0x377: {  	v28 =	vor.u32 v6, v18;
	v23 =	vld.idx.msk [tilespmem:v23+s11+$0x0], $0xffff  }
0x378: {  	v29 =	vor.u32 v6, v19;
	v24 =	vld.idx.msk [tilespmem:v24+s11+$0x0], $0xffff  }
0x379: {  	v30 =	vor.u32 v7, v18;
	v25 =	vld.idx.msk [tilespmem:v25+s10+$0x0], $0xffff  }
0x37a: {  	v31 =	vor.u32 v7, v19;
	v26 =	vld.idx.msk [tilespmem:v26+s10+$0x0], $0xffff  }
0x37b: {  	v32 =	vor.u32 v8, v18;
	v27 =	vld.idx.msk [tilespmem:v27+s11+$0x0], $0xffff  }
0x37c: {  	v33 =	vor.u32 v8, v19;
	v28 =	vld.idx.msk [tilespmem:v28+s10+$0x0], $0xffff  }
0x37d: {  	v34 =	vor.u32 v9, v18;
	v29 =	vld.idx.msk [tilespmem:v29+s11+$0x0], $0xffff  }
0x37e: {  	v20 =	vmul.f32 v22, v20;
	v21 =	vmul.f32 v24, v21;
	v24 =	vor.u32 v9, v19;
	v22 =	vld.idx.msk [tilespmem:v30+s10+$0x0], $0xffff  }
0x37f: {  	v23 =	vmul.f32 v23, v25;
	v30 =	vor.u32 v10, v18;
	v25 =	vld.idx.msk [tilespmem:v31+s11+$0x0], $0xffff  }
0x380: {  	v31 =	vld.idx.msk [tilespmem:v32+s10+$0x0], $0xffff;
	v32 =	vor.u32 v10, v19  }
0x381: {  	v21 =	vadd.f32 v23, v21;
	v23 =	vmul.f32 v27, v26;
	v27 =	vor.u32 v11, v18;
	v26 =	vld.idx.msk [tilespmem:v33+s11+$0x0], $0xffff  }
0x382: {  	v33 =	vld.idx.msk [tilespmem:v34+s10+$0x0], $0xffff;
	v34 =	vor.u32 v11, v19  }
0x383: {  	v20 =	vadd.f32 v20, v21;
	v21 =	vmul.f32 v29, v28;
	v28 =	vor.u32 v12, v18;
	v24 =	vld.idx.msk [tilespmem:v24+s11+$0x0], $0xffff  }
0x384: {  	v29 =	vld.idx.msk [tilespmem:v30+s10+$0x0], $0xffff;
	v30 =	vor.u32 v12, v19  }
0x385: {  	v20 =	vadd.f32 v23, v20;
	v22 =	vmul.f32 v25, v22;
	v25 =	vor.u32 v13, v18;
	v23 =	vld.idx.msk [tilespmem:v32+s11+$0x0], $0xffff  }
0x386: {  	v32 =	vor.u32 v13, v19;
	v27 =	vld.idx.msk [tilespmem:v27+s10+$0x0], $0xffff  }
0x387: {  	v20 =	vadd.f32 v21, v20;
	v21 =	vmul.f32 v26, v31;
	v31 =	vor.u32 v14, v18;
	v26 =	vld.idx.msk [tilespmem:v34+s11+$0x0], $0xffff  }
0x388: {  	v34 =	vor.u32 v14, v19;
	v28 =	vld.idx.msk [tilespmem:v28+s10+$0x0], $0xffff  }
0x389: {  	v20 =	vadd.f32 v22, v20;
	v22 =	vmul.f32 v24, v33;
	v24 =	vld.idx.msk [tilespmem:v30+s11+$0x0], $0xffff;
	v30 =	vor.u32 v15, v18  }
0x38a: {  	v33 =	vor.u32 v15, v19;
	v25 =	vld.idx.msk [tilespmem:v25+s10+$0x0], $0xffff  }
0x38b: {  	v20 =	vadd.f32 v21, v20;
	v21 =	vmul.f32 v23, v29;
	v29 =	vor.u32 v16, v18;
	v23 =	vld.idx.msk [tilespmem:v32+s11+$0x0], $0xffff  }
0x38c: {  	v32 =	vor.u32 v16, v19;
	v31 =	vld.idx.msk [tilespmem:v31+s10+$0x0], $0xffff  }
0x38d: {  	v35 =	vor.u32 v17, v18;
	v20 =	vadd.f32 v22, v20;
	v34 =	vld.idx.msk [tilespmem:v34+s11+$0x0], $0xffff  }
0x38e: {  	v22 =	vmul.f32 v26, v27;
	v27 =	vor.u32 v17, v19;
	v18 =	vld.idx.msk [tilespmem:v30+s10+$0x0], $0xffff  }
.Ltmp0:
0x38f: {  	v21 =	vadd.f32 v21, v20;
	v24 =	vmul.f32 v24, v28;
	v20 =	vld.idx.msk [tilespmem:v33+s11+$0x0], $0xffff;
	(pc) =	sbr.rel @p0 .LBB2_2-.Ltmp0, $4  }
0x390: {  	v19 =	vld.idx.msk [tilespmem:v29+s10+$0x0], $0xffff  }
0x391: {  	v26 =	vadd.f32 v22, v21;
	v25 =	vmul.f32 v23, v25;
	v22 =	vld.idx.msk [tilespmem:v32+s11+$0x0], $0xffff  }
0x392: {  	v21 =	vld.idx.msk [tilespmem:v35+s10+$0x0], $0xffff  }
0x393: {  	v26 =	vadd.f32 v24, v26;
	v24 =	vmul.f32 v34, v31;
	v23 =	vld.idx.msk [tilespmem:v27+s11+$0x0], $0xffff  }
0x394: {  	_ = 	snop  }
0x395: {  	v25 =	vadd.f32 v25, v26;
	_ =	sdelay $0x1  }
0x396: {  	v18 =	vmul.f32 v20, v18;
	v62 =	vadd.f32 v24, v25;
	_ =	sdelay $0x1  }
0x397: {  	v19 =	vmul.f32 v22, v19;
	v18 =	vadd.f32 v18, v62;
	_ =	sdelay $0x1  }
0x398: {  	v63 =	vmul.f32 v23, v21;
	v18 =	vadd.f32 v19, v18;
	_ =	sdelay $0x1  }
0x399: {  	v18 =	vadd.f32 v63, v18  }
0x39a: {  	s19 =	rddreg [dreg:$0x6]  }
0x39b: {  	s0 =	simm.s32 $0x10400;
	s23 =	simm.s32 $0xC00;
	[tilespmem:s21+$0x0] =	vst v18;
	s21 =	simm.s32 $0x3  }
0x39c: {  	[hbm4b:s19+s4] =	stream.linear.scatter [tilespmem:s0], [sflag:$0x3], $0x200, $0x38;
	[tilespmem:$0x10600] =	vst v63  }
0x39d: {  	s24 =	simm.s32 $0x8C00;
	s25 =	simm.s32 $0x1400;
	_ =	swait.ge [sflag:s21], $0x200  }
0x39e: {  	s3 =	simm.s32 $0x9C00;
	s5 =	simm.s32 $0x2400;
	s20 =	rddreg [dreg:$0x8]  }
0x39f: {  	s6 =	simm.s32 $0xA400;
	s26 =	rddreg [dreg:$0x7];
	s20 =	sadd.s32 $0x1, s20  }
0x3a0: {  	s7 =	simm.s32 $0x2C00;
	s8 =	simm.s32 $0xAC00;
	p0 =	sne.s32 s20, s26  }
.Ltmp1:
0x3a1: {  	s12 =	simm.s32 $0x3400;
	s13 =	simm.s32 $0xB400;
	(pc) =	sbr.rel @p0 .LBB2_1-.Ltmp1, $4  }
0x3a2: {  	s14 =	simm.s32 $0x3C00;
	s15 =	simm.s32 $0xBC00;
	s16 =	simm.s32 $0x4400  }
0x3a3: {  	s28 =	simm.s32 $0xC400;
	s29 =	simm.s32 $0x4C00;
	s30 =	simm.s32 $0xCC00  }
0x3a4: {  	s31 =	simm.s32 $0x5400;
	s22 =	simm.s32 $0xD400;
	[sflag:s21] =	ssyncset.done $0x0  }
0x3a5: {  	s0 =	simm.s32 $0x1C00;
	[sflag:s21] =	ssyncadd.s32 $0xFFFFFE00;
	s26 =	simm.s32 $0x9400  }
0x3a6: {  	_ =	sfence.sel $0x180000  }
0x3a7: {  	[bflag:$0x0] =	sbarrier.arrive $0xFFFF  }
0x3a8: {  	_ =	strace $0x90000047  }
0x3a9: {  	s0 =	stileid.u32;
	[bflag:$0x2] =	sbarrier.arrive $0xFFFF  }
0x3aa: {  	p0 =	sne.s32 s0, $0x0;
	s0 =	rddreg [dreg:$0x4]  }
0x3ab: {  	s0 =	sadd.s32 @!p0 $0x100000, s0  }
0x3ac: {  	[sflag:s0] =	ssyncadd.tile.s32 @!p0 $0x1;
	_ =	shalt  }
.Lfunc_end2:
_tile_overlayer_lowered:
.L_overlay_start_2:
0x3ad: {  	(tag) =	ssettag $0x2  }
0x3ae: {  	s0 =	rddreg [dreg:$0x0];
	s2 =	stileid.u32  }
0x3af: {  	s1 =	rddreg [dreg:$0x1];
	p0 =	sne.s32 s2, $0x0  }
0x3b0: {  	s3 =	rddreg [dreg:$0x2];
	[bflag:$0x3] =	sbarrier.arrive $0xFFFF;
	s2 =	simm.s32 @!p0 $0x1C03  }
0x3b1: {  	[timem:s3], [sflag:s2] =	dma.local @!p0 [hbm:s0], s1  }
0x3b2: {  	s0 =	simm.s32 @!p0 $0x3  }
0x3b3: {  	_ =	swait.ge @!p0 [sflag:s0], s1  }
0x3b4: {  	s1 =	ssub.s32 @!p0 $0x0, s1;
	[sflag:s0] =	ssyncset.done @!p0 $0x0  }
0x3b5: {  	[sflag:s0] =	ssyncadd.s32 @!p0 s1  }
0x3b6: {  	[bflag:$0x3] =	sbarrier.arrive $0xFFFF  }
0x3b7: {  	_ =	shalt  }

</sc_bundles>
